<compile_context>
chip_gen: v7x
topology: tpu7x:2x2x1
jax: 0.10.2.dev20260603
libtpu: 0.0.44.dev20260713+nightly
codegen_flags: <defaults>
</compile_context>

<pallas_src>
import functools

import jax
import jax.numpy as jnp
from jax import lax
from jax.experimental import pallas as pl
from jax.experimental.pallas import tpu as pltpu
from jax.experimental.pallas import tpu_sc as plsc

N = 2048
VOCAB = 2048
HID = 128
MID = 64
E = 32768
NC, NS = 2, 16
NW = NC * NS
EPW = E // NW
CHUNK = 128
NCHUNK = EPW // CHUNK
RPW = N // NW


def _sc_gather_deg_body(table_hbm, x_hbm, dst3d_hbm, ones_hbm, zeros_hbm,
                        feats_out, deg_out,
                        xidx_v, rows_v, didx_0, didx_1, ones_v, gsem, ssem,
                        dsems, deg_sh):
    c = lax.axis_index("c")
    s = lax.axis_index("s")
    wid = s * NC + c
    dbufs = [didx_0, didx_1]

    pltpu.sync_copy(zeros_hbm, deg_sh.at[pl.ds(s * CHUNK, CHUNK)])
    pltpu.sync_copy(ones_hbm, ones_v)
    fbase = wid * RPW
    pltpu.sync_copy(x_hbm.at[pl.ds(fbase, RPW)], xidx_v)
    fg = pltpu.async_copy(table_hbm.at[xidx_v], rows_v, gsem)
    plsc.subcore_barrier()
    for i in range(NCHUNK):
        pltpu.sync_copy(dst3d_hbm.at[wid, i], dbufs[i % 2])
        pltpu.sync_copy(ones_v, deg_sh.at[dbufs[i % 2]], add=True)
    fg.wait()
    pltpu.sync_copy(rows_v, feats_out.at[pl.ds(fbase, RPW)])
    plsc.subcore_barrier()
    pltpu.sync_copy(deg_sh.at[pl.ds(s * CHUNK, CHUNK)],
                    deg_out.at[pl.ds(c * N + s * CHUNK, CHUNK)])


@functools.cache
def _get_sc_gather_deg():
    mesh = plsc.VectorSubcoreMesh(core_axis_name="c", subcore_axis_name="s",
                                  num_cores=NC, num_subcores=NS)
    return pl.kernel(
        _sc_gather_deg_body,
        out_type=[
            jax.ShapeDtypeStruct((N, HID), jnp.float32),
            jax.ShapeDtypeStruct((NC * N, 16), jnp.float32),
        ],
        mesh=mesh,
        scratch_types=[
            pltpu.VMEM((RPW,), jnp.int32),
            pltpu.VMEM((RPW, HID), jnp.float32),
            pltpu.VMEM((CHUNK,), jnp.int32),
            pltpu.VMEM((CHUNK,), jnp.int32),
            pltpu.VMEM((CHUNK, 16), jnp.float32),
            pltpu.SemaphoreType.DMA,
            pltpu.SemaphoreType.DMA,
            pltpu.SemaphoreType.DMA((2,)),
            pltpu.VMEM_SHARED((N, 16), jnp.float32),
        ],
        compiler_params=pltpu.CompilerParams(use_tc_tiling_on_sc=False),
    )


NBUF = 4


def _sc_scatter_body(q_hbm, src3d_hbm, dst3d_hbm, zeros_hbm,
                     s_out,
                     sidx_bufs, didx_bufs, row_bufs, gsems, ssems, dsems,
                     isems, agg_sh):
    c = lax.axis_index("c")
    s = lax.axis_index("s")
    wid = s * NC + c

    pltpu.sync_copy(zeros_hbm, agg_sh.at[pl.ds(s * CHUNK, CHUNK)])
    icp = [pltpu.async_copy(src3d_hbm.at[wid, i], sidx_bufs[i],
                            isems.at[i]) for i in range(NCHUNK)]
    plsc.subcore_barrier()
    gathers = [None] * NCHUNK
    for b in range(NBUF):
        icp[b].wait()
        gathers[b] = pltpu.async_copy(
            q_hbm.at[sidx_bufs[b]], row_bufs[b], gsems.at[b])
    for i in range(NCHUNK):
        b = i % NBUF
        gathers[i].wait()
        pltpu.sync_copy(dst3d_hbm.at[wid, i], didx_bufs[i % 2])
        pltpu.sync_copy(row_bufs[b], agg_sh.at[didx_bufs[i % 2]], add=True)
        if i + NBUF < NCHUNK:
            icp[i + NBUF].wait()
            gathers[i + NBUF] = pltpu.async_copy(
                q_hbm.at[sidx_bufs[i + NBUF]], row_bufs[b], gsems.at[b])
    plsc.subcore_barrier()
    pltpu.sync_copy(agg_sh.at[pl.ds(s * CHUNK, CHUNK)],
                    s_out.at[pl.ds(c * N + s * CHUNK, CHUNK)])


@functools.cache
def _get_sc_scatter():
    mesh = plsc.VectorSubcoreMesh(core_axis_name="c", subcore_axis_name="s",
                                  num_cores=NC, num_subcores=NS)
    return pl.kernel(
        _sc_scatter_body,
        out_type=jax.ShapeDtypeStruct((NC * N, MID), jnp.float32),
        mesh=mesh,
        scratch_types=[
            [pltpu.VMEM((CHUNK,), jnp.int32) for _ in range(NCHUNK)],
            [pltpu.VMEM((CHUNK,), jnp.int32) for _ in range(2)],
            [pltpu.VMEM((CHUNK, MID), jnp.float32) for _ in range(NBUF)],
            pltpu.SemaphoreType.DMA((NBUF,)),
            pltpu.SemaphoreType.DMA((NBUF,)),
            pltpu.SemaphoreType.DMA((2,)),
            pltpu.SemaphoreType.DMA((NCHUNK,)),
            pltpu.VMEM_SHARED((N, MID), jnp.float32),
        ],
        compiler_params=pltpu.CompilerParams(use_tc_tiling_on_sc=False),
    )


def _tc_a_body(deg_ref, feats_ref, w1_ref, q1_ref, dinv_ref):
    deg = deg_ref[0:N, 0:1] + deg_ref[N:2 * N, 0:1] + 1.0
    dinv = lax.rsqrt(deg)
    dinv_ref[...] = dinv
    p1 = jnp.dot(feats_ref[...], w1_ref[...],
                 preferred_element_type=jnp.float32)
    q1_ref[...] = dinv * p1


def _tc_b_body(s1_ref, q1_ref, dinv_ref, b1_ref, w2_ref, q2_ref):
    dinv = dinv_ref[...]
    q1 = q1_ref[...]
    s1 = s1_ref[0:N, :] + s1_ref[N:2 * N, :]
    h1 = jnp.maximum(dinv * (s1 + q1) + b1_ref[...], 0.0)
    p2 = jnp.dot(h1, w2_ref[...], preferred_element_type=jnp.float32)
    q2_ref[...] = dinv * p2


_BM = 512


def _tc_c_body(s2_ref, q2_ref, dinv_ref, b2_ref, w3_ref, b3_ref,
               wd_ref, bd_ref, o_ref, h3_s, r_s, t_s):
    i = pl.program_id(0)
    j = pl.program_id(1)

    @pl.when(jnp.logical_and(i == 0, j == 0))
    def _prologue():
        dinv = dinv_ref[...]
        q2 = q2_ref[...]
        s2 = s2_ref[0:N, :] + s2_ref[N:2 * N, :]
        h2 = jnp.maximum(dinv * (s2 + q2) + b2_ref[...], 0.0)
        h3 = jnp.dot(h2, w3_ref[...], preferred_element_type=jnp.float32)
        h3 = h3 + b3_ref[...]
        h3_s[...] = h3
        wd = wd_ref[...]
        g = lax.dot_general(wd, wd, (((1,), (1,)), ((), ())),
                            preferred_element_type=jnp.float32)
        bd = bd_ref[...]
        u = lax.dot_general(wd, bd, (((1,), (1,)), ((), ())),
                            preferred_element_type=jnp.float32)
        c = jnp.sum(bd * bd)
        r_s[...] = jnp.dot(h3, g, preferred_element_type=jnp.float32)
        t_s[...] = (jnp.dot(h3, u, preferred_element_type=jnp.float32)
                    + 0.5 * c)

    acc = lax.dot_general(r_s[pl.ds(i * _BM, _BM), :],
                          h3_s[pl.ds(j * _BM, _BM), :],
                          (((1,), (1,)), ((), ())),
                          preferred_element_type=jnp.float32)
    ti = t_s[pl.ds(i * _BM, _BM), :]
    tj = t_s[pl.ds(j * _BM, _BM), :].reshape(1, _BM)
    o_ref[...] = jax.nn.sigmoid(acc + ti + tj)


@functools.cache
def _get_tc_c():
    full = lambda i, j: (0, 0)
    return pl.pallas_call(
        _tc_c_body,
        grid=(N // _BM, N // _BM),
        in_specs=[
            pl.BlockSpec((NC * N, MID), full),
            pl.BlockSpec((N, MID), full),
            pl.BlockSpec((N, 1), full),
            pl.BlockSpec((1, MID), full),
            pl.BlockSpec((MID, HID), full),
            pl.BlockSpec((1, HID), full),
            pl.BlockSpec((HID, VOCAB), full),
            pl.BlockSpec((1, VOCAB), full),
        ],
        out_specs=pl.BlockSpec((_BM, _BM), lambda i, j: (i, j)),
        out_shape=jax.ShapeDtypeStruct((N, N), jnp.float32),
        scratch_shapes=[
            pltpu.VMEM((N, HID), jnp.float32),
            pltpu.VMEM((N, HID), jnp.float32),
            pltpu.VMEM((N, 1), jnp.float32),
        ],
    )


def kernel(x, edge_index, table, W1, b1, W2, b2, W3, b3, Wd, bd):
    src3d = edge_index[0].reshape(NW, NCHUNK, CHUNK)
    dst3d = edge_index[1].reshape(NW, NCHUNK, CHUNK)
    ones16 = jnp.ones((CHUNK, 16), jnp.float32)
    zeros16 = jnp.zeros((CHUNK, 16), jnp.float32)
    zeros64 = jnp.zeros((CHUNK, MID), jnp.float32)

    feats, deg_parts = _get_sc_gather_deg()(table, x, dst3d, ones16, zeros16)

    q1, dinv = pl.pallas_call(
        _tc_a_body,
        out_shape=[
            jax.ShapeDtypeStruct((N, MID), jnp.float32),
            jax.ShapeDtypeStruct((N, 1), jnp.float32),
        ],
    )(deg_parts, feats, W1)

    s1_parts = _get_sc_scatter()(q1, src3d, dst3d, zeros64)

    q2 = pl.pallas_call(
        _tc_b_body,
        out_shape=jax.ShapeDtypeStruct((N, MID), jnp.float32),
    )(s1_parts, q1, dinv, b1.reshape(1, MID), W2)

    s2_parts = _get_sc_scatter()(q2, src3d, dst3d, zeros64)

    return _get_tc_c()(s2_parts, q2, dinv, b2.reshape(1, MID), W3,
                       b3.reshape(1, HID), Wd, bd.reshape(1, VOCAB))

# --- scband reference (transcript-rebuilt; emitter-appended) ---
"""Pipeline reference for scband-graph-auto-encoder-9912784519777 (READ-ONLY COPY).

The authoritative reference and input builder live on the scoring server;
editing this copy changes nothing except your own understanding.
"""

import jax, jax.numpy as jnp
import numpy as np

VOCAB = 2048
HIDDEN = 128
N_NODES = 2048
N_EDGES = 32768


def setup_inputs(seed: int = 0) -> dict:
    key = jax.random.key(seed)
    ks = jax.random.split(key, 8)
    x = jnp.arange(N_NODES, dtype=jnp.int32)
    edge_index = jax.random.randint(ks[0], (2, N_EDGES), 0, N_NODES, dtype=jnp.int32)
    table = jax.random.normal(ks[1], (VOCAB, HIDDEN), dtype=jnp.float32) * 0.05
    W1 = jax.random.normal(ks[2], (HIDDEN, 64), dtype=jnp.float32) * 0.1
    b1 = jnp.zeros((64,), dtype=jnp.float32)
    W2 = jax.random.normal(ks[3], (64, 64), dtype=jnp.float32) * 0.1
    b2 = jnp.zeros((64,), dtype=jnp.float32)
    W3 = jax.random.normal(ks[4], (64, HIDDEN), dtype=jnp.float32) * 0.1
    b3 = jnp.zeros((HIDDEN,), dtype=jnp.float32)
    Wd = jax.random.normal(ks[5], (HIDDEN, VOCAB), dtype=jnp.float32) * 0.05
    bd = jnp.zeros((VOCAB,), dtype=jnp.float32)
    return {"x": x, "edge_index": edge_index, "table": table, "W1": W1, "b1": b1, "W2": W2, "b2": b2, "W3": W3, "b3": b3, "Wd": Wd, "bd": bd}


def _gcn_conv(h_in, src, dst, W, b, n):
    # GCNConv: linear transform, symmetric normalization with self-loops, scatter-add aggregation
    h = h_in @ W
    deg = jnp.zeros((n,), h.dtype).at[dst].add(1.0)
    dinv = jnp.where(deg > 0, 1.0 / jnp.sqrt(deg), 0.0)
    norm = (dinv[src] * dinv[dst])[:, None]
    agg = jnp.zeros((n, h.shape[1]), h.dtype).at[dst].add(h[src] * norm)
    return agg + b


def reference(x, edge_index, table, W1, b1, W2, b2, W3, b3, Wd, bd):
    n = x.shape[0]
    loop = jnp.arange(n, dtype=edge_index.dtype)
    src = jnp.concatenate([edge_index[0], loop])
    dst = jnp.concatenate([edge_index[1], loop])
    feats = jnp.take(table, x, axis=0)  # nn.Embedding lookup
    h = jax.nn.relu(_gcn_conv(feats, src, dst, W1, b1, n))
    h = jax.nn.relu(_gcn_conv(h, src, dst, W2, b2, n))
    h = h @ W3 + b3  # Linear(64, hidden_dim)
    logits = h @ Wd + bd  # decoder Linear(hidden_dim, vocab_size)
    decoded_adj = jax.nn.sigmoid(logits @ logits.T)
    return decoded_adj

if __name__ == "__main__":
    import jax
    _d = setup_inputs()
    print(jax.jit(kernel)(*tuple(_d.values())))

</pallas_src>

<mosaic_0001>
#map = affine_map<(d0, d1) -> (0, 0)>
#map1 = affine_map<(d0, d1) -> (0, 0, 0)>
module attributes {stable_mosaic.version = 14 : i64} {
  func.func @_sc_scatter_body(%arg0: i32, %arg1: i32, %arg2: memref<2048x64xf32, #tpu.memory_space<hbm>>, %arg3: memref<32x8x128xi32, #tpu.memory_space<hbm>>, %arg4: memref<32x8x128xi32, #tpu.memory_space<hbm>>, %arg5: memref<128x64xf32, #tpu.memory_space<hbm>>, %arg6: memref<4096x64xf32, #tpu.memory_space<hbm>>, %arg7: memref<128xi32, #tpu.memory_space<vmem>>, %arg8: memref<128xi32, #tpu.memory_space<vmem>>, %arg9: memref<128xi32, #tpu.memory_space<vmem>>, %arg10: memref<128xi32, #tpu.memory_space<vmem>>, %arg11: memref<128xi32, #tpu.memory_space<vmem>>, %arg12: memref<128xi32, #tpu.memory_space<vmem>>, %arg13: memref<128xi32, #tpu.memory_space<vmem>>, %arg14: memref<128xi32, #tpu.memory_space<vmem>>, %arg15: memref<128xi32, #tpu.memory_space<vmem>>, %arg16: memref<128xi32, #tpu.memory_space<vmem>>, %arg17: memref<128x64xf32, #tpu.memory_space<vmem>>, %arg18: memref<128x64xf32, #tpu.memory_space<vmem>>, %arg19: memref<128x64xf32, #tpu.memory_space<vmem>>, %arg20: memref<128x64xf32, #tpu.memory_space<vmem>>, %arg21: memref<4x!tpu.dma_semaphore, #tpu.memory_space<semaphore_mem>>, %arg22: memref<4x!tpu.dma_semaphore, #tpu.memory_space<semaphore_mem>>, %arg23: memref<2x!tpu.dma_semaphore, #tpu.memory_space<semaphore_mem>>, %arg24: memref<8x!tpu.dma_semaphore, #tpu.memory_space<semaphore_mem>>, %arg25: memref<2048x64xf32, #tpu.memory_space<vmem_shared>>) attributes {dimension_semantics = [#tpu.dimension_semantics<core_parallel>, #tpu.dimension_semantics<subcore_parallel>], iteration_bounds = array<i64: 2, 16>, scalar_prefetch = 0 : i64, scratch_operands = 19 : i64, tpu.core_type = #tpu.core_type<sc_vector_subcore>, window_params = [{transform_indices = #map}, {transform_indices = #map1}, {transform_indices = #map1}, {transform_indices = #map}, {transform_indices = #map}]} {
    %mul3A = arith.constant 2 : i32
    %mul3A_0 = arith.muli %arg1, %mul3A : i32
    %add3A = arith.addi %mul3A_0, %arg0 : i32
    %mul3A_1 = arith.constant 128 : i32
    %mul3A_2 = arith.muli %arg1, %mul3A_1 : i32
    "tpu.region"() ({
      %run_scoped3A_272 = tpu.sem_alloc : memref<!tpu.dma_semaphore, #tpu.memory_space<semaphore_mem>>
      %dma_start3A_273 = arith.constant 0 : i32
      %dma_start3A_274 = tpu.memref_slice %arg25[%mul3A_2, %dma_start3A_273] : memref<2048x64xf32, #tpu.memory_space<vmem_shared>> -> memref<128x64xf32, #tpu.memory_space<vmem_shared>>
      tpu.enqueue_dma source(%arg5 : memref<128x64xf32, #tpu.memory_space<hbm>>) target(%dma_start3A_274 : memref<128x64xf32, #tpu.memory_space<vmem_shared>>) target_semaphore(%run_scoped3A_272 : memref<!tpu.dma_semaphore, #tpu.memory_space<semaphore_mem>>)
      %dma_wait3A_275 = arith.constant 0 : i32
      %dma_wait3A_276 = tpu.memref_slice %arg25[%mul3A_2, %dma_wait3A_275] : memref<2048x64xf32, #tpu.memory_space<vmem_shared>> -> memref<128x64xf32, #tpu.memory_space<vmem_shared>>
      tpu.wait_dma2 semaphore(%run_scoped3A_272 : memref<!tpu.dma_semaphore, #tpu.memory_space<semaphore_mem>>) src(%arg5 : memref<128x64xf32, #tpu.memory_space<hbm>>) dst(%dma_wait3A_276 : memref<128x64xf32, #tpu.memory_space<vmem_shared>>)
      tpu.yield
    }) : () -> ()
    %dma_start3A = arith.constant 0 : i32
    %dma_start3A_3 = arith.constant 0 : i32
    %dma_start3A_4 = arith.constant 0 : i32
    %dma_start3A_5 = tpu.memref_slice %arg3[%add3A, %dma_start3A, %dma_start3A_4] : memref<32x8x128xi32, #tpu.memory_space<hbm>> -> memref<1x1x128xi32, #tpu.memory_space<hbm>>
    %dma_start3A_6 = tpu.memref_squeeze %dma_start3A_5 : memref<1x1x128xi32, #tpu.memory_space<hbm>> -> memref<128xi32, #tpu.memory_space<hbm>>
    %dma_start3A_7 = tpu.memref_slice %arg24[%dma_start3A_3] : memref<8x!tpu.dma_semaphore, #tpu.memory_space<semaphore_mem>> -> memref<1x!tpu.dma_semaphore, #tpu.memory_space<semaphore_mem>>
    %dma_start3A_8 = tpu.memref_squeeze %dma_start3A_7 : memref<1x!tpu.dma_semaphore, #tpu.memory_space<semaphore_mem>> -> memref<!tpu.dma_semaphore, #tpu.memory_space<semaphore_mem>>
    %dma_start3A_9 = arith.constant 0 : i32
    %dma_start3A_10 = tpu.memref_slice %arg3[%add3A, %dma_start3A, %dma_start3A_9] : memref<32x8x128xi32, #tpu.memory_space<hbm>> -> memref<1x1x128xi32, #tpu.memory_space<hbm>>
    %dma_start3A_11 = tpu.memref_squeeze %dma_start3A_10 : memref<1x1x128xi32, #tpu.memory_space<hbm>> -> memref<128xi32, #tpu.memory_space<hbm>>
    tpu.enqueue_dma source(%dma_start3A_11 : memref<128xi32, #tpu.memory_space<hbm>>) target(%arg7 : memref<128xi32, #tpu.memory_space<vmem>>) target_semaphore(%dma_start3A_8 : memref<!tpu.dma_semaphore, #tpu.memory_space<semaphore_mem>>)
    %dma_start3A_12 = arith.constant 1 : i32
    %dma_start3A_13 = arith.constant 1 : i32
    %dma_start3A_14 = arith.constant 0 : i32
    %dma_start3A_15 = tpu.memref_slice %arg3[%add3A, %dma_start3A_12, %dma_start3A_14] : memref<32x8x128xi32, #tpu.memory_space<hbm>> -> memref<1x1x128xi32, #tpu.memory_space<hbm>>
    %dma_start3A_16 = tpu.memref_squeeze %dma_start3A_15 : memref<1x1x128xi32, #tpu.memory_space<hbm>> -> memref<128xi32, #tpu.memory_space<hbm>>
    %dma_start3A_17 = tpu.memref_slice %arg24[%dma_start3A_13] : memref<8x!tpu.dma_semaphore, #tpu.memory_space<semaphore_mem>> -> memref<1x!tpu.dma_semaphore, #tpu.memory_space<semaphore_mem>>
    %dma_start3A_18 = tpu.memref_squeeze %dma_start3A_17 : memref<1x!tpu.dma_semaphore, #tpu.memory_space<semaphore_mem>> -> memref<!tpu.dma_semaphore, #tpu.memory_space<semaphore_mem>>
    %dma_start3A_19 = arith.constant 0 : i32
    %dma_start3A_20 = tpu.memref_slice %arg3[%add3A, %dma_start3A_12, %dma_start3A_19] : memref<32x8x128xi32, #tpu.memory_space<hbm>> -> memref<1x1x128xi32, #tpu.memory_space<hbm>>
    %dma_start3A_21 = tpu.memref_squeeze %dma_start3A_20 : memref<1x1x128xi32, #tpu.memory_space<hbm>> -> memref<128xi32, #tpu.memory_space<hbm>>
    tpu.enqueue_dma source(%dma_start3A_21 : memref<128xi32, #tpu.memory_space<hbm>>) target(%arg8 : memref<128xi32, #tpu.memory_space<vmem>>) target_semaphore(%dma_start3A_18 : memref<!tpu.dma_semaphore, #tpu.memory_space<semaphore_mem>>)
    %dma_start3A_22 = arith.constant 2 : i32
    %dma_start3A_23 = arith.constant 2 : i32
    %dma_start3A_24 = arith.constant 0 : i32
    %dma_start3A_25 = tpu.memref_slice %arg3[%add3A, %dma_start3A_22, %dma_start3A_24] : memref<32x8x128xi32, #tpu.memory_space<hbm>> -> memref<1x1x128xi32, #tpu.memory_space<hbm>>
    %dma_start3A_26 = tpu.memref_squeeze %dma_start3A_25 : memref<1x1x128xi32, #tpu.memory_space<hbm>> -> memref<128xi32, #tpu.memory_space<hbm>>
    %dma_start3A_27 = tpu.memref_slice %arg24[%dma_start3A_23] : memref<8x!tpu.dma_semaphore, #tpu.memory_space<semaphore_mem>> -> memref<1x!tpu.dma_semaphore, #tpu.memory_space<semaphore_mem>>
    %dma_start3A_28 = tpu.memref_squeeze %dma_start3A_27 : memref<1x!tpu.dma_semaphore, #tpu.memory_space<semaphore_mem>> -> memref<!tpu.dma_semaphore, #tpu.memory_space<semaphore_mem>>
    %dma_start3A_29 = arith.constant 0 : i32
    %dma_start3A_30 = tpu.memref_slice %arg3[%add3A, %dma_start3A_22, %dma_start3A_29] : memref<32x8x128xi32, #tpu.memory_space<hbm>> -> memref<1x1x128xi32, #tpu.memory_space<hbm>>
    %dma_start3A_31 = tpu.memref_squeeze %dma_start3A_30 : memref<1x1x128xi32, #tpu.memory_space<hbm>> -> memref<128xi32, #tpu.memory_space<hbm>>
    tpu.enqueue_dma source(%dma_start3A_31 : memref<128xi32, #tpu.memory_space<hbm>>) target(%arg9 : memref<128xi32, #tpu.memory_space<vmem>>) target_semaphore(%dma_start3A_28 : memref<!tpu.dma_semaphore, #tpu.memory_space<semaphore_mem>>)
    %dma_start3A_32 = arith.constant 3 : i32
    %dma_start3A_33 = arith.constant 3 : i32
    %dma_start3A_34 = arith.constant 0 : i32
    %dma_start3A_35 = tpu.memref_slice %arg3[%add3A, %dma_start3A_32, %dma_start3A_34] : memref<32x8x128xi32, #tpu.memory_space<hbm>> -> memref<1x1x128xi32, #tpu.memory_space<hbm>>
    %dma_start3A_36 = tpu.memref_squeeze %dma_start3A_35 : memref<1x1x128xi32, #tpu.memory_space<hbm>> -> memref<128xi32, #tpu.memory_space<hbm>>
    %dma_start3A_37 = tpu.memref_slice %arg24[%dma_start3A_33] : memref<8x!tpu.dma_semaphore, #tpu.memory_space<semaphore_mem>> -> memref<1x!tpu.dma_semaphore, #tpu.memory_space<semaphore_mem>>
    %dma_start3A_38 = tpu.memref_squeeze %dma_start3A_37 : memref<1x!tpu.dma_semaphore, #tpu.memory_space<semaphore_mem>> -> memref<!tpu.dma_semaphore, #tpu.memory_space<semaphore_mem>>
    %dma_start3A_39 = arith.constant 0 : i32
    %dma_start3A_40 = tpu.memref_slice %arg3[%add3A, %dma_start3A_32, %dma_start3A_39] : memref<32x8x128xi32, #tpu.memory_space<hbm>> -> memref<1x1x128xi32, #tpu.memory_space<hbm>>
    %dma_start3A_41 = tpu.memref_squeeze %dma_start3A_40 : memref<1x1x128xi32, #tpu.memory_space<hbm>> -> memref<128xi32, #tpu.memory_space<hbm>>
    tpu.enqueue_dma source(%dma_start3A_41 : memref<128xi32, #tpu.memory_space<hbm>>) target(%arg10 : memref<128xi32, #tpu.memory_space<vmem>>) target_semaphore(%dma_start3A_38 : memref<!tpu.dma_semaphore, #tpu.memory_space<semaphore_mem>>)
    %dma_start3A_42 = arith.constant 4 : i32
    %dma_start3A_43 = arith.constant 4 : i32
    %dma_start3A_44 = arith.constant 0 : i32
    %dma_start3A_45 = tpu.memref_slice %arg3[%add3A, %dma_start3A_42, %dma_start3A_44] : memref<32x8x128xi32, #tpu.memory_space<hbm>> -> memref<1x1x128xi32, #tpu.memory_space<hbm>>
    %dma_start3A_46 = tpu.memref_squeeze %dma_start3A_45 : memref<1x1x128xi32, #tpu.memory_space<hbm>> -> memref<128xi32, #tpu.memory_space<hbm>>
    %dma_start3A_47 = tpu.memref_slice %arg24[%dma_start3A_43] : memref<8x!tpu.dma_semaphore, #tpu.memory_space<semaphore_mem>> -> memref<1x!tpu.dma_semaphore, #tpu.memory_space<semaphore_mem>>
    %dma_start3A_48 = tpu.memref_squeeze %dma_start3A_47 : memref<1x!tpu.dma_semaphore, #tpu.memory_space<semaphore_mem>> -> memref<!tpu.dma_semaphore, #tpu.memory_space<semaphore_mem>>
    %dma_start3A_49 = arith.constant 0 : i32
    %dma_start3A_50 = tpu.memref_slice %arg3[%add3A, %dma_start3A_42, %dma_start3A_49] : memref<32x8x128xi32, #tpu.memory_space<hbm>> -> memref<1x1x128xi32, #tpu.memory_space<hbm>>
    %dma_start3A_51 = tpu.memref_squeeze %dma_start3A_50 : memref<1x1x128xi32, #tpu.memory_space<hbm>> -> memref<128xi32, #tpu.memory_space<hbm>>
    tpu.enqueue_dma source(%dma_start3A_51 : memref<128xi32, #tpu.memory_space<hbm>>) target(%arg11 : memref<128xi32, #tpu.memory_space<vmem>>) target_semaphore(%dma_start3A_48 : memref<!tpu.dma_semaphore, #tpu.memory_space<semaphore_mem>>)
    %dma_start3A_52 = arith.constant 5 : i32
    %dma_start3A_53 = arith.constant 5 : i32
    %dma_start3A_54 = arith.constant 0 : i32
    %dma_start3A_55 = tpu.memref_slice %arg3[%add3A, %dma_start3A_52, %dma_start3A_54] : memref<32x8x128xi32, #tpu.memory_space<hbm>> -> memref<1x1x128xi32, #tpu.memory_space<hbm>>
    %dma_start3A_56 = tpu.memref_squeeze %dma_start3A_55 : memref<1x1x128xi32, #tpu.memory_space<hbm>> -> memref<128xi32, #tpu.memory_space<hbm>>
    %dma_start3A_57 = tpu.memref_slice %arg24[%dma_start3A_53] : memref<8x!tpu.dma_semaphore, #tpu.memory_space<semaphore_mem>> -> memref<1x!tpu.dma_semaphore, #tpu.memory_space<semaphore_mem>>
    %dma_start3A_58 = tpu.memref_squeeze %dma_start3A_57 : memref<1x!tpu.dma_semaphore, #tpu.memory_space<semaphore_mem>> -> memref<!tpu.dma_semaphore, #tpu.memory_space<semaphore_mem>>
    %dma_start3A_59 = arith.constant 0 : i32
    %dma_start3A_60 = tpu.memref_slice %arg3[%add3A, %dma_start3A_52, %dma_start3A_59] : memref<32x8x128xi32, #tpu.memory_space<hbm>> -> memref<1x1x128xi32, #tpu.memory_space<hbm>>
    %dma_start3A_61 = tpu.memref_squeeze %dma_start3A_60 : memref<1x1x128xi32, #tpu.memory_space<hbm>> -> memref<128xi32, #tpu.memory_space<hbm>>
    tpu.enqueue_dma source(%dma_start3A_61 : memref<128xi32, #tpu.memory_space<hbm>>) target(%arg12 : memref<128xi32, #tpu.memory_space<vmem>>) target_semaphore(%dma_start3A_58 : memref<!tpu.dma_semaphore, #tpu.memory_space<semaphore_mem>>)
    %dma_start3A_62 = arith.constant 6 : i32
    %dma_start3A_63 = arith.constant 6 : i32
    %dma_start3A_64 = arith.constant 0 : i32
    %dma_start3A_65 = tpu.memref_slice %arg3[%add3A, %dma_start3A_62, %dma_start3A_64] : memref<32x8x128xi32, #tpu.memory_space<hbm>> -> memref<1x1x128xi32, #tpu.memory_space<hbm>>
    %dma_start3A_66 = tpu.memref_squeeze %dma_start3A_65 : memref<1x1x128xi32, #tpu.memory_space<hbm>> -> memref<128xi32, #tpu.memory_space<hbm>>
    %dma_start3A_67 = tpu.memref_slice %arg24[%dma_start3A_63] : memref<8x!tpu.dma_semaphore, #tpu.memory_space<semaphore_mem>> -> memref<1x!tpu.dma_semaphore, #tpu.memory_space<semaphore_mem>>
    %dma_start3A_68 = tpu.memref_squeeze %dma_start3A_67 : memref<1x!tpu.dma_semaphore, #tpu.memory_space<semaphore_mem>> -> memref<!tpu.dma_semaphore, #tpu.memory_space<semaphore_mem>>
    %dma_start3A_69 = arith.constant 0 : i32
    %dma_start3A_70 = tpu.memref_slice %arg3[%add3A, %dma_start3A_62, %dma_start3A_69] : memref<32x8x128xi32, #tpu.memory_space<hbm>> -> memref<1x1x128xi32, #tpu.memory_space<hbm>>
    %dma_start3A_71 = tpu.memref_squeeze %dma_start3A_70 : memref<1x1x128xi32, #tpu.memory_space<hbm>> -> memref<128xi32, #tpu.memory_space<hbm>>
    tpu.enqueue_dma source(%dma_start3A_71 : memref<128xi32, #tpu.memory_space<hbm>>) target(%arg13 : memref<128xi32, #tpu.memory_space<vmem>>) target_semaphore(%dma_start3A_68 : memref<!tpu.dma_semaphore, #tpu.memory_space<semaphore_mem>>)
    %dma_start3A_72 = arith.constant 7 : i32
    %dma_start3A_73 = arith.constant 7 : i32
    %dma_start3A_74 = arith.constant 0 : i32
    %dma_start3A_75 = tpu.memref_slice %arg3[%add3A, %dma_start3A_72, %dma_start3A_74] : memref<32x8x128xi32, #tpu.memory_space<hbm>> -> memref<1x1x128xi32, #tpu.memory_space<hbm>>
    %dma_start3A_76 = tpu.memref_squeeze %dma_start3A_75 : memref<1x1x128xi32, #tpu.memory_space<hbm>> -> memref<128xi32, #tpu.memory_space<hbm>>
    %dma_start3A_77 = tpu.memref_slice %arg24[%dma_start3A_73] : memref<8x!tpu.dma_semaphore, #tpu.memory_space<semaphore_mem>> -> memref<1x!tpu.dma_semaphore, #tpu.memory_space<semaphore_mem>>
    %dma_start3A_78 = tpu.memref_squeeze %dma_start3A_77 : memref<1x!tpu.dma_semaphore, #tpu.memory_space<semaphore_mem>> -> memref<!tpu.dma_semaphore, #tpu.memory_space<semaphore_mem>>
    %dma_start3A_79 = arith.constant 0 : i32
    %dma_start3A_80 = tpu.memref_slice %arg3[%add3A, %dma_start3A_72, %dma_start3A_79] : memref<32x8x128xi32, #tpu.memory_space<hbm>> -> memref<1x1x128xi32, #tpu.memory_space<hbm>>
    %dma_start3A_81 = tpu.memref_squeeze %dma_start3A_80 : memref<1x1x128xi32, #tpu.memory_space<hbm>> -> memref<128xi32, #tpu.memory_space<hbm>>
    tpu.enqueue_dma source(%dma_start3A_81 : memref<128xi32, #tpu.memory_space<hbm>>) target(%arg14 : memref<128xi32, #tpu.memory_space<vmem>>) target_semaphore(%dma_start3A_78 : memref<!tpu.dma_semaphore, #tpu.memory_space<semaphore_mem>>)
    %barrier3A = arith.constant 0 : index
    tpu.barrier barrier_id(%barrier3A)
    %dma_wait3A = arith.constant 0 : i32
    %dma_wait3A_82 = arith.constant 0 : i32
    %dma_wait3A_83 = arith.constant 0 : i32
    %dma_wait3A_84 = tpu.memref_slice %arg3[%add3A, %dma_wait3A, %dma_wait3A_83] : memref<32x8x128xi32, #tpu.memory_space<hbm>> -> memref<1x1x128xi32, #tpu.memory_space<hbm>>
    %dma_wait3A_85 = tpu.memref_squeeze %dma_wait3A_84 : memref<1x1x128xi32, #tpu.memory_space<hbm>> -> memref<128xi32, #tpu.memory_space<hbm>>
    %dma_wait3A_86 = tpu.memref_slice %arg24[%dma_wait3A_82] : memref<8x!tpu.dma_semaphore, #tpu.memory_space<semaphore_mem>> -> memref<1x!tpu.dma_semaphore, #tpu.memory_space<semaphore_mem>>
    %dma_wait3A_87 = tpu.memref_squeeze %dma_wait3A_86 : memref<1x!tpu.dma_semaphore, #tpu.memory_space<semaphore_mem>> -> memref<!tpu.dma_semaphore, #tpu.memory_space<semaphore_mem>>
    %dma_wait3A_88 = arith.constant 0 : i32
    %dma_wait3A_89 = tpu.memref_slice %arg3[%add3A, %dma_wait3A, %dma_wait3A_88] : memref<32x8x128xi32, #tpu.memory_space<hbm>> -> memref<1x1x128xi32, #tpu.memory_space<hbm>>
    %dma_wait3A_90 = tpu.memref_squeeze %dma_wait3A_89 : memref<1x1x128xi32, #tpu.memory_space<hbm>> -> memref<128xi32, #tpu.memory_space<hbm>>
    tpu.wait_dma2 semaphore(%dma_wait3A_87 : memref<!tpu.dma_semaphore, #tpu.memory_space<semaphore_mem>>) src(%dma_wait3A_90 : memref<128xi32, #tpu.memory_space<hbm>>) dst(%arg7 : memref<128xi32, #tpu.memory_space<vmem>>)
    %dma_start3A_91 = arith.constant 0 : i32
    %dma_start3A_92 = arith.constant 0 : i32
    %dma_start3A_93 = arith.constant 0 : i32
    %dma_start3A_94 = tpu.memref_slice %arg2[%dma_start3A_92, %dma_start3A_93] : memref<2048x64xf32, #tpu.memory_space<hbm>> -> memref<2048x64xf32, #tpu.memory_space<hbm>>
    %dma_start3A_95 = tpu.memref_slice %arg21[%dma_start3A_91] : memref<4x!tpu.dma_semaphore, #tpu.memory_space<semaphore_mem>> -> memref<1x!tpu.dma_semaphore, #tpu.memory_space<semaphore_mem>>
    %dma_start3A_96 = tpu.memref_squeeze %dma_start3A_95 : memref<1x!tpu.dma_semaphore, #tpu.memory_space<semaphore_mem>> -> memref<!tpu.dma_semaphore, #tpu.memory_space<semaphore_mem>>
    tpu.enqueue_indirect_dma source(%dma_start3A_94 : memref<2048x64xf32, #tpu.memory_space<hbm>>) target(%arg17 : memref<128x64xf32, #tpu.memory_space<vmem>>) offsets(%arg7 : memref<128xi32, #tpu.memory_space<vmem>>) semaphore(%dma_start3A_96 : memref<!tpu.dma_semaphore, #tpu.memory_space<semaphore_mem>>)
    %dma_wait3A_97 = arith.constant 1 : i32
    %dma_wait3A_98 = arith.constant 1 : i32
    %dma_wait3A_99 = arith.constant 0 : i32
    %dma_wait3A_100 = tpu.memref_slice %arg3[%add3A, %dma_wait3A_97, %dma_wait3A_99] : memref<32x8x128xi32, #tpu.memory_space<hbm>> -> memref<1x1x128xi32, #tpu.memory_space<hbm>>
    %dma_wait3A_101 = tpu.memref_squeeze %dma_wait3A_100 : memref<1x1x128xi32, #tpu.memory_space<hbm>> -> memref<128xi32, #tpu.memory_space<hbm>>
    %dma_wait3A_102 = tpu.memref_slice %arg24[%dma_wait3A_98] : memref<8x!tpu.dma_semaphore, #tpu.memory_space<semaphore_mem>> -> memref<1x!tpu.dma_semaphore, #tpu.memory_space<semaphore_mem>>
    %dma_wait3A_103 = tpu.memref_squeeze %dma_wait3A_102 : memref<1x!tpu.dma_semaphore, #tpu.memory_space<semaphore_mem>> -> memref<!tpu.dma_semaphore, #tpu.memory_space<semaphore_mem>>
    %dma_wait3A_104 = arith.constant 0 : i32
    %dma_wait3A_105 = tpu.memref_slice %arg3[%add3A, %dma_wait3A_97, %dma_wait3A_104] : memref<32x8x128xi32, #tpu.memory_space<hbm>> -> memref<1x1x128xi32, #tpu.memory_space<hbm>>
    %dma_wait3A_106 = tpu.memref_squeeze %dma_wait3A_105 : memref<1x1x128xi32, #tpu.memory_space<hbm>> -> memref<128xi32, #tpu.memory_space<hbm>>
    tpu.wait_dma2 semaphore(%dma_wait3A_103 : memref<!tpu.dma_semaphore, #tpu.memory_space<semaphore_mem>>) src(%dma_wait3A_106 : memref<128xi32, #tpu.memory_space<hbm>>) dst(%arg8 : memref<128xi32, #tpu.memory_space<vmem>>)
    %dma_start3A_107 = arith.constant 1 : i32
    %dma_start3A_108 = arith.constant 0 : i32
    %dma_start3A_109 = arith.constant 0 : i32
    %dma_start3A_110 = tpu.memref_slice %arg2[%dma_start3A_108, %dma_start3A_109] : memref<2048x64xf32, #tpu.memory_space<hbm>> -> memref<2048x64xf32, #tpu.memory_space<hbm>>
    %dma_start3A_111 = tpu.memref_slice %arg21[%dma_start3A_107] : memref<4x!tpu.dma_semaphore, #tpu.memory_space<semaphore_mem>> -> memref<1x!tpu.dma_semaphore, #tpu.memory_space<semaphore_mem>>
    %dma_start3A_112 = tpu.memref_squeeze %dma_start3A_111 : memref<1x!tpu.dma_semaphore, #tpu.memory_space<semaphore_mem>> -> memref<!tpu.dma_semaphore, #tpu.memory_space<semaphore_mem>>
    tpu.enqueue_indirect_dma source(%dma_start3A_110 : memref<2048x64xf32, #tpu.memory_space<hbm>>) target(%arg18 : memref<128x64xf32, #tpu.memory_space<vmem>>) offsets(%arg8 : memref<128xi32, #tpu.memory_space<vmem>>) semaphore(%dma_start3A_112 : memref<!tpu.dma_semaphore, #tpu.memory_space<semaphore_mem>>)
    %dma_wait3A_113 = arith.constant 2 : i32
    %dma_wait3A_114 = arith.constant 2 : i32
    %dma_wait3A_115 = arith.constant 0 : i32
    %dma_wait3A_116 = tpu.memref_slice %arg3[%add3A, %dma_wait3A_113, %dma_wait3A_115] : memref<32x8x128xi32, #tpu.memory_space<hbm>> -> memref<1x1x128xi32, #tpu.memory_space<hbm>>
    %dma_wait3A_117 = tpu.memref_squeeze %dma_wait3A_116 : memref<1x1x128xi32, #tpu.memory_space<hbm>> -> memref<128xi32, #tpu.memory_space<hbm>>
    %dma_wait3A_118 = tpu.memref_slice %arg24[%dma_wait3A_114] : memref<8x!tpu.dma_semaphore, #tpu.memory_space<semaphore_mem>> -> memref<1x!tpu.dma_semaphore, #tpu.memory_space<semaphore_mem>>
    %dma_wait3A_119 = tpu.memref_squeeze %dma_wait3A_118 : memref<1x!tpu.dma_semaphore, #tpu.memory_space<semaphore_mem>> -> memref<!tpu.dma_semaphore, #tpu.memory_space<semaphore_mem>>
    %dma_wait3A_120 = arith.constant 0 : i32
    %dma_wait3A_121 = tpu.memref_slice %arg3[%add3A, %dma_wait3A_113, %dma_wait3A_120] : memref<32x8x128xi32, #tpu.memory_space<hbm>> -> memref<1x1x128xi32, #tpu.memory_space<hbm>>
    %dma_wait3A_122 = tpu.memref_squeeze %dma_wait3A_121 : memref<1x1x128xi32, #tpu.memory_space<hbm>> -> memref<128xi32, #tpu.memory_space<hbm>>
    tpu.wait_dma2 semaphore(%dma_wait3A_119 : memref<!tpu.dma_semaphore, #tpu.memory_space<semaphore_mem>>) src(%dma_wait3A_122 : memref<128xi32, #tpu.memory_space<hbm>>) dst(%arg9 : memref<128xi32, #tpu.memory_space<vmem>>)
    %dma_start3A_123 = arith.constant 2 : i32
    %dma_start3A_124 = arith.constant 0 : i32
    %dma_start3A_125 = arith.constant 0 : i32
    %dma_start3A_126 = tpu.memref_slice %arg2[%dma_start3A_124, %dma_start3A_125] : memref<2048x64xf32, #tpu.memory_space<hbm>> -> memref<2048x64xf32, #tpu.memory_space<hbm>>
    %dma_start3A_127 = tpu.memref_slice %arg21[%dma_start3A_123] : memref<4x!tpu.dma_semaphore, #tpu.memory_space<semaphore_mem>> -> memref<1x!tpu.dma_semaphore, #tpu.memory_space<semaphore_mem>>
    %dma_start3A_128 = tpu.memref_squeeze %dma_start3A_127 : memref<1x!tpu.dma_semaphore, #tpu.memory_space<semaphore_mem>> -> memref<!tpu.dma_semaphore, #tpu.memory_space<semaphore_mem>>
    tpu.enqueue_indirect_dma source(%dma_start3A_126 : memref<2048x64xf32, #tpu.memory_space<hbm>>) target(%arg19 : memref<128x64xf32, #tpu.memory_space<vmem>>) offsets(%arg9 : memref<128xi32, #tpu.memory_space<vmem>>) semaphore(%dma_start3A_128 : memref<!tpu.dma_semaphore, #tpu.memory_space<semaphore_mem>>)
    %dma_wait3A_129 = arith.constant 3 : i32
    %dma_wait3A_130 = arith.constant 3 : i32
    %dma_wait3A_131 = arith.constant 0 : i32
    %dma_wait3A_132 = tpu.memref_slice %arg3[%add3A, %dma_wait3A_129, %dma_wait3A_131] : memref<32x8x128xi32, #tpu.memory_space<hbm>> -> memref<1x1x128xi32, #tpu.memory_space<hbm>>
    %dma_wait3A_133 = tpu.memref_squeeze %dma_wait3A_132 : memref<1x1x128xi32, #tpu.memory_space<hbm>> -> memref<128xi32, #tpu.memory_space<hbm>>
    %dma_wait3A_134 = tpu.memref_slice %arg24[%dma_wait3A_130] : memref<8x!tpu.dma_semaphore, #tpu.memory_space<semaphore_mem>> -> memref<1x!tpu.dma_semaphore, #tpu.memory_space<semaphore_mem>>
    %dma_wait3A_135 = tpu.memref_squeeze %dma_wait3A_134 : memref<1x!tpu.dma_semaphore, #tpu.memory_space<semaphore_mem>> -> memref<!tpu.dma_semaphore, #tpu.memory_space<semaphore_mem>>
    %dma_wait3A_136 = arith.constant 0 : i32
    %dma_wait3A_137 = tpu.memref_slice %arg3[%add3A, %dma_wait3A_129, %dma_wait3A_136] : memref<32x8x128xi32, #tpu.memory_space<hbm>> -> memref<1x1x128xi32, #tpu.memory_space<hbm>>
    %dma_wait3A_138 = tpu.memref_squeeze %dma_wait3A_137 : memref<1x1x128xi32, #tpu.memory_space<hbm>> -> memref<128xi32, #tpu.memory_space<hbm>>
    tpu.wait_dma2 semaphore(%dma_wait3A_135 : memref<!tpu.dma_semaphore, #tpu.memory_space<semaphore_mem>>) src(%dma_wait3A_138 : memref<128xi32, #tpu.memory_space<hbm>>) dst(%arg10 : memref<128xi32, #tpu.memory_space<vmem>>)
    %dma_start3A_139 = arith.constant 3 : i32
    %dma_start3A_140 = arith.constant 0 : i32
    %dma_start3A_141 = arith.constant 0 : i32
    %dma_start3A_142 = tpu.memref_slice %arg2[%dma_start3A_140, %dma_start3A_141] : memref<2048x64xf32, #tpu.memory_space<hbm>> -> memref<2048x64xf32, #tpu.memory_space<hbm>>
    %dma_start3A_143 = tpu.memref_slice %arg21[%dma_start3A_139] : memref<4x!tpu.dma_semaphore, #tpu.memory_space<semaphore_mem>> -> memref<1x!tpu.dma_semaphore, #tpu.memory_space<semaphore_mem>>
    %dma_start3A_144 = tpu.memref_squeeze %dma_start3A_143 : memref<1x!tpu.dma_semaphore, #tpu.memory_space<semaphore_mem>> -> memref<!tpu.dma_semaphore, #tpu.memory_space<semaphore_mem>>
    tpu.enqueue_indirect_dma source(%dma_start3A_142 : memref<2048x64xf32, #tpu.memory_space<hbm>>) target(%arg20 : memref<128x64xf32, #tpu.memory_space<vmem>>) offsets(%arg10 : memref<128xi32, #tpu.memory_space<vmem>>) semaphore(%dma_start3A_144 : memref<!tpu.dma_semaphore, #tpu.memory_space<semaphore_mem>>)
    %dma_wait3A_145 = arith.constant 0 : i32
    %dma_wait3A_146 = arith.constant 0 : i32
    %dma_wait3A_147 = arith.constant 0 : i32
    %dma_wait3A_148 = tpu.memref_slice %arg2[%dma_wait3A_146, %dma_wait3A_147] : memref<2048x64xf32, #tpu.memory_space<hbm>> -> memref<2048x64xf32, #tpu.memory_space<hbm>>
    %dma_wait3A_149 = tpu.memref_slice %arg21[%dma_wait3A_145] : memref<4x!tpu.dma_semaphore, #tpu.memory_space<semaphore_mem>> -> memref<1x!tpu.dma_semaphore, #tpu.memory_space<semaphore_mem>>
    %dma_wait3A_150 = tpu.memref_squeeze %dma_wait3A_149 : memref<1x!tpu.dma_semaphore, #tpu.memory_space<semaphore_mem>> -> memref<!tpu.dma_semaphore, #tpu.memory_space<semaphore_mem>>
    tpu.wait_indirect_dma semaphore(%dma_wait3A_150 : memref<!tpu.dma_semaphore, #tpu.memory_space<semaphore_mem>>) src(%dma_wait3A_148 : memref<2048x64xf32, #tpu.memory_space<hbm>>) dst(%arg17 : memref<128x64xf32, #tpu.memory_space<vmem>>)
    %run_scoped3A = arith.constant 0 : i32
    "tpu.region"() ({
      %run_scoped3A_272 = tpu.sem_alloc : memref<!tpu.dma_semaphore, #tpu.memory_space<semaphore_mem>>
      %dma_start3A_273 = arith.constant 0 : i32
      %dma_start3A_274 = tpu.memref_slice %arg4[%add3A, %run_scoped3A, %dma_start3A_273] : memref<32x8x128xi32, #tpu.memory_space<hbm>> -> memref<1x1x128xi32, #tpu.memory_space<hbm>>
      %dma_start3A_275 = tpu.memref_squeeze %dma_start3A_274 : memref<1x1x128xi32, #tpu.memory_space<hbm>> -> memref<128xi32, #tpu.memory_space<hbm>>
      %dma_start3A_276 = arith.constant 0 : i32
      %dma_start3A_277 = tpu.memref_slice %arg4[%add3A, %run_scoped3A, %dma_start3A_276] : memref<32x8x128xi32, #tpu.memory_space<hbm>> -> memref<1x1x128xi32, #tpu.memory_space<hbm>>
      %dma_start3A_278 = tpu.memref_squeeze %dma_start3A_277 : memref<1x1x128xi32, #tpu.memory_space<hbm>> -> memref<128xi32, #tpu.memory_space<hbm>>
      tpu.enqueue_dma source(%dma_start3A_278 : memref<128xi32, #tpu.memory_space<hbm>>) target(%arg15 : memref<128xi32, #tpu.memory_space<vmem>>) target_semaphore(%run_scoped3A_272 : memref<!tpu.dma_semaphore, #tpu.memory_space<semaphore_mem>>)
      %dma_wait3A_279 = arith.constant 0 : i32
      %dma_wait3A_280 = tpu.memref_slice %arg4[%add3A, %run_scoped3A, %dma_wait3A_279] : memref<32x8x128xi32, #tpu.memory_space<hbm>> -> memref<1x1x128xi32, #tpu.memory_space<hbm>>
      %dma_wait3A_281 = tpu.memref_squeeze %dma_wait3A_280 : memref<1x1x128xi32, #tpu.memory_space<hbm>> -> memref<128xi32, #tpu.memory_space<hbm>>
      %dma_wait3A_282 = arith.constant 0 : i32
      %dma_wait3A_283 = tpu.memref_slice %arg4[%add3A, %run_scoped3A, %dma_wait3A_282] : memref<32x8x128xi32, #tpu.memory_space<hbm>> -> memref<1x1x128xi32, #tpu.memory_space<hbm>>
      %dma_wait3A_284 = tpu.memref_squeeze %dma_wait3A_283 : memref<1x1x128xi32, #tpu.memory_space<hbm>> -> memref<128xi32, #tpu.memory_space<hbm>>
      tpu.wait_dma2 semaphore(%run_scoped3A_272 : memref<!tpu.dma_semaphore, #tpu.memory_space<semaphore_mem>>) src(%dma_wait3A_284 : memref<128xi32, #tpu.memory_space<hbm>>) dst(%arg15 : memref<128xi32, #tpu.memory_space<vmem>>)
      tpu.yield
    }) : () -> ()
    "tpu.region"() ({
      %run_scoped3A_272 = tpu.sem_alloc : memref<!tpu.dma_semaphore, #tpu.memory_space<semaphore_mem>>
      %dma_start3A_273 = arith.constant 0 : i32
      %dma_start3A_274 = arith.constant 0 : i32
      %dma_start3A_275 = tpu.memref_slice %arg25[%dma_start3A_273, %dma_start3A_274] : memref<2048x64xf32, #tpu.memory_space<vmem_shared>> -> memref<2048x64xf32, #tpu.memory_space<vmem_shared>>
      tpu.enqueue_indirect_dma source(%arg17 : memref<128x64xf32, #tpu.memory_space<vmem>>) target(%dma_start3A_275 : memref<2048x64xf32, #tpu.memory_space<vmem_shared>>) offsets(%arg15 : memref<128xi32, #tpu.memory_space<vmem>>) semaphore(%run_scoped3A_272 : memref<!tpu.dma_semaphore, #tpu.memory_space<semaphore_mem>>) {add = true}
      %dma_wait3A_276 = arith.constant 0 : i32
      %dma_wait3A_277 = arith.constant 0 : i32
      %dma_wait3A_278 = tpu.memref_slice %arg25[%dma_wait3A_276, %dma_wait3A_277] : memref<2048x64xf32, #tpu.memory_space<vmem_shared>> -> memref<2048x64xf32, #tpu.memory_space<vmem_shared>>
      tpu.wait_indirect_dma semaphore(%run_scoped3A_272 : memref<!tpu.dma_semaphore, #tpu.memory_space<semaphore_mem>>) src(%arg17 : memref<128x64xf32, #tpu.memory_space<vmem>>) dst(%dma_wait3A_278 : memref<2048x64xf32, #tpu.memory_space<vmem_shared>>)
      tpu.yield
    }) : () -> ()
    %dma_wait3A_151 = arith.constant 4 : i32
    %dma_wait3A_152 = arith.constant 4 : i32
    %dma_wait3A_153 = arith.constant 0 : i32
    %dma_wait3A_154 = tpu.memref_slice %arg3[%add3A, %dma_wait3A_151, %dma_wait3A_153] : memref<32x8x128xi32, #tpu.memory_space<hbm>> -> memref<1x1x128xi32, #tpu.memory_space<hbm>>
    %dma_wait3A_155 = tpu.memref_squeeze %dma_wait3A_154 : memref<1x1x128xi32, #tpu.memory_space<hbm>> -> memref<128xi32, #tpu.memory_space<hbm>>
    %dma_wait3A_156 = tpu.memref_slice %arg24[%dma_wait3A_152] : memref<8x!tpu.dma_semaphore, #tpu.memory_space<semaphore_mem>> -> memref<1x!tpu.dma_semaphore, #tpu.memory_space<semaphore_mem>>
    %dma_wait3A_157 = tpu.memref_squeeze %dma_wait3A_156 : memref<1x!tpu.dma_semaphore, #tpu.memory_space<semaphore_mem>> -> memref<!tpu.dma_semaphore, #tpu.memory_space<semaphore_mem>>
    %dma_wait3A_158 = arith.constant 0 : i32
    %dma_wait3A_159 = tpu.memref_slice %arg3[%add3A, %dma_wait3A_151, %dma_wait3A_158] : memref<32x8x128xi32, #tpu.memory_space<hbm>> -> memref<1x1x128xi32, #tpu.memory_space<hbm>>
    %dma_wait3A_160 = tpu.memref_squeeze %dma_wait3A_159 : memref<1x1x128xi32, #tpu.memory_space<hbm>> -> memref<128xi32, #tpu.memory_space<hbm>>
    tpu.wait_dma2 semaphore(%dma_wait3A_157 : memref<!tpu.dma_semaphore, #tpu.memory_space<semaphore_mem>>) src(%dma_wait3A_160 : memref<128xi32, #tpu.memory_space<hbm>>) dst(%arg11 : memref<128xi32, #tpu.memory_space<vmem>>)
    %dma_start3A_161 = arith.constant 0 : i32
    %dma_start3A_162 = arith.constant 0 : i32
    %dma_start3A_163 = arith.constant 0 : i32
    %dma_start3A_164 = tpu.memref_slice %arg2[%dma_start3A_162, %dma_start3A_163] : memref<2048x64xf32, #tpu.memory_space<hbm>> -> memref<2048x64xf32, #tpu.memory_space<hbm>>
    %dma_start3A_165 = tpu.memref_slice %arg21[%dma_start3A_161] : memref<4x!tpu.dma_semaphore, #tpu.memory_space<semaphore_mem>> -> memref<1x!tpu.dma_semaphore, #tpu.memory_space<semaphore_mem>>
    %dma_start3A_166 = tpu.memref_squeeze %dma_start3A_165 : memref<1x!tpu.dma_semaphore, #tpu.memory_space<semaphore_mem>> -> memref<!tpu.dma_semaphore, #tpu.memory_space<semaphore_mem>>
    tpu.enqueue_indirect_dma source(%dma_start3A_164 : memref<2048x64xf32, #tpu.memory_space<hbm>>) target(%arg17 : memref<128x64xf32, #tpu.memory_space<vmem>>) offsets(%arg11 : memref<128xi32, #tpu.memory_space<vmem>>) semaphore(%dma_start3A_166 : memref<!tpu.dma_semaphore, #tpu.memory_space<semaphore_mem>>)
    %dma_wait3A_167 = arith.constant 1 : i32
    %dma_wait3A_168 = arith.constant 0 : i32
    %dma_wait3A_169 = arith.constant 0 : i32
    %dma_wait3A_170 = tpu.memref_slice %arg2[%dma_wait3A_168, %dma_wait3A_169] : memref<2048x64xf32, #tpu.memory_space<hbm>> -> memref<2048x64xf32, #tpu.memory_space<hbm>>
    %dma_wait3A_171 = tpu.memref_slice %arg21[%dma_wait3A_167] : memref<4x!tpu.dma_semaphore, #tpu.memory_space<semaphore_mem>> -> memref<1x!tpu.dma_semaphore, #tpu.memory_space<semaphore_mem>>
    %dma_wait3A_172 = tpu.memref_squeeze %dma_wait3A_171 : memref<1x!tpu.dma_semaphore, #tpu.memory_space<semaphore_mem>> -> memref<!tpu.dma_semaphore, #tpu.memory_space<semaphore_mem>>
    tpu.wait_indirect_dma semaphore(%dma_wait3A_172 : memref<!tpu.dma_semaphore, #tpu.memory_space<semaphore_mem>>) src(%dma_wait3A_170 : memref<2048x64xf32, #tpu.memory_space<hbm>>) dst(%arg18 : memref<128x64xf32, #tpu.memory_space<vmem>>)
    %run_scoped3A_173 = arith.constant 1 : i32
    "tpu.region"() ({
      %run_scoped3A_272 = tpu.sem_alloc : memref<!tpu.dma_semaphore, #tpu.memory_space<semaphore_mem>>
      %dma_start3A_273 = arith.constant 0 : i32
      %dma_start3A_274 = tpu.memref_slice %arg4[%add3A, %run_scoped3A_173, %dma_start3A_273] : memref<32x8x128xi32, #tpu.memory_space<hbm>> -> memref<1x1x128xi32, #tpu.memory_space<hbm>>
      %dma_start3A_275 = tpu.memref_squeeze %dma_start3A_274 : memref<1x1x128xi32, #tpu.memory_space<hbm>> -> memref<128xi32, #tpu.memory_space<hbm>>
      %dma_start3A_276 = arith.constant 0 : i32
      %dma_start3A_277 = tpu.memref_slice %arg4[%add3A, %run_scoped3A_173, %dma_start3A_276] : memref<32x8x128xi32, #tpu.memory_space<hbm>> -> memref<1x1x128xi32, #tpu.memory_space<hbm>>
      %dma_start3A_278 = tpu.memref_squeeze %dma_start3A_277 : memref<1x1x128xi32, #tpu.memory_space<hbm>> -> memref<128xi32, #tpu.memory_space<hbm>>
      tpu.enqueue_dma source(%dma_start3A_278 : memref<128xi32, #tpu.memory_space<hbm>>) target(%arg16 : memref<128xi32, #tpu.memory_space<vmem>>) target_semaphore(%run_scoped3A_272 : memref<!tpu.dma_semaphore, #tpu.memory_space<semaphore_mem>>)
      %dma_wait3A_279 = arith.constant 0 : i32
      %dma_wait3A_280 = tpu.memref_slice %arg4[%add3A, %run_scoped3A_173, %dma_wait3A_279] : memref<32x8x128xi32, #tpu.memory_space<hbm>> -> memref<1x1x128xi32, #tpu.memory_space<hbm>>
      %dma_wait3A_281 = tpu.memref_squeeze %dma_wait3A_280 : memref<1x1x128xi32, #tpu.memory_space<hbm>> -> memref<128xi32, #tpu.memory_space<hbm>>
      %dma_wait3A_282 = arith.constant 0 : i32
      %dma_wait3A_283 = tpu.memref_slice %arg4[%add3A, %run_scoped3A_173, %dma_wait3A_282] : memref<32x8x128xi32, #tpu.memory_space<hbm>> -> memref<1x1x128xi32, #tpu.memory_space<hbm>>
      %dma_wait3A_284 = tpu.memref_squeeze %dma_wait3A_283 : memref<1x1x128xi32, #tpu.memory_space<hbm>> -> memref<128xi32, #tpu.memory_space<hbm>>
      tpu.wait_dma2 semaphore(%run_scoped3A_272 : memref<!tpu.dma_semaphore, #tpu.memory_space<semaphore_mem>>) src(%dma_wait3A_284 : memref<128xi32, #tpu.memory_space<hbm>>) dst(%arg16 : memref<128xi32, #tpu.memory_space<vmem>>)
      tpu.yield
    }) : () -> ()
    "tpu.region"() ({
      %run_scoped3A_272 = tpu.sem_alloc : memref<!tpu.dma_semaphore, #tpu.memory_space<semaphore_mem>>
      %dma_start3A_273 = arith.constant 0 : i32
      %dma_start3A_274 = arith.constant 0 : i32
      %dma_start3A_275 = tpu.memref_slice %arg25[%dma_start3A_273, %dma_start3A_274] : memref<2048x64xf32, #tpu.memory_space<vmem_shared>> -> memref<2048x64xf32, #tpu.memory_space<vmem_shared>>
      tpu.enqueue_indirect_dma source(%arg18 : memref<128x64xf32, #tpu.memory_space<vmem>>) target(%dma_start3A_275 : memref<2048x64xf32, #tpu.memory_space<vmem_shared>>) offsets(%arg16 : memref<128xi32, #tpu.memory_space<vmem>>) semaphore(%run_scoped3A_272 : memref<!tpu.dma_semaphore, #tpu.memory_space<semaphore_mem>>) {add = true}
      %dma_wait3A_276 = arith.constant 0 : i32
      %dma_wait3A_277 = arith.constant 0 : i32
      %dma_wait3A_278 = tpu.memref_slice %arg25[%dma_wait3A_276, %dma_wait3A_277] : memref<2048x64xf32, #tpu.memory_space<vmem_shared>> -> memref<2048x64xf32, #tpu.memory_space<vmem_shared>>
      tpu.wait_indirect_dma semaphore(%run_scoped3A_272 : memref<!tpu.dma_semaphore, #tpu.memory_space<semaphore_mem>>) src(%arg18 : memref<128x64xf32, #tpu.memory_space<vmem>>) dst(%dma_wait3A_278 : memref<2048x64xf32, #tpu.memory_space<vmem_shared>>)
      tpu.yield
    }) : () -> ()
    %dma_wait3A_174 = arith.constant 5 : i32
    %dma_wait3A_175 = arith.constant 5 : i32
    %dma_wait3A_176 = arith.constant 0 : i32
    %dma_wait3A_177 = tpu.memref_slice %arg3[%add3A, %dma_wait3A_174, %dma_wait3A_176] : memref<32x8x128xi32, #tpu.memory_space<hbm>> -> memref<1x1x128xi32, #tpu.memory_space<hbm>>
    %dma_wait3A_178 = tpu.memref_squeeze %dma_wait3A_177 : memref<1x1x128xi32, #tpu.memory_space<hbm>> -> memref<128xi32, #tpu.memory_space<hbm>>
    %dma_wait3A_179 = tpu.memref_slice %arg24[%dma_wait3A_175] : memref<8x!tpu.dma_semaphore, #tpu.memory_space<semaphore_mem>> -> memref<1x!tpu.dma_semaphore, #tpu.memory_space<semaphore_mem>>
    %dma_wait3A_180 = tpu.memref_squeeze %dma_wait3A_179 : memref<1x!tpu.dma_semaphore, #tpu.memory_space<semaphore_mem>> -> memref<!tpu.dma_semaphore, #tpu.memory_space<semaphore_mem>>
    %dma_wait3A_181 = arith.constant 0 : i32
    %dma_wait3A_182 = tpu.memref_slice %arg3[%add3A, %dma_wait3A_174, %dma_wait3A_181] : memref<32x8x128xi32, #tpu.memory_space<hbm>> -> memref<1x1x128xi32, #tpu.memory_space<hbm>>
    %dma_wait3A_183 = tpu.memref_squeeze %dma_wait3A_182 : memref<1x1x128xi32, #tpu.memory_space<hbm>> -> memref<128xi32, #tpu.memory_space<hbm>>
    tpu.wait_dma2 semaphore(%dma_wait3A_180 : memref<!tpu.dma_semaphore, #tpu.memory_space<semaphore_mem>>) src(%dma_wait3A_183 : memref<128xi32, #tpu.memory_space<hbm>>) dst(%arg12 : memref<128xi32, #tpu.memory_space<vmem>>)
    %dma_start3A_184 = arith.constant 1 : i32
    %dma_start3A_185 = arith.constant 0 : i32
    %dma_start3A_186 = arith.constant 0 : i32
    %dma_start3A_187 = tpu.memref_slice %arg2[%dma_start3A_185, %dma_start3A_186] : memref<2048x64xf32, #tpu.memory_space<hbm>> -> memref<2048x64xf32, #tpu.memory_space<hbm>>
    %dma_start3A_188 = tpu.memref_slice %arg21[%dma_start3A_184] : memref<4x!tpu.dma_semaphore, #tpu.memory_space<semaphore_mem>> -> memref<1x!tpu.dma_semaphore, #tpu.memory_space<semaphore_mem>>
    %dma_start3A_189 = tpu.memref_squeeze %dma_start3A_188 : memref<1x!tpu.dma_semaphore, #tpu.memory_space<semaphore_mem>> -> memref<!tpu.dma_semaphore, #tpu.memory_space<semaphore_mem>>
    tpu.enqueue_indirect_dma source(%dma_start3A_187 : memref<2048x64xf32, #tpu.memory_space<hbm>>) target(%arg18 : memref<128x64xf32, #tpu.memory_space<vmem>>) offsets(%arg12 : memref<128xi32, #tpu.memory_space<vmem>>) semaphore(%dma_start3A_189 : memref<!tpu.dma_semaphore, #tpu.memory_space<semaphore_mem>>)
    %dma_wait3A_190 = arith.constant 2 : i32
    %dma_wait3A_191 = arith.constant 0 : i32
    %dma_wait3A_192 = arith.constant 0 : i32
    %dma_wait3A_193 = tpu.memref_slice %arg2[%dma_wait3A_191, %dma_wait3A_192] : memref<2048x64xf32, #tpu.memory_space<hbm>> -> memref<2048x64xf32, #tpu.memory_space<hbm>>
    %dma_wait3A_194 = tpu.memref_slice %arg21[%dma_wait3A_190] : memref<4x!tpu.dma_semaphore, #tpu.memory_space<semaphore_mem>> -> memref<1x!tpu.dma_semaphore, #tpu.memory_space<semaphore_mem>>
    %dma_wait3A_195 = tpu.memref_squeeze %dma_wait3A_194 : memref<1x!tpu.dma_semaphore, #tpu.memory_space<semaphore_mem>> -> memref<!tpu.dma_semaphore, #tpu.memory_space<semaphore_mem>>
    tpu.wait_indirect_dma semaphore(%dma_wait3A_195 : memref<!tpu.dma_semaphore, #tpu.memory_space<semaphore_mem>>) src(%dma_wait3A_193 : memref<2048x64xf32, #tpu.memory_space<hbm>>) dst(%arg19 : memref<128x64xf32, #tpu.memory_space<vmem>>)
    %run_scoped3A_196 = arith.constant 2 : i32
    "tpu.region"() ({
      %run_scoped3A_272 = tpu.sem_alloc : memref<!tpu.dma_semaphore, #tpu.memory_space<semaphore_mem>>
      %dma_start3A_273 = arith.constant 0 : i32
      %dma_start3A_274 = tpu.memref_slice %arg4[%add3A, %run_scoped3A_196, %dma_start3A_273] : memref<32x8x128xi32, #tpu.memory_space<hbm>> -> memref<1x1x128xi32, #tpu.memory_space<hbm>>
      %dma_start3A_275 = tpu.memref_squeeze %dma_start3A_274 : memref<1x1x128xi32, #tpu.memory_space<hbm>> -> memref<128xi32, #tpu.memory_space<hbm>>
      %dma_start3A_276 = arith.constant 0 : i32
      %dma_start3A_277 = tpu.memref_slice %arg4[%add3A, %run_scoped3A_196, %dma_start3A_276] : memref<32x8x128xi32, #tpu.memory_space<hbm>> -> memref<1x1x128xi32, #tpu.memory_space<hbm>>
      %dma_start3A_278 = tpu.memref_squeeze %dma_start3A_277 : memref<1x1x128xi32, #tpu.memory_space<hbm>> -> memref<128xi32, #tpu.memory_space<hbm>>
      tpu.enqueue_dma source(%dma_start3A_278 : memref<128xi32, #tpu.memory_space<hbm>>) target(%arg15 : memref<128xi32, #tpu.memory_space<vmem>>) target_semaphore(%run_scoped3A_272 : memref<!tpu.dma_semaphore, #tpu.memory_space<semaphore_mem>>)
      %dma_wait3A_279 = arith.constant 0 : i32
      %dma_wait3A_280 = tpu.memref_slice %arg4[%add3A, %run_scoped3A_196, %dma_wait3A_279] : memref<32x8x128xi32, #tpu.memory_space<hbm>> -> memref<1x1x128xi32, #tpu.memory_space<hbm>>
      %dma_wait3A_281 = tpu.memref_squeeze %dma_wait3A_280 : memref<1x1x128xi32, #tpu.memory_space<hbm>> -> memref<128xi32, #tpu.memory_space<hbm>>
      %dma_wait3A_282 = arith.constant 0 : i32
      %dma_wait3A_283 = tpu.memref_slice %arg4[%add3A, %run_scoped3A_196, %dma_wait3A_282] : memref<32x8x128xi32, #tpu.memory_space<hbm>> -> memref<1x1x128xi32, #tpu.memory_space<hbm>>
      %dma_wait3A_284 = tpu.memref_squeeze %dma_wait3A_283 : memref<1x1x128xi32, #tpu.memory_space<hbm>> -> memref<128xi32, #tpu.memory_space<hbm>>
      tpu.wait_dma2 semaphore(%run_scoped3A_272 : memref<!tpu.dma_semaphore, #tpu.memory_space<semaphore_mem>>) src(%dma_wait3A_284 : memref<128xi32, #tpu.memory_space<hbm>>) dst(%arg15 : memref<128xi32, #tpu.memory_space<vmem>>)
      tpu.yield
    }) : () -> ()
    "tpu.region"() ({
      %run_scoped3A_272 = tpu.sem_alloc : memref<!tpu.dma_semaphore, #tpu.memory_space<semaphore_mem>>
      %dma_start3A_273 = arith.constant 0 : i32
      %dma_start3A_274 = arith.constant 0 : i32
      %dma_start3A_275 = tpu.memref_slice %arg25[%dma_start3A_273, %dma_start3A_274] : memref<2048x64xf32, #tpu.memory_space<vmem_shared>> -> memref<2048x64xf32, #tpu.memory_space<vmem_shared>>
      tpu.enqueue_indirect_dma source(%arg19 : memref<128x64xf32, #tpu.memory_space<vmem>>) target(%dma_start3A_275 : memref<2048x64xf32, #tpu.memory_space<vmem_shared>>) offsets(%arg15 : memref<128xi32, #tpu.memory_space<vmem>>) semaphore(%run_scoped3A_272 : memref<!tpu.dma_semaphore, #tpu.memory_space<semaphore_mem>>) {add = true}
      %dma_wait3A_276 = arith.constant 0 : i32
      %dma_wait3A_277 = arith.constant 0 : i32
      %dma_wait3A_278 = tpu.memref_slice %arg25[%dma_wait3A_276, %dma_wait3A_277] : memref<2048x64xf32, #tpu.memory_space<vmem_shared>> -> memref<2048x64xf32, #tpu.memory_space<vmem_shared>>
      tpu.wait_indirect_dma semaphore(%run_scoped3A_272 : memref<!tpu.dma_semaphore, #tpu.memory_space<semaphore_mem>>) src(%arg19 : memref<128x64xf32, #tpu.memory_space<vmem>>) dst(%dma_wait3A_278 : memref<2048x64xf32, #tpu.memory_space<vmem_shared>>)
      tpu.yield
    }) : () -> ()
    %dma_wait3A_197 = arith.constant 6 : i32
    %dma_wait3A_198 = arith.constant 6 : i32
    %dma_wait3A_199 = arith.constant 0 : i32
    %dma_wait3A_200 = tpu.memref_slice %arg3[%add3A, %dma_wait3A_197, %dma_wait3A_199] : memref<32x8x128xi32, #tpu.memory_space<hbm>> -> memref<1x1x128xi32, #tpu.memory_space<hbm>>
    %dma_wait3A_201 = tpu.memref_squeeze %dma_wait3A_200 : memref<1x1x128xi32, #tpu.memory_space<hbm>> -> memref<128xi32, #tpu.memory_space<hbm>>
    %dma_wait3A_202 = tpu.memref_slice %arg24[%dma_wait3A_198] : memref<8x!tpu.dma_semaphore, #tpu.memory_space<semaphore_mem>> -> memref<1x!tpu.dma_semaphore, #tpu.memory_space<semaphore_mem>>
    %dma_wait3A_203 = tpu.memref_squeeze %dma_wait3A_202 : memref<1x!tpu.dma_semaphore, #tpu.memory_space<semaphore_mem>> -> memref<!tpu.dma_semaphore, #tpu.memory_space<semaphore_mem>>
    %dma_wait3A_204 = arith.constant 0 : i32
    %dma_wait3A_205 = tpu.memref_slice %arg3[%add3A, %dma_wait3A_197, %dma_wait3A_204] : memref<32x8x128xi32, #tpu.memory_space<hbm>> -> memref<1x1x128xi32, #tpu.memory_space<hbm>>
    %dma_wait3A_206 = tpu.memref_squeeze %dma_wait3A_205 : memref<1x1x128xi32, #tpu.memory_space<hbm>> -> memref<128xi32, #tpu.memory_space<hbm>>
    tpu.wait_dma2 semaphore(%dma_wait3A_203 : memref<!tpu.dma_semaphore, #tpu.memory_space<semaphore_mem>>) src(%dma_wait3A_206 : memref<128xi32, #tpu.memory_space<hbm>>) dst(%arg13 : memref<128xi32, #tpu.memory_space<vmem>>)
    %dma_start3A_207 = arith.constant 2 : i32
    %dma_start3A_208 = arith.constant 0 : i32
    %dma_start3A_209 = arith.constant 0 : i32
    %dma_start3A_210 = tpu.memref_slice %arg2[%dma_start3A_208, %dma_start3A_209] : memref<2048x64xf32, #tpu.memory_space<hbm>> -> memref<2048x64xf32, #tpu.memory_space<hbm>>
    %dma_start3A_211 = tpu.memref_slice %arg21[%dma_start3A_207] : memref<4x!tpu.dma_semaphore, #tpu.memory_space<semaphore_mem>> -> memref<1x!tpu.dma_semaphore, #tpu.memory_space<semaphore_mem>>
    %dma_start3A_212 = tpu.memref_squeeze %dma_start3A_211 : memref<1x!tpu.dma_semaphore, #tpu.memory_space<semaphore_mem>> -> memref<!tpu.dma_semaphore, #tpu.memory_space<semaphore_mem>>
    tpu.enqueue_indirect_dma source(%dma_start3A_210 : memref<2048x64xf32, #tpu.memory_space<hbm>>) target(%arg19 : memref<128x64xf32, #tpu.memory_space<vmem>>) offsets(%arg13 : memref<128xi32, #tpu.memory_space<vmem>>) semaphore(%dma_start3A_212 : memref<!tpu.dma_semaphore, #tpu.memory_space<semaphore_mem>>)
    %dma_wait3A_213 = arith.constant 3 : i32
    %dma_wait3A_214 = arith.constant 0 : i32
    %dma_wait3A_215 = arith.constant 0 : i32
    %dma_wait3A_216 = tpu.memref_slice %arg2[%dma_wait3A_214, %dma_wait3A_215] : memref<2048x64xf32, #tpu.memory_space<hbm>> -> memref<2048x64xf32, #tpu.memory_space<hbm>>
    %dma_wait3A_217 = tpu.memref_slice %arg21[%dma_wait3A_213] : memref<4x!tpu.dma_semaphore, #tpu.memory_space<semaphore_mem>> -> memref<1x!tpu.dma_semaphore, #tpu.memory_space<semaphore_mem>>
    %dma_wait3A_218 = tpu.memref_squeeze %dma_wait3A_217 : memref<1x!tpu.dma_semaphore, #tpu.memory_space<semaphore_mem>> -> memref<!tpu.dma_semaphore, #tpu.memory_space<semaphore_mem>>
    tpu.wait_indirect_dma semaphore(%dma_wait3A_218 : memref<!tpu.dma_semaphore, #tpu.memory_space<semaphore_mem>>) src(%dma_wait3A_216 : memref<2048x64xf32, #tpu.memory_space<hbm>>) dst(%arg20 : memref<128x64xf32, #tpu.memory_space<vmem>>)
    %run_scoped3A_219 = arith.constant 3 : i32
    "tpu.region"() ({
      %run_scoped3A_272 = tpu.sem_alloc : memref<!tpu.dma_semaphore, #tpu.memory_space<semaphore_mem>>
      %dma_start3A_273 = arith.constant 0 : i32
      %dma_start3A_274 = tpu.memref_slice %arg4[%add3A, %run_scoped3A_219, %dma_start3A_273] : memref<32x8x128xi32, #tpu.memory_space<hbm>> -> memref<1x1x128xi32, #tpu.memory_space<hbm>>
      %dma_start3A_275 = tpu.memref_squeeze %dma_start3A_274 : memref<1x1x128xi32, #tpu.memory_space<hbm>> -> memref<128xi32, #tpu.memory_space<hbm>>
      %dma_start3A_276 = arith.constant 0 : i32
      %dma_start3A_277 = tpu.memref_slice %arg4[%add3A, %run_scoped3A_219, %dma_start3A_276] : memref<32x8x128xi32, #tpu.memory_space<hbm>> -> memref<1x1x128xi32, #tpu.memory_space<hbm>>
      %dma_start3A_278 = tpu.memref_squeeze %dma_start3A_277 : memref<1x1x128xi32, #tpu.memory_space<hbm>> -> memref<128xi32, #tpu.memory_space<hbm>>
      tpu.enqueue_dma source(%dma_start3A_278 : memref<128xi32, #tpu.memory_space<hbm>>) target(%arg16 : memref<128xi32, #tpu.memory_space<vmem>>) target_semaphore(%run_scoped3A_272 : memref<!tpu.dma_semaphore, #tpu.memory_space<semaphore_mem>>)
      %dma_wait3A_279 = arith.constant 0 : i32
      %dma_wait3A_280 = tpu.memref_slice %arg4[%add3A, %run_scoped3A_219, %dma_wait3A_279] : memref<32x8x128xi32, #tpu.memory_space<hbm>> -> memref<1x1x128xi32, #tpu.memory_space<hbm>>
      %dma_wait3A_281 = tpu.memref_squeeze %dma_wait3A_280 : memref<1x1x128xi32, #tpu.memory_space<hbm>> -> memref<128xi32, #tpu.memory_space<hbm>>
      %dma_wait3A_282 = arith.constant 0 : i32
      %dma_wait3A_283 = tpu.memref_slice %arg4[%add3A, %run_scoped3A_219, %dma_wait3A_282] : memref<32x8x128xi32, #tpu.memory_space<hbm>> -> memref<1x1x128xi32, #tpu.memory_space<hbm>>
      %dma_wait3A_284 = tpu.memref_squeeze %dma_wait3A_283 : memref<1x1x128xi32, #tpu.memory_space<hbm>> -> memref<128xi32, #tpu.memory_space<hbm>>
      tpu.wait_dma2 semaphore(%run_scoped3A_272 : memref<!tpu.dma_semaphore, #tpu.memory_space<semaphore_mem>>) src(%dma_wait3A_284 : memref<128xi32, #tpu.memory_space<hbm>>) dst(%arg16 : memref<128xi32, #tpu.memory_space<vmem>>)
      tpu.yield
    }) : () -> ()
    "tpu.region"() ({
      %run_scoped3A_272 = tpu.sem_alloc : memref<!tpu.dma_semaphore, #tpu.memory_space<semaphore_mem>>
      %dma_start3A_273 = arith.constant 0 : i32
      %dma_start3A_274 = arith.constant 0 : i32
      %dma_start3A_275 = tpu.memref_slice %arg25[%dma_start3A_273, %dma_start3A_274] : memref<2048x64xf32, #tpu.memory_space<vmem_shared>> -> memref<2048x64xf32, #tpu.memory_space<vmem_shared>>
      tpu.enqueue_indirect_dma source(%arg20 : memref<128x64xf32, #tpu.memory_space<vmem>>) target(%dma_start3A_275 : memref<2048x64xf32, #tpu.memory_space<vmem_shared>>) offsets(%arg16 : memref<128xi32, #tpu.memory_space<vmem>>) semaphore(%run_scoped3A_272 : memref<!tpu.dma_semaphore, #tpu.memory_space<semaphore_mem>>) {add = true}
      %dma_wait3A_276 = arith.constant 0 : i32
      %dma_wait3A_277 = arith.constant 0 : i32
      %dma_wait3A_278 = tpu.memref_slice %arg25[%dma_wait3A_276, %dma_wait3A_277] : memref<2048x64xf32, #tpu.memory_space<vmem_shared>> -> memref<2048x64xf32, #tpu.memory_space<vmem_shared>>
      tpu.wait_indirect_dma semaphore(%run_scoped3A_272 : memref<!tpu.dma_semaphore, #tpu.memory_space<semaphore_mem>>) src(%arg20 : memref<128x64xf32, #tpu.memory_space<vmem>>) dst(%dma_wait3A_278 : memref<2048x64xf32, #tpu.memory_space<vmem_shared>>)
      tpu.yield
    }) : () -> ()
    %dma_wait3A_220 = arith.constant 7 : i32
    %dma_wait3A_221 = arith.constant 7 : i32
    %dma_wait3A_222 = arith.constant 0 : i32
    %dma_wait3A_223 = tpu.memref_slice %arg3[%add3A, %dma_wait3A_220, %dma_wait3A_222] : memref<32x8x128xi32, #tpu.memory_space<hbm>> -> memref<1x1x128xi32, #tpu.memory_space<hbm>>
    %dma_wait3A_224 = tpu.memref_squeeze %dma_wait3A_223 : memref<1x1x128xi32, #tpu.memory_space<hbm>> -> memref<128xi32, #tpu.memory_space<hbm>>
    %dma_wait3A_225 = tpu.memref_slice %arg24[%dma_wait3A_221] : memref<8x!tpu.dma_semaphore, #tpu.memory_space<semaphore_mem>> -> memref<1x!tpu.dma_semaphore, #tpu.memory_space<semaphore_mem>>
    %dma_wait3A_226 = tpu.memref_squeeze %dma_wait3A_225 : memref<1x!tpu.dma_semaphore, #tpu.memory_space<semaphore_mem>> -> memref<!tpu.dma_semaphore, #tpu.memory_space<semaphore_mem>>
    %dma_wait3A_227 = arith.constant 0 : i32
    %dma_wait3A_228 = tpu.memref_slice %arg3[%add3A, %dma_wait3A_220, %dma_wait3A_227] : memref<32x8x128xi32, #tpu.memory_space<hbm>> -> memref<1x1x128xi32, #tpu.memory_space<hbm>>
    %dma_wait3A_229 = tpu.memref_squeeze %dma_wait3A_228 : memref<1x1x128xi32, #tpu.memory_space<hbm>> -> memref<128xi32, #tpu.memory_space<hbm>>
    tpu.wait_dma2 semaphore(%dma_wait3A_226 : memref<!tpu.dma_semaphore, #tpu.memory_space<semaphore_mem>>) src(%dma_wait3A_229 : memref<128xi32, #tpu.memory_space<hbm>>) dst(%arg14 : memref<128xi32, #tpu.memory_space<vmem>>)
    %dma_start3A_230 = arith.constant 3 : i32
    %dma_start3A_231 = arith.constant 0 : i32
    %dma_start3A_232 = arith.constant 0 : i32
    %dma_start3A_233 = tpu.memref_slice %arg2[%dma_start3A_231, %dma_start3A_232] : memref<2048x64xf32, #tpu.memory_space<hbm>> -> memref<2048x64xf32, #tpu.memory_space<hbm>>
    %dma_start3A_234 = tpu.memref_slice %arg21[%dma_start3A_230] : memref<4x!tpu.dma_semaphore, #tpu.memory_space<semaphore_mem>> -> memref<1x!tpu.dma_semaphore, #tpu.memory_space<semaphore_mem>>
    %dma_start3A_235 = tpu.memref_squeeze %dma_start3A_234 : memref<1x!tpu.dma_semaphore, #tpu.memory_space<semaphore_mem>> -> memref<!tpu.dma_semaphore, #tpu.memory_space<semaphore_mem>>
    tpu.enqueue_indirect_dma source(%dma_start3A_233 : memref<2048x64xf32, #tpu.memory_space<hbm>>) target(%arg20 : memref<128x64xf32, #tpu.memory_space<vmem>>) offsets(%arg14 : memref<128xi32, #tpu.memory_space<vmem>>) semaphore(%dma_start3A_235 : memref<!tpu.dma_semaphore, #tpu.memory_space<semaphore_mem>>)
    %dma_wait3A_236 = arith.constant 0 : i32
    %dma_wait3A_237 = arith.constant 0 : i32
    %dma_wait3A_238 = arith.constant 0 : i32
    %dma_wait3A_239 = tpu.memref_slice %arg2[%dma_wait3A_237, %dma_wait3A_238] : memref<2048x64xf32, #tpu.memory_space<hbm>> -> memref<2048x64xf32, #tpu.memory_space<hbm>>
    %dma_wait3A_240 = tpu.memref_slice %arg21[%dma_wait3A_236] : memref<4x!tpu.dma_semaphore, #tpu.memory_space<semaphore_mem>> -> memref<1x!tpu.dma_semaphore, #tpu.memory_space<semaphore_mem>>
    %dma_wait3A_241 = tpu.memref_squeeze %dma_wait3A_240 : memref<1x!tpu.dma_semaphore, #tpu.memory_space<semaphore_mem>> -> memref<!tpu.dma_semaphore, #tpu.memory_space<semaphore_mem>>
    tpu.wait_indirect_dma semaphore(%dma_wait3A_241 : memref<!tpu.dma_semaphore, #tpu.memory_space<semaphore_mem>>) src(%dma_wait3A_239 : memref<2048x64xf32, #tpu.memory_space<hbm>>) dst(%arg17 : memref<128x64xf32, #tpu.memory_space<vmem>>)
    %run_scoped3A_242 = arith.constant 4 : i32
    "tpu.region"() ({
      %run_scoped3A_272 = tpu.sem_alloc : memref<!tpu.dma_semaphore, #tpu.memory_space<semaphore_mem>>
      %dma_start3A_273 = arith.constant 0 : i32
      %dma_start3A_274 = tpu.memref_slice %arg4[%add3A, %run_scoped3A_242, %dma_start3A_273] : memref<32x8x128xi32, #tpu.memory_space<hbm>> -> memref<1x1x128xi32, #tpu.memory_space<hbm>>
      %dma_start3A_275 = tpu.memref_squeeze %dma_start3A_274 : memref<1x1x128xi32, #tpu.memory_space<hbm>> -> memref<128xi32, #tpu.memory_space<hbm>>
      %dma_start3A_276 = arith.constant 0 : i32
      %dma_start3A_277 = tpu.memref_slice %arg4[%add3A, %run_scoped3A_242, %dma_start3A_276] : memref<32x8x128xi32, #tpu.memory_space<hbm>> -> memref<1x1x128xi32, #tpu.memory_space<hbm>>
      %dma_start3A_278 = tpu.memref_squeeze %dma_start3A_277 : memref<1x1x128xi32, #tpu.memory_space<hbm>> -> memref<128xi32, #tpu.memory_space<hbm>>
      tpu.enqueue_dma source(%dma_start3A_278 : memref<128xi32, #tpu.memory_space<hbm>>) target(%arg15 : memref<128xi32, #tpu.memory_space<vmem>>) target_semaphore(%run_scoped3A_272 : memref<!tpu.dma_semaphore, #tpu.memory_space<semaphore_mem>>)
      %dma_wait3A_279 = arith.constant 0 : i32
      %dma_wait3A_280 = tpu.memref_slice %arg4[%add3A, %run_scoped3A_242, %dma_wait3A_279] : memref<32x8x128xi32, #tpu.memory_space<hbm>> -> memref<1x1x128xi32, #tpu.memory_space<hbm>>
      %dma_wait3A_281 = tpu.memref_squeeze %dma_wait3A_280 : memref<1x1x128xi32, #tpu.memory_space<hbm>> -> memref<128xi32, #tpu.memory_space<hbm>>
      %dma_wait3A_282 = arith.constant 0 : i32
      %dma_wait3A_283 = tpu.memref_slice %arg4[%add3A, %run_scoped3A_242, %dma_wait3A_282] : memref<32x8x128xi32, #tpu.memory_space<hbm>> -> memref<1x1x128xi32, #tpu.memory_space<hbm>>
      %dma_wait3A_284 = tpu.memref_squeeze %dma_wait3A_283 : memref<1x1x128xi32, #tpu.memory_space<hbm>> -> memref<128xi32, #tpu.memory_space<hbm>>
      tpu.wait_dma2 semaphore(%run_scoped3A_272 : memref<!tpu.dma_semaphore, #tpu.memory_space<semaphore_mem>>) src(%dma_wait3A_284 : memref<128xi32, #tpu.memory_space<hbm>>) dst(%arg15 : memref<128xi32, #tpu.memory_space<vmem>>)
      tpu.yield
    }) : () -> ()
    "tpu.region"() ({
      %run_scoped3A_272 = tpu.sem_alloc : memref<!tpu.dma_semaphore, #tpu.memory_space<semaphore_mem>>
      %dma_start3A_273 = arith.constant 0 : i32
      %dma_start3A_274 = arith.constant 0 : i32
      %dma_start3A_275 = tpu.memref_slice %arg25[%dma_start3A_273, %dma_start3A_274] : memref<2048x64xf32, #tpu.memory_space<vmem_shared>> -> memref<2048x64xf32, #tpu.memory_space<vmem_shared>>
      tpu.enqueue_indirect_dma source(%arg17 : memref<128x64xf32, #tpu.memory_space<vmem>>) target(%dma_start3A_275 : memref<2048x64xf32, #tpu.memory_space<vmem_shared>>) offsets(%arg15 : memref<128xi32, #tpu.memory_space<vmem>>) semaphore(%run_scoped3A_272 : memref<!tpu.dma_semaphore, #tpu.memory_space<semaphore_mem>>) {add = true}
      %dma_wait3A_276 = arith.constant 0 : i32
      %dma_wait3A_277 = arith.constant 0 : i32
      %dma_wait3A_278 = tpu.memref_slice %arg25[%dma_wait3A_276, %dma_wait3A_277] : memref<2048x64xf32, #tpu.memory_space<vmem_shared>> -> memref<2048x64xf32, #tpu.memory_space<vmem_shared>>
      tpu.wait_indirect_dma semaphore(%run_scoped3A_272 : memref<!tpu.dma_semaphore, #tpu.memory_space<semaphore_mem>>) src(%arg17 : memref<128x64xf32, #tpu.memory_space<vmem>>) dst(%dma_wait3A_278 : memref<2048x64xf32, #tpu.memory_space<vmem_shared>>)
      tpu.yield
    }) : () -> ()
    %dma_wait3A_243 = arith.constant 1 : i32
    %dma_wait3A_244 = arith.constant 0 : i32
    %dma_wait3A_245 = arith.constant 0 : i32
    %dma_wait3A_246 = tpu.memref_slice %arg2[%dma_wait3A_244, %dma_wait3A_245] : memref<2048x64xf32, #tpu.memory_space<hbm>> -> memref<2048x64xf32, #tpu.memory_space<hbm>>
    %dma_wait3A_247 = tpu.memref_slice %arg21[%dma_wait3A_243] : memref<4x!tpu.dma_semaphore, #tpu.memory_space<semaphore_mem>> -> memref<1x!tpu.dma_semaphore, #tpu.memory_space<semaphore_mem>>
    %dma_wait3A_248 = tpu.memref_squeeze %dma_wait3A_247 : memref<1x!tpu.dma_semaphore, #tpu.memory_space<semaphore_mem>> -> memref<!tpu.dma_semaphore, #tpu.memory_space<semaphore_mem>>
    tpu.wait_indirect_dma semaphore(%dma_wait3A_248 : memref<!tpu.dma_semaphore, #tpu.memory_space<semaphore_mem>>) src(%dma_wait3A_246 : memref<2048x64xf32, #tpu.memory_space<hbm>>) dst(%arg18 : memref<128x64xf32, #tpu.memory_space<vmem>>)
    %run_scoped3A_249 = arith.constant 5 : i32
    "tpu.region"() ({
      %run_scoped3A_272 = tpu.sem_alloc : memref<!tpu.dma_semaphore, #tpu.memory_space<semaphore_mem>>
      %dma_start3A_273 = arith.constant 0 : i32
      %dma_start3A_274 = tpu.memref_slice %arg4[%add3A, %run_scoped3A_249, %dma_start3A_273] : memref<32x8x128xi32, #tpu.memory_space<hbm>> -> memref<1x1x128xi32, #tpu.memory_space<hbm>>
      %dma_start3A_275 = tpu.memref_squeeze %dma_start3A_274 : memref<1x1x128xi32, #tpu.memory_space<hbm>> -> memref<128xi32, #tpu.memory_space<hbm>>
      %dma_start3A_276 = arith.constant 0 : i32
      %dma_start3A_277 = tpu.memref_slice %arg4[%add3A, %run_scoped3A_249, %dma_start3A_276] : memref<32x8x128xi32, #tpu.memory_space<hbm>> -> memref<1x1x128xi32, #tpu.memory_space<hbm>>
      %dma_start3A_278 = tpu.memref_squeeze %dma_start3A_277 : memref<1x1x128xi32, #tpu.memory_space<hbm>> -> memref<128xi32, #tpu.memory_space<hbm>>
      tpu.enqueue_dma source(%dma_start3A_278 : memref<128xi32, #tpu.memory_space<hbm>>) target(%arg16 : memref<128xi32, #tpu.memory_space<vmem>>) target_semaphore(%run_scoped3A_272 : memref<!tpu.dma_semaphore, #tpu.memory_space<semaphore_mem>>)
      %dma_wait3A_279 = arith.constant 0 : i32
      %dma_wait3A_280 = tpu.memref_slice %arg4[%add3A, %run_scoped3A_249, %dma_wait3A_279] : memref<32x8x128xi32, #tpu.memory_space<hbm>> -> memref<1x1x128xi32, #tpu.memory_space<hbm>>
      %dma_wait3A_281 = tpu.memref_squeeze %dma_wait3A_280 : memref<1x1x128xi32, #tpu.memory_space<hbm>> -> memref<128xi32, #tpu.memory_space<hbm>>
      %dma_wait3A_282 = arith.constant 0 : i32
      %dma_wait3A_283 = tpu.memref_slice %arg4[%add3A, %run_scoped3A_249, %dma_wait3A_282] : memref<32x8x128xi32, #tpu.memory_space<hbm>> -> memref<1x1x128xi32, #tpu.memory_space<hbm>>
      %dma_wait3A_284 = tpu.memref_squeeze %dma_wait3A_283 : memref<1x1x128xi32, #tpu.memory_space<hbm>> -> memref<128xi32, #tpu.memory_space<hbm>>
      tpu.wait_dma2 semaphore(%run_scoped3A_272 : memref<!tpu.dma_semaphore, #tpu.memory_space<semaphore_mem>>) src(%dma_wait3A_284 : memref<128xi32, #tpu.memory_space<hbm>>) dst(%arg16 : memref<128xi32, #tpu.memory_space<vmem>>)
      tpu.yield
    }) : () -> ()
    "tpu.region"() ({
      %run_scoped3A_272 = tpu.sem_alloc : memref<!tpu.dma_semaphore, #tpu.memory_space<semaphore_mem>>
      %dma_start3A_273 = arith.constant 0 : i32
      %dma_start3A_274 = arith.constant 0 : i32
      %dma_start3A_275 = tpu.memref_slice %arg25[%dma_start3A_273, %dma_start3A_274] : memref<2048x64xf32, #tpu.memory_space<vmem_shared>> -> memref<2048x64xf32, #tpu.memory_space<vmem_shared>>
      tpu.enqueue_indirect_dma source(%arg18 : memref<128x64xf32, #tpu.memory_space<vmem>>) target(%dma_start3A_275 : memref<2048x64xf32, #tpu.memory_space<vmem_shared>>) offsets(%arg16 : memref<128xi32, #tpu.memory_space<vmem>>) semaphore(%run_scoped3A_272 : memref<!tpu.dma_semaphore, #tpu.memory_space<semaphore_mem>>) {add = true}
      %dma_wait3A_276 = arith.constant 0 : i32
      %dma_wait3A_277 = arith.constant 0 : i32
      %dma_wait3A_278 = tpu.memref_slice %arg25[%dma_wait3A_276, %dma_wait3A_277] : memref<2048x64xf32, #tpu.memory_space<vmem_shared>> -> memref<2048x64xf32, #tpu.memory_space<vmem_shared>>
      tpu.wait_indirect_dma semaphore(%run_scoped3A_272 : memref<!tpu.dma_semaphore, #tpu.memory_space<semaphore_mem>>) src(%arg18 : memref<128x64xf32, #tpu.memory_space<vmem>>) dst(%dma_wait3A_278 : memref<2048x64xf32, #tpu.memory_space<vmem_shared>>)
      tpu.yield
    }) : () -> ()
    %dma_wait3A_250 = arith.constant 2 : i32
    %dma_wait3A_251 = arith.constant 0 : i32
    %dma_wait3A_252 = arith.constant 0 : i32
    %dma_wait3A_253 = tpu.memref_slice %arg2[%dma_wait3A_251, %dma_wait3A_252] : memref<2048x64xf32, #tpu.memory_space<hbm>> -> memref<2048x64xf32, #tpu.memory_space<hbm>>
    %dma_wait3A_254 = tpu.memref_slice %arg21[%dma_wait3A_250] : memref<4x!tpu.dma_semaphore, #tpu.memory_space<semaphore_mem>> -> memref<1x!tpu.dma_semaphore, #tpu.memory_space<semaphore_mem>>
    %dma_wait3A_255 = tpu.memref_squeeze %dma_wait3A_254 : memref<1x!tpu.dma_semaphore, #tpu.memory_space<semaphore_mem>> -> memref<!tpu.dma_semaphore, #tpu.memory_space<semaphore_mem>>
    tpu.wait_indirect_dma semaphore(%dma_wait3A_255 : memref<!tpu.dma_semaphore, #tpu.memory_space<semaphore_mem>>) src(%dma_wait3A_253 : memref<2048x64xf32, #tpu.memory_space<hbm>>) dst(%arg19 : memref<128x64xf32, #tpu.memory_space<vmem>>)
    %run_scoped3A_256 = arith.constant 6 : i32
    "tpu.region"() ({
      %run_scoped3A_272 = tpu.sem_alloc : memref<!tpu.dma_semaphore, #tpu.memory_space<semaphore_mem>>
      %dma_start3A_273 = arith.constant 0 : i32
      %dma_start3A_274 = tpu.memref_slice %arg4[%add3A, %run_scoped3A_256, %dma_start3A_273] : memref<32x8x128xi32, #tpu.memory_space<hbm>> -> memref<1x1x128xi32, #tpu.memory_space<hbm>>
      %dma_start3A_275 = tpu.memref_squeeze %dma_start3A_274 : memref<1x1x128xi32, #tpu.memory_space<hbm>> -> memref<128xi32, #tpu.memory_space<hbm>>
      %dma_start3A_276 = arith.constant 0 : i32
      %dma_start3A_277 = tpu.memref_slice %arg4[%add3A, %run_scoped3A_256, %dma_start3A_276] : memref<32x8x128xi32, #tpu.memory_space<hbm>> -> memref<1x1x128xi32, #tpu.memory_space<hbm>>
      %dma_start3A_278 = tpu.memref_squeeze %dma_start3A_277 : memref<1x1x128xi32, #tpu.memory_space<hbm>> -> memref<128xi32, #tpu.memory_space<hbm>>
      tpu.enqueue_dma source(%dma_start3A_278 : memref<128xi32, #tpu.memory_space<hbm>>) target(%arg15 : memref<128xi32, #tpu.memory_space<vmem>>) target_semaphore(%run_scoped3A_272 : memref<!tpu.dma_semaphore, #tpu.memory_space<semaphore_mem>>)
      %dma_wait3A_279 = arith.constant 0 : i32
      %dma_wait3A_280 = tpu.memref_slice %arg4[%add3A, %run_scoped3A_256, %dma_wait3A_279] : memref<32x8x128xi32, #tpu.memory_space<hbm>> -> memref<1x1x128xi32, #tpu.memory_space<hbm>>
      %dma_wait3A_281 = tpu.memref_squeeze %dma_wait3A_280 : memref<1x1x128xi32, #tpu.memory_space<hbm>> -> memref<128xi32, #tpu.memory_space<hbm>>
      %dma_wait3A_282 = arith.constant 0 : i32
      %dma_wait3A_283 = tpu.memref_slice %arg4[%add3A, %run_scoped3A_256, %dma_wait3A_282] : memref<32x8x128xi32, #tpu.memory_space<hbm>> -> memref<1x1x128xi32, #tpu.memory_space<hbm>>
      %dma_wait3A_284 = tpu.memref_squeeze %dma_wait3A_283 : memref<1x1x128xi32, #tpu.memory_space<hbm>> -> memref<128xi32, #tpu.memory_space<hbm>>
      tpu.wait_dma2 semaphore(%run_scoped3A_272 : memref<!tpu.dma_semaphore, #tpu.memory_space<semaphore_mem>>) src(%dma_wait3A_284 : memref<128xi32, #tpu.memory_space<hbm>>) dst(%arg15 : memref<128xi32, #tpu.memory_space<vmem>>)
      tpu.yield
    }) : () -> ()
    "tpu.region"() ({
      %run_scoped3A_272 = tpu.sem_alloc : memref<!tpu.dma_semaphore, #tpu.memory_space<semaphore_mem>>
      %dma_start3A_273 = arith.constant 0 : i32
      %dma_start3A_274 = arith.constant 0 : i32
      %dma_start3A_275 = tpu.memref_slice %arg25[%dma_start3A_273, %dma_start3A_274] : memref<2048x64xf32, #tpu.memory_space<vmem_shared>> -> memref<2048x64xf32, #tpu.memory_space<vmem_shared>>
      tpu.enqueue_indirect_dma source(%arg19 : memref<128x64xf32, #tpu.memory_space<vmem>>) target(%dma_start3A_275 : memref<2048x64xf32, #tpu.memory_space<vmem_shared>>) offsets(%arg15 : memref<128xi32, #tpu.memory_space<vmem>>) semaphore(%run_scoped3A_272 : memref<!tpu.dma_semaphore, #tpu.memory_space<semaphore_mem>>) {add = true}
      %dma_wait3A_276 = arith.constant 0 : i32
      %dma_wait3A_277 = arith.constant 0 : i32
      %dma_wait3A_278 = tpu.memref_slice %arg25[%dma_wait3A_276, %dma_wait3A_277] : memref<2048x64xf32, #tpu.memory_space<vmem_shared>> -> memref<2048x64xf32, #tpu.memory_space<vmem_shared>>
      tpu.wait_indirect_dma semaphore(%run_scoped3A_272 : memref<!tpu.dma_semaphore, #tpu.memory_space<semaphore_mem>>) src(%arg19 : memref<128x64xf32, #tpu.memory_space<vmem>>) dst(%dma_wait3A_278 : memref<2048x64xf32, #tpu.memory_space<vmem_shared>>)
      tpu.yield
    }) : () -> ()
    %dma_wait3A_257 = arith.constant 3 : i32
    %dma_wait3A_258 = arith.constant 0 : i32
    %dma_wait3A_259 = arith.constant 0 : i32
    %dma_wait3A_260 = tpu.memref_slice %arg2[%dma_wait3A_258, %dma_wait3A_259] : memref<2048x64xf32, #tpu.memory_space<hbm>> -> memref<2048x64xf32, #tpu.memory_space<hbm>>
    %dma_wait3A_261 = tpu.memref_slice %arg21[%dma_wait3A_257] : memref<4x!tpu.dma_semaphore, #tpu.memory_space<semaphore_mem>> -> memref<1x!tpu.dma_semaphore, #tpu.memory_space<semaphore_mem>>
    %dma_wait3A_262 = tpu.memref_squeeze %dma_wait3A_261 : memref<1x!tpu.dma_semaphore, #tpu.memory_space<semaphore_mem>> -> memref<!tpu.dma_semaphore, #tpu.memory_space<semaphore_mem>>
    tpu.wait_indirect_dma semaphore(%dma_wait3A_262 : memref<!tpu.dma_semaphore, #tpu.memory_space<semaphore_mem>>) src(%dma_wait3A_260 : memref<2048x64xf32, #tpu.memory_space<hbm>>) dst(%arg20 : memref<128x64xf32, #tpu.memory_space<vmem>>)
    %run_scoped3A_263 = arith.constant 7 : i32
    "tpu.region"() ({
      %run_scoped3A_272 = tpu.sem_alloc : memref<!tpu.dma_semaphore, #tpu.memory_space<semaphore_mem>>
      %dma_start3A_273 = arith.constant 0 : i32
      %dma_start3A_274 = tpu.memref_slice %arg4[%add3A, %run_scoped3A_263, %dma_start3A_273] : memref<32x8x128xi32, #tpu.memory_space<hbm>> -> memref<1x1x128xi32, #tpu.memory_space<hbm>>
      %dma_start3A_275 = tpu.memref_squeeze %dma_start3A_274 : memref<1x1x128xi32, #tpu.memory_space<hbm>> -> memref<128xi32, #tpu.memory_space<hbm>>
      %dma_start3A_276 = arith.constant 0 : i32
      %dma_start3A_277 = tpu.memref_slice %arg4[%add3A, %run_scoped3A_263, %dma_start3A_276] : memref<32x8x128xi32, #tpu.memory_space<hbm>> -> memref<1x1x128xi32, #tpu.memory_space<hbm>>
      %dma_start3A_278 = tpu.memref_squeeze %dma_start3A_277 : memref<1x1x128xi32, #tpu.memory_space<hbm>> -> memref<128xi32, #tpu.memory_space<hbm>>
      tpu.enqueue_dma source(%dma_start3A_278 : memref<128xi32, #tpu.memory_space<hbm>>) target(%arg16 : memref<128xi32, #tpu.memory_space<vmem>>) target_semaphore(%run_scoped3A_272 : memref<!tpu.dma_semaphore, #tpu.memory_space<semaphore_mem>>)
      %dma_wait3A_279 = arith.constant 0 : i32
      %dma_wait3A_280 = tpu.memref_slice %arg4[%add3A, %run_scoped3A_263, %dma_wait3A_279] : memref<32x8x128xi32, #tpu.memory_space<hbm>> -> memref<1x1x128xi32, #tpu.memory_space<hbm>>
      %dma_wait3A_281 = tpu.memref_squeeze %dma_wait3A_280 : memref<1x1x128xi32, #tpu.memory_space<hbm>> -> memref<128xi32, #tpu.memory_space<hbm>>
      %dma_wait3A_282 = arith.constant 0 : i32
      %dma_wait3A_283 = tpu.memref_slice %arg4[%add3A, %run_scoped3A_263, %dma_wait3A_282] : memref<32x8x128xi32, #tpu.memory_space<hbm>> -> memref<1x1x128xi32, #tpu.memory_space<hbm>>
      %dma_wait3A_284 = tpu.memref_squeeze %dma_wait3A_283 : memref<1x1x128xi32, #tpu.memory_space<hbm>> -> memref<128xi32, #tpu.memory_space<hbm>>
      tpu.wait_dma2 semaphore(%run_scoped3A_272 : memref<!tpu.dma_semaphore, #tpu.memory_space<semaphore_mem>>) src(%dma_wait3A_284 : memref<128xi32, #tpu.memory_space<hbm>>) dst(%arg16 : memref<128xi32, #tpu.memory_space<vmem>>)
      tpu.yield
    }) : () -> ()
    "tpu.region"() ({
      %run_scoped3A_272 = tpu.sem_alloc : memref<!tpu.dma_semaphore, #tpu.memory_space<semaphore_mem>>
      %dma_start3A_273 = arith.constant 0 : i32
      %dma_start3A_274 = arith.constant 0 : i32
      %dma_start3A_275 = tpu.memref_slice %arg25[%dma_start3A_273, %dma_start3A_274] : memref<2048x64xf32, #tpu.memory_space<vmem_shared>> -> memref<2048x64xf32, #tpu.memory_space<vmem_shared>>
      tpu.enqueue_indirect_dma source(%arg20 : memref<128x64xf32, #tpu.memory_space<vmem>>) target(%dma_start3A_275 : memref<2048x64xf32, #tpu.memory_space<vmem_shared>>) offsets(%arg16 : memref<128xi32, #tpu.memory_space<vmem>>) semaphore(%run_scoped3A_272 : memref<!tpu.dma_semaphore, #tpu.memory_space<semaphore_mem>>) {add = true}
      %dma_wait3A_276 = arith.constant 0 : i32
      %dma_wait3A_277 = arith.constant 0 : i32
      %dma_wait3A_278 = tpu.memref_slice %arg25[%dma_wait3A_276, %dma_wait3A_277] : memref<2048x64xf32, #tpu.memory_space<vmem_shared>> -> memref<2048x64xf32, #tpu.memory_space<vmem_shared>>
      tpu.wait_indirect_dma semaphore(%run_scoped3A_272 : memref<!tpu.dma_semaphore, #tpu.memory_space<semaphore_mem>>) src(%arg20 : memref<128x64xf32, #tpu.memory_space<vmem>>) dst(%dma_wait3A_278 : memref<2048x64xf32, #tpu.memory_space<vmem_shared>>)
      tpu.yield
    }) : () -> ()
    %barrier3A_264 = arith.constant 0 : index
    tpu.barrier barrier_id(%barrier3A_264)
    %mul3A_265 = arith.constant 128 : i32
    %mul3A_266 = arith.muli %arg1, %mul3A_265 : i32
    %mul3A_267 = arith.constant 2048 : i32
    %mul3A_268 = arith.muli %arg0, %mul3A_267 : i32
    %mul3A_269 = arith.constant 128 : i32
    %mul3A_270 = arith.muli %arg1, %mul3A_269 : i32
    %add3A_271 = arith.addi %mul3A_268, %mul3A_270 : i32
    "tpu.region"() ({
      %run_scoped3A_272 = tpu.sem_alloc : memref<!tpu.dma_semaphore, #tpu.memory_space<semaphore_mem>>
      %dma_start3A_273 = arith.constant 0 : i32
      %dma_start3A_274 = tpu.memref_slice %arg6[%add3A_271, %dma_start3A_273] : memref<4096x64xf32, #tpu.memory_space<hbm>> -> memref<128x64xf32, #tpu.memory_space<hbm>>
      %dma_start3A_275 = arith.constant 0 : i32
      %dma_start3A_276 = tpu.memref_slice %arg25[%mul3A_266, %dma_start3A_275] : memref<2048x64xf32, #tpu.memory_space<vmem_shared>> -> memref<128x64xf32, #tpu.memory_space<vmem_shared>>
      tpu.enqueue_dma source(%dma_start3A_276 : memref<128x64xf32, #tpu.memory_space<vmem_shared>>) target(%dma_start3A_274 : memref<128x64xf32, #tpu.memory_space<hbm>>) target_semaphore(%run_scoped3A_272 : memref<!tpu.dma_semaphore, #tpu.memory_space<semaphore_mem>>)
      %dma_wait3A_277 = arith.constant 0 : i32
      %dma_wait3A_278 = tpu.memref_slice %arg6[%add3A_271, %dma_wait3A_277] : memref<4096x64xf32, #tpu.memory_space<hbm>> -> memref<128x64xf32, #tpu.memory_space<hbm>>
      %dma_wait3A_279 = arith.constant 0 : i32
      %dma_wait3A_280 = tpu.memref_slice %arg25[%mul3A_266, %dma_wait3A_279] : memref<2048x64xf32, #tpu.memory_space<vmem_shared>> -> memref<128x64xf32, #tpu.memory_space<vmem_shared>>
      tpu.wait_dma2 semaphore(%run_scoped3A_272 : memref<!tpu.dma_semaphore, #tpu.memory_space<semaphore_mem>>) src(%dma_wait3A_280 : memref<128x64xf32, #tpu.memory_space<vmem_shared>>) dst(%dma_wait3A_278 : memref<128x64xf32, #tpu.memory_space<hbm>>)
      tpu.yield
    }) : () -> ()
    return
  }
}

#map = affine_map<(d0, d1) -> (0, 0)>
#map1 = affine_map<(d0, d1) -> (0, 0, 0)>
module attributes {stable_mosaic.version = 14 : i64} {
  func.func @_sc_scatter_body(%arg0: i32, %arg1: i32, %arg2: memref<2048x64xf32, #tpu.memory_space<hbm>>, %arg3: memref<32x8x128xi32, #tpu.memory_space<hbm>>, %arg4: memref<32x8x128xi32, #tpu.memory_space<hbm>>, %arg5: memref<128x64xf32, #tpu.memory_space<hbm>>, %arg6: memref<4096x64xf32, #tpu.memory_space<hbm>>, %arg7: memref<128xi32, #tpu.memory_space<vmem>>, %arg8: memref<128xi32, #tpu.memory_space<vmem>>, %arg9: memref<128xi32, #tpu.memory_space<vmem>>, %arg10: memref<128xi32, #tpu.memory_space<vmem>>, %arg11: memref<128xi32, #tpu.memory_space<vmem>>, %arg12: memref<128xi32, #tpu.memory_space<vmem>>, %arg13: memref<128xi32, #tpu.memory_space<vmem>>, %arg14: memref<128xi32, #tpu.memory_space<vmem>>, %arg15: memref<128xi32, #tpu.memory_space<vmem>>, %arg16: memref<128xi32, #tpu.memory_space<vmem>>, %arg17: memref<128x64xf32, #tpu.memory_space<vmem>>, %arg18: memref<128x64xf32, #tpu.memory_space<vmem>>, %arg19: memref<128x64xf32, #tpu.memory_space<vmem>>, %arg20: memref<128x64xf32, #tpu.memory_space<vmem>>, %arg21: memref<4x!tpu.dma_semaphore, #tpu.memory_space<semaphore_mem>>, %arg22: memref<4x!tpu.dma_semaphore, #tpu.memory_space<semaphore_mem>>, %arg23: memref<2x!tpu.dma_semaphore, #tpu.memory_space<semaphore_mem>>, %arg24: memref<8x!tpu.dma_semaphore, #tpu.memory_space<semaphore_mem>>, %arg25: memref<2048x64xf32, #tpu.memory_space<vmem_shared>>) attributes {dimension_semantics = [#tpu.dimension_semantics<core_parallel>, #tpu.dimension_semantics<subcore_parallel>], iteration_bounds = array<i64: 2, 16>, scalar_prefetch = 0 : i64, scratch_operands = 19 : i64, tpu.core_type = #tpu.core_type<sc_vector_subcore>, window_params = [{transform_indices = #map}, {transform_indices = #map1}, {transform_indices = #map1}, {transform_indices = #map}, {transform_indices = #map}]} {
    %mul3A = arith.constant 2 : i32
    %mul3A_0 = arith.muli %arg1, %mul3A : i32
    %add3A = arith.addi %mul3A_0, %arg0 : i32
    %mul3A_1 = arith.constant 128 : i32
    %mul3A_2 = arith.muli %arg1, %mul3A_1 : i32
    "tpu.region"() ({
      %run_scoped3A_272 = tpu.sem_alloc : memref<!tpu.dma_semaphore, #tpu.memory_space<semaphore_mem>>
      %dma_start3A_273 = arith.constant 0 : i32
      %dma_start3A_274 = tpu.memref_slice %arg25[%mul3A_2, %dma_start3A_273] : memref<2048x64xf32, #tpu.memory_space<vmem_shared>> -> memref<128x64xf32, #tpu.memory_space<vmem_shared>>
      tpu.enqueue_dma source(%arg5 : memref<128x64xf32, #tpu.memory_space<hbm>>) target(%dma_start3A_274 : memref<128x64xf32, #tpu.memory_space<vmem_shared>>) target_semaphore(%run_scoped3A_272 : memref<!tpu.dma_semaphore, #tpu.memory_space<semaphore_mem>>)
      %dma_wait3A_275 = arith.constant 0 : i32
      %dma_wait3A_276 = tpu.memref_slice %arg25[%mul3A_2, %dma_wait3A_275] : memref<2048x64xf32, #tpu.memory_space<vmem_shared>> -> memref<128x64xf32, #tpu.memory_space<vmem_shared>>
      tpu.wait_dma2 semaphore(%run_scoped3A_272 : memref<!tpu.dma_semaphore, #tpu.memory_space<semaphore_mem>>) src(%arg5 : memref<128x64xf32, #tpu.memory_space<hbm>>) dst(%dma_wait3A_276 : memref<128x64xf32, #tpu.memory_space<vmem_shared>>)
      tpu.yield
    }) : () -> ()
    %dma_start3A = arith.constant 0 : i32
    %dma_start3A_3 = arith.constant 0 : i32
    %dma_start3A_4 = arith.constant 0 : i32
    %dma_start3A_5 = tpu.memref_slice %arg3[%add3A, %dma_start3A, %dma_start3A_4] : memref<32x8x128xi32, #tpu.memory_space<hbm>> -> memref<1x1x128xi32, #tpu.memory_space<hbm>>
    %dma_start3A_6 = tpu.memref_squeeze %dma_start3A_5 : memref<1x1x128xi32, #tpu.memory_space<hbm>> -> memref<128xi32, #tpu.memory_space<hbm>>
    %dma_start3A_7 = tpu.memref_slice %arg24[%dma_start3A_3] : memref<8x!tpu.dma_semaphore, #tpu.memory_space<semaphore_mem>> -> memref<1x!tpu.dma_semaphore, #tpu.memory_space<semaphore_mem>>
    %dma_start3A_8 = tpu.memref_squeeze %dma_start3A_7 : memref<1x!tpu.dma_semaphore, #tpu.memory_space<semaphore_mem>> -> memref<!tpu.dma_semaphore, #tpu.memory_space<semaphore_mem>>
    %dma_start3A_9 = arith.constant 0 : i32
    %dma_start3A_10 = tpu.memref_slice %arg3[%add3A, %dma_start3A, %dma_start3A_9] : memref<32x8x128xi32, #tpu.memory_space<hbm>> -> memref<1x1x128xi32, #tpu.memory_space<hbm>>
    %dma_start3A_11 = tpu.memref_squeeze %dma_start3A_10 : memref<1x1x128xi32, #tpu.memory_space<hbm>> -> memref<128xi32, #tpu.memory_space<hbm>>
    tpu.enqueue_dma source(%dma_start3A_11 : memref<128xi32, #tpu.memory_space<hbm>>) target(%arg7 : memref<128xi32, #tpu.memory_space<vmem>>) target_semaphore(%dma_start3A_8 : memref<!tpu.dma_semaphore, #tpu.memory_space<semaphore_mem>>)
    %dma_start3A_12 = arith.constant 1 : i32
    %dma_start3A_13 = arith.constant 1 : i32
    %dma_start3A_14 = arith.constant 0 : i32
    %dma_start3A_15 = tpu.memref_slice %arg3[%add3A, %dma_start3A_12, %dma_start3A_14] : memref<32x8x128xi32, #tpu.memory_space<hbm>> -> memref<1x1x128xi32, #tpu.memory_space<hbm>>
    %dma_start3A_16 = tpu.memref_squeeze %dma_start3A_15 : memref<1x1x128xi32, #tpu.memory_space<hbm>> -> memref<128xi32, #tpu.memory_space<hbm>>
    %dma_start3A_17 = tpu.memref_slice %arg24[%dma_start3A_13] : memref<8x!tpu.dma_semaphore, #tpu.memory_space<semaphore_mem>> -> memref<1x!tpu.dma_semaphore, #tpu.memory_space<semaphore_mem>>
    %dma_start3A_18 = tpu.memref_squeeze %dma_start3A_17 : memref<1x!tpu.dma_semaphore, #tpu.memory_space<semaphore_mem>> -> memref<!tpu.dma_semaphore, #tpu.memory_space<semaphore_mem>>
    %dma_start3A_19 = arith.constant 0 : i32
    %dma_start3A_20 = tpu.memref_slice %arg3[%add3A, %dma_start3A_12, %dma_start3A_19] : memref<32x8x128xi32, #tpu.memory_space<hbm>> -> memref<1x1x128xi32, #tpu.memory_space<hbm>>
    %dma_start3A_21 = tpu.memref_squeeze %dma_start3A_20 : memref<1x1x128xi32, #tpu.memory_space<hbm>> -> memref<128xi32, #tpu.memory_space<hbm>>
    tpu.enqueue_dma source(%dma_start3A_21 : memref<128xi32, #tpu.memory_space<hbm>>) target(%arg8 : memref<128xi32, #tpu.memory_space<vmem>>) target_semaphore(%dma_start3A_18 : memref<!tpu.dma_semaphore, #tpu.memory_space<semaphore_mem>>)
    %dma_start3A_22 = arith.constant 2 : i32
    %dma_start3A_23 = arith.constant 2 : i32
    %dma_start3A_24 = arith.constant 0 : i32
    %dma_start3A_25 = tpu.memref_slice %arg3[%add3A, %dma_start3A_22, %dma_start3A_24] : memref<32x8x128xi32, #tpu.memory_space<hbm>> -> memref<1x1x128xi32, #tpu.memory_space<hbm>>
    %dma_start3A_26 = tpu.memref_squeeze %dma_start3A_25 : memref<1x1x128xi32, #tpu.memory_space<hbm>> -> memref<128xi32, #tpu.memory_space<hbm>>
    %dma_start3A_27 = tpu.memref_slice %arg24[%dma_start3A_23] : memref<8x!tpu.dma_semaphore, #tpu.memory_space<semaphore_mem>> -> memref<1x!tpu.dma_semaphore, #tpu.memory_space<semaphore_mem>>
    %dma_start3A_28 = tpu.memref_squeeze %dma_start3A_27 : memref<1x!tpu.dma_semaphore, #tpu.memory_space<semaphore_mem>> -> memref<!tpu.dma_semaphore, #tpu.memory_space<semaphore_mem>>
    %dma_start3A_29 = arith.constant 0 : i32
    %dma_start3A_30 = tpu.memref_slice %arg3[%add3A, %dma_start3A_22, %dma_start3A_29] : memref<32x8x128xi32, #tpu.memory_space<hbm>> -> memref<1x1x128xi32, #tpu.memory_space<hbm>>
    %dma_start3A_31 = tpu.memref_squeeze %dma_start3A_30 : memref<1x1x128xi32, #tpu.memory_space<hbm>> -> memref<128xi32, #tpu.memory_space<hbm>>
    tpu.enqueue_dma source(%dma_start3A_31 : memref<128xi32, #tpu.memory_space<hbm>>) target(%arg9 : memref<128xi32, #tpu.memory_space<vmem>>) target_semaphore(%dma_start3A_28 : memref<!tpu.dma_semaphore, #tpu.memory_space<semaphore_mem>>)
    %dma_start3A_32 = arith.constant 3 : i32
    %dma_start3A_33 = arith.constant 3 : i32
    %dma_start3A_34 = arith.constant 0 : i32
    %dma_start3A_35 = tpu.memref_slice %arg3[%add3A, %dma_start3A_32, %dma_start3A_34] : memref<32x8x128xi32, #tpu.memory_space<hbm>> -> memref<1x1x128xi32, #tpu.memory_space<hbm>>
    %dma_start3A_36 = tpu.memref_squeeze %dma_start3A_35 : memref<1x1x128xi32, #tpu.memory_space<hbm>> -> memref<128xi32, #tpu.memory_space<hbm>>
    %dma_start3A_37 = tpu.memref_slice %arg24[%dma_start3A_33] : memref<8x!tpu.dma_semaphore, #tpu.memory_space<semaphore_mem>> -> memref<1x!tpu.dma_semaphore, #tpu.memory_space<semaphore_mem>>
    %dma_start3A_38 = tpu.memref_squeeze %dma_start3A_37 : memref<1x!tpu.dma_semaphore, #tpu.memory_space<semaphore_mem>> -> memref<!tpu.dma_semaphore, #tpu.memory_space<semaphore_mem>>
    %dma_start3A_39 = arith.constant 0 : i32
    %dma_start3A_40 = tpu.memref_slice %arg3[%add3A, %dma_start3A_32, %dma_start3A_39] : memref<32x8x128xi32, #tpu.memory_space<hbm>> -> memref<1x1x128xi32, #tpu.memory_space<hbm>>
    %dma_start3A_41 = tpu.memref_squeeze %dma_start3A_40 : memref<1x1x128xi32, #tpu.memory_space<hbm>> -> memref<128xi32, #tpu.memory_space<hbm>>
    tpu.enqueue_dma source(%dma_start3A_41 : memref<128xi32, #tpu.memory_space<hbm>>) target(%arg10 : memref<128xi32, #tpu.memory_space<vmem>>) target_semaphore(%dma_start3A_38 : memref<!tpu.dma_semaphore, #tpu.memory_space<semaphore_mem>>)
    %dma_start3A_42 = arith.constant 4 : i32
    %dma_start3A_43 = arith.constant 4 : i32
    %dma_start3A_44 = arith.constant 0 : i32
    %dma_start3A_45 = tpu.memref_slice %arg3[%add3A, %dma_start3A_42, %dma_start3A_44] : memref<32x8x128xi32, #tpu.memory_space<hbm>> -> memref<1x1x128xi32, #tpu.memory_space<hbm>>
    %dma_start3A_46 = tpu.memref_squeeze %dma_start3A_45 : memref<1x1x128xi32, #tpu.memory_space<hbm>> -> memref<128xi32, #tpu.memory_space<hbm>>
    %dma_start3A_47 = tpu.memref_slice %arg24[%dma_start3A_43] : memref<8x!tpu.dma_semaphore, #tpu.memory_space<semaphore_mem>> -> memref<1x!tpu.dma_semaphore, #tpu.memory_space<semaphore_mem>>
    %dma_start3A_48 = tpu.memref_squeeze %dma_start3A_47 : memref<1x!tpu.dma_semaphore, #tpu.memory_space<semaphore_mem>> -> memref<!tpu.dma_semaphore, #tpu.memory_space<semaphore_mem>>
    %dma_start3A_49 = arith.constant 0 : i32
    %dma_start3A_50 = tpu.memref_slice %arg3[%add3A, %dma_start3A_42, %dma_start3A_49] : memref<32x8x128xi32, #tpu.memory_space<hbm>> -> memref<1x1x128xi32, #tpu.memory_space<hbm>>
    %dma_start3A_51 = tpu.memref_squeeze %dma_start3A_50 : memref<1x1x128xi32, #tpu.memory_space<hbm>> -> memref<128xi32, #tpu.memory_space<hbm>>
    tpu.enqueue_dma source(%dma_start3A_51 : memref<128xi32, #tpu.memory_space<hbm>>) target(%arg11 : memref<128xi32, #tpu.memory_space<vmem>>) target_semaphore(%dma_start3A_48 : memref<!tpu.dma_semaphore, #tpu.memory_space<semaphore_mem>>)
    %dma_start3A_52 = arith.constant 5 : i32
    %dma_start3A_53 = arith.constant 5 : i32
    %dma_start3A_54 = arith.constant 0 : i32
    %dma_start3A_55 = tpu.memref_slice %arg3[%add3A, %dma_start3A_52, %dma_start3A_54] : memref<32x8x128xi32, #tpu.memory_space<hbm>> -> memref<1x1x128xi32, #tpu.memory_space<hbm>>
    %dma_start3A_56 = tpu.memref_squeeze %dma_start3A_55 : memref<1x1x128xi32, #tpu.memory_space<hbm>> -> memref<128xi32, #tpu.memory_space<hbm>>
    %dma_start3A_57 = tpu.memref_slice %arg24[%dma_start3A_53] : memref<8x!tpu.dma_semaphore, #tpu.memory_space<semaphore_mem>> -> memref<1x!tpu.dma_semaphore, #tpu.memory_space<semaphore_mem>>
    %dma_start3A_58 = tpu.memref_squeeze %dma_start3A_57 : memref<1x!tpu.dma_semaphore, #tpu.memory_space<semaphore_mem>> -> memref<!tpu.dma_semaphore, #tpu.memory_space<semaphore_mem>>
    %dma_start3A_59 = arith.constant 0 : i32
    %dma_start3A_60 = tpu.memref_slice %arg3[%add3A, %dma_start3A_52, %dma_start3A_59] : memref<32x8x128xi32, #tpu.memory_space<hbm>> -> memref<1x1x128xi32, #tpu.memory_space<hbm>>
    %dma_start3A_61 = tpu.memref_squeeze %dma_start3A_60 : memref<1x1x128xi32, #tpu.memory_space<hbm>> -> memref<128xi32, #tpu.memory_space<hbm>>
    tpu.enqueue_dma source(%dma_start3A_61 : memref<128xi32, #tpu.memory_space<hbm>>) target(%arg12 : memref<128xi32, #tpu.memory_space<vmem>>) target_semaphore(%dma_start3A_58 : memref<!tpu.dma_semaphore, #tpu.memory_space<semaphore_mem>>)
    %dma_start3A_62 = arith.constant 6 : i32
    %dma_start3A_63 = arith.constant 6 : i32
    %dma_start3A_64 = arith.constant 0 : i32
    %dma_start3A_65 = tpu.memref_slice %arg3[%add3A, %dma_start3A_62, %dma_start3A_64] : memref<32x8x128xi32, #tpu.memory_space<hbm>> -> memref<1x1x128xi32, #tpu.memory_space<hbm>>
    %dma_start3A_66 = tpu.memref_squeeze %dma_start3A_65 : memref<1x1x128xi32, #tpu.memory_space<hbm>> -> memref<128xi32, #tpu.memory_space<hbm>>
    %dma_start3A_67 = tpu.memref_slice %arg24[%dma_start3A_63] : memref<8x!tpu.dma_semaphore, #tpu.memory_space<semaphore_mem>> -> memref<1x!tpu.dma_semaphore, #tpu.memory_space<semaphore_mem>>
    %dma_start3A_68 = tpu.memref_squeeze %dma_start3A_67 : memref<1x!tpu.dma_semaphore, #tpu.memory_space<semaphore_mem>> -> memref<!tpu.dma_semaphore, #tpu.memory_space<semaphore_mem>>
    %dma_start3A_69 = arith.constant 0 : i32
    %dma_start3A_70 = tpu.memref_slice %arg3[%add3A, %dma_start3A_62, %dma_start3A_69] : memref<32x8x128xi32, #tpu.memory_space<hbm>> -> memref<1x1x128xi32, #tpu.memory_space<hbm>>
    %dma_start3A_71 = tpu.memref_squeeze %dma_start3A_70 : memref<1x1x128xi32, #tpu.memory_space<hbm>> -> memref<128xi32, #tpu.memory_space<hbm>>
    tpu.enqueue_dma source(%dma_start3A_71 : memref<128xi32, #tpu.memory_space<hbm>>) target(%arg13 : memref<128xi32, #tpu.memory_space<vmem>>) target_semaphore(%dma_start3A_68 : memref<!tpu.dma_semaphore, #tpu.memory_space<semaphore_mem>>)
    %dma_start3A_72 = arith.constant 7 : i32
    %dma_start3A_73 = arith.constant 7 : i32
    %dma_start3A_74 = arith.constant 0 : i32
    %dma_start3A_75 = tpu.memref_slice %arg3[%add3A, %dma_start3A_72, %dma_start3A_74] : memref<32x8x128xi32, #tpu.memory_space<hbm>> -> memref<1x1x128xi32, #tpu.memory_space<hbm>>
    %dma_start3A_76 = tpu.memref_squeeze %dma_start3A_75 : memref<1x1x128xi32, #tpu.memory_space<hbm>> -> memref<128xi32, #tpu.memory_space<hbm>>
    %dma_start3A_77 = tpu.memref_slice %arg24[%dma_start3A_73] : memref<8x!tpu.dma_semaphore, #tpu.memory_space<semaphore_mem>> -> memref<1x!tpu.dma_semaphore, #tpu.memory_space<semaphore_mem>>
    %dma_start3A_78 = tpu.memref_squeeze %dma_start3A_77 : memref<1x!tpu.dma_semaphore, #tpu.memory_space<semaphore_mem>> -> memref<!tpu.dma_semaphore, #tpu.memory_space<semaphore_mem>>
    %dma_start3A_79 = arith.constant 0 : i32
    %dma_start3A_80 = tpu.memref_slice %arg3[%add3A, %dma_start3A_72, %dma_start3A_79] : memref<32x8x128xi32, #tpu.memory_space<hbm>> -> memref<1x1x128xi32, #tpu.memory_space<hbm>>
    %dma_start3A_81 = tpu.memref_squeeze %dma_start3A_80 : memref<1x1x128xi32, #tpu.memory_space<hbm>> -> memref<128xi32, #tpu.memory_space<hbm>>
    tpu.enqueue_dma source(%dma_start3A_81 : memref<128xi32, #tpu.memory_space<hbm>>) target(%arg14 : memref<128xi32, #tpu.memory_space<vmem>>) target_semaphore(%dma_start3A_78 : memref<!tpu.dma_semaphore, #tpu.memory_space<semaphore_mem>>)
    %barrier3A = arith.constant 0 : index
    tpu.barrier barrier_id(%barrier3A)
    %dma_wait3A = arith.constant 0 : i32
    %dma_wait3A_82 = arith.constant 0 : i32
    %dma_wait3A_83 = arith.constant 0 : i32
    %dma_wait3A_84 = tpu.memref_slice %arg3[%add3A, %dma_wait3A, %dma_wait3A_83] : memref<32x8x128xi32, #tpu.memory_space<hbm>> -> memref<1x1x128xi32, #tpu.memory_space<hbm>>
    %dma_wait3A_85 = tpu.memref_squeeze %dma_wait3A_84 : memref<1x1x128xi32, #tpu.memory_space<hbm>> -> memref<128xi32, #tpu.memory_space<hbm>>
    %dma_wait3A_86 = tpu.memref_slice %arg24[%dma_wait3A_82] : memref<8x!tpu.dma_semaphore, #tpu.memory_space<semaphore_mem>> -> memref<1x!tpu.dma_semaphore, #tpu.memory_space<semaphore_mem>>
    %dma_wait3A_87 = tpu.memref_squeeze %dma_wait3A_86 : memref<1x!tpu.dma_semaphore, #tpu.memory_space<semaphore_mem>> -> memref<!tpu.dma_semaphore, #tpu.memory_space<semaphore_mem>>
    %dma_wait3A_88 = arith.constant 0 : i32
    %dma_wait3A_89 = tpu.memref_slice %arg3[%add3A, %dma_wait3A, %dma_wait3A_88] : memref<32x8x128xi32, #tpu.memory_space<hbm>> -> memref<1x1x128xi32, #tpu.memory_space<hbm>>
    %dma_wait3A_90 = tpu.memref_squeeze %dma_wait3A_89 : memref<1x1x128xi32, #tpu.memory_space<hbm>> -> memref<128xi32, #tpu.memory_space<hbm>>
    tpu.wait_dma2 semaphore(%dma_wait3A_87 : memref<!tpu.dma_semaphore, #tpu.memory_space<semaphore_mem>>) src(%dma_wait3A_90 : memref<128xi32, #tpu.memory_space<hbm>>) dst(%arg7 : memref<128xi32, #tpu.memory_space<vmem>>)
    %dma_start3A_91 = arith.constant 0 : i32
    %dma_start3A_92 = arith.constant 0 : i32
    %dma_start3A_93 = arith.constant 0 : i32
    %dma_start3A_94 = tpu.memref_slice %arg2[%dma_start3A_92, %dma_start3A_93] : memref<2048x64xf32, #tpu.memory_space<hbm>> -> memref<2048x64xf32, #tpu.memory_space<hbm>>
    %dma_start3A_95 = tpu.memref_slice %arg21[%dma_start3A_91] : memref<4x!tpu.dma_semaphore, #tpu.memory_space<semaphore_mem>> -> memref<1x!tpu.dma_semaphore, #tpu.memory_space<semaphore_mem>>
    %dma_start3A_96 = tpu.memref_squeeze %dma_start3A_95 : memref<1x!tpu.dma_semaphore, #tpu.memory_space<semaphore_mem>> -> memref<!tpu.dma_semaphore, #tpu.memory_space<semaphore_mem>>
    tpu.enqueue_indirect_dma source(%dma_start3A_94 : memref<2048x64xf32, #tpu.memory_space<hbm>>) target(%arg17 : memref<128x64xf32, #tpu.memory_space<vmem>>) offsets(%arg7 : memref<128xi32, #tpu.memory_space<vmem>>) semaphore(%dma_start3A_96 : memref<!tpu.dma_semaphore, #tpu.memory_space<semaphore_mem>>)
    %dma_wait3A_97 = arith.constant 1 : i32
    %dma_wait3A_98 = arith.constant 1 : i32
    %dma_wait3A_99 = arith.constant 0 : i32
    %dma_wait3A_100 = tpu.memref_slice %arg3[%add3A, %dma_wait3A_97, %dma_wait3A_99] : memref<32x8x128xi32, #tpu.memory_space<hbm>> -> memref<1x1x128xi32, #tpu.memory_space<hbm>>
    %dma_wait3A_101 = tpu.memref_squeeze %dma_wait3A_100 : memref<1x1x128xi32, #tpu.memory_space<hbm>> -> memref<128xi32, #tpu.memory_space<hbm>>
    %dma_wait3A_102 = tpu.memref_slice %arg24[%dma_wait3A_98] : memref<8x!tpu.dma_semaphore, #tpu.memory_space<semaphore_mem>> -> memref<1x!tpu.dma_semaphore, #tpu.memory_space<semaphore_mem>>
    %dma_wait3A_103 = tpu.memref_squeeze %dma_wait3A_102 : memref<1x!tpu.dma_semaphore, #tpu.memory_space<semaphore_mem>> -> memref<!tpu.dma_semaphore, #tpu.memory_space<semaphore_mem>>
    %dma_wait3A_104 = arith.constant 0 : i32
    %dma_wait3A_105 = tpu.memref_slice %arg3[%add3A, %dma_wait3A_97, %dma_wait3A_104] : memref<32x8x128xi32, #tpu.memory_space<hbm>> -> memref<1x1x128xi32, #tpu.memory_space<hbm>>
    %dma_wait3A_106 = tpu.memref_squeeze %dma_wait3A_105 : memref<1x1x128xi32, #tpu.memory_space<hbm>> -> memref<128xi32, #tpu.memory_space<hbm>>
    tpu.wait_dma2 semaphore(%dma_wait3A_103 : memref<!tpu.dma_semaphore, #tpu.memory_space<semaphore_mem>>) src(%dma_wait3A_106 : memref<128xi32, #tpu.memory_space<hbm>>) dst(%arg8 : memref<128xi32, #tpu.memory_space<vmem>>)
    %dma_start3A_107 = arith.constant 1 : i32
    %dma_start3A_108 = arith.constant 0 : i32
    %dma_start3A_109 = arith.constant 0 : i32
    %dma_start3A_110 = tpu.memref_slice %arg2[%dma_start3A_108, %dma_start3A_109] : memref<2048x64xf32, #tpu.memory_space<hbm>> -> memref<2048x64xf32, #tpu.memory_space<hbm>>
    %dma_start3A_111 = tpu.memref_slice %arg21[%dma_start3A_107] : memref<4x!tpu.dma_semaphore, #tpu.memory_space<semaphore_mem>> -> memref<1x!tpu.dma_semaphore, #tpu.memory_space<semaphore_mem>>
    %dma_start3A_112 = tpu.memref_squeeze %dma_start3A_111 : memref<1x!tpu.dma_semaphore, #tpu.memory_space<semaphore_mem>> -> memref<!tpu.dma_semaphore, #tpu.memory_space<semaphore_mem>>
    tpu.enqueue_indirect_dma source(%dma_start3A_110 : memref<2048x64xf32, #tpu.memory_space<hbm>>) target(%arg18 : memref<128x64xf32, #tpu.memory_space<vmem>>) offsets(%arg8 : memref<128xi32, #tpu.memory_space<vmem>>) semaphore(%dma_start3A_112 : memref<!tpu.dma_semaphore, #tpu.memory_space<semaphore_mem>>)
    %dma_wait3A_113 = arith.constant 2 : i32
    %dma_wait3A_114 = arith.constant 2 : i32
    %dma_wait3A_115 = arith.constant 0 : i32
    %dma_wait3A_116 = tpu.memref_slice %arg3[%add3A, %dma_wait3A_113, %dma_wait3A_115] : memref<32x8x128xi32, #tpu.memory_space<hbm>> -> memref<1x1x128xi32, #tpu.memory_space<hbm>>
    %dma_wait3A_117 = tpu.memref_squeeze %dma_wait3A_116 : memref<1x1x128xi32, #tpu.memory_space<hbm>> -> memref<128xi32, #tpu.memory_space<hbm>>
    %dma_wait3A_118 = tpu.memref_slice %arg24[%dma_wait3A_114] : memref<8x!tpu.dma_semaphore, #tpu.memory_space<semaphore_mem>> -> memref<1x!tpu.dma_semaphore, #tpu.memory_space<semaphore_mem>>
    %dma_wait3A_119 = tpu.memref_squeeze %dma_wait3A_118 : memref<1x!tpu.dma_semaphore, #tpu.memory_space<semaphore_mem>> -> memref<!tpu.dma_semaphore, #tpu.memory_space<semaphore_mem>>
    %dma_wait3A_120 = arith.constant 0 : i32
    %dma_wait3A_121 = tpu.memref_slice %arg3[%add3A, %dma_wait3A_113, %dma_wait3A_120] : memref<32x8x128xi32, #tpu.memory_space<hbm>> -> memref<1x1x128xi32, #tpu.memory_space<hbm>>
    %dma_wait3A_122 = tpu.memref_squeeze %dma_wait3A_121 : memref<1x1x128xi32, #tpu.memory_space<hbm>> -> memref<128xi32, #tpu.memory_space<hbm>>
    tpu.wait_dma2 semaphore(%dma_wait3A_119 : memref<!tpu.dma_semaphore, #tpu.memory_space<semaphore_mem>>) src(%dma_wait3A_122 : memref<128xi32, #tpu.memory_space<hbm>>) dst(%arg9 : memref<128xi32, #tpu.memory_space<vmem>>)
    %dma_start3A_123 = arith.constant 2 : i32
    %dma_start3A_124 = arith.constant 0 : i32
    %dma_start3A_125 = arith.constant 0 : i32
    %dma_start3A_126 = tpu.memref_slice %arg2[%dma_start3A_124, %dma_start3A_125] : memref<2048x64xf32, #tpu.memory_space<hbm>> -> memref<2048x64xf32, #tpu.memory_space<hbm>>
    %dma_start3A_127 = tpu.memref_slice %arg21[%dma_start3A_123] : memref<4x!tpu.dma_semaphore, #tpu.memory_space<semaphore_mem>> -> memref<1x!tpu.dma_semaphore, #tpu.memory_space<semaphore_mem>>
    %dma_start3A_128 = tpu.memref_squeeze %dma_start3A_127 : memref<1x!tpu.dma_semaphore, #tpu.memory_space<semaphore_mem>> -> memref<!tpu.dma_semaphore, #tpu.memory_space<semaphore_mem>>
    tpu.enqueue_indirect_dma source(%dma_start3A_126 : memref<2048x64xf32, #tpu.memory_space<hbm>>) target(%arg19 : memref<128x64xf32, #tpu.memory_space<vmem>>) offsets(%arg9 : memref<128xi32, #tpu.memory_space<vmem>>) semaphore(%dma_start3A_128 : memref<!tpu.dma_semaphore, #tpu.memory_space<semaphore_mem>>)
    %dma_wait3A_129 = arith.constant 3 : i32
    %dma_wait3A_130 = arith.constant 3 : i32
    %dma_wait3A_131 = arith.constant 0 : i32
    %dma_wait3A_132 = tpu.memref_slice %arg3[%add3A, %dma_wait3A_129, %dma_wait3A_131] : memref<32x8x128xi32, #tpu.memory_space<hbm>> -> memref<1x1x128xi32, #tpu.memory_space<hbm>>
    %dma_wait3A_133 = tpu.memref_squeeze %dma_wait3A_132 : memref<1x1x128xi32, #tpu.memory_space<hbm>> -> memref<128xi32, #tpu.memory_space<hbm>>
    %dma_wait3A_134 = tpu.memref_slice %arg24[%dma_wait3A_130] : memref<8x!tpu.dma_semaphore, #tpu.memory_space<semaphore_mem>> -> memref<1x!tpu.dma_semaphore, #tpu.memory_space<semaphore_mem>>
    %dma_wait3A_135 = tpu.memref_squeeze %dma_wait3A_134 : memref<1x!tpu.dma_semaphore, #tpu.memory_space<semaphore_mem>> -> memref<!tpu.dma_semaphore, #tpu.memory_space<semaphore_mem>>
    %dma_wait3A_136 = arith.constant 0 : i32
    %dma_wait3A_137 = tpu.memref_slice %arg3[%add3A, %dma_wait3A_129, %dma_wait3A_136] : memref<32x8x128xi32, #tpu.memory_space<hbm>> -> memref<1x1x128xi32, #tpu.memory_space<hbm>>
    %dma_wait3A_138 = tpu.memref_squeeze %dma_wait3A_137 : memref<1x1x128xi32, #tpu.memory_space<hbm>> -> memref<128xi32, #tpu.memory_space<hbm>>
    tpu.wait_dma2 semaphore(%dma_wait3A_135 : memref<!tpu.dma_semaphore, #tpu.memory_space<semaphore_mem>>) src(%dma_wait3A_138 : memref<128xi32, #tpu.memory_space<hbm>>) dst(%arg10 : memref<128xi32, #tpu.memory_space<vmem>>)
    %dma_start3A_139 = arith.constant 3 : i32
    %dma_start3A_140 = arith.constant 0 : i32
    %dma_start3A_141 = arith.constant 0 : i32
    %dma_start3A_142 = tpu.memref_slice %arg2[%dma_start3A_140, %dma_start3A_141] : memref<2048x64xf32, #tpu.memory_space<hbm>> -> memref<2048x64xf32, #tpu.memory_space<hbm>>
    %dma_start3A_143 = tpu.memref_slice %arg21[%dma_start3A_139] : memref<4x!tpu.dma_semaphore, #tpu.memory_space<semaphore_mem>> -> memref<1x!tpu.dma_semaphore, #tpu.memory_space<semaphore_mem>>
    %dma_start3A_144 = tpu.memref_squeeze %dma_start3A_143 : memref<1x!tpu.dma_semaphore, #tpu.memory_space<semaphore_mem>> -> memref<!tpu.dma_semaphore, #tpu.memory_space<semaphore_mem>>
    tpu.enqueue_indirect_dma source(%dma_start3A_142 : memref<2048x64xf32, #tpu.memory_space<hbm>>) target(%arg20 : memref<128x64xf32, #tpu.memory_space<vmem>>) offsets(%arg10 : memref<128xi32, #tpu.memory_space<vmem>>) semaphore(%dma_start3A_144 : memref<!tpu.dma_semaphore, #tpu.memory_space<semaphore_mem>>)
    %dma_wait3A_145 = arith.constant 0 : i32
    %dma_wait3A_146 = arith.constant 0 : i32
    %dma_wait3A_147 = arith.constant 0 : i32
    %dma_wait3A_148 = tpu.memref_slice %arg2[%dma_wait3A_146, %dma_wait3A_147] : memref<2048x64xf32, #tpu.memory_space<hbm>> -> memref<2048x64xf32, #tpu.memory_space<hbm>>
    %dma_wait3A_149 = tpu.memref_slice %arg21[%dma_wait3A_145] : memref<4x!tpu.dma_semaphore, #tpu.memory_space<semaphore_mem>> -> memref<1x!tpu.dma_semaphore, #tpu.memory_space<semaphore_mem>>
    %dma_wait3A_150 = tpu.memref_squeeze %dma_wait3A_149 : memref<1x!tpu.dma_semaphore, #tpu.memory_space<semaphore_mem>> -> memref<!tpu.dma_semaphore, #tpu.memory_space<semaphore_mem>>
    tpu.wait_indirect_dma semaphore(%dma_wait3A_150 : memref<!tpu.dma_semaphore, #tpu.memory_space<semaphore_mem>>) src(%dma_wait3A_148 : memref<2048x64xf32, #tpu.memory_space<hbm>>) dst(%arg17 : memref<128x64xf32, #tpu.memory_space<vmem>>)
    %run_scoped3A = arith.constant 0 : i32
    "tpu.region"() ({
      %run_scoped3A_272 = tpu.sem_alloc : memref<!tpu.dma_semaphore, #tpu.memory_space<semaphore_mem>>
      %dma_start3A_273 = arith.constant 0 : i32
      %dma_start3A_274 = tpu.memref_slice %arg4[%add3A, %run_scoped3A, %dma_start3A_273] : memref<32x8x128xi32, #tpu.memory_space<hbm>> -> memref<1x1x128xi32, #tpu.memory_space<hbm>>
      %dma_start3A_275 = tpu.memref_squeeze %dma_start3A_274 : memref<1x1x128xi32, #tpu.memory_space<hbm>> -> memref<128xi32, #tpu.memory_space<hbm>>
      %dma_start3A_276 = arith.constant 0 : i32
      %dma_start3A_277 = tpu.memref_slice %arg4[%add3A, %run_scoped3A, %dma_start3A_276] : memref<32x8x128xi32, #tpu.memory_space<hbm>> -> memref<1x1x128xi32, #tpu.memory_space<hbm>>
      %dma_start3A_278 = tpu.memref_squeeze %dma_start3A_277 : memref<1x1x128xi32, #tpu.memory_space<hbm>> -> memref<128xi32, #tpu.memory_space<hbm>>
      tpu.enqueue_dma source(%dma_start3A_278 : memref<128xi32, #tpu.memory_space<hbm>>) target(%arg15 : memref<128xi32, #tpu.memory_space<vmem>>) target_semaphore(%run_scoped3A_272 : memref<!tpu.dma_semaphore, #tpu.memory_space<semaphore_mem>>)
      %dma_wait3A_279 = arith.constant 0 : i32
      %dma_wait3A_280 = tpu.memref_slice %arg4[%add3A, %run_scoped3A, %dma_wait3A_279] : memref<32x8x128xi32, #tpu.memory_space<hbm>> -> memref<1x1x128xi32, #tpu.memory_space<hbm>>
      %dma_wait3A_281 = tpu.memref_squeeze %dma_wait3A_280 : memref<1x1x128xi32, #tpu.memory_space<hbm>> -> memref<128xi32, #tpu.memory_space<hbm>>
      %dma_wait3A_282 = arith.constant 0 : i32
      %dma_wait3A_283 = tpu.memref_slice %arg4[%add3A, %run_scoped3A, %dma_wait3A_282] : memref<32x8x128xi32, #tpu.memory_space<hbm>> -> memref<1x1x128xi32, #tpu.memory_space<hbm>>
      %dma_wait3A_284 = tpu.memref_squeeze %dma_wait3A_283 : memref<1x1x128xi32, #tpu.memory_space<hbm>> -> memref<128xi32, #tpu.memory_space<hbm>>
      tpu.wait_dma2 semaphore(%run_scoped3A_272 : memref<!tpu.dma_semaphore, #tpu.memory_space<semaphore_mem>>) src(%dma_wait3A_284 : memref<128xi32, #tpu.memory_space<hbm>>) dst(%arg15 : memref<128xi32, #tpu.memory_space<vmem>>)
      tpu.yield
    }) : () -> ()
    "tpu.region"() ({
      %run_scoped3A_272 = tpu.sem_alloc : memref<!tpu.dma_semaphore, #tpu.memory_space<semaphore_mem>>
      %dma_start3A_273 = arith.constant 0 : i32
      %dma_start3A_274 = arith.constant 0 : i32
      %dma_start3A_275 = tpu.memref_slice %arg25[%dma_start3A_273, %dma_start3A_274] : memref<2048x64xf32, #tpu.memory_space<vmem_shared>> -> memref<2048x64xf32, #tpu.memory_space<vmem_shared>>
      tpu.enqueue_indirect_dma source(%arg17 : memref<128x64xf32, #tpu.memory_space<vmem>>) target(%dma_start3A_275 : memref<2048x64xf32, #tpu.memory_space<vmem_shared>>) offsets(%arg15 : memref<128xi32, #tpu.memory_space<vmem>>) semaphore(%run_scoped3A_272 : memref<!tpu.dma_semaphore, #tpu.memory_space<semaphore_mem>>) {add = true}
      %dma_wait3A_276 = arith.constant 0 : i32
      %dma_wait3A_277 = arith.constant 0 : i32
      %dma_wait3A_278 = tpu.memref_slice %arg25[%dma_wait3A_276, %dma_wait3A_277] : memref<2048x64xf32, #tpu.memory_space<vmem_shared>> -> memref<2048x64xf32, #tpu.memory_space<vmem_shared>>
      tpu.wait_indirect_dma semaphore(%run_scoped3A_272 : memref<!tpu.dma_semaphore, #tpu.memory_space<semaphore_mem>>) src(%arg17 : memref<128x64xf32, #tpu.memory_space<vmem>>) dst(%dma_wait3A_278 : memref<2048x64xf32, #tpu.memory_space<vmem_shared>>)
      tpu.yield
    }) : () -> ()
    %dma_wait3A_151 = arith.constant 4 : i32
    %dma_wait3A_152 = arith.constant 4 : i32
    %dma_wait3A_153 = arith.constant 0 : i32
    %dma_wait3A_154 = tpu.memref_slice %arg3[%add3A, %dma_wait3A_151, %dma_wait3A_153] : memref<32x8x128xi32, #tpu.memory_space<hbm>> -> memref<1x1x128xi32, #tpu.memory_space<hbm>>
    %dma_wait3A_155 = tpu.memref_squeeze %dma_wait3A_154 : memref<1x1x128xi32, #tpu.memory_space<hbm>> -> memref<128xi32, #tpu.memory_space<hbm>>
    %dma_wait3A_156 = tpu.memref_slice %arg24[%dma_wait3A_152] : memref<8x!tpu.dma_semaphore, #tpu.memory_space<semaphore_mem>> -> memref<1x!tpu.dma_semaphore, #tpu.memory_space<semaphore_mem>>
    %dma_wait3A_157 = tpu.memref_squeeze %dma_wait3A_156 : memref<1x!tpu.dma_semaphore, #tpu.memory_space<semaphore_mem>> -> memref<!tpu.dma_semaphore, #tpu.memory_space<semaphore_mem>>
    %dma_wait3A_158 = arith.constant 0 : i32
    %dma_wait3A_159 = tpu.memref_slice %arg3[%add3A, %dma_wait3A_151, %dma_wait3A_158] : memref<32x8x128xi32, #tpu.memory_space<hbm>> -> memref<1x1x128xi32, #tpu.memory_space<hbm>>
    %dma_wait3A_160 = tpu.memref_squeeze %dma_wait3A_159 : memref<1x1x128xi32, #tpu.memory_space<hbm>> -> memref<128xi32, #tpu.memory_space<hbm>>
    tpu.wait_dma2 semaphore(%dma_wait3A_157 : memref<!tpu.dma_semaphore, #tpu.memory_space<semaphore_mem>>) src(%dma_wait3A_160 : memref<128xi32, #tpu.memory_space<hbm>>) dst(%arg11 : memref<128xi32, #tpu.memory_space<vmem>>)
    %dma_start3A_161 = arith.constant 0 : i32
    %dma_start3A_162 = arith.constant 0 : i32
    %dma_start3A_163 = arith.constant 0 : i32
    %dma_start3A_164 = tpu.memref_slice %arg2[%dma_start3A_162, %dma_start3A_163] : memref<2048x64xf32, #tpu.memory_space<hbm>> -> memref<2048x64xf32, #tpu.memory_space<hbm>>
    %dma_start3A_165 = tpu.memref_slice %arg21[%dma_start3A_161] : memref<4x!tpu.dma_semaphore, #tpu.memory_space<semaphore_mem>> -> memref<1x!tpu.dma_semaphore, #tpu.memory_space<semaphore_mem>>
    %dma_start3A_166 = tpu.memref_squeeze %dma_start3A_165 : memref<1x!tpu.dma_semaphore, #tpu.memory_space<semaphore_mem>> -> memref<!tpu.dma_semaphore, #tpu.memory_space<semaphore_mem>>
    tpu.enqueue_indirect_dma source(%dma_start3A_164 : memref<2048x64xf32, #tpu.memory_space<hbm>>) target(%arg17 : memref<128x64xf32, #tpu.memory_space<vmem>>) offsets(%arg11 : memref<128xi32, #tpu.memory_space<vmem>>) semaphore(%dma_start3A_166 : memref<!tpu.dma_semaphore, #tpu.memory_space<semaphore_mem>>)
    %dma_wait3A_167 = arith.constant 1 : i32
    %dma_wait3A_168 = arith.constant 0 : i32
    %dma_wait3A_169 = arith.constant 0 : i32
    %dma_wait3A_170 = tpu.memref_slice %arg2[%dma_wait3A_168, %dma_wait3A_169] : memref<2048x64xf32, #tpu.memory_space<hbm>> -> memref<2048x64xf32, #tpu.memory_space<hbm>>
    %dma_wait3A_171 = tpu.memref_slice %arg21[%dma_wait3A_167] : memref<4x!tpu.dma_semaphore, #tpu.memory_space<semaphore_mem>> -> memref<1x!tpu.dma_semaphore, #tpu.memory_space<semaphore_mem>>
    %dma_wait3A_172 = tpu.memref_squeeze %dma_wait3A_171 : memref<1x!tpu.dma_semaphore, #tpu.memory_space<semaphore_mem>> -> memref<!tpu.dma_semaphore, #tpu.memory_space<semaphore_mem>>
    tpu.wait_indirect_dma semaphore(%dma_wait3A_172 : memref<!tpu.dma_semaphore, #tpu.memory_space<semaphore_mem>>) src(%dma_wait3A_170 : memref<2048x64xf32, #tpu.memory_space<hbm>>) dst(%arg18 : memref<128x64xf32, #tpu.memory_space<vmem>>)
    %run_scoped3A_173 = arith.constant 1 : i32
    "tpu.region"() ({
      %run_scoped3A_272 = tpu.sem_alloc : memref<!tpu.dma_semaphore, #tpu.memory_space<semaphore_mem>>
      %dma_start3A_273 = arith.constant 0 : i32
      %dma_start3A_274 = tpu.memref_slice %arg4[%add3A, %run_scoped3A_173, %dma_start3A_273] : memref<32x8x128xi32, #tpu.memory_space<hbm>> -> memref<1x1x128xi32, #tpu.memory_space<hbm>>
      %dma_start3A_275 = tpu.memref_squeeze %dma_start3A_274 : memref<1x1x128xi32, #tpu.memory_space<hbm>> -> memref<128xi32, #tpu.memory_space<hbm>>
      %dma_start3A_276 = arith.constant 0 : i32
      %dma_start3A_277 = tpu.memref_slice %arg4[%add3A, %run_scoped3A_173, %dma_start3A_276] : memref<32x8x128xi32, #tpu.memory_space<hbm>> -> memref<1x1x128xi32, #tpu.memory_space<hbm>>
      %dma_start3A_278 = tpu.memref_squeeze %dma_start3A_277 : memref<1x1x128xi32, #tpu.memory_space<hbm>> -> memref<128xi32, #tpu.memory_space<hbm>>
      tpu.enqueue_dma source(%dma_start3A_278 : memref<128xi32, #tpu.memory_space<hbm>>) target(%arg16 : memref<128xi32, #tpu.memory_space<vmem>>) target_semaphore(%run_scoped3A_272 : memref<!tpu.dma_semaphore, #tpu.memory_space<semaphore_mem>>)
      %dma_wait3A_279 = arith.constant 0 : i32
      %dma_wait3A_280 = tpu.memref_slice %arg4[%add3A, %run_scoped3A_173, %dma_wait3A_279] : memref<32x8x128xi32, #tpu.memory_space<hbm>> -> memref<1x1x128xi32, #tpu.memory_space<hbm>>
      %dma_wait3A_281 = tpu.memref_squeeze %dma_wait3A_280 : memref<1x1x128xi32, #tpu.memory_space<hbm>> -> memref<128xi32, #tpu.memory_space<hbm>>
      %dma_wait3A_282 = arith.constant 0 : i32
      %dma_wait3A_283 = tpu.memref_slice %arg4[%add3A, %run_scoped3A_173, %dma_wait3A_282] : memref<32x8x128xi32, #tpu.memory_space<hbm>> -> memref<1x1x128xi32, #tpu.memory_space<hbm>>
      %dma_wait3A_284 = tpu.memref_squeeze %dma_wait3A_283 : memref<1x1x128xi32, #tpu.memory_space<hbm>> -> memref<128xi32, #tpu.memory_space<hbm>>
      tpu.wait_dma2 semaphore(%run_scoped3A_272 : memref<!tpu.dma_semaphore, #tpu.memory_space<semaphore_mem>>) src(%dma_wait3A_284 : memref<128xi32, #tpu.memory_space<hbm>>) dst(%arg16 : memref<128xi32, #tpu.memory_space<vmem>>)
      tpu.yield
    }) : () -> ()
    "tpu.region"() ({
      %run_scoped3A_272 = tpu.sem_alloc : memref<!tpu.dma_semaphore, #tpu.memory_space<semaphore_mem>>
      %dma_start3A_273 = arith.constant 0 : i32
      %dma_start3A_274 = arith.constant 0 : i32
      %dma_start3A_275 = tpu.memref_slice %arg25[%dma_start3A_273, %dma_start3A_274] : memref<2048x64xf32, #tpu.memory_space<vmem_shared>> -> memref<2048x64xf32, #tpu.memory_space<vmem_shared>>
      tpu.enqueue_indirect_dma source(%arg18 : memref<128x64xf32, #tpu.memory_space<vmem>>) target(%dma_start3A_275 : memref<2048x64xf32, #tpu.memory_space<vmem_shared>>) offsets(%arg16 : memref<128xi32, #tpu.memory_space<vmem>>) semaphore(%run_scoped3A_272 : memref<!tpu.dma_semaphore, #tpu.memory_space<semaphore_mem>>) {add = true}
      %dma_wait3A_276 = arith.constant 0 : i32
      %dma_wait3A_277 = arith.constant 0 : i32
      %dma_wait3A_278 = tpu.memref_slice %arg25[%dma_wait3A_276, %dma_wait3A_277] : memref<2048x64xf32, #tpu.memory_space<vmem_shared>> -> memref<2048x64xf32, #tpu.memory_space<vmem_shared>>
      tpu.wait_indirect_dma semaphore(%run_scoped3A_272 : memref<!tpu.dma_semaphore, #tpu.memory_space<semaphore_mem>>) src(%arg18 : memref<128x64xf32, #tpu.memory_space<vmem>>) dst(%dma_wait3A_278 : memref<2048x64xf32, #tpu.memory_space<vmem_shared>>)
      tpu.yield
    }) : () -> ()
    %dma_wait3A_174 = arith.constant 5 : i32
    %dma_wait3A_175 = arith.constant 5 : i32
    %dma_wait3A_176 = arith.constant 0 : i32
    %dma_wait3A_177 = tpu.memref_slice %arg3[%add3A, %dma_wait3A_174, %dma_wait3A_176] : memref<32x8x128xi32, #tpu.memory_space<hbm>> -> memref<1x1x128xi32, #tpu.memory_space<hbm>>
    %dma_wait3A_178 = tpu.memref_squeeze %dma_wait3A_177 : memref<1x1x128xi32, #tpu.memory_space<hbm>> -> memref<128xi32, #tpu.memory_space<hbm>>
    %dma_wait3A_179 = tpu.memref_slice %arg24[%dma_wait3A_175] : memref<8x!tpu.dma_semaphore, #tpu.memory_space<semaphore_mem>> -> memref<1x!tpu.dma_semaphore, #tpu.memory_space<semaphore_mem>>
    %dma_wait3A_180 = tpu.memref_squeeze %dma_wait3A_179 : memref<1x!tpu.dma_semaphore, #tpu.memory_space<semaphore_mem>> -> memref<!tpu.dma_semaphore, #tpu.memory_space<semaphore_mem>>
    %dma_wait3A_181 = arith.constant 0 : i32
    %dma_wait3A_182 = tpu.memref_slice %arg3[%add3A, %dma_wait3A_174, %dma_wait3A_181] : memref<32x8x128xi32, #tpu.memory_space<hbm>> -> memref<1x1x128xi32, #tpu.memory_space<hbm>>
    %dma_wait3A_183 = tpu.memref_squeeze %dma_wait3A_182 : memref<1x1x128xi32, #tpu.memory_space<hbm>> -> memref<128xi32, #tpu.memory_space<hbm>>
    tpu.wait_dma2 semaphore(%dma_wait3A_180 : memref<!tpu.dma_semaphore, #tpu.memory_space<semaphore_mem>>) src(%dma_wait3A_183 : memref<128xi32, #tpu.memory_space<hbm>>) dst(%arg12 : memref<128xi32, #tpu.memory_space<vmem>>)
    %dma_start3A_184 = arith.constant 1 : i32
    %dma_start3A_185 = arith.constant 0 : i32
    %dma_start3A_186 = arith.constant 0 : i32
    %dma_start3A_187 = tpu.memref_slice %arg2[%dma_start3A_185, %dma_start3A_186] : memref<2048x64xf32, #tpu.memory_space<hbm>> -> memref<2048x64xf32, #tpu.memory_space<hbm>>
    %dma_start3A_188 = tpu.memref_slice %arg21[%dma_start3A_184] : memref<4x!tpu.dma_semaphore, #tpu.memory_space<semaphore_mem>> -> memref<1x!tpu.dma_semaphore, #tpu.memory_space<semaphore_mem>>
    %dma_start3A_189 = tpu.memref_squeeze %dma_start3A_188 : memref<1x!tpu.dma_semaphore, #tpu.memory_space<semaphore_mem>> -> memref<!tpu.dma_semaphore, #tpu.memory_space<semaphore_mem>>
    tpu.enqueue_indirect_dma source(%dma_start3A_187 : memref<2048x64xf32, #tpu.memory_space<hbm>>) target(%arg18 : memref<128x64xf32, #tpu.memory_space<vmem>>) offsets(%arg12 : memref<128xi32, #tpu.memory_space<vmem>>) semaphore(%dma_start3A_189 : memref<!tpu.dma_semaphore, #tpu.memory_space<semaphore_mem>>)
    %dma_wait3A_190 = arith.constant 2 : i32
    %dma_wait3A_191 = arith.constant 0 : i32
    %dma_wait3A_192 = arith.constant 0 : i32
    %dma_wait3A_193 = tpu.memref_slice %arg2[%dma_wait3A_191, %dma_wait3A_192] : memref<2048x64xf32, #tpu.memory_space<hbm>> -> memref<2048x64xf32, #tpu.memory_space<hbm>>
    %dma_wait3A_194 = tpu.memref_slice %arg21[%dma_wait3A_190] : memref<4x!tpu.dma_semaphore, #tpu.memory_space<semaphore_mem>> -> memref<1x!tpu.dma_semaphore, #tpu.memory_space<semaphore_mem>>
    %dma_wait3A_195 = tpu.memref_squeeze %dma_wait3A_194 : memref<1x!tpu.dma_semaphore, #tpu.memory_space<semaphore_mem>> -> memref<!tpu.dma_semaphore, #tpu.memory_space<semaphore_mem>>
    tpu.wait_indirect_dma semaphore(%dma_wait3A_195 : memref<!tpu.dma_semaphore, #tpu.memory_space<semaphore_mem>>) src(%dma_wait3A_193 : memref<2048x64xf32, #tpu.memory_space<hbm>>) dst(%arg19 : memref<128x64xf32, #tpu.memory_space<vmem>>)
    %run_scoped3A_196 = arith.constant 2 : i32
    "tpu.region"() ({
      %run_scoped3A_272 = tpu.sem_alloc : memref<!tpu.dma_semaphore, #tpu.memory_space<semaphore_mem>>
      %dma_start3A_273 = arith.constant 0 : i32
      %dma_start3A_274 = tpu.memref_slice %arg4[%add3A, %run_scoped3A_196, %dma_start3A_273] : memref<32x8x128xi32, #tpu.memory_space<hbm>> -> memref<1x1x128xi32, #tpu.memory_space<hbm>>
      %dma_start3A_275 = tpu.memref_squeeze %dma_start3A_274 : memref<1x1x128xi32, #tpu.memory_space<hbm>> -> memref<128xi32, #tpu.memory_space<hbm>>
      %dma_start3A_276 = arith.constant 0 : i32
      %dma_start3A_277 = tpu.memref_slice %arg4[%add3A, %run_scoped3A_196, %dma_start3A_276] : memref<32x8x128xi32, #tpu.memory_space<hbm>> -> memref<1x1x128xi32, #tpu.memory_space<hbm>>
      %dma_start3A_278 = tpu.memref_squeeze %dma_start3A_277 : memref<1x1x128xi32, #tpu.memory_space<hbm>> -> memref<128xi32, #tpu.memory_space<hbm>>
      tpu.enqueue_dma source(%dma_start3A_278 : memref<128xi32, #tpu.memory_space<hbm>>) target(%arg15 : memref<128xi32, #tpu.memory_space<vmem>>) target_semaphore(%run_scoped3A_272 : memref<!tpu.dma_semaphore, #tpu.memory_space<semaphore_mem>>)
      %dma_wait3A_279 = arith.constant 0 : i32
      %dma_wait3A_280 = tpu.memref_slice %arg4[%add3A, %run_scoped3A_196, %dma_wait3A_279] : memref<32x8x128xi32, #tpu.memory_space<hbm>> -> memref<1x1x128xi32, #tpu.memory_space<hbm>>
      %dma_wait3A_281 = tpu.memref_squeeze %dma_wait3A_280 : memref<1x1x128xi32, #tpu.memory_space<hbm>> -> memref<128xi32, #tpu.memory_space<hbm>>
      %dma_wait3A_282 = arith.constant 0 : i32
      %dma_wait3A_283 = tpu.memref_slice %arg4[%add3A, %run_scoped3A_196, %dma_wait3A_282] : memref<32x8x128xi32, #tpu.memory_space<hbm>> -> memref<1x1x128xi32, #tpu.memory_space<hbm>>
      %dma_wait3A_284 = tpu.memref_squeeze %dma_wait3A_283 : memref<1x1x128xi32, #tpu.memory_space<hbm>> -> memref<128xi32, #tpu.memory_space<hbm>>
      tpu.wait_dma2 semaphore(%run_scoped3A_272 : memref<!tpu.dma_semaphore, #tpu.memory_space<semaphore_mem>>) src(%dma_wait3A_284 : memref<128xi32, #tpu.memory_space<hbm>>) dst(%arg15 : memref<128xi32, #tpu.memory_space<vmem>>)
      tpu.yield
    }) : () -> ()
    "tpu.region"() ({
      %run_scoped3A_272 = tpu.sem_alloc : memref<!tpu.dma_semaphore, #tpu.memory_space<semaphore_mem>>
      %dma_start3A_273 = arith.constant 0 : i32
      %dma_start3A_274 = arith.constant 0 : i32
      %dma_start3A_275 = tpu.memref_slice %arg25[%dma_start3A_273, %dma_start3A_274] : memref<2048x64xf32, #tpu.memory_space<vmem_shared>> -> memref<2048x64xf32, #tpu.memory_space<vmem_shared>>
      tpu.enqueue_indirect_dma source(%arg19 : memref<128x64xf32, #tpu.memory_space<vmem>>) target(%dma_start3A_275 : memref<2048x64xf32, #tpu.memory_space<vmem_shared>>) offsets(%arg15 : memref<128xi32, #tpu.memory_space<vmem>>) semaphore(%run_scoped3A_272 : memref<!tpu.dma_semaphore, #tpu.memory_space<semaphore_mem>>) {add = true}
      %dma_wait3A_276 = arith.constant 0 : i32
      %dma_wait3A_277 = arith.constant 0 : i32
      %dma_wait3A_278 = tpu.memref_slice %arg25[%dma_wait3A_276, %dma_wait3A_277] : memref<2048x64xf32, #tpu.memory_space<vmem_shared>> -> memref<2048x64xf32, #tpu.memory_space<vmem_shared>>
      tpu.wait_indirect_dma semaphore(%run_scoped3A_272 : memref<!tpu.dma_semaphore, #tpu.memory_space<semaphore_mem>>) src(%arg19 : memref<128x64xf32, #tpu.memory_space<vmem>>) dst(%dma_wait3A_278 : memref<2048x64xf32, #tpu.memory_space<vmem_shared>>)
      tpu.yield
    }) : () -> ()
    %dma_wait3A_197 = arith.constant 6 : i32
    %dma_wait3A_198 = arith.constant 6 : i32
    %dma_wait3A_199 = arith.constant 0 : i32
    %dma_wait3A_200 = tpu.memref_slice %arg3[%add3A, %dma_wait3A_197, %dma_wait3A_199] : memref<32x8x128xi32, #tpu.memory_space<hbm>> -> memref<1x1x128xi32, #tpu.memory_space<hbm>>
    %dma_wait3A_201 = tpu.memref_squeeze %dma_wait3A_200 : memref<1x1x128xi32, #tpu.memory_space<hbm>> -> memref<128xi32, #tpu.memory_space<hbm>>
    %dma_wait3A_202 = tpu.memref_slice %arg24[%dma_wait3A_198] : memref<8x!tpu.dma_semaphore, #tpu.memory_space<semaphore_mem>> -> memref<1x!tpu.dma_semaphore, #tpu.memory_space<semaphore_mem>>
    %dma_wait3A_203 = tpu.memref_squeeze %dma_wait3A_202 : memref<1x!tpu.dma_semaphore, #tpu.memory_space<semaphore_mem>> -> memref<!tpu.dma_semaphore, #tpu.memory_space<semaphore_mem>>
    %dma_wait3A_204 = arith.constant 0 : i32
    %dma_wait3A_205 = tpu.memref_slice %arg3[%add3A, %dma_wait3A_197, %dma_wait3A_204] : memref<32x8x128xi32, #tpu.memory_space<hbm>> -> memref<1x1x128xi32, #tpu.memory_space<hbm>>
    %dma_wait3A_206 = tpu.memref_squeeze %dma_wait3A_205 : memref<1x1x128xi32, #tpu.memory_space<hbm>> -> memref<128xi32, #tpu.memory_space<hbm>>
    tpu.wait_dma2 semaphore(%dma_wait3A_203 : memref<!tpu.dma_semaphore, #tpu.memory_space<semaphore_mem>>) src(%dma_wait3A_206 : memref<128xi32, #tpu.memory_space<hbm>>) dst(%arg13 : memref<128xi32, #tpu.memory_space<vmem>>)
    %dma_start3A_207 = arith.constant 2 : i32
    %dma_start3A_208 = arith.constant 0 : i32
    %dma_start3A_209 = arith.constant 0 : i32
    %dma_start3A_210 = tpu.memref_slice %arg2[%dma_start3A_208, %dma_start3A_209] : memref<2048x64xf32, #tpu.memory_space<hbm>> -> memref<2048x64xf32, #tpu.memory_space<hbm>>
    %dma_start3A_211 = tpu.memref_slice %arg21[%dma_start3A_207] : memref<4x!tpu.dma_semaphore, #tpu.memory_space<semaphore_mem>> -> memref<1x!tpu.dma_semaphore, #tpu.memory_space<semaphore_mem>>
    %dma_start3A_212 = tpu.memref_squeeze %dma_start3A_211 : memref<1x!tpu.dma_semaphore, #tpu.memory_space<semaphore_mem>> -> memref<!tpu.dma_semaphore, #tpu.memory_space<semaphore_mem>>
    tpu.enqueue_indirect_dma source(%dma_start3A_210 : memref<2048x64xf32, #tpu.memory_space<hbm>>) target(%arg19 : memref<128x64xf32, #tpu.memory_space<vmem>>) offsets(%arg13 : memref<128xi32, #tpu.memory_space<vmem>>) semaphore(%dma_start3A_212 : memref<!tpu.dma_semaphore, #tpu.memory_space<semaphore_mem>>)
    %dma_wait3A_213 = arith.constant 3 : i32
    %dma_wait3A_214 = arith.constant 0 : i32
    %dma_wait3A_215 = arith.constant 0 : i32
    %dma_wait3A_216 = tpu.memref_slice %arg2[%dma_wait3A_214, %dma_wait3A_215] : memref<2048x64xf32, #tpu.memory_space<hbm>> -> memref<2048x64xf32, #tpu.memory_space<hbm>>
    %dma_wait3A_217 = tpu.memref_slice %arg21[%dma_wait3A_213] : memref<4x!tpu.dma_semaphore, #tpu.memory_space<semaphore_mem>> -> memref<1x!tpu.dma_semaphore, #tpu.memory_space<semaphore_mem>>
    %dma_wait3A_218 = tpu.memref_squeeze %dma_wait3A_217 : memref<1x!tpu.dma_semaphore, #tpu.memory_space<semaphore_mem>> -> memref<!tpu.dma_semaphore, #tpu.memory_space<semaphore_mem>>
    tpu.wait_indirect_dma semaphore(%dma_wait3A_218 : memref<!tpu.dma_semaphore, #tpu.memory_space<semaphore_mem>>) src(%dma_wait3A_216 : memref<2048x64xf32, #tpu.memory_space<hbm>>) dst(%arg20 : memref<128x64xf32, #tpu.memory_space<vmem>>)
    %run_scoped3A_219 = arith.constant 3 : i32
    "tpu.region"() ({
      %run_scoped3A_272 = tpu.sem_alloc : memref<!tpu.dma_semaphore, #tpu.memory_space<semaphore_mem>>
      %dma_start3A_273 = arith.constant 0 : i32
      %dma_start3A_274 = tpu.memref_slice %arg4[%add3A, %run_scoped3A_219, %dma_start3A_273] : memref<32x8x128xi32, #tpu.memory_space<hbm>> -> memref<1x1x128xi32, #tpu.memory_space<hbm>>
      %dma_start3A_275 = tpu.memref_squeeze %dma_start3A_274 : memref<1x1x128xi32, #tpu.memory_space<hbm>> -> memref<128xi32, #tpu.memory_space<hbm>>
      %dma_start3A_276 = arith.constant 0 : i32
      %dma_start3A_277 = tpu.memref_slice %arg4[%add3A, %run_scoped3A_219, %dma_start3A_276] : memref<32x8x128xi32, #tpu.memory_space<hbm>> -> memref<1x1x128xi32, #tpu.memory_space<hbm>>
      %dma_start3A_278 = tpu.memref_squeeze %dma_start3A_277 : memref<1x1x128xi32, #tpu.memory_space<hbm>> -> memref<128xi32, #tpu.memory_space<hbm>>
      tpu.enqueue_dma source(%dma_start3A_278 : memref<128xi32, #tpu.memory_space<hbm>>) target(%arg16 : memref<128xi32, #tpu.memory_space<vmem>>) target_semaphore(%run_scoped3A_272 : memref<!tpu.dma_semaphore, #tpu.memory_space<semaphore_mem>>)
      %dma_wait3A_279 = arith.constant 0 : i32
      %dma_wait3A_280 = tpu.memref_slice %arg4[%add3A, %run_scoped3A_219, %dma_wait3A_279] : memref<32x8x128xi32, #tpu.memory_space<hbm>> -> memref<1x1x128xi32, #tpu.memory_space<hbm>>
      %dma_wait3A_281 = tpu.memref_squeeze %dma_wait3A_280 : memref<1x1x128xi32, #tpu.memory_space<hbm>> -> memref<128xi32, #tpu.memory_space<hbm>>
      %dma_wait3A_282 = arith.constant 0 : i32
      %dma_wait3A_283 = tpu.memref_slice %arg4[%add3A, %run_scoped3A_219, %dma_wait3A_282] : memref<32x8x128xi32, #tpu.memory_space<hbm>> -> memref<1x1x128xi32, #tpu.memory_space<hbm>>
      %dma_wait3A_284 = tpu.memref_squeeze %dma_wait3A_283 : memref<1x1x128xi32, #tpu.memory_space<hbm>> -> memref<128xi32, #tpu.memory_space<hbm>>
      tpu.wait_dma2 semaphore(%run_scoped3A_272 : memref<!tpu.dma_semaphore, #tpu.memory_space<semaphore_mem>>) src(%dma_wait3A_284 : memref<128xi32, #tpu.memory_space<hbm>>) dst(%arg16 : memref<128xi32, #tpu.memory_space<vmem>>)
      tpu.yield
    }) : () -> ()
    "tpu.region"() ({
      %run_scoped3A_272 = tpu.sem_alloc : memref<!tpu.dma_semaphore, #tpu.memory_space<semaphore_mem>>
      %dma_start3A_273 = arith.constant 0 : i32
      %dma_start3A_274 = arith.constant 0 : i32
      %dma_start3A_275 = tpu.memref_slice %arg25[%dma_start3A_273, %dma_start3A_274] : memref<2048x64xf32, #tpu.memory_space<vmem_shared>> -> memref<2048x64xf32, #tpu.memory_space<vmem_shared>>
      tpu.enqueue_indirect_dma source(%arg20 : memref<128x64xf32, #tpu.memory_space<vmem>>) target(%dma_start3A_275 : memref<2048x64xf32, #tpu.memory_space<vmem_shared>>) offsets(%arg16 : memref<128xi32, #tpu.memory_space<vmem>>) semaphore(%run_scoped3A_272 : memref<!tpu.dma_semaphore, #tpu.memory_space<semaphore_mem>>) {add = true}
      %dma_wait3A_276 = arith.constant 0 : i32
      %dma_wait3A_277 = arith.constant 0 : i32
      %dma_wait3A_278 = tpu.memref_slice %arg25[%dma_wait3A_276, %dma_wait3A_277] : memref<2048x64xf32, #tpu.memory_space<vmem_shared>> -> memref<2048x64xf32, #tpu.memory_space<vmem_shared>>
      tpu.wait_indirect_dma semaphore(%run_scoped3A_272 : memref<!tpu.dma_semaphore, #tpu.memory_space<semaphore_mem>>) src(%arg20 : memref<128x64xf32, #tpu.memory_space<vmem>>) dst(%dma_wait3A_278 : memref<2048x64xf32, #tpu.memory_space<vmem_shared>>)
      tpu.yield
    }) : () -> ()
    %dma_wait3A_220 = arith.constant 7 : i32
    %dma_wait3A_221 = arith.constant 7 : i32
    %dma_wait3A_222 = arith.constant 0 : i32
    %dma_wait3A_223 = tpu.memref_slice %arg3[%add3A, %dma_wait3A_220, %dma_wait3A_222] : memref<32x8x128xi32, #tpu.memory_space<hbm>> -> memref<1x1x128xi32, #tpu.memory_space<hbm>>
    %dma_wait3A_224 = tpu.memref_squeeze %dma_wait3A_223 : memref<1x1x128xi32, #tpu.memory_space<hbm>> -> memref<128xi32, #tpu.memory_space<hbm>>
    %dma_wait3A_225 = tpu.memref_slice %arg24[%dma_wait3A_221] : memref<8x!tpu.dma_semaphore, #tpu.memory_space<semaphore_mem>> -> memref<1x!tpu.dma_semaphore, #tpu.memory_space<semaphore_mem>>
    %dma_wait3A_226 = tpu.memref_squeeze %dma_wait3A_225 : memref<1x!tpu.dma_semaphore, #tpu.memory_space<semaphore_mem>> -> memref<!tpu.dma_semaphore, #tpu.memory_space<semaphore_mem>>
    %dma_wait3A_227 = arith.constant 0 : i32
    %dma_wait3A_228 = tpu.memref_slice %arg3[%add3A, %dma_wait3A_220, %dma_wait3A_227] : memref<32x8x128xi32, #tpu.memory_space<hbm>> -> memref<1x1x128xi32, #tpu.memory_space<hbm>>
    %dma_wait3A_229 = tpu.memref_squeeze %dma_wait3A_228 : memref<1x1x128xi32, #tpu.memory_space<hbm>> -> memref<128xi32, #tpu.memory_space<hbm>>
    tpu.wait_dma2 semaphore(%dma_wait3A_226 : memref<!tpu.dma_semaphore, #tpu.memory_space<semaphore_mem>>) src(%dma_wait3A_229 : memref<128xi32, #tpu.memory_space<hbm>>) dst(%arg14 : memref<128xi32, #tpu.memory_space<vmem>>)
    %dma_start3A_230 = arith.constant 3 : i32
    %dma_start3A_231 = arith.constant 0 : i32
    %dma_start3A_232 = arith.constant 0 : i32
    %dma_start3A_233 = tpu.memref_slice %arg2[%dma_start3A_231, %dma_start3A_232] : memref<2048x64xf32, #tpu.memory_space<hbm>> -> memref<2048x64xf32, #tpu.memory_space<hbm>>
    %dma_start3A_234 = tpu.memref_slice %arg21[%dma_start3A_230] : memref<4x!tpu.dma_semaphore, #tpu.memory_space<semaphore_mem>> -> memref<1x!tpu.dma_semaphore, #tpu.memory_space<semaphore_mem>>
    %dma_start3A_235 = tpu.memref_squeeze %dma_start3A_234 : memref<1x!tpu.dma_semaphore, #tpu.memory_space<semaphore_mem>> -> memref<!tpu.dma_semaphore, #tpu.memory_space<semaphore_mem>>
    tpu.enqueue_indirect_dma source(%dma_start3A_233 : memref<2048x64xf32, #tpu.memory_space<hbm>>) target(%arg20 : memref<128x64xf32, #tpu.memory_space<vmem>>) offsets(%arg14 : memref<128xi32, #tpu.memory_space<vmem>>) semaphore(%dma_start3A_235 : memref<!tpu.dma_semaphore, #tpu.memory_space<semaphore_mem>>)
    %dma_wait3A_236 = arith.constant 0 : i32
    %dma_wait3A_237 = arith.constant 0 : i32
    %dma_wait3A_238 = arith.constant 0 : i32
    %dma_wait3A_239 = tpu.memref_slice %arg2[%dma_wait3A_237, %dma_wait3A_238] : memref<2048x64xf32, #tpu.memory_space<hbm>> -> memref<2048x64xf32, #tpu.memory_space<hbm>>
    %dma_wait3A_240 = tpu.memref_slice %arg21[%dma_wait3A_236] : memref<4x!tpu.dma_semaphore, #tpu.memory_space<semaphore_mem>> -> memref<1x!tpu.dma_semaphore, #tpu.memory_space<semaphore_mem>>
    %dma_wait3A_241 = tpu.memref_squeeze %dma_wait3A_240 : memref<1x!tpu.dma_semaphore, #tpu.memory_space<semaphore_mem>> -> memref<!tpu.dma_semaphore, #tpu.memory_space<semaphore_mem>>
    tpu.wait_indirect_dma semaphore(%dma_wait3A_241 : memref<!tpu.dma_semaphore, #tpu.memory_space<semaphore_mem>>) src(%dma_wait3A_239 : memref<2048x64xf32, #tpu.memory_space<hbm>>) dst(%arg17 : memref<128x64xf32, #tpu.memory_space<vmem>>)
    %run_scoped3A_242 = arith.constant 4 : i32
    "tpu.region"() ({
      %run_scoped3A_272 = tpu.sem_alloc : memref<!tpu.dma_semaphore, #tpu.memory_space<semaphore_mem>>
      %dma_start3A_273 = arith.constant 0 : i32
      %dma_start3A_274 = tpu.memref_slice %arg4[%add3A, %run_scoped3A_242, %dma_start3A_273] : memref<32x8x128xi32, #tpu.memory_space<hbm>> -> memref<1x1x128xi32, #tpu.memory_space<hbm>>
      %dma_start3A_275 = tpu.memref_squeeze %dma_start3A_274 : memref<1x1x128xi32, #tpu.memory_space<hbm>> -> memref<128xi32, #tpu.memory_space<hbm>>
      %dma_start3A_276 = arith.constant 0 : i32
      %dma_start3A_277 = tpu.memref_slice %arg4[%add3A, %run_scoped3A_242, %dma_start3A_276] : memref<32x8x128xi32, #tpu.memory_space<hbm>> -> memref<1x1x128xi32, #tpu.memory_space<hbm>>
      %dma_start3A_278 = tpu.memref_squeeze %dma_start3A_277 : memref<1x1x128xi32, #tpu.memory_space<hbm>> -> memref<128xi32, #tpu.memory_space<hbm>>
      tpu.enqueue_dma source(%dma_start3A_278 : memref<128xi32, #tpu.memory_space<hbm>>) target(%arg15 : memref<128xi32, #tpu.memory_space<vmem>>) target_semaphore(%run_scoped3A_272 : memref<!tpu.dma_semaphore, #tpu.memory_space<semaphore_mem>>)
      %dma_wait3A_279 = arith.constant 0 : i32
      %dma_wait3A_280 = tpu.memref_slice %arg4[%add3A, %run_scoped3A_242, %dma_wait3A_279] : memref<32x8x128xi32, #tpu.memory_space<hbm>> -> memref<1x1x128xi32, #tpu.memory_space<hbm>>
      %dma_wait3A_281 = tpu.memref_squeeze %dma_wait3A_280 : memref<1x1x128xi32, #tpu.memory_space<hbm>> -> memref<128xi32, #tpu.memory_space<hbm>>
      %dma_wait3A_282 = arith.constant 0 : i32
      %dma_wait3A_283 = tpu.memref_slice %arg4[%add3A, %run_scoped3A_242, %dma_wait3A_282] : memref<32x8x128xi32, #tpu.memory_space<hbm>> -> memref<1x1x128xi32, #tpu.memory_space<hbm>>
      %dma_wait3A_284 = tpu.memref_squeeze %dma_wait3A_283 : memref<1x1x128xi32, #tpu.memory_space<hbm>> -> memref<128xi32, #tpu.memory_space<hbm>>
      tpu.wait_dma2 semaphore(%run_scoped3A_272 : memref<!tpu.dma_semaphore, #tpu.memory_space<semaphore_mem>>) src(%dma_wait3A_284 : memref<128xi32, #tpu.memory_space<hbm>>) dst(%arg15 : memref<128xi32, #tpu.memory_space<vmem>>)
      tpu.yield
    }) : () -> ()
    "tpu.region"() ({
      %run_scoped3A_272 = tpu.sem_alloc : memref<!tpu.dma_semaphore, #tpu.memory_space<semaphore_mem>>
      %dma_start3A_273 = arith.constant 0 : i32
      %dma_start3A_274 = arith.constant 0 : i32
      %dma_start3A_275 = tpu.memref_slice %arg25[%dma_start3A_273, %dma_start3A_274] : memref<2048x64xf32, #tpu.memory_space<vmem_shared>> -> memref<2048x64xf32, #tpu.memory_space<vmem_shared>>
      tpu.enqueue_indirect_dma source(%arg17 : memref<128x64xf32, #tpu.memory_space<vmem>>) target(%dma_start3A_275 : memref<2048x64xf32, #tpu.memory_space<vmem_shared>>) offsets(%arg15 : memref<128xi32, #tpu.memory_space<vmem>>) semaphore(%run_scoped3A_272 : memref<!tpu.dma_semaphore, #tpu.memory_space<semaphore_mem>>) {add = true}
      %dma_wait3A_276 = arith.constant 0 : i32
      %dma_wait3A_277 = arith.constant 0 : i32
      %dma_wait3A_278 = tpu.memref_slice %arg25[%dma_wait3A_276, %dma_wait3A_277] : memref<2048x64xf32, #tpu.memory_space<vmem_shared>> -> memref<2048x64xf32, #tpu.memory_space<vmem_shared>>
      tpu.wait_indirect_dma semaphore(%run_scoped3A_272 : memref<!tpu.dma_semaphore, #tpu.memory_space<semaphore_mem>>) src(%arg17 : memref<128x64xf32, #tpu.memory_space<vmem>>) dst(%dma_wait3A_278 : memref<2048x64xf32, #tpu.memory_space<vmem_shared>>)
      tpu.yield
    }) : () -> ()
    %dma_wait3A_243 = arith.constant 1 : i32
    %dma_wait3A_244 = arith.constant 0 : i32
    %dma_wait3A_245 = arith.constant 0 : i32
    %dma_wait3A_246 = tpu.memref_slice %arg2[%dma_wait3A_244, %dma_wait3A_245] : memref<2048x64xf32, #tpu.memory_space<hbm>> -> memref<2048x64xf32, #tpu.memory_space<hbm>>
    %dma_wait3A_247 = tpu.memref_slice %arg21[%dma_wait3A_243] : memref<4x!tpu.dma_semaphore, #tpu.memory_space<semaphore_mem>> -> memref<1x!tpu.dma_semaphore, #tpu.memory_space<semaphore_mem>>
    %dma_wait3A_248 = tpu.memref_squeeze %dma_wait3A_247 : memref<1x!tpu.dma_semaphore, #tpu.memory_space<semaphore_mem>> -> memref<!tpu.dma_semaphore, #tpu.memory_space<semaphore_mem>>
    tpu.wait_indirect_dma semaphore(%dma_wait3A_248 : memref<!tpu.dma_semaphore, #tpu.memory_space<semaphore_mem>>) src(%dma_wait3A_246 : memref<2048x64xf32, #tpu.memory_space<hbm>>) dst(%arg18 : memref<128x64xf32, #tpu.memory_space<vmem>>)
    %run_scoped3A_249 = arith.constant 5 : i32
    "tpu.region"() ({
      %run_scoped3A_272 = tpu.sem_alloc : memref<!tpu.dma_semaphore, #tpu.memory_space<semaphore_mem>>
      %dma_start3A_273 = arith.constant 0 : i32
      %dma_start3A_274 = tpu.memref_slice %arg4[%add3A, %run_scoped3A_249, %dma_start3A_273] : memref<32x8x128xi32, #tpu.memory_space<hbm>> -> memref<1x1x128xi32, #tpu.memory_space<hbm>>
      %dma_start3A_275 = tpu.memref_squeeze %dma_start3A_274 : memref<1x1x128xi32, #tpu.memory_space<hbm>> -> memref<128xi32, #tpu.memory_space<hbm>>
      %dma_start3A_276 = arith.constant 0 : i32
      %dma_start3A_277 = tpu.memref_slice %arg4[%add3A, %run_scoped3A_249, %dma_start3A_276] : memref<32x8x128xi32, #tpu.memory_space<hbm>> -> memref<1x1x128xi32, #tpu.memory_space<hbm>>
      %dma_start3A_278 = tpu.memref_squeeze %dma_start3A_277 : memref<1x1x128xi32, #tpu.memory_space<hbm>> -> memref<128xi32, #tpu.memory_space<hbm>>
      tpu.enqueue_dma source(%dma_start3A_278 : memref<128xi32, #tpu.memory_space<hbm>>) target(%arg16 : memref<128xi32, #tpu.memory_space<vmem>>) target_semaphore(%run_scoped3A_272 : memref<!tpu.dma_semaphore, #tpu.memory_space<semaphore_mem>>)
      %dma_wait3A_279 = arith.constant 0 : i32
      %dma_wait3A_280 = tpu.memref_slice %arg4[%add3A, %run_scoped3A_249, %dma_wait3A_279] : memref<32x8x128xi32, #tpu.memory_space<hbm>> -> memref<1x1x128xi32, #tpu.memory_space<hbm>>
      %dma_wait3A_281 = tpu.memref_squeeze %dma_wait3A_280 : memref<1x1x128xi32, #tpu.memory_space<hbm>> -> memref<128xi32, #tpu.memory_space<hbm>>
      %dma_wait3A_282 = arith.constant 0 : i32
      %dma_wait3A_283 = tpu.memref_slice %arg4[%add3A, %run_scoped3A_249, %dma_wait3A_282] : memref<32x8x128xi32, #tpu.memory_space<hbm>> -> memref<1x1x128xi32, #tpu.memory_space<hbm>>
      %dma_wait3A_284 = tpu.memref_squeeze %dma_wait3A_283 : memref<1x1x128xi32, #tpu.memory_space<hbm>> -> memref<128xi32, #tpu.memory_space<hbm>>
      tpu.wait_dma2 semaphore(%run_scoped3A_272 : memref<!tpu.dma_semaphore, #tpu.memory_space<semaphore_mem>>) src(%dma_wait3A_284 : memref<128xi32, #tpu.memory_space<hbm>>) dst(%arg16 : memref<128xi32, #tpu.memory_space<vmem>>)
      tpu.yield
    }) : () -> ()
    "tpu.region"() ({
      %run_scoped3A_272 = tpu.sem_alloc : memref<!tpu.dma_semaphore, #tpu.memory_space<semaphore_mem>>
      %dma_start3A_273 = arith.constant 0 : i32
      %dma_start3A_274 = arith.constant 0 : i32
      %dma_start3A_275 = tpu.memref_slice %arg25[%dma_start3A_273, %dma_start3A_274] : memref<2048x64xf32, #tpu.memory_space<vmem_shared>> -> memref<2048x64xf32, #tpu.memory_space<vmem_shared>>
      tpu.enqueue_indirect_dma source(%arg18 : memref<128x64xf32, #tpu.memory_space<vmem>>) target(%dma_start3A_275 : memref<2048x64xf32, #tpu.memory_space<vmem_shared>>) offsets(%arg16 : memref<128xi32, #tpu.memory_space<vmem>>) semaphore(%run_scoped3A_272 : memref<!tpu.dma_semaphore, #tpu.memory_space<semaphore_mem>>) {add = true}
      %dma_wait3A_276 = arith.constant 0 : i32
      %dma_wait3A_277 = arith.constant 0 : i32
      %dma_wait3A_278 = tpu.memref_slice %arg25[%dma_wait3A_276, %dma_wait3A_277] : memref<2048x64xf32, #tpu.memory_space<vmem_shared>> -> memref<2048x64xf32, #tpu.memory_space<vmem_shared>>
      tpu.wait_indirect_dma semaphore(%run_scoped3A_272 : memref<!tpu.dma_semaphore, #tpu.memory_space<semaphore_mem>>) src(%arg18 : memref<128x64xf32, #tpu.memory_space<vmem>>) dst(%dma_wait3A_278 : memref<2048x64xf32, #tpu.memory_space<vmem_shared>>)
      tpu.yield
    }) : () -> ()
    %dma_wait3A_250 = arith.constant 2 : i32
    %dma_wait3A_251 = arith.constant 0 : i32
    %dma_wait3A_252 = arith.constant 0 : i32
    %dma_wait3A_253 = tpu.memref_slice %arg2[%dma_wait3A_251, %dma_wait3A_252] : memref<2048x64xf32, #tpu.memory_space<hbm>> -> memref<2048x64xf32, #tpu.memory_space<hbm>>
    %dma_wait3A_254 = tpu.memref_slice %arg21[%dma_wait3A_250] : memref<4x!tpu.dma_semaphore, #tpu.memory_space<semaphore_mem>> -> memref<1x!tpu.dma_semaphore, #tpu.memory_space<semaphore_mem>>
    %dma_wait3A_255 = tpu.memref_squeeze %dma_wait3A_254 : memref<1x!tpu.dma_semaphore, #tpu.memory_space<semaphore_mem>> -> memref<!tpu.dma_semaphore, #tpu.memory_space<semaphore_mem>>
    tpu.wait_indirect_dma semaphore(%dma_wait3A_255 : memref<!tpu.dma_semaphore, #tpu.memory_space<semaphore_mem>>) src(%dma_wait3A_253 : memref<2048x64xf32, #tpu.memory_space<hbm>>) dst(%arg19 : memref<128x64xf32, #tpu.memory_space<vmem>>)
    %run_scoped3A_256 = arith.constant 6 : i32
    "tpu.region"() ({
      %run_scoped3A_272 = tpu.sem_alloc : memref<!tpu.dma_semaphore, #tpu.memory_space<semaphore_mem>>
      %dma_start3A_273 = arith.constant 0 : i32
      %dma_start3A_274 = tpu.memref_slice %arg4[%add3A, %run_scoped3A_256, %dma_start3A_273] : memref<32x8x128xi32, #tpu.memory_space<hbm>> -> memref<1x1x128xi32, #tpu.memory_space<hbm>>
      %dma_start3A_275 = tpu.memref_squeeze %dma_start3A_274 : memref<1x1x128xi32, #tpu.memory_space<hbm>> -> memref<128xi32, #tpu.memory_space<hbm>>
      %dma_start3A_276 = arith.constant 0 : i32
      %dma_start3A_277 = tpu.memref_slice %arg4[%add3A, %run_scoped3A_256, %dma_start3A_276] : memref<32x8x128xi32, #tpu.memory_space<hbm>> -> memref<1x1x128xi32, #tpu.memory_space<hbm>>
      %dma_start3A_278 = tpu.memref_squeeze %dma_start3A_277 : memref<1x1x128xi32, #tpu.memory_space<hbm>> -> memref<128xi32, #tpu.memory_space<hbm>>
      tpu.enqueue_dma source(%dma_start3A_278 : memref<128xi32, #tpu.memory_space<hbm>>) target(%arg15 : memref<128xi32, #tpu.memory_space<vmem>>) target_semaphore(%run_scoped3A_272 : memref<!tpu.dma_semaphore, #tpu.memory_space<semaphore_mem>>)
      %dma_wait3A_279 = arith.constant 0 : i32
      %dma_wait3A_280 = tpu.memref_slice %arg4[%add3A, %run_scoped3A_256, %dma_wait3A_279] : memref<32x8x128xi32, #tpu.memory_space<hbm>> -> memref<1x1x128xi32, #tpu.memory_space<hbm>>
      %dma_wait3A_281 = tpu.memref_squeeze %dma_wait3A_280 : memref<1x1x128xi32, #tpu.memory_space<hbm>> -> memref<128xi32, #tpu.memory_space<hbm>>
      %dma_wait3A_282 = arith.constant 0 : i32
      %dma_wait3A_283 = tpu.memref_slice %arg4[%add3A, %run_scoped3A_256, %dma_wait3A_282] : memref<32x8x128xi32, #tpu.memory_space<hbm>> -> memref<1x1x128xi32, #tpu.memory_space<hbm>>
      %dma_wait3A_284 = tpu.memref_squeeze %dma_wait3A_283 : memref<1x1x128xi32, #tpu.memory_space<hbm>> -> memref<128xi32, #tpu.memory_space<hbm>>
      tpu.wait_dma2 semaphore(%run_scoped3A_272 : memref<!tpu.dma_semaphore, #tpu.memory_space<semaphore_mem>>) src(%dma_wait3A_284 : memref<128xi32, #tpu.memory_space<hbm>>) dst(%arg15 : memref<128xi32, #tpu.memory_space<vmem>>)
      tpu.yield
    }) : () -> ()
    "tpu.region"() ({
      %run_scoped3A_272 = tpu.sem_alloc : memref<!tpu.dma_semaphore, #tpu.memory_space<semaphore_mem>>
      %dma_start3A_273 = arith.constant 0 : i32
      %dma_start3A_274 = arith.constant 0 : i32
      %dma_start3A_275 = tpu.memref_slice %arg25[%dma_start3A_273, %dma_start3A_274] : memref<2048x64xf32, #tpu.memory_space<vmem_shared>> -> memref<2048x64xf32, #tpu.memory_space<vmem_shared>>
      tpu.enqueue_indirect_dma source(%arg19 : memref<128x64xf32, #tpu.memory_space<vmem>>) target(%dma_start3A_275 : memref<2048x64xf32, #tpu.memory_space<vmem_shared>>) offsets(%arg15 : memref<128xi32, #tpu.memory_space<vmem>>) semaphore(%run_scoped3A_272 : memref<!tpu.dma_semaphore, #tpu.memory_space<semaphore_mem>>) {add = true}
      %dma_wait3A_276 = arith.constant 0 : i32
      %dma_wait3A_277 = arith.constant 0 : i32
      %dma_wait3A_278 = tpu.memref_slice %arg25[%dma_wait3A_276, %dma_wait3A_277] : memref<2048x64xf32, #tpu.memory_space<vmem_shared>> -> memref<2048x64xf32, #tpu.memory_space<vmem_shared>>
      tpu.wait_indirect_dma semaphore(%run_scoped3A_272 : memref<!tpu.dma_semaphore, #tpu.memory_space<semaphore_mem>>) src(%arg19 : memref<128x64xf32, #tpu.memory_space<vmem>>) dst(%dma_wait3A_278 : memref<2048x64xf32, #tpu.memory_space<vmem_shared>>)
      tpu.yield
    }) : () -> ()
    %dma_wait3A_257 = arith.constant 3 : i32
    %dma_wait3A_258 = arith.constant 0 : i32
    %dma_wait3A_259 = arith.constant 0 : i32
    %dma_wait3A_260 = tpu.memref_slice %arg2[%dma_wait3A_258, %dma_wait3A_259] : memref<2048x64xf32, #tpu.memory_space<hbm>> -> memref<2048x64xf32, #tpu.memory_space<hbm>>
    %dma_wait3A_261 = tpu.memref_slice %arg21[%dma_wait3A_257] : memref<4x!tpu.dma_semaphore, #tpu.memory_space<semaphore_mem>> -> memref<1x!tpu.dma_semaphore, #tpu.memory_space<semaphore_mem>>
    %dma_wait3A_262 = tpu.memref_squeeze %dma_wait3A_261 : memref<1x!tpu.dma_semaphore, #tpu.memory_space<semaphore_mem>> -> memref<!tpu.dma_semaphore, #tpu.memory_space<semaphore_mem>>
    tpu.wait_indirect_dma semaphore(%dma_wait3A_262 : memref<!tpu.dma_semaphore, #tpu.memory_space<semaphore_mem>>) src(%dma_wait3A_260 : memref<2048x64xf32, #tpu.memory_space<hbm>>) dst(%arg20 : memref<128x64xf32, #tpu.memory_space<vmem>>)
    %run_scoped3A_263 = arith.constant 7 : i32
    "tpu.region"() ({
      %run_scoped3A_272 = tpu.sem_alloc : memref<!tpu.dma_semaphore, #tpu.memory_space<semaphore_mem>>
      %dma_start3A_273 = arith.constant 0 : i32
      %dma_start3A_274 = tpu.memref_slice %arg4[%add3A, %run_scoped3A_263, %dma_start3A_273] : memref<32x8x128xi32, #tpu.memory_space<hbm>> -> memref<1x1x128xi32, #tpu.memory_space<hbm>>
      %dma_start3A_275 = tpu.memref_squeeze %dma_start3A_274 : memref<1x1x128xi32, #tpu.memory_space<hbm>> -> memref<128xi32, #tpu.memory_space<hbm>>
      %dma_start3A_276 = arith.constant 0 : i32
      %dma_start3A_277 = tpu.memref_slice %arg4[%add3A, %run_scoped3A_263, %dma_start3A_276] : memref<32x8x128xi32, #tpu.memory_space<hbm>> -> memref<1x1x128xi32, #tpu.memory_space<hbm>>
      %dma_start3A_278 = tpu.memref_squeeze %dma_start3A_277 : memref<1x1x128xi32, #tpu.memory_space<hbm>> -> memref<128xi32, #tpu.memory_space<hbm>>
      tpu.enqueue_dma source(%dma_start3A_278 : memref<128xi32, #tpu.memory_space<hbm>>) target(%arg16 : memref<128xi32, #tpu.memory_space<vmem>>) target_semaphore(%run_scoped3A_272 : memref<!tpu.dma_semaphore, #tpu.memory_space<semaphore_mem>>)
      %dma_wait3A_279 = arith.constant 0 : i32
      %dma_wait3A_280 = tpu.memref_slice %arg4[%add3A, %run_scoped3A_263, %dma_wait3A_279] : memref<32x8x128xi32, #tpu.memory_space<hbm>> -> memref<1x1x128xi32, #tpu.memory_space<hbm>>
      %dma_wait3A_281 = tpu.memref_squeeze %dma_wait3A_280 : memref<1x1x128xi32, #tpu.memory_space<hbm>> -> memref<128xi32, #tpu.memory_space<hbm>>
      %dma_wait3A_282 = arith.constant 0 : i32
      %dma_wait3A_283 = tpu.memref_slice %arg4[%add3A, %run_scoped3A_263, %dma_wait3A_282] : memref<32x8x128xi32, #tpu.memory_space<hbm>> -> memref<1x1x128xi32, #tpu.memory_space<hbm>>
      %dma_wait3A_284 = tpu.memref_squeeze %dma_wait3A_283 : memref<1x1x128xi32, #tpu.memory_space<hbm>> -> memref<128xi32, #tpu.memory_space<hbm>>
      tpu.wait_dma2 semaphore(%run_scoped3A_272 : memref<!tpu.dma_semaphore, #tpu.memory_space<semaphore_mem>>) src(%dma_wait3A_284 : memref<128xi32, #tpu.memory_space<hbm>>) dst(%arg16 : memref<128xi32, #tpu.memory_space<vmem>>)
      tpu.yield
    }) : () -> ()
    "tpu.region"() ({
      %run_scoped3A_272 = tpu.sem_alloc : memref<!tpu.dma_semaphore, #tpu.memory_space<semaphore_mem>>
      %dma_start3A_273 = arith.constant 0 : i32
      %dma_start3A_274 = arith.constant 0 : i32
      %dma_start3A_275 = tpu.memref_slice %arg25[%dma_start3A_273, %dma_start3A_274] : memref<2048x64xf32, #tpu.memory_space<vmem_shared>> -> memref<2048x64xf32, #tpu.memory_space<vmem_shared>>
      tpu.enqueue_indirect_dma source(%arg20 : memref<128x64xf32, #tpu.memory_space<vmem>>) target(%dma_start3A_275 : memref<2048x64xf32, #tpu.memory_space<vmem_shared>>) offsets(%arg16 : memref<128xi32, #tpu.memory_space<vmem>>) semaphore(%run_scoped3A_272 : memref<!tpu.dma_semaphore, #tpu.memory_space<semaphore_mem>>) {add = true}
      %dma_wait3A_276 = arith.constant 0 : i32
      %dma_wait3A_277 = arith.constant 0 : i32
      %dma_wait3A_278 = tpu.memref_slice %arg25[%dma_wait3A_276, %dma_wait3A_277] : memref<2048x64xf32, #tpu.memory_space<vmem_shared>> -> memref<2048x64xf32, #tpu.memory_space<vmem_shared>>
      tpu.wait_indirect_dma semaphore(%run_scoped3A_272 : memref<!tpu.dma_semaphore, #tpu.memory_space<semaphore_mem>>) src(%arg20 : memref<128x64xf32, #tpu.memory_space<vmem>>) dst(%dma_wait3A_278 : memref<2048x64xf32, #tpu.memory_space<vmem_shared>>)
      tpu.yield
    }) : () -> ()
    %barrier3A_264 = arith.constant 0 : index
    tpu.barrier barrier_id(%barrier3A_264)
    %mul3A_265 = arith.constant 128 : i32
    %mul3A_266 = arith.muli %arg1, %mul3A_265 : i32
    %mul3A_267 = arith.constant 2048 : i32
    %mul3A_268 = arith.muli %arg0, %mul3A_267 : i32
    %mul3A_269 = arith.constant 128 : i32
    %mul3A_270 = arith.muli %arg1, %mul3A_269 : i32
    %add3A_271 = arith.addi %mul3A_268, %mul3A_270 : i32
    "tpu.region"() ({
      %run_scoped3A_272 = tpu.sem_alloc : memref<!tpu.dma_semaphore, #tpu.memory_space<semaphore_mem>>
      %dma_start3A_273 = arith.constant 0 : i32
      %dma_start3A_274 = tpu.memref_slice %arg6[%add3A_271, %dma_start3A_273] : memref<4096x64xf32, #tpu.memory_space<hbm>> -> memref<128x64xf32, #tpu.memory_space<hbm>>
      %dma_start3A_275 = arith.constant 0 : i32
      %dma_start3A_276 = tpu.memref_slice %arg25[%mul3A_266, %dma_start3A_275] : memref<2048x64xf32, #tpu.memory_space<vmem_shared>> -> memref<128x64xf32, #tpu.memory_space<vmem_shared>>
      tpu.enqueue_dma source(%dma_start3A_276 : memref<128x64xf32, #tpu.memory_space<vmem_shared>>) target(%dma_start3A_274 : memref<128x64xf32, #tpu.memory_space<hbm>>) target_semaphore(%run_scoped3A_272 : memref<!tpu.dma_semaphore, #tpu.memory_space<semaphore_mem>>)
      %dma_wait3A_277 = arith.constant 0 : i32
      %dma_wait3A_278 = tpu.memref_slice %arg6[%add3A_271, %dma_wait3A_277] : memref<4096x64xf32, #tpu.memory_space<hbm>> -> memref<128x64xf32, #tpu.memory_space<hbm>>
      %dma_wait3A_279 = arith.constant 0 : i32
      %dma_wait3A_280 = tpu.memref_slice %arg25[%mul3A_266, %dma_wait3A_279] : memref<2048x64xf32, #tpu.memory_space<vmem_shared>> -> memref<128x64xf32, #tpu.memory_space<vmem_shared>>
      tpu.wait_dma2 semaphore(%run_scoped3A_272 : memref<!tpu.dma_semaphore, #tpu.memory_space<semaphore_mem>>) src(%dma_wait3A_280 : memref<128x64xf32, #tpu.memory_space<vmem_shared>>) dst(%dma_wait3A_278 : memref<128x64xf32, #tpu.memory_space<hbm>>)
      tpu.yield
    }) : () -> ()
    return
  }
}

#map = affine_map<(d0, d1) -> (0, 0)>
#map1 = affine_map<(d0, d1) -> (0)>
#map2 = affine_map<(d0, d1) -> (0, 0, 0)>
module attributes {stable_mosaic.version = 14 : i64} {
  func.func @_sc_gather_deg_body(%arg0: i32, %arg1: i32, %arg2: memref<2048x128xf32, #tpu.memory_space<hbm>>, %arg3: memref<2048xi32, #tpu.memory_space<hbm>>, %arg4: memref<32x8x128xi32, #tpu.memory_space<hbm>>, %arg5: memref<128x16xf32, #tpu.memory_space<hbm>>, %arg6: memref<128x16xf32, #tpu.memory_space<hbm>>, %arg7: memref<2048x128xf32, #tpu.memory_space<hbm>>, %arg8: memref<4096x16xf32, #tpu.memory_space<hbm>>, %arg9: memref<64xi32, #tpu.memory_space<vmem>>, %arg10: memref<64x128xf32, #tpu.memory_space<vmem>>, %arg11: memref<128xi32, #tpu.memory_space<vmem>>, %arg12: memref<128xi32, #tpu.memory_space<vmem>>, %arg13: memref<128x16xf32, #tpu.memory_space<vmem>>, %arg14: memref<!tpu.dma_semaphore, #tpu.memory_space<semaphore_mem>>, %arg15: memref<!tpu.dma_semaphore, #tpu.memory_space<semaphore_mem>>, %arg16: memref<2x!tpu.dma_semaphore, #tpu.memory_space<semaphore_mem>>, %arg17: memref<2048x16xf32, #tpu.memory_space<vmem_shared>>) attributes {dimension_semantics = [#tpu.dimension_semantics<core_parallel>, #tpu.dimension_semantics<subcore_parallel>], iteration_bounds = array<i64: 2, 16>, scalar_prefetch = 0 : i64, scratch_operands = 9 : i64, tpu.core_type = #tpu.core_type<sc_vector_subcore>, window_params = [{transform_indices = #map}, {transform_indices = #map1}, {transform_indices = #map2}, {transform_indices = #map}, {transform_indices = #map}, {transform_indices = #map}, {transform_indices = #map}]} {
    %mul3A = arith.constant 2 : i32
    %mul3A_0 = arith.muli %arg1, %mul3A : i32
    %add3A = arith.addi %mul3A_0, %arg0 : i32
    %mul3A_1 = arith.constant 128 : i32
    %mul3A_2 = arith.muli %arg1, %mul3A_1 : i32
    "tpu.region"() ({
      %run_scoped3A_24 = tpu.sem_alloc : memref<!tpu.dma_semaphore, #tpu.memory_space<semaphore_mem>>
      %dma_start3A_25 = arith.constant 0 : i32
      %dma_start3A_26 = tpu.memref_slice %arg17[%mul3A_2, %dma_start3A_25] : memref<2048x16xf32, #tpu.memory_space<vmem_shared>> -> memref<128x16xf32, #tpu.memory_space<vmem_shared>>
      tpu.enqueue_dma source(%arg6 : memref<128x16xf32, #tpu.memory_space<hbm>>) target(%dma_start3A_26 : memref<128x16xf32, #tpu.memory_space<vmem_shared>>) target_semaphore(%run_scoped3A_24 : memref<!tpu.dma_semaphore, #tpu.memory_space<semaphore_mem>>)
      %dma_wait3A_27 = arith.constant 0 : i32
      %dma_wait3A_28 = tpu.memref_slice %arg17[%mul3A_2, %dma_wait3A_27] : memref<2048x16xf32, #tpu.memory_space<vmem_shared>> -> memref<128x16xf32, #tpu.memory_space<vmem_shared>>
      tpu.wait_dma2 semaphore(%run_scoped3A_24 : memref<!tpu.dma_semaphore, #tpu.memory_space<semaphore_mem>>) src(%arg6 : memref<128x16xf32, #tpu.memory_space<hbm>>) dst(%dma_wait3A_28 : memref<128x16xf32, #tpu.memory_space<vmem_shared>>)
      tpu.yield
    }) : () -> ()
    "tpu.region"() ({
      %run_scoped3A_24 = tpu.sem_alloc : memref<!tpu.dma_semaphore, #tpu.memory_space<semaphore_mem>>
      tpu.enqueue_dma source(%arg5 : memref<128x16xf32, #tpu.memory_space<hbm>>) target(%arg13 : memref<128x16xf32, #tpu.memory_space<vmem>>) target_semaphore(%run_scoped3A_24 : memref<!tpu.dma_semaphore, #tpu.memory_space<semaphore_mem>>)
      tpu.wait_dma2 semaphore(%run_scoped3A_24 : memref<!tpu.dma_semaphore, #tpu.memory_space<semaphore_mem>>) src(%arg5 : memref<128x16xf32, #tpu.memory_space<hbm>>) dst(%arg13 : memref<128x16xf32, #tpu.memory_space<vmem>>)
      tpu.yield
    }) : () -> ()
    %mul3A_3 = arith.constant 64 : i32
    %mul3A_4 = arith.muli %add3A, %mul3A_3 : i32
    "tpu.region"() ({
      %run_scoped3A_24 = tpu.sem_alloc : memref<!tpu.dma_semaphore, #tpu.memory_space<semaphore_mem>>
      %dma_start3A_25 = tpu.memref_slice %arg3[%mul3A_4] : memref<2048xi32, #tpu.memory_space<hbm>> -> memref<64xi32, #tpu.memory_space<hbm>>
      %dma_start3A_26 = tpu.memref_slice %arg3[%mul3A_4] : memref<2048xi32, #tpu.memory_space<hbm>> -> memref<64xi32, #tpu.memory_space<hbm>>
      tpu.enqueue_dma source(%dma_start3A_26 : memref<64xi32, #tpu.memory_space<hbm>>) target(%arg9 : memref<64xi32, #tpu.memory_space<vmem>>) target_semaphore(%run_scoped3A_24 : memref<!tpu.dma_semaphore, #tpu.memory_space<semaphore_mem>>)
      %dma_wait3A_27 = tpu.memref_slice %arg3[%mul3A_4] : memref<2048xi32, #tpu.memory_space<hbm>> -> memref<64xi32, #tpu.memory_space<hbm>>
      %dma_wait3A_28 = tpu.memref_slice %arg3[%mul3A_4] : memref<2048xi32, #tpu.memory_space<hbm>> -> memref<64xi32, #tpu.memory_space<hbm>>
      tpu.wait_dma2 semaphore(%run_scoped3A_24 : memref<!tpu.dma_semaphore, #tpu.memory_space<semaphore_mem>>) src(%dma_wait3A_28 : memref<64xi32, #tpu.memory_space<hbm>>) dst(%arg9 : memref<64xi32, #tpu.memory_space<vmem>>)
      tpu.yield
    }) : () -> ()
    %dma_start3A = arith.constant 0 : i32
    %dma_start3A_5 = arith.constant 0 : i32
    %dma_start3A_6 = tpu.memref_slice %arg2[%dma_start3A, %dma_start3A_5] : memref<2048x128xf32, #tpu.memory_space<hbm>> -> memref<2048x128xf32, #tpu.memory_space<hbm>>
    tpu.enqueue_indirect_dma source(%dma_start3A_6 : memref<2048x128xf32, #tpu.memory_space<hbm>>) target(%arg10 : memref<64x128xf32, #tpu.memory_space<vmem>>) offsets(%arg9 : memref<64xi32, #tpu.memory_space<vmem>>) semaphore(%arg14 : memref<!tpu.dma_semaphore, #tpu.memory_space<semaphore_mem>>)
    %barrier3A = arith.constant 0 : index
    tpu.barrier barrier_id(%barrier3A)
    %run_scoped3A = arith.constant 0 : i32
    "tpu.region"() ({
      %run_scoped3A_24 = tpu.sem_alloc : memref<!tpu.dma_semaphore, #tpu.memory_space<semaphore_mem>>
      %dma_start3A_25 = arith.constant 0 : i32
      %dma_start3A_26 = tpu.memref_slice %arg4[%add3A, %run_scoped3A, %dma_start3A_25] : memref<32x8x128xi32, #tpu.memory_space<hbm>> -> memref<1x1x128xi32, #tpu.memory_space<hbm>>
      %dma_start3A_27 = tpu.memref_squeeze %dma_start3A_26 : memref<1x1x128xi32, #tpu.memory_space<hbm>> -> memref<128xi32, #tpu.memory_space<hbm>>
      %dma_start3A_28 = arith.constant 0 : i32
      %dma_start3A_29 = tpu.memref_slice %arg4[%add3A, %run_scoped3A, %dma_start3A_28] : memref<32x8x128xi32, #tpu.memory_space<hbm>> -> memref<1x1x128xi32, #tpu.memory_space<hbm>>
      %dma_start3A_30 = tpu.memref_squeeze %dma_start3A_29 : memref<1x1x128xi32, #tpu.memory_space<hbm>> -> memref<128xi32, #tpu.memory_space<hbm>>
      tpu.enqueue_dma source(%dma_start3A_30 : memref<128xi32, #tpu.memory_space<hbm>>) target(%arg11 : memref<128xi32, #tpu.memory_space<vmem>>) target_semaphore(%run_scoped3A_24 : memref<!tpu.dma_semaphore, #tpu.memory_space<semaphore_mem>>)
      %dma_wait3A_31 = arith.constant 0 : i32
      %dma_wait3A_32 = tpu.memref_slice %arg4[%add3A, %run_scoped3A, %dma_wait3A_31] : memref<32x8x128xi32, #tpu.memory_space<hbm>> -> memref<1x1x128xi32, #tpu.memory_space<hbm>>
      %dma_wait3A_33 = tpu.memref_squeeze %dma_wait3A_32 : memref<1x1x128xi32, #tpu.memory_space<hbm>> -> memref<128xi32, #tpu.memory_space<hbm>>
      %dma_wait3A_34 = arith.constant 0 : i32
      %dma_wait3A_35 = tpu.memref_slice %arg4[%add3A, %run_scoped3A, %dma_wait3A_34] : memref<32x8x128xi32, #tpu.memory_space<hbm>> -> memref<1x1x128xi32, #tpu.memory_space<hbm>>
      %dma_wait3A_36 = tpu.memref_squeeze %dma_wait3A_35 : memref<1x1x128xi32, #tpu.memory_space<hbm>> -> memref<128xi32, #tpu.memory_space<hbm>>
      tpu.wait_dma2 semaphore(%run_scoped3A_24 : memref<!tpu.dma_semaphore, #tpu.memory_space<semaphore_mem>>) src(%dma_wait3A_36 : memref<128xi32, #tpu.memory_space<hbm>>) dst(%arg11 : memref<128xi32, #tpu.memory_space<vmem>>)
      tpu.yield
    }) : () -> ()
    "tpu.region"() ({
      %run_scoped3A_24 = tpu.sem_alloc : memref<!tpu.dma_semaphore, #tpu.memory_space<semaphore_mem>>
      %dma_start3A_25 = arith.constant 0 : i32
      %dma_start3A_26 = arith.constant 0 : i32
      %dma_start3A_27 = tpu.memref_slice %arg17[%dma_start3A_25, %dma_start3A_26] : memref<2048x16xf32, #tpu.memory_space<vmem_shared>> -> memref<2048x16xf32, #tpu.memory_space<vmem_shared>>
      tpu.enqueue_indirect_dma source(%arg13 : memref<128x16xf32, #tpu.memory_space<vmem>>) target(%dma_start3A_27 : memref<2048x16xf32, #tpu.memory_space<vmem_shared>>) offsets(%arg11 : memref<128xi32, #tpu.memory_space<vmem>>) semaphore(%run_scoped3A_24 : memref<!tpu.dma_semaphore, #tpu.memory_space<semaphore_mem>>) {add = true}
      %dma_wait3A_28 = arith.constant 0 : i32
      %dma_wait3A_29 = arith.constant 0 : i32
      %dma_wait3A_30 = tpu.memref_slice %arg17[%dma_wait3A_28, %dma_wait3A_29] : memref<2048x16xf32, #tpu.memory_space<vmem_shared>> -> memref<2048x16xf32, #tpu.memory_space<vmem_shared>>
      tpu.wait_indirect_dma semaphore(%run_scoped3A_24 : memref<!tpu.dma_semaphore, #tpu.memory_space<semaphore_mem>>) src(%arg13 : memref<128x16xf32, #tpu.memory_space<vmem>>) dst(%dma_wait3A_30 : memref<2048x16xf32, #tpu.memory_space<vmem_shared>>)
      tpu.yield
    }) : () -> ()
    %run_scoped3A_7 = arith.constant 1 : i32
    "tpu.region"() ({
      %run_scoped3A_24 = tpu.sem_alloc : memref<!tpu.dma_semaphore, #tpu.memory_space<semaphore_mem>>
      %dma_start3A_25 = arith.constant 0 : i32
      %dma_start3A_26 = tpu.memref_slice %arg4[%add3A, %run_scoped3A_7, %dma_start3A_25] : memref<32x8x128xi32, #tpu.memory_space<hbm>> -> memref<1x1x128xi32, #tpu.memory_space<hbm>>
      %dma_start3A_27 = tpu.memref_squeeze %dma_start3A_26 : memref<1x1x128xi32, #tpu.memory_space<hbm>> -> memref<128xi32, #tpu.memory_space<hbm>>
      %dma_start3A_28 = arith.constant 0 : i32
      %dma_start3A_29 = tpu.memref_slice %arg4[%add3A, %run_scoped3A_7, %dma_start3A_28] : memref<32x8x128xi32, #tpu.memory_space<hbm>> -> memref<1x1x128xi32, #tpu.memory_space<hbm>>
      %dma_start3A_30 = tpu.memref_squeeze %dma_start3A_29 : memref<1x1x128xi32, #tpu.memory_space<hbm>> -> memref<128xi32, #tpu.memory_space<hbm>>
      tpu.enqueue_dma source(%dma_start3A_30 : memref<128xi32, #tpu.memory_space<hbm>>) target(%arg12 : memref<128xi32, #tpu.memory_space<vmem>>) target_semaphore(%run_scoped3A_24 : memref<!tpu.dma_semaphore, #tpu.memory_space<semaphore_mem>>)
      %dma_wait3A_31 = arith.constant 0 : i32
      %dma_wait3A_32 = tpu.memref_slice %arg4[%add3A, %run_scoped3A_7, %dma_wait3A_31] : memref<32x8x128xi32, #tpu.memory_space<hbm>> -> memref<1x1x128xi32, #tpu.memory_space<hbm>>
      %dma_wait3A_33 = tpu.memref_squeeze %dma_wait3A_32 : memref<1x1x128xi32, #tpu.memory_space<hbm>> -> memref<128xi32, #tpu.memory_space<hbm>>
      %dma_wait3A_34 = arith.constant 0 : i32
      %dma_wait3A_35 = tpu.memref_slice %arg4[%add3A, %run_scoped3A_7, %dma_wait3A_34] : memref<32x8x128xi32, #tpu.memory_space<hbm>> -> memref<1x1x128xi32, #tpu.memory_space<hbm>>
      %dma_wait3A_36 = tpu.memref_squeeze %dma_wait3A_35 : memref<1x1x128xi32, #tpu.memory_space<hbm>> -> memref<128xi32, #tpu.memory_space<hbm>>
      tpu.wait_dma2 semaphore(%run_scoped3A_24 : memref<!tpu.dma_semaphore, #tpu.memory_space<semaphore_mem>>) src(%dma_wait3A_36 : memref<128xi32, #tpu.memory_space<hbm>>) dst(%arg12 : memref<128xi32, #tpu.memory_space<vmem>>)
      tpu.yield
    }) : () -> ()
    "tpu.region"() ({
      %run_scoped3A_24 = tpu.sem_alloc : memref<!tpu.dma_semaphore, #tpu.memory_space<semaphore_mem>>
      %dma_start3A_25 = arith.constant 0 : i32
      %dma_start3A_26 = arith.constant 0 : i32
      %dma_start3A_27 = tpu.memref_slice %arg17[%dma_start3A_25, %dma_start3A_26] : memref<2048x16xf32, #tpu.memory_space<vmem_shared>> -> memref<2048x16xf32, #tpu.memory_space<vmem_shared>>
      tpu.enqueue_indirect_dma source(%arg13 : memref<128x16xf32, #tpu.memory_space<vmem>>) target(%dma_start3A_27 : memref<2048x16xf32, #tpu.memory_space<vmem_shared>>) offsets(%arg12 : memref<128xi32, #tpu.memory_space<vmem>>) semaphore(%run_scoped3A_24 : memref<!tpu.dma_semaphore, #tpu.memory_space<semaphore_mem>>) {add = true}
      %dma_wait3A_28 = arith.constant 0 : i32
      %dma_wait3A_29 = arith.constant 0 : i32
      %dma_wait3A_30 = tpu.memref_slice %arg17[%dma_wait3A_28, %dma_wait3A_29] : memref<2048x16xf32, #tpu.memory_space<vmem_shared>> -> memref<2048x16xf32, #tpu.memory_space<vmem_shared>>
      tpu.wait_indirect_dma semaphore(%run_scoped3A_24 : memref<!tpu.dma_semaphore, #tpu.memory_space<semaphore_mem>>) src(%arg13 : memref<128x16xf32, #tpu.memory_space<vmem>>) dst(%dma_wait3A_30 : memref<2048x16xf32, #tpu.memory_space<vmem_shared>>)
      tpu.yield
    }) : () -> ()
    %run_scoped3A_8 = arith.constant 2 : i32
    "tpu.region"() ({
      %run_scoped3A_24 = tpu.sem_alloc : memref<!tpu.dma_semaphore, #tpu.memory_space<semaphore_mem>>
      %dma_start3A_25 = arith.constant 0 : i32
      %dma_start3A_26 = tpu.memref_slice %arg4[%add3A, %run_scoped3A_8, %dma_start3A_25] : memref<32x8x128xi32, #tpu.memory_space<hbm>> -> memref<1x1x128xi32, #tpu.memory_space<hbm>>
      %dma_start3A_27 = tpu.memref_squeeze %dma_start3A_26 : memref<1x1x128xi32, #tpu.memory_space<hbm>> -> memref<128xi32, #tpu.memory_space<hbm>>
      %dma_start3A_28 = arith.constant 0 : i32
      %dma_start3A_29 = tpu.memref_slice %arg4[%add3A, %run_scoped3A_8, %dma_start3A_28] : memref<32x8x128xi32, #tpu.memory_space<hbm>> -> memref<1x1x128xi32, #tpu.memory_space<hbm>>
      %dma_start3A_30 = tpu.memref_squeeze %dma_start3A_29 : memref<1x1x128xi32, #tpu.memory_space<hbm>> -> memref<128xi32, #tpu.memory_space<hbm>>
      tpu.enqueue_dma source(%dma_start3A_30 : memref<128xi32, #tpu.memory_space<hbm>>) target(%arg11 : memref<128xi32, #tpu.memory_space<vmem>>) target_semaphore(%run_scoped3A_24 : memref<!tpu.dma_semaphore, #tpu.memory_space<semaphore_mem>>)
      %dma_wait3A_31 = arith.constant 0 : i32
      %dma_wait3A_32 = tpu.memref_slice %arg4[%add3A, %run_scoped3A_8, %dma_wait3A_31] : memref<32x8x128xi32, #tpu.memory_space<hbm>> -> memref<1x1x128xi32, #tpu.memory_space<hbm>>
      %dma_wait3A_33 = tpu.memref_squeeze %dma_wait3A_32 : memref<1x1x128xi32, #tpu.memory_space<hbm>> -> memref<128xi32, #tpu.memory_space<hbm>>
      %dma_wait3A_34 = arith.constant 0 : i32
      %dma_wait3A_35 = tpu.memref_slice %arg4[%add3A, %run_scoped3A_8, %dma_wait3A_34] : memref<32x8x128xi32, #tpu.memory_space<hbm>> -> memref<1x1x128xi32, #tpu.memory_space<hbm>>
      %dma_wait3A_36 = tpu.memref_squeeze %dma_wait3A_35 : memref<1x1x128xi32, #tpu.memory_space<hbm>> -> memref<128xi32, #tpu.memory_space<hbm>>
      tpu.wait_dma2 semaphore(%run_scoped3A_24 : memref<!tpu.dma_semaphore, #tpu.memory_space<semaphore_mem>>) src(%dma_wait3A_36 : memref<128xi32, #tpu.memory_space<hbm>>) dst(%arg11 : memref<128xi32, #tpu.memory_space<vmem>>)
      tpu.yield
    }) : () -> ()
    "tpu.region"() ({
      %run_scoped3A_24 = tpu.sem_alloc : memref<!tpu.dma_semaphore, #tpu.memory_space<semaphore_mem>>
      %dma_start3A_25 = arith.constant 0 : i32
      %dma_start3A_26 = arith.constant 0 : i32
      %dma_start3A_27 = tpu.memref_slice %arg17[%dma_start3A_25, %dma_start3A_26] : memref<2048x16xf32, #tpu.memory_space<vmem_shared>> -> memref<2048x16xf32, #tpu.memory_space<vmem_shared>>
      tpu.enqueue_indirect_dma source(%arg13 : memref<128x16xf32, #tpu.memory_space<vmem>>) target(%dma_start3A_27 : memref<2048x16xf32, #tpu.memory_space<vmem_shared>>) offsets(%arg11 : memref<128xi32, #tpu.memory_space<vmem>>) semaphore(%run_scoped3A_24 : memref<!tpu.dma_semaphore, #tpu.memory_space<semaphore_mem>>) {add = true}
      %dma_wait3A_28 = arith.constant 0 : i32
      %dma_wait3A_29 = arith.constant 0 : i32
      %dma_wait3A_30 = tpu.memref_slice %arg17[%dma_wait3A_28, %dma_wait3A_29] : memref<2048x16xf32, #tpu.memory_space<vmem_shared>> -> memref<2048x16xf32, #tpu.memory_space<vmem_shared>>
      tpu.wait_indirect_dma semaphore(%run_scoped3A_24 : memref<!tpu.dma_semaphore, #tpu.memory_space<semaphore_mem>>) src(%arg13 : memref<128x16xf32, #tpu.memory_space<vmem>>) dst(%dma_wait3A_30 : memref<2048x16xf32, #tpu.memory_space<vmem_shared>>)
      tpu.yield
    }) : () -> ()
    %run_scoped3A_9 = arith.constant 3 : i32
    "tpu.region"() ({
      %run_scoped3A_24 = tpu.sem_alloc : memref<!tpu.dma_semaphore, #tpu.memory_space<semaphore_mem>>
      %dma_start3A_25 = arith.constant 0 : i32
      %dma_start3A_26 = tpu.memref_slice %arg4[%add3A, %run_scoped3A_9, %dma_start3A_25] : memref<32x8x128xi32, #tpu.memory_space<hbm>> -> memref<1x1x128xi32, #tpu.memory_space<hbm>>
      %dma_start3A_27 = tpu.memref_squeeze %dma_start3A_26 : memref<1x1x128xi32, #tpu.memory_space<hbm>> -> memref<128xi32, #tpu.memory_space<hbm>>
      %dma_start3A_28 = arith.constant 0 : i32
      %dma_start3A_29 = tpu.memref_slice %arg4[%add3A, %run_scoped3A_9, %dma_start3A_28] : memref<32x8x128xi32, #tpu.memory_space<hbm>> -> memref<1x1x128xi32, #tpu.memory_space<hbm>>
      %dma_start3A_30 = tpu.memref_squeeze %dma_start3A_29 : memref<1x1x128xi32, #tpu.memory_space<hbm>> -> memref<128xi32, #tpu.memory_space<hbm>>
      tpu.enqueue_dma source(%dma_start3A_30 : memref<128xi32, #tpu.memory_space<hbm>>) target(%arg12 : memref<128xi32, #tpu.memory_space<vmem>>) target_semaphore(%run_scoped3A_24 : memref<!tpu.dma_semaphore, #tpu.memory_space<semaphore_mem>>)
      %dma_wait3A_31 = arith.constant 0 : i32
      %dma_wait3A_32 = tpu.memref_slice %arg4[%add3A, %run_scoped3A_9, %dma_wait3A_31] : memref<32x8x128xi32, #tpu.memory_space<hbm>> -> memref<1x1x128xi32, #tpu.memory_space<hbm>>
      %dma_wait3A_33 = tpu.memref_squeeze %dma_wait3A_32 : memref<1x1x128xi32, #tpu.memory_space<hbm>> -> memref<128xi32, #tpu.memory_space<hbm>>
      %dma_wait3A_34 = arith.constant 0 : i32
      %dma_wait3A_35 = tpu.memref_slice %arg4[%add3A, %run_scoped3A_9, %dma_wait3A_34] : memref<32x8x128xi32, #tpu.memory_space<hbm>> -> memref<1x1x128xi32, #tpu.memory_space<hbm>>
      %dma_wait3A_36 = tpu.memref_squeeze %dma_wait3A_35 : memref<1x1x128xi32, #tpu.memory_space<hbm>> -> memref<128xi32, #tpu.memory_space<hbm>>
      tpu.wait_dma2 semaphore(%run_scoped3A_24 : memref<!tpu.dma_semaphore, #tpu.memory_space<semaphore_mem>>) src(%dma_wait3A_36 : memref<128xi32, #tpu.memory_space<hbm>>) dst(%arg12 : memref<128xi32, #tpu.memory_space<vmem>>)
      tpu.yield
    }) : () -> ()
    "tpu.region"() ({
      %run_scoped3A_24 = tpu.sem_alloc : memref<!tpu.dma_semaphore, #tpu.memory_space<semaphore_mem>>
      %dma_start3A_25 = arith.constant 0 : i32
      %dma_start3A_26 = arith.constant 0 : i32
      %dma_start3A_27 = tpu.memref_slice %arg17[%dma_start3A_25, %dma_start3A_26] : memref<2048x16xf32, #tpu.memory_space<vmem_shared>> -> memref<2048x16xf32, #tpu.memory_space<vmem_shared>>
      tpu.enqueue_indirect_dma source(%arg13 : memref<128x16xf32, #tpu.memory_space<vmem>>) target(%dma_start3A_27 : memref<2048x16xf32, #tpu.memory_space<vmem_shared>>) offsets(%arg12 : memref<128xi32, #tpu.memory_space<vmem>>) semaphore(%run_scoped3A_24 : memref<!tpu.dma_semaphore, #tpu.memory_space<semaphore_mem>>) {add = true}
      %dma_wait3A_28 = arith.constant 0 : i32
      %dma_wait3A_29 = arith.constant 0 : i32
      %dma_wait3A_30 = tpu.memref_slice %arg17[%dma_wait3A_28, %dma_wait3A_29] : memref<2048x16xf32, #tpu.memory_space<vmem_shared>> -> memref<2048x16xf32, #tpu.memory_space<vmem_shared>>
      tpu.wait_indirect_dma semaphore(%run_scoped3A_24 : memref<!tpu.dma_semaphore, #tpu.memory_space<semaphore_mem>>) src(%arg13 : memref<128x16xf32, #tpu.memory_space<vmem>>) dst(%dma_wait3A_30 : memref<2048x16xf32, #tpu.memory_space<vmem_shared>>)
      tpu.yield
    }) : () -> ()
    %run_scoped3A_10 = arith.constant 4 : i32
    "tpu.region"() ({
      %run_scoped3A_24 = tpu.sem_alloc : memref<!tpu.dma_semaphore, #tpu.memory_space<semaphore_mem>>
      %dma_start3A_25 = arith.constant 0 : i32
      %dma_start3A_26 = tpu.memref_slice %arg4[%add3A, %run_scoped3A_10, %dma_start3A_25] : memref<32x8x128xi32, #tpu.memory_space<hbm>> -> memref<1x1x128xi32, #tpu.memory_space<hbm>>
      %dma_start3A_27 = tpu.memref_squeeze %dma_start3A_26 : memref<1x1x128xi32, #tpu.memory_space<hbm>> -> memref<128xi32, #tpu.memory_space<hbm>>
      %dma_start3A_28 = arith.constant 0 : i32
      %dma_start3A_29 = tpu.memref_slice %arg4[%add3A, %run_scoped3A_10, %dma_start3A_28] : memref<32x8x128xi32, #tpu.memory_space<hbm>> -> memref<1x1x128xi32, #tpu.memory_space<hbm>>
      %dma_start3A_30 = tpu.memref_squeeze %dma_start3A_29 : memref<1x1x128xi32, #tpu.memory_space<hbm>> -> memref<128xi32, #tpu.memory_space<hbm>>
      tpu.enqueue_dma source(%dma_start3A_30 : memref<128xi32, #tpu.memory_space<hbm>>) target(%arg11 : memref<128xi32, #tpu.memory_space<vmem>>) target_semaphore(%run_scoped3A_24 : memref<!tpu.dma_semaphore, #tpu.memory_space<semaphore_mem>>)
      %dma_wait3A_31 = arith.constant 0 : i32
      %dma_wait3A_32 = tpu.memref_slice %arg4[%add3A, %run_scoped3A_10, %dma_wait3A_31] : memref<32x8x128xi32, #tpu.memory_space<hbm>> -> memref<1x1x128xi32, #tpu.memory_space<hbm>>
      %dma_wait3A_33 = tpu.memref_squeeze %dma_wait3A_32 : memref<1x1x128xi32, #tpu.memory_space<hbm>> -> memref<128xi32, #tpu.memory_space<hbm>>
      %dma_wait3A_34 = arith.constant 0 : i32
      %dma_wait3A_35 = tpu.memref_slice %arg4[%add3A, %run_scoped3A_10, %dma_wait3A_34] : memref<32x8x128xi32, #tpu.memory_space<hbm>> -> memref<1x1x128xi32, #tpu.memory_space<hbm>>
      %dma_wait3A_36 = tpu.memref_squeeze %dma_wait3A_35 : memref<1x1x128xi32, #tpu.memory_space<hbm>> -> memref<128xi32, #tpu.memory_space<hbm>>
      tpu.wait_dma2 semaphore(%run_scoped3A_24 : memref<!tpu.dma_semaphore, #tpu.memory_space<semaphore_mem>>) src(%dma_wait3A_36 : memref<128xi32, #tpu.memory_space<hbm>>) dst(%arg11 : memref<128xi32, #tpu.memory_space<vmem>>)
      tpu.yield
    }) : () -> ()
    "tpu.region"() ({
      %run_scoped3A_24 = tpu.sem_alloc : memref<!tpu.dma_semaphore, #tpu.memory_space<semaphore_mem>>
      %dma_start3A_25 = arith.constant 0 : i32
      %dma_start3A_26 = arith.constant 0 : i32
      %dma_start3A_27 = tpu.memref_slice %arg17[%dma_start3A_25, %dma_start3A_26] : memref<2048x16xf32, #tpu.memory_space<vmem_shared>> -> memref<2048x16xf32, #tpu.memory_space<vmem_shared>>
      tpu.enqueue_indirect_dma source(%arg13 : memref<128x16xf32, #tpu.memory_space<vmem>>) target(%dma_start3A_27 : memref<2048x16xf32, #tpu.memory_space<vmem_shared>>) offsets(%arg11 : memref<128xi32, #tpu.memory_space<vmem>>) semaphore(%run_scoped3A_24 : memref<!tpu.dma_semaphore, #tpu.memory_space<semaphore_mem>>) {add = true}
      %dma_wait3A_28 = arith.constant 0 : i32
      %dma_wait3A_29 = arith.constant 0 : i32
      %dma_wait3A_30 = tpu.memref_slice %arg17[%dma_wait3A_28, %dma_wait3A_29] : memref<2048x16xf32, #tpu.memory_space<vmem_shared>> -> memref<2048x16xf32, #tpu.memory_space<vmem_shared>>
      tpu.wait_indirect_dma semaphore(%run_scoped3A_24 : memref<!tpu.dma_semaphore, #tpu.memory_space<semaphore_mem>>) src(%arg13 : memref<128x16xf32, #tpu.memory_space<vmem>>) dst(%dma_wait3A_30 : memref<2048x16xf32, #tpu.memory_space<vmem_shared>>)
      tpu.yield
    }) : () -> ()
    %run_scoped3A_11 = arith.constant 5 : i32
    "tpu.region"() ({
      %run_scoped3A_24 = tpu.sem_alloc : memref<!tpu.dma_semaphore, #tpu.memory_space<semaphore_mem>>
      %dma_start3A_25 = arith.constant 0 : i32
      %dma_start3A_26 = tpu.memref_slice %arg4[%add3A, %run_scoped3A_11, %dma_start3A_25] : memref<32x8x128xi32, #tpu.memory_space<hbm>> -> memref<1x1x128xi32, #tpu.memory_space<hbm>>
      %dma_start3A_27 = tpu.memref_squeeze %dma_start3A_26 : memref<1x1x128xi32, #tpu.memory_space<hbm>> -> memref<128xi32, #tpu.memory_space<hbm>>
      %dma_start3A_28 = arith.constant 0 : i32
      %dma_start3A_29 = tpu.memref_slice %arg4[%add3A, %run_scoped3A_11, %dma_start3A_28] : memref<32x8x128xi32, #tpu.memory_space<hbm>> -> memref<1x1x128xi32, #tpu.memory_space<hbm>>
      %dma_start3A_30 = tpu.memref_squeeze %dma_start3A_29 : memref<1x1x128xi32, #tpu.memory_space<hbm>> -> memref<128xi32, #tpu.memory_space<hbm>>
      tpu.enqueue_dma source(%dma_start3A_30 : memref<128xi32, #tpu.memory_space<hbm>>) target(%arg12 : memref<128xi32, #tpu.memory_space<vmem>>) target_semaphore(%run_scoped3A_24 : memref<!tpu.dma_semaphore, #tpu.memory_space<semaphore_mem>>)
      %dma_wait3A_31 = arith.constant 0 : i32
      %dma_wait3A_32 = tpu.memref_slice %arg4[%add3A, %run_scoped3A_11, %dma_wait3A_31] : memref<32x8x128xi32, #tpu.memory_space<hbm>> -> memref<1x1x128xi32, #tpu.memory_space<hbm>>
      %dma_wait3A_33 = tpu.memref_squeeze %dma_wait3A_32 : memref<1x1x128xi32, #tpu.memory_space<hbm>> -> memref<128xi32, #tpu.memory_space<hbm>>
      %dma_wait3A_34 = arith.constant 0 : i32
      %dma_wait3A_35 = tpu.memref_slice %arg4[%add3A, %run_scoped3A_11, %dma_wait3A_34] : memref<32x8x128xi32, #tpu.memory_space<hbm>> -> memref<1x1x128xi32, #tpu.memory_space<hbm>>
      %dma_wait3A_36 = tpu.memref_squeeze %dma_wait3A_35 : memref<1x1x128xi32, #tpu.memory_space<hbm>> -> memref<128xi32, #tpu.memory_space<hbm>>
      tpu.wait_dma2 semaphore(%run_scoped3A_24 : memref<!tpu.dma_semaphore, #tpu.memory_space<semaphore_mem>>) src(%dma_wait3A_36 : memref<128xi32, #tpu.memory_space<hbm>>) dst(%arg12 : memref<128xi32, #tpu.memory_space<vmem>>)
      tpu.yield
    }) : () -> ()
    "tpu.region"() ({
      %run_scoped3A_24 = tpu.sem_alloc : memref<!tpu.dma_semaphore, #tpu.memory_space<semaphore_mem>>
      %dma_start3A_25 = arith.constant 0 : i32
      %dma_start3A_26 = arith.constant 0 : i32
      %dma_start3A_27 = tpu.memref_slice %arg17[%dma_start3A_25, %dma_start3A_26] : memref<2048x16xf32, #tpu.memory_space<vmem_shared>> -> memref<2048x16xf32, #tpu.memory_space<vmem_shared>>
      tpu.enqueue_indirect_dma source(%arg13 : memref<128x16xf32, #tpu.memory_space<vmem>>) target(%dma_start3A_27 : memref<2048x16xf32, #tpu.memory_space<vmem_shared>>) offsets(%arg12 : memref<128xi32, #tpu.memory_space<vmem>>) semaphore(%run_scoped3A_24 : memref<!tpu.dma_semaphore, #tpu.memory_space<semaphore_mem>>) {add = true}
      %dma_wait3A_28 = arith.constant 0 : i32
      %dma_wait3A_29 = arith.constant 0 : i32
      %dma_wait3A_30 = tpu.memref_slice %arg17[%dma_wait3A_28, %dma_wait3A_29] : memref<2048x16xf32, #tpu.memory_space<vmem_shared>> -> memref<2048x16xf32, #tpu.memory_space<vmem_shared>>
      tpu.wait_indirect_dma semaphore(%run_scoped3A_24 : memref<!tpu.dma_semaphore, #tpu.memory_space<semaphore_mem>>) src(%arg13 : memref<128x16xf32, #tpu.memory_space<vmem>>) dst(%dma_wait3A_30 : memref<2048x16xf32, #tpu.memory_space<vmem_shared>>)
      tpu.yield
    }) : () -> ()
    %run_scoped3A_12 = arith.constant 6 : i32
    "tpu.region"() ({
      %run_scoped3A_24 = tpu.sem_alloc : memref<!tpu.dma_semaphore, #tpu.memory_space<semaphore_mem>>
      %dma_start3A_25 = arith.constant 0 : i32
      %dma_start3A_26 = tpu.memref_slice %arg4[%add3A, %run_scoped3A_12, %dma_start3A_25] : memref<32x8x128xi32, #tpu.memory_space<hbm>> -> memref<1x1x128xi32, #tpu.memory_space<hbm>>
      %dma_start3A_27 = tpu.memref_squeeze %dma_start3A_26 : memref<1x1x128xi32, #tpu.memory_space<hbm>> -> memref<128xi32, #tpu.memory_space<hbm>>
      %dma_start3A_28 = arith.constant 0 : i32
      %dma_start3A_29 = tpu.memref_slice %arg4[%add3A, %run_scoped3A_12, %dma_start3A_28] : memref<32x8x128xi32, #tpu.memory_space<hbm>> -> memref<1x1x128xi32, #tpu.memory_space<hbm>>
      %dma_start3A_30 = tpu.memref_squeeze %dma_start3A_29 : memref<1x1x128xi32, #tpu.memory_space<hbm>> -> memref<128xi32, #tpu.memory_space<hbm>>
      tpu.enqueue_dma source(%dma_start3A_30 : memref<128xi32, #tpu.memory_space<hbm>>) target(%arg11 : memref<128xi32, #tpu.memory_space<vmem>>) target_semaphore(%run_scoped3A_24 : memref<!tpu.dma_semaphore, #tpu.memory_space<semaphore_mem>>)
      %dma_wait3A_31 = arith.constant 0 : i32
      %dma_wait3A_32 = tpu.memref_slice %arg4[%add3A, %run_scoped3A_12, %dma_wait3A_31] : memref<32x8x128xi32, #tpu.memory_space<hbm>> -> memref<1x1x128xi32, #tpu.memory_space<hbm>>
      %dma_wait3A_33 = tpu.memref_squeeze %dma_wait3A_32 : memref<1x1x128xi32, #tpu.memory_space<hbm>> -> memref<128xi32, #tpu.memory_space<hbm>>
      %dma_wait3A_34 = arith.constant 0 : i32
      %dma_wait3A_35 = tpu.memref_slice %arg4[%add3A, %run_scoped3A_12, %dma_wait3A_34] : memref<32x8x128xi32, #tpu.memory_space<hbm>> -> memref<1x1x128xi32, #tpu.memory_space<hbm>>
      %dma_wait3A_36 = tpu.memref_squeeze %dma_wait3A_35 : memref<1x1x128xi32, #tpu.memory_space<hbm>> -> memref<128xi32, #tpu.memory_space<hbm>>
      tpu.wait_dma2 semaphore(%run_scoped3A_24 : memref<!tpu.dma_semaphore, #tpu.memory_space<semaphore_mem>>) src(%dma_wait3A_36 : memref<128xi32, #tpu.memory_space<hbm>>) dst(%arg11 : memref<128xi32, #tpu.memory_space<vmem>>)
      tpu.yield
    }) : () -> ()
    "tpu.region"() ({
      %run_scoped3A_24 = tpu.sem_alloc : memref<!tpu.dma_semaphore, #tpu.memory_space<semaphore_mem>>
      %dma_start3A_25 = arith.constant 0 : i32
      %dma_start3A_26 = arith.constant 0 : i32
      %dma_start3A_27 = tpu.memref_slice %arg17[%dma_start3A_25, %dma_start3A_26] : memref<2048x16xf32, #tpu.memory_space<vmem_shared>> -> memref<2048x16xf32, #tpu.memory_space<vmem_shared>>
      tpu.enqueue_indirect_dma source(%arg13 : memref<128x16xf32, #tpu.memory_space<vmem>>) target(%dma_start3A_27 : memref<2048x16xf32, #tpu.memory_space<vmem_shared>>) offsets(%arg11 : memref<128xi32, #tpu.memory_space<vmem>>) semaphore(%run_scoped3A_24 : memref<!tpu.dma_semaphore, #tpu.memory_space<semaphore_mem>>) {add = true}
      %dma_wait3A_28 = arith.constant 0 : i32
      %dma_wait3A_29 = arith.constant 0 : i32
      %dma_wait3A_30 = tpu.memref_slice %arg17[%dma_wait3A_28, %dma_wait3A_29] : memref<2048x16xf32, #tpu.memory_space<vmem_shared>> -> memref<2048x16xf32, #tpu.memory_space<vmem_shared>>
      tpu.wait_indirect_dma semaphore(%run_scoped3A_24 : memref<!tpu.dma_semaphore, #tpu.memory_space<semaphore_mem>>) src(%arg13 : memref<128x16xf32, #tpu.memory_space<vmem>>) dst(%dma_wait3A_30 : memref<2048x16xf32, #tpu.memory_space<vmem_shared>>)
      tpu.yield
    }) : () -> ()
    %run_scoped3A_13 = arith.constant 7 : i32
    "tpu.region"() ({
      %run_scoped3A_24 = tpu.sem_alloc : memref<!tpu.dma_semaphore, #tpu.memory_space<semaphore_mem>>
      %dma_start3A_25 = arith.constant 0 : i32
      %dma_start3A_26 = tpu.memref_slice %arg4[%add3A, %run_scoped3A_13, %dma_start3A_25] : memref<32x8x128xi32, #tpu.memory_space<hbm>> -> memref<1x1x128xi32, #tpu.memory_space<hbm>>
      %dma_start3A_27 = tpu.memref_squeeze %dma_start3A_26 : memref<1x1x128xi32, #tpu.memory_space<hbm>> -> memref<128xi32, #tpu.memory_space<hbm>>
      %dma_start3A_28 = arith.constant 0 : i32
      %dma_start3A_29 = tpu.memref_slice %arg4[%add3A, %run_scoped3A_13, %dma_start3A_28] : memref<32x8x128xi32, #tpu.memory_space<hbm>> -> memref<1x1x128xi32, #tpu.memory_space<hbm>>
      %dma_start3A_30 = tpu.memref_squeeze %dma_start3A_29 : memref<1x1x128xi32, #tpu.memory_space<hbm>> -> memref<128xi32, #tpu.memory_space<hbm>>
      tpu.enqueue_dma source(%dma_start3A_30 : memref<128xi32, #tpu.memory_space<hbm>>) target(%arg12 : memref<128xi32, #tpu.memory_space<vmem>>) target_semaphore(%run_scoped3A_24 : memref<!tpu.dma_semaphore, #tpu.memory_space<semaphore_mem>>)
      %dma_wait3A_31 = arith.constant 0 : i32
      %dma_wait3A_32 = tpu.memref_slice %arg4[%add3A, %run_scoped3A_13, %dma_wait3A_31] : memref<32x8x128xi32, #tpu.memory_space<hbm>> -> memref<1x1x128xi32, #tpu.memory_space<hbm>>
      %dma_wait3A_33 = tpu.memref_squeeze %dma_wait3A_32 : memref<1x1x128xi32, #tpu.memory_space<hbm>> -> memref<128xi32, #tpu.memory_space<hbm>>
      %dma_wait3A_34 = arith.constant 0 : i32
      %dma_wait3A_35 = tpu.memref_slice %arg4[%add3A, %run_scoped3A_13, %dma_wait3A_34] : memref<32x8x128xi32, #tpu.memory_space<hbm>> -> memref<1x1x128xi32, #tpu.memory_space<hbm>>
      %dma_wait3A_36 = tpu.memref_squeeze %dma_wait3A_35 : memref<1x1x128xi32, #tpu.memory_space<hbm>> -> memref<128xi32, #tpu.memory_space<hbm>>
      tpu.wait_dma2 semaphore(%run_scoped3A_24 : memref<!tpu.dma_semaphore, #tpu.memory_space<semaphore_mem>>) src(%dma_wait3A_36 : memref<128xi32, #tpu.memory_space<hbm>>) dst(%arg12 : memref<128xi32, #tpu.memory_space<vmem>>)
      tpu.yield
    }) : () -> ()
    "tpu.region"() ({
      %run_scoped3A_24 = tpu.sem_alloc : memref<!tpu.dma_semaphore, #tpu.memory_space<semaphore_mem>>
      %dma_start3A_25 = arith.constant 0 : i32
      %dma_start3A_26 = arith.constant 0 : i32
      %dma_start3A_27 = tpu.memref_slice %arg17[%dma_start3A_25, %dma_start3A_26] : memref<2048x16xf32, #tpu.memory_space<vmem_shared>> -> memref<2048x16xf32, #tpu.memory_space<vmem_shared>>
      tpu.enqueue_indirect_dma source(%arg13 : memref<128x16xf32, #tpu.memory_space<vmem>>) target(%dma_start3A_27 : memref<2048x16xf32, #tpu.memory_space<vmem_shared>>) offsets(%arg12 : memref<128xi32, #tpu.memory_space<vmem>>) semaphore(%run_scoped3A_24 : memref<!tpu.dma_semaphore, #tpu.memory_space<semaphore_mem>>) {add = true}
      %dma_wait3A_28 = arith.constant 0 : i32
      %dma_wait3A_29 = arith.constant 0 : i32
      %dma_wait3A_30 = tpu.memref_slice %arg17[%dma_wait3A_28, %dma_wait3A_29] : memref<2048x16xf32, #tpu.memory_space<vmem_shared>> -> memref<2048x16xf32, #tpu.memory_space<vmem_shared>>
      tpu.wait_indirect_dma semaphore(%run_scoped3A_24 : memref<!tpu.dma_semaphore, #tpu.memory_space<semaphore_mem>>) src(%arg13 : memref<128x16xf32, #tpu.memory_space<vmem>>) dst(%dma_wait3A_30 : memref<2048x16xf32, #tpu.memory_space<vmem_shared>>)
      tpu.yield
    }) : () -> ()
    %dma_wait3A = arith.constant 0 : i32
    %dma_wait3A_14 = arith.constant 0 : i32
    %dma_wait3A_15 = tpu.memref_slice %arg2[%dma_wait3A, %dma_wait3A_14] : memref<2048x128xf32, #tpu.memory_space<hbm>> -> memref<2048x128xf32, #tpu.memory_space<hbm>>
    tpu.wait_indirect_dma semaphore(%arg14 : memref<!tpu.dma_semaphore, #tpu.memory_space<semaphore_mem>>) src(%dma_wait3A_15 : memref<2048x128xf32, #tpu.memory_space<hbm>>) dst(%arg10 : memref<64x128xf32, #tpu.memory_space<vmem>>)
    "tpu.region"() ({
      %run_scoped3A_24 = tpu.sem_alloc : memref<!tpu.dma_semaphore, #tpu.memory_space<semaphore_mem>>
      %dma_start3A_25 = arith.constant 0 : i32
      %dma_start3A_26 = tpu.memref_slice %arg7[%mul3A_4, %dma_start3A_25] : memref<2048x128xf32, #tpu.memory_space<hbm>> -> memref<64x128xf32, #tpu.memory_space<hbm>>
      %dma_start3A_27 = arith.constant 0 : i32
      %dma_start3A_28 = tpu.memref_slice %arg7[%mul3A_4, %dma_start3A_27] : memref<2048x128xf32, #tpu.memory_space<hbm>> -> memref<64x128xf32, #tpu.memory_space<hbm>>
      tpu.enqueue_dma source(%arg10 : memref<64x128xf32, #tpu.memory_space<vmem>>) target(%dma_start3A_28 : memref<64x128xf32, #tpu.memory_space<hbm>>) target_semaphore(%run_scoped3A_24 : memref<!tpu.dma_semaphore, #tpu.memory_space<semaphore_mem>>)
      %dma_wait3A_29 = arith.constant 0 : i32
      %dma_wait3A_30 = tpu.memref_slice %arg7[%mul3A_4, %dma_wait3A_29] : memref<2048x128xf32, #tpu.memory_space<hbm>> -> memref<64x128xf32, #tpu.memory_space<hbm>>
      %dma_wait3A_31 = arith.constant 0 : i32
      %dma_wait3A_32 = tpu.memref_slice %arg7[%mul3A_4, %dma_wait3A_31] : memref<2048x128xf32, #tpu.memory_space<hbm>> -> memref<64x128xf32, #tpu.memory_space<hbm>>
      tpu.wait_dma2 semaphore(%run_scoped3A_24 : memref<!tpu.dma_semaphore, #tpu.memory_space<semaphore_mem>>) src(%arg10 : memref<64x128xf32, #tpu.memory_space<vmem>>) dst(%dma_wait3A_32 : memref<64x128xf32, #tpu.memory_space<hbm>>)
      tpu.yield
    }) : () -> ()
    %barrier3A_16 = arith.constant 0 : index
    tpu.barrier barrier_id(%barrier3A_16)
    %mul3A_17 = arith.constant 128 : i32
    %mul3A_18 = arith.muli %arg1, %mul3A_17 : i32
    %mul3A_19 = arith.constant 2048 : i32
    %mul3A_20 = arith.muli %arg0, %mul3A_19 : i32
    %mul3A_21 = arith.constant 128 : i32
    %mul3A_22 = arith.muli %arg1, %mul3A_21 : i32
    %add3A_23 = arith.addi %mul3A_20, %mul3A_22 : i32
    "tpu.region"() ({
      %run_scoped3A_24 = tpu.sem_alloc : memref<!tpu.dma_semaphore, #tpu.memory_space<semaphore_mem>>
      %dma_start3A_25 = arith.constant 0 : i32
      %dma_start3A_26 = tpu.memref_slice %arg8[%add3A_23, %dma_start3A_25] : memref<4096x16xf32, #tpu.memory_space<hbm>> -> memref<128x16xf32, #tpu.memory_space<hbm>>
      %dma_start3A_27 = arith.constant 0 : i32
      %dma_start3A_28 = tpu.memref_slice %arg17[%mul3A_18, %dma_start3A_27] : memref<2048x16xf32, #tpu.memory_space<vmem_shared>> -> memref<128x16xf32, #tpu.memory_space<vmem_shared>>
      tpu.enqueue_dma source(%dma_start3A_28 : memref<128x16xf32, #tpu.memory_space<vmem_shared>>) target(%dma_start3A_26 : memref<128x16xf32, #tpu.memory_space<hbm>>) target_semaphore(%run_scoped3A_24 : memref<!tpu.dma_semaphore, #tpu.memory_space<semaphore_mem>>)
      %dma_wait3A_29 = arith.constant 0 : i32
      %dma_wait3A_30 = tpu.memref_slice %arg8[%add3A_23, %dma_wait3A_29] : memref<4096x16xf32, #tpu.memory_space<hbm>> -> memref<128x16xf32, #tpu.memory_space<hbm>>
      %dma_wait3A_31 = arith.constant 0 : i32
      %dma_wait3A_32 = tpu.memref_slice %arg17[%mul3A_18, %dma_wait3A_31] : memref<2048x16xf32, #tpu.memory_space<vmem_shared>> -> memref<128x16xf32, #tpu.memory_space<vmem_shared>>
      tpu.wait_dma2 semaphore(%run_scoped3A_24 : memref<!tpu.dma_semaphore, #tpu.memory_space<semaphore_mem>>) src(%dma_wait3A_32 : memref<128x16xf32, #tpu.memory_space<vmem_shared>>) dst(%dma_wait3A_30 : memref<128x16xf32, #tpu.memory_space<hbm>>)
      tpu.yield
    }) : () -> ()
    return
  }
}

module attributes {stable_mosaic.version = 14 : i64} {
  func.func @_tc_a_body(%arg0: memref<4096x16xf32, #tpu.memory_space<vmem>>, %arg1: memref<2048x128xf32, #tpu.memory_space<vmem>>, %arg2: memref<128x64xf32, #tpu.memory_space<vmem>>, %arg3: memref<2048x64xf32, #tpu.memory_space<vmem>>, %arg4: memref<2048x1xf32, #tpu.memory_space<vmem>>) attributes {dimension_semantics = [], scalar_prefetch = 0 : i64, scratch_operands = 0 : i64, tpu.core_type = #tpu.core_type<tc>} {
    %get3A = arith.constant 0 : index
    %get3A_0 = arith.constant 0 : index
    %get3A_1 = vector.load %arg0[%get3A, %get3A_0] : memref<4096x16xf32, #tpu.memory_space<vmem>>, vector<2048x1xf32>
    %get3A_2 = arith.constant 2048 : index
    %get3A_3 = arith.constant 0 : index
    %get3A_4 = vector.load %arg0[%get3A_2, %get3A_3] : memref<4096x16xf32, #tpu.memory_space<vmem>>, vector<2048x1xf32>
    %add3A = arith.addf %get3A_1, %get3A_4 : vector<2048x1xf32>
    %add3A_5 = arith.constant 1.000000e+00 : f32
    %add3A_6 = vector.broadcast %add3A_5 : f32 to vector<2048x1xf32>
    %add3A_7 = arith.addf %add3A, %add3A_6 : vector<2048x1xf32>
    %rsqrt3A = math.rsqrt %add3A_7 : vector<2048x1xf32>
    %swap3A = arith.constant 0 : index
    %swap3A_8 = arith.constant 0 : index
    %swap3A_9 = vector.load %arg4[%swap3A, %swap3A_8] : memref<2048x1xf32, #tpu.memory_space<vmem>>, vector<2048x1xf32>
    tpu.vector_store %arg4[%swap3A, %swap3A_8], %rsqrt3A {strides = array<i32>} : memref<2048x1xf32, #tpu.memory_space<vmem>>, vector<2048x1xf32>,
    %get3A_10 = arith.constant 0 : index
    %get3A_11 = arith.constant 0 : index
    %get3A_12 = vector.load %arg1[%get3A_10, %get3A_11] : memref<2048x128xf32, #tpu.memory_space<vmem>>, vector<2048x128xf32>
    %get3A_13 = arith.constant 0 : index
    %get3A_14 = arith.constant 0 : index
    %get3A_15 = vector.load %arg2[%get3A_13, %get3A_14] : memref<128x64xf32, #tpu.memory_space<vmem>>, vector<128x64xf32>
    %dot_general3A = arith.constant dense<0.000000e+00> : vector<2048x64xf32>
    %dot_general3A_16 = tpu.matmul %get3A_12, %get3A_15, %dot_general3A {dimension_numbers = #tpu.dot_dimension_numbers<[1], [0], [0], [1], [0, 0, 1, 1], [], []>, transpose_lhs_hint = false} : vector<2048x128xf32>, vector<128x64xf32>, vector<2048x64xf32> -> vector<2048x64xf32>
    %mul3A = vector.broadcast %rsqrt3A : vector<2048x1xf32> to vector<2048x64xf32>
    %mul3A_17 = arith.mulf %mul3A, %dot_general3A_16 : vector<2048x64xf32>
    %swap3A_18 = arith.constant 0 : index
    %swap3A_19 = arith.constant 0 : index
    %swap3A_20 = vector.load %arg3[%swap3A_18, %swap3A_19] : memref<2048x64xf32, #tpu.memory_space<vmem>>, vector<2048x64xf32>
    tpu.vector_store %arg3[%swap3A_18, %swap3A_19], %mul3A_17 {strides = array<i32>} : memref<2048x64xf32, #tpu.memory_space<vmem>>, vector<2048x64xf32>,
    return
  }
}

module attributes {stable_mosaic.version = 14 : i64} {
  func.func @_tc_b_body(%arg0: memref<4096x64xf32, #tpu.memory_space<vmem>>, %arg1: memref<2048x64xf32, #tpu.memory_space<vmem>>, %arg2: memref<2048x1xf32, #tpu.memory_space<vmem>>, %arg3: memref<1x64xf32, #tpu.memory_space<vmem>>, %arg4: memref<64x64xf32, #tpu.memory_space<vmem>>, %arg5: memref<2048x64xf32, #tpu.memory_space<vmem>>) attributes {dimension_semantics = [], scalar_prefetch = 0 : i64, scratch_operands = 0 : i64, tpu.core_type = #tpu.core_type<tc>} {
    %get3A = arith.constant 0 : index
    %get3A_0 = arith.constant 0 : index
    %get3A_1 = vector.load %arg2[%get3A, %get3A_0] : memref<2048x1xf32, #tpu.memory_space<vmem>>, vector<2048x1xf32>
    %get3A_2 = arith.constant 0 : index
    %get3A_3 = arith.constant 0 : index
    %get3A_4 = vector.load %arg1[%get3A_2, %get3A_3] : memref<2048x64xf32, #tpu.memory_space<vmem>>, vector<2048x64xf32>
    %get3A_5 = arith.constant 0 : index
    %get3A_6 = arith.constant 0 : index
    %get3A_7 = vector.load %arg0[%get3A_5, %get3A_6] : memref<4096x64xf32, #tpu.memory_space<vmem>>, vector<2048x64xf32>
    %get3A_8 = arith.constant 2048 : index
    %get3A_9 = arith.constant 0 : index
    %get3A_10 = vector.load %arg0[%get3A_8, %get3A_9] : memref<4096x64xf32, #tpu.memory_space<vmem>>, vector<2048x64xf32>
    %add3A = arith.addf %get3A_7, %get3A_10 : vector<2048x64xf32>
    %add3A_11 = arith.addf %add3A, %get3A_4 : vector<2048x64xf32>
    %mul3A = vector.broadcast %get3A_1 : vector<2048x1xf32> to vector<2048x64xf32>
    %mul3A_12 = arith.mulf %mul3A, %add3A_11 : vector<2048x64xf32>
    %get3A_13 = arith.constant 0 : index
    %get3A_14 = arith.constant 0 : index
    %get3A_15 = vector.load %arg3[%get3A_13, %get3A_14] : memref<1x64xf32, #tpu.memory_space<vmem>>, vector<1x64xf32>
    %add3A_16 = vector.broadcast %get3A_15 : vector<1x64xf32> to vector<2048x64xf32>
    %add3A_17 = arith.addf %mul3A_12, %add3A_16 : vector<2048x64xf32>
    %max3A = arith.constant 0.000000e+00 : f32
    %max3A_18 = vector.broadcast %max3A : f32 to vector<2048x64xf32>
    %max3A_19 = arith.maximumf %add3A_17, %max3A_18 : vector<2048x64xf32>
    %get3A_20 = arith.constant 0 : index
    %get3A_21 = arith.constant 0 : index
    %get3A_22 = vector.load %arg4[%get3A_20, %get3A_21] : memref<64x64xf32, #tpu.memory_space<vmem>>, vector<64x64xf32>
    %dot_general3A = arith.constant dense<0.000000e+00> : vector<2048x64xf32>
    %dot_general3A_23 = tpu.matmul %max3A_19, %get3A_22, %dot_general3A {dimension_numbers = #tpu.dot_dimension_numbers<[1], [0], [0], [1], [0, 0, 1, 1], [], []>, transpose_lhs_hint = false} : vector<2048x64xf32>, vector<64x64xf32>, vector<2048x64xf32> -> vector<2048x64xf32>
    %mul3A_24 = vector.broadcast %get3A_1 : vector<2048x1xf32> to vector<2048x64xf32>
    %mul3A_25 = arith.mulf %mul3A_24, %dot_general3A_23 : vector<2048x64xf32>
    %swap3A = arith.constant 0 : index
    %swap3A_26 = arith.constant 0 : index
    %swap3A_27 = vector.load %arg5[%swap3A, %swap3A_26] : memref<2048x64xf32, #tpu.memory_space<vmem>>, vector<2048x64xf32>
    tpu.vector_store %arg5[%swap3A, %swap3A_26], %mul3A_25 {strides = array<i32>} : memref<2048x64xf32, #tpu.memory_space<vmem>>, vector<2048x64xf32>,
    return
  }
}

module attributes {stable_mosaic.version = 14 : i64} {
  func.func @_tc_c_body(%arg0: i32, %arg1: i32, %arg2: memref<4096x64xf32, #tpu.memory_space<vmem>>, %arg3: memref<2048x64xf32, #tpu.memory_space<vmem>>, %arg4: memref<2048x1xf32, #tpu.memory_space<vmem>>, %arg5: memref<1x64xf32, #tpu.memory_space<vmem>>, %arg6: memref<64x128xf32, #tpu.memory_space<vmem>>, %arg7: memref<1x128xf32, #tpu.memory_space<vmem>>, %arg8: memref<128x2048xf32, #tpu.memory_space<vmem>>, %arg9: memref<1x2048xf32, #tpu.memory_space<vmem>>, %arg10: memref<512x512xf32, #tpu.memory_space<vmem>>, %arg11: memref<2048x128xf32, #tpu.memory_space<vmem>>, %arg12: memref<2048x128xf32, #tpu.memory_space<vmem>>, %arg13: memref<2048x1xf32, #tpu.memory_space<vmem>>) attributes {dimension_semantics = [#tpu.dimension_semantics<arbitrary>, #tpu.dimension_semantics<arbitrary>], iteration_bounds = array<i64: 4, 4>, scalar_prefetch = 0 : i64, scratch_operands = 3 : i64, tpu.core_type = #tpu.core_type<tc>, window_params = [{pipeline_mode = #tpu.pipeline_mode<synchronous>, transform_indices = @transform_0, window_bounds = array<i64: 4096, 64>}, {pipeline_mode = #tpu.pipeline_mode<synchronous>, transform_indices = @transform_1, window_bounds = array<i64: 2048, 64>}, {pipeline_mode = #tpu.pipeline_mode<synchronous>, transform_indices = @transform_2, window_bounds = array<i64: 2048, 1>}, {pipeline_mode = #tpu.pipeline_mode<synchronous>, transform_indices = @transform_3, window_bounds = array<i64: 1, 64>}, {pipeline_mode = #tpu.pipeline_mode<synchronous>, transform_indices = @transform_4, window_bounds = array<i64: 64, 128>}, {pipeline_mode = #tpu.pipeline_mode<synchronous>, transform_indices = @transform_5, window_bounds = array<i64: 1, 128>}, {pipeline_mode = #tpu.pipeline_mode<synchronous>, transform_indices = @transform_6, window_bounds = array<i64: 128, 2048>}, {pipeline_mode = #tpu.pipeline_mode<synchronous>, transform_indices = @transform_7, window_bounds = array<i64: 1, 2048>}, {transform_indices = @transform_8, window_bounds = array<i64: 512, 512>}]} {
    %eq3A = arith.constant 0 : i32
    %eq3A_0 = arith.cmpi eq, %arg0, %eq3A : i32
    %eq3A_1 = arith.constant 0 : i32
    %eq3A_2 = arith.cmpi eq, %arg1, %eq3A_1 : i32
    %and3A = arith.andi %eq3A_0, %eq3A_2 : i1
    %convert_element_type3A = arith.extui %and3A : i1 to i32
    %cond3A = arith.constant 0 : i32
    %cond3A_3 = arith.cmpi ne, %convert_element_type3A, %cond3A : i32
    scf.if %cond3A_3 {
      %get3A_33 = arith.constant 0 : index
      %get3A_34 = arith.constant 0 : index
      %get3A_35 = vector.load %arg4[%get3A_33, %get3A_34] : memref<2048x1xf32, #tpu.memory_space<vmem>>, vector<2048x1xf32>
      %get3A_36 = arith.constant 0 : index
      %get3A_37 = arith.constant 0 : index
      %get3A_38 = vector.load %arg3[%get3A_36, %get3A_37] : memref<2048x64xf32, #tpu.memory_space<vmem>>, vector<2048x64xf32>
      %get3A_39 = arith.constant 0 : index
      %get3A_40 = arith.constant 0 : index
      %get3A_41 = vector.load %arg2[%get3A_39, %get3A_40] : memref<4096x64xf32, #tpu.memory_space<vmem>>, vector<2048x64xf32>
      %get3A_42 = arith.constant 2048 : index
      %get3A_43 = arith.constant 0 : index
      %get3A_44 = vector.load %arg2[%get3A_42, %get3A_43] : memref<4096x64xf32, #tpu.memory_space<vmem>>, vector<2048x64xf32>
      %add3A_45 = arith.addf %get3A_41, %get3A_44 : vector<2048x64xf32>
      %add3A_46 = arith.addf %add3A_45, %get3A_38 : vector<2048x64xf32>
      %mul3A_47 = vector.broadcast %get3A_35 : vector<2048x1xf32> to vector<2048x64xf32>
      %mul3A_48 = arith.mulf %mul3A_47, %add3A_46 : vector<2048x64xf32>
      %get3A_49 = arith.constant 0 : index
      %get3A_50 = arith.constant 0 : index
      %get3A_51 = vector.load %arg5[%get3A_49, %get3A_50] : memref<1x64xf32, #tpu.memory_space<vmem>>, vector<1x64xf32>
      %add3A_52 = vector.broadcast %get3A_51 : vector<1x64xf32> to vector<2048x64xf32>
      %add3A_53 = arith.addf %mul3A_48, %add3A_52 : vector<2048x64xf32>
      %max3A = arith.constant 0.000000e+00 : f32
      %max3A_54 = vector.broadcast %max3A : f32 to vector<2048x64xf32>
      %max3A_55 = arith.maximumf %add3A_53, %max3A_54 : vector<2048x64xf32>
      %get3A_56 = arith.constant 0 : index
      %get3A_57 = arith.constant 0 : index
      %get3A_58 = vector.load %arg6[%get3A_56, %get3A_57] : memref<64x128xf32, #tpu.memory_space<vmem>>, vector<64x128xf32>
      %dot_general3A_59 = arith.constant dense<0.000000e+00> : vector<2048x128xf32>
      %dot_general3A_60 = tpu.matmul %max3A_55, %get3A_58, %dot_general3A_59 {dimension_numbers = #tpu.dot_dimension_numbers<[1], [0], [0], [1], [0, 0, 1, 1], [], []>, transpose_lhs_hint = false} : vector<2048x64xf32>, vector<64x128xf32>, vector<2048x128xf32> -> vector<2048x128xf32>
      %get3A_61 = arith.constant 0 : index
      %get3A_62 = arith.constant 0 : index
      %get3A_63 = vector.load %arg7[%get3A_61, %get3A_62] : memref<1x128xf32, #tpu.memory_space<vmem>>, vector<1x128xf32>
      %add3A_64 = vector.broadcast %get3A_63 : vector<1x128xf32> to vector<2048x128xf32>
      %add3A_65 = arith.addf %dot_general3A_60, %add3A_64 : vector<2048x128xf32>
      %swap3A_66 = arith.constant 0 : index
      %swap3A_67 = arith.constant 0 : index
      %swap3A_68 = vector.load %arg11[%swap3A_66, %swap3A_67] : memref<2048x128xf32, #tpu.memory_space<vmem>>, vector<2048x128xf32>
      tpu.vector_store %arg11[%swap3A_66, %swap3A_67], %add3A_65 {strides = array<i32>} : memref<2048x128xf32, #tpu.memory_space<vmem>>, vector<2048x128xf32>,
      %get3A_69 = arith.constant 0 : index
      %get3A_70 = arith.constant 0 : index
      %get3A_71 = vector.load %arg8[%get3A_69, %get3A_70] : memref<128x2048xf32, #tpu.memory_space<vmem>>, vector<128x2048xf32>
      %dot_general3A_72 = arith.constant dense<0.000000e+00> : vector<128x128xf32>
      %dot_general3A_73 = tpu.matmul %get3A_71, %get3A_71, %dot_general3A_72 {dimension_numbers = #tpu.dot_dimension_numbers<[1], [1], [0], [0], [0, 0, 1, 0], [], []>, transpose_lhs_hint = false} : vector<128x2048xf32>, vector<128x2048xf32>, vector<128x128xf32> -> vector<128x128xf32>
      %get3A_74 = arith.constant 0 : index
      %get3A_75 = arith.constant 0 : index
      %get3A_76 = vector.load %arg9[%get3A_74, %get3A_75] : memref<1x2048xf32, #tpu.memory_space<vmem>>, vector<1x2048xf32>
      %dot_general3A_77 = arith.constant dense<0.000000e+00> : vector<128x1xf32>
      %dot_general3A_78 = tpu.matmul %get3A_71, %get3A_76, %dot_general3A_77 {dimension_numbers = #tpu.dot_dimension_numbers<[1], [1], [0], [0], [0, 0, 1, 0], [], []>, transpose_lhs_hint = false} : vector<128x2048xf32>, vector<1x2048xf32>, vector<128x1xf32> -> vector<128x1xf32>
      %mul3A_79 = arith.mulf %get3A_76, %get3A_76 : vector<1x2048xf32>
      %reduce_sum3A = vector.shape_cast %mul3A_79 : vector<1x2048xf32> to vector<1x1x2048xf32>
      %reduce_sum3A_80 = arith.constant dense<0.000000e+00> : vector<1xf32>
      %reduce_sum3A_81 = vector.multi_reduction <add>, %reduce_sum3A, %reduce_sum3A_80 [1, 2] : vector<1x1x2048xf32> to vector<1xf32>
      %reduce_sum3A_82 = vector.shape_cast %reduce_sum3A_81 : vector<1xf32> to vector<1x1x1xf32>
      %reduce_sum3A_83 = vector.extract %reduce_sum3A_82[0, 0, 0] : f32 from vector<1x1x1xf32>
      %dot_general3A_84 = arith.constant dense<0.000000e+00> : vector<2048x128xf32>
      %dot_general3A_85 = tpu.matmul %add3A_65, %dot_general3A_73, %dot_general3A_84 {dimension_numbers = #tpu.dot_dimension_numbers<[1], [0], [0], [1], [0, 0, 1, 1], [], []>, transpose_lhs_hint = false} : vector<2048x128xf32>, vector<128x128xf32>, vector<2048x128xf32> -> vector<2048x128xf32>
      %swap3A_86 = arith.constant 0 : index
      %swap3A_87 = arith.constant 0 : index
      %swap3A_88 = vector.load %arg12[%swap3A_86, %swap3A_87] : memref<2048x128xf32, #tpu.memory_space<vmem>>, vector<2048x128xf32>
      tpu.vector_store %arg12[%swap3A_86, %swap3A_87], %dot_general3A_85 {strides = array<i32>} : memref<2048x128xf32, #tpu.memory_space<vmem>>, vector<2048x128xf32>,
      %dot_general3A_89 = arith.constant dense<0.000000e+00> : vector<2048x1xf32>
      %dot_general3A_90 = tpu.matmul %add3A_65, %dot_general3A_78, %dot_general3A_89 {dimension_numbers = #tpu.dot_dimension_numbers<[1], [0], [0], [1], [0, 0, 1, 1], [], []>, transpose_lhs_hint = false} : vector<2048x128xf32>, vector<128x1xf32>, vector<2048x1xf32> -> vector<2048x1xf32>
      %mul3A_91 = arith.constant 5.000000e-01 : f32
      %mul3A_92 = arith.mulf %mul3A_91, %reduce_sum3A_83 : f32
      %add3A_93 = vector.broadcast %mul3A_92 : f32 to vector<2048x1xf32>
      %add3A_94 = arith.addf %dot_general3A_90, %add3A_93 : vector<2048x1xf32>
      %swap3A_95 = arith.constant 0 : index
      %swap3A_96 = arith.constant 0 : index
      %swap3A_97 = vector.load %arg13[%swap3A_95, %swap3A_96] : memref<2048x1xf32, #tpu.memory_space<vmem>>, vector<2048x1xf32>
      tpu.vector_store %arg13[%swap3A_95, %swap3A_96], %add3A_94 {strides = array<i32>} : memref<2048x1xf32, #tpu.memory_space<vmem>>, vector<2048x1xf32>,
    } else {
    }
    %mul3A = arith.constant 512 : i32
    %mul3A_4 = arith.muli %arg0, %mul3A : i32
    %get3A = arith.index_cast %mul3A_4 : i32 to index
    %get3A_5 = arith.constant 0 : index
    %get3A_6 = vector.load %arg12[%get3A, %get3A_5] : memref<2048x128xf32, #tpu.memory_space<vmem>>, vector<512x128xf32>
    %mul3A_7 = arith.constant 512 : i32
    %mul3A_8 = arith.muli %arg1, %mul3A_7 : i32
    %get3A_9 = arith.index_cast %mul3A_8 : i32 to index
    %get3A_10 = arith.constant 0 : index
    %get3A_11 = vector.load %arg11[%get3A_9, %get3A_10] : memref<2048x128xf32, #tpu.memory_space<vmem>>, vector<512x128xf32>
    %dot_general3A = arith.constant dense<0.000000e+00> : vector<512x512xf32>
    %dot_general3A_12 = tpu.matmul %get3A_6, %get3A_11, %dot_general3A {dimension_numbers = #tpu.dot_dimension_numbers<[1], [1], [0], [0], [0, 0, 1, 0], [], []>, transpose_lhs_hint = false} : vector<512x128xf32>, vector<512x128xf32>, vector<512x512xf32> -> vector<512x512xf32>
    %mul3A_13 = arith.constant 512 : i32
    %mul3A_14 = arith.muli %arg0, %mul3A_13 : i32
    %get3A_15 = arith.index_cast %mul3A_14 : i32 to index
    %get3A_16 = arith.constant 0 : index
    %get3A_17 = vector.load %arg13[%get3A_15, %get3A_16] : memref<2048x1xf32, #tpu.memory_space<vmem>>, vector<512x1xf32>
    %mul3A_18 = arith.constant 512 : i32
    %mul3A_19 = arith.muli %arg1, %mul3A_18 : i32
    %get3A_20 = arith.index_cast %mul3A_19 : i32 to index
    %get3A_21 = arith.constant 0 : index
    %get3A_22 = vector.load %arg13[%get3A_20, %get3A_21] : memref<2048x1xf32, #tpu.memory_space<vmem>>, vector<512x1xf32>
    %reshape3A = vector.shape_cast %get3A_22 : vector<512x1xf32> to vector<1x512xf32>
    %add3A = vector.broadcast %get3A_17 : vector<512x1xf32> to vector<512x512xf32>
    %add3A_23 = arith.addf %dot_general3A_12, %add3A : vector<512x512xf32>
    %add3A_24 = vector.broadcast %reshape3A : vector<1x512xf32> to vector<512x512xf32>
    %add3A_25 = arith.addf %add3A_23, %add3A_24 : vector<512x512xf32>
    %logistic3A = arith.negf %add3A_25 : vector<512x512xf32>
    %logistic3A_26 = math.exp %logistic3A : vector<512x512xf32>
    %logistic3A_27 = arith.constant 1.000000e+00 : f32
    %logistic3A_28 = vector.broadcast %logistic3A_27 : f32 to vector<512x512xf32>
    %logistic3A_29 = arith.addf %logistic3A_28, %logistic3A_26 : vector<512x512xf32>
    %logistic3A_30 = arith.divf %logistic3A_28, %logistic3A_29 : vector<512x512xf32>
    %swap3A = arith.constant 0 : index
    %swap3A_31 = arith.constant 0 : index
    %swap3A_32 = vector.load %arg10[%swap3A, %swap3A_31] : memref<512x512xf32, #tpu.memory_space<vmem>>, vector<512x512xf32>
    tpu.vector_store %arg10[%swap3A, %swap3A_31], %logistic3A_30 {strides = array<i32>} : memref<512x512xf32, #tpu.memory_space<vmem>>, vector<512x512xf32>,
    return
  }
  func.func @transform_0(%arg0: i32, %arg1: i32) -> (i32, i32) {
    %c0_i32 = arith.constant 0 : i32
    %c0_i32_0 = arith.constant 0 : i32
    %c0_i32_1 = arith.constant 0 : i32
    return %c0_i32, %c0_i32_0 : i32, i32
  }
  func.func @transform_1(%arg0: i32, %arg1: i32) -> (i32, i32) {
    %c0_i32 = arith.constant 0 : i32
    %c0_i32_0 = arith.constant 0 : i32
    %c0_i32_1 = arith.constant 0 : i32
    return %c0_i32, %c0_i32_0 : i32, i32
  }
  func.func @transform_2(%arg0: i32, %arg1: i32) -> (i32, i32) {
    %c0_i32 = arith.constant 0 : i32
    %c0_i32_0 = arith.constant 0 : i32
    %c0_i32_1 = arith.constant 0 : i32
    return %c0_i32, %c0_i32_0 : i32, i32
  }
  func.func @transform_3(%arg0: i32, %arg1: i32) -> (i32, i32) {
    %c0_i32 = arith.constant 0 : i32
    %c0_i32_0 = arith.constant 0 : i32
    %c0_i32_1 = arith.constant 0 : i32
    return %c0_i32, %c0_i32_0 : i32, i32
  }
  func.func @transform_4(%arg0: i32, %arg1: i32) -> (i32, i32) {
    %c0_i32 = arith.constant 0 : i32
    %c0_i32_0 = arith.constant 0 : i32
    %c0_i32_1 = arith.constant 0 : i32
    return %c0_i32, %c0_i32_0 : i32, i32
  }
  func.func @transform_5(%arg0: i32, %arg1: i32) -> (i32, i32) {
    %c0_i32 = arith.constant 0 : i32
    %c0_i32_0 = arith.constant 0 : i32
    %c0_i32_1 = arith.constant 0 : i32
    return %c0_i32, %c0_i32_0 : i32, i32
  }
  func.func @transform_6(%arg0: i32, %arg1: i32) -> (i32, i32) {
    %c0_i32 = arith.constant 0 : i32
    %c0_i32_0 = arith.constant 0 : i32
    %c0_i32_1 = arith.constant 0 : i32
    return %c0_i32, %c0_i32_0 : i32, i32
  }
  func.func @transform_7(%arg0: i32, %arg1: i32) -> (i32, i32) {
    %c0_i32 = arith.constant 0 : i32
    %c0_i32_0 = arith.constant 0 : i32
    %c0_i32_1 = arith.constant 0 : i32
    return %c0_i32, %c0_i32_0 : i32, i32
  }
  func.func @transform_8(%arg0: i32, %arg1: i32) -> (i32, i32) {
    %c0_i32 = arith.constant 0 : i32
    return %arg0, %arg1 : i32, i32
  }
}

</mosaic_0001>

<sc_bundles>
// kernel: kernel.11.cloned.1.call-start
scs
__scs_entry_jumppad:
0x0: {  	(pc) =	sbr.rel $0x88, $3  }
0x1: {  	(tag) =	ssettag $0x0;
	lr =	simm.s32 $0x1  }
0x2: {  	[smem:$0x3F96] =	sst lr;
	_ =	strace $0xD0000000  }
0x3: {  	_ = 	snop  }
0x4: {  	_ = 	snop  }
0x5: {  	_ = 	snop  }
0x6: {  	_ = 	snop  }
0x7: {  	_ = 	snop  }
__scs_overlays_trampoline_lowered:
0x8: {  	[smem:$0x3FA5] =	sst s0  }
0x9: {  	[smem:$0x3FA6] =	sst s1  }
0xa: {  	[smem:$0x3FA7] =	sst s2  }
0xb: {  	[smem:$0x3FA8] =	sst s3  }
0xc: {  	[smem:$0x3FA9] =	sst s4  }
0xd: {  	[smem:$0x3FAA] =	sst s5  }
0xe: {  	[smem:$0x3FAB] =	sst s6  }
0xf: {  	[smem:$0x3FAC] =	sst s7  }
0x10: {  	[smem:$0x3FAD] =	sst s8  }
0x11: {  	[smem:$0x3FAE] =	sst s9;
	s0 =	simm.s32 @!p0 $0x0  }
0x12: {  	s1 =	sld [smem:$0x3F94];
	s0 =	simm.s32 @p0 $0x1  }
0x13: {  	[smem:$0x3FAF] =	sst s0;
	s0 =	simm.s32 @!p1 $0x0  }
0x14: {  	s2 =	sld [smem:$0x3F93];
	s0 =	simm.s32 @p1 $0x1  }
0x15: {  	[smem:$0x3FB0] =	sst s0;
	s0 =	simm.s32 @!p2 $0x0  }
0x16: {  	s3 =	sld [smem:$0x3FDB];
	s0 =	simm.s32 @p2 $0x1  }
0x17: {  	s4 =	simm.s32 $0x1BF5;
	[smem:$0x3FB2] =	sst s0  }
0x18: {  	s0 =	sld [smem:$0x3F95];
	_ =	swait.ge [sflag:s4], $0x0  }
0x19: {  	s7 =	sld [smem:$0x3F96]  }
0x1a: {  	s8 =	sadd.s32 $0xFFFFE003, lr  }
0x1b: {  	s9 =	sadd.s32 $0xFFFFFEF7, lr;
	s5 =	simm.s32 $0xFFFFFFFF;
	p2 =	slt.u32 s8, $0xFFFFF086  }
0x1c: {  	p1 =	slt.u32 s9, $0xF7A;
	s5 =	simm.s32 @!p2 $0x0  }
0x1d: {  	s5 =	simm.s32 @p1 $0x1;
	p0 =	seq.s32 s7, s2  }
0x1e: {  	s7 =	smul.u32 @!p0 $0xF7A, s2;
	p2 =	seq.s32 @!p0 s5, $0x0  }
0x1f: {  	s9 =	smul.u32 $0xF7A, s1;
	s8 =	simm.s32 @!p0 $0x1BF5;
	p2 =	por !p2, p0  }
0x20: {  	[sflag:s8] =	ssyncset.s32 @!p0 $0xFFFFF086;
	s6 =	sadd.s32 @!p0 s3, s7;
	s7 =	simm.s32 @!p0 $0x108  }
0x21: {  	s3 =	sadd.s32 s3, s9;
	s6 =	sadd.s32 @!p0 $0x88, s6;
	s7 =	simm.s32 @p2 $0x1082  }
0x22: {  	[simem:s7], [sflag:s8] =	dma.local @!p0 [hbm:s6], $0xF7A  }
0x23: {  	s9 =	sor.u32 $0xD0000000, s2;
	s6 =	simm.s32 $0x108;
	_ =	swait.ge @!p0 [sflag:s8], $0x0  }
0x24: {  	s3 =	sadd.s32 $0x88, s3;
	s6 =	simm.s32 @!p1 $0x1082;
	[sflag:s4] =	ssyncset.s32 $0xFFFFF086  }
0x25: {  	[simem:s6], [sflag:s4] =	dma.local [hbm:s3], $0xF7A  }
0x26: {  	[smem:$0x3F96] =	sst s1;
	(tag) =	ssettag s2;
	_ =	strace s9  }
0x27: {  	s1 =	sld [smem:$0x3FA6]  }
0x28: {  	s2 =	sld [smem:$0x3FA7]  }
0x29: {  	s4 =	sld [smem:$0x3FA9]  }
0x2a: {  	p0 =	seq.s32 s5, $0x0;
	s5 =	sld [smem:$0x3FAA]  }
0x2b: {  	s6 =	sld [smem:$0x3FAB]  }
0x2c: {  	s7 =	sld [smem:$0x3FAC]  }
0x2d: {  	s3 =	simm.s32 $0x108;
	s8 =	sld [smem:$0x3FAD]  }
0x2e: {  	s3 =	simm.s32 @!p0 $0x1082;
	s9 =	sld [smem:$0x3FAE]  }
0x2f: {  	lr =	sadd.s32 s0, s3;
	s0 =	sld [smem:$0x3FA5]  }
0x30: {  	s3 =	sld [smem:$0x3FA8]  }
0x31: {  	[smem:$0x3FB1] =	sst s10  }
0x32: {  	s10 =	sld [smem:$0x3FAF];
	_ =	sdelay $0x3  }
0x33: {  	p0 =	seq.s32 s10, $0x1;
	s10 =	sld [smem:$0x3FB1];
	_ =	sdelay $0x3  }
0x34: {  	[smem:$0x3FB1] =	sst s10  }
0x35: {  	s10 =	sld [smem:$0x3FB0];
	_ =	sdelay $0x3  }
0x36: {  	p1 =	seq.s32 s10, $0x1;
	s10 =	sld [smem:$0x3FB1];
	_ =	sdelay $0x3  }
0x37: {  	[smem:$0x3FB1] =	sst s10  }
0x38: {  	s10 =	sld [smem:$0x3FB2]  }
0x39: {  	_ = 	snop;
	(pc) =	sbr.ind lr, $3  }
0x3a: {  	_ = 	snop  }
0x3b: {  	_ = 	snop  }
0x3c: {  	p2 =	seq.s32 s10, $0x1;
	s10 =	sld [smem:$0x3FB1]  }
0x3d: {  	_ =	shalt  }
0x3e: {  	_ =	shalt  }
0x3f: {  	_ =	shalt  }
0x40: {  	_ =	shalt  }
0x41: {  	_ =	shalt  }
0x42: {  	_ =	shalt  }
0x43: {  	_ =	shalt  }
0x44: {  	_ =	shalt  }
0x45: {  	_ =	shalt  }
0x46: {  	_ =	shalt  }
0x47: {  	_ =	shalt  }
0x48: {  	_ =	shalt  }
0x49: {  	_ =	shalt  }
0x4a: {  	_ =	shalt  }
0x4b: {  	_ =	shalt  }
0x4c: {  	_ =	shalt  }
0x4d: {  	_ =	shalt  }
0x4e: {  	_ =	shalt  }
0x4f: {  	_ =	shalt  }
0x50: {  	_ =	shalt  }
0x51: {  	_ =	shalt  }
0x52: {  	_ =	shalt  }
0x53: {  	_ =	shalt  }
0x54: {  	_ =	shalt  }
0x55: {  	_ =	shalt  }
0x56: {  	_ =	shalt  }
0x57: {  	_ =	shalt  }
0x58: {  	_ =	shalt  }
0x59: {  	_ =	shalt  }
0x5a: {  	_ =	shalt  }
0x5b: {  	_ =	shalt  }
0x5c: {  	_ =	shalt  }
0x5d: {  	_ =	shalt  }
0x5e: {  	_ =	shalt  }
0x5f: {  	_ =	shalt  }
0x60: {  	_ =	shalt  }
0x61: {  	_ =	shalt  }
0x62: {  	_ =	shalt  }
0x63: {  	_ =	shalt  }
0x64: {  	_ =	shalt  }
0x65: {  	_ =	shalt  }
0x66: {  	_ =	shalt  }
0x67: {  	_ =	shalt  }
0x68: {  	_ =	shalt  }
0x69: {  	_ =	shalt  }
0x6a: {  	_ =	shalt  }
0x6b: {  	_ =	shalt  }
0x6c: {  	_ =	shalt  }
0x6d: {  	_ =	shalt  }
0x6e: {  	_ =	shalt  }
0x6f: {  	_ =	shalt  }
0x70: {  	_ =	shalt  }
0x71: {  	_ =	shalt  }
0x72: {  	_ =	shalt  }
0x73: {  	_ =	shalt  }
0x74: {  	_ =	shalt  }
0x75: {  	_ =	shalt  }
0x76: {  	_ =	shalt  }
0x77: {  	_ =	shalt  }
0x78: {  	_ =	shalt  }
0x79: {  	_ =	shalt  }
0x7a: {  	_ =	shalt  }
0x7b: {  	_ =	shalt  }
0x7c: {  	_ =	shalt  }
0x7d: {  	_ =	shalt  }
0x7e: {  	_ =	shalt  }
0x7f: {  	_ =	shalt  }
0x80: {  	_ =	shalt  }
0x81: {  	_ =	shalt  }
0x82: {  	_ =	shalt  }
0x83: {  	_ =	shalt  }
0x84: {  	_ =	shalt  }
0x85: {  	_ =	shalt  }
0x86: {  	_ =	shalt  }
0x87: {  	_ =	shalt  }
.Lfunc_end0:
.L_simem_size_0:
called_computation.1_lowered:
.L_overlay_start_0:
0x88: {  	s2 =	sld [smem:$0x3FD9]  }
0x89: {  	s3 =	sld [smem:$0x3FFE];
	_ =	sdelay $0x1  }
0x8a: {  	s1 =	srdreg.scid  }
0x8b: {  	s0 =	sand.u32 $0x1, s1  }
0x8c: {  	s17 =	sshll.u32 s0, $0xA;
	s2 =	sadd.s32 s3, s2  }
0x8d: {  	s2 =	sadd.s32 s2, s17  }
0x8e: {  	[smem:$0x3FBD] =	sst s2  }
0x8f: {  	_ = 	snop  }
0x90: {  	s2 =	sld [smem:$0x3FD0];
	(tm) =	ssettm $0x1  }
0x91: {  	s18 =	sld [smem:$0x3FFB];
	_ =	sdelay $0x3  }
0x92: {  	_ =	strace s18  }
0x93: {  	s3 =	sld [smem:$0x3FFC];
	_ =	sdelay $0x3  }
0x94: {  	_ =	strace s3  }
0x95: {  	s3 =	sld [smem:$0x3FFD];
	_ =	sdelay $0x3  }
0x96: {  	_ =	strace s3  }
0x97: {  	_ =	strace $0x8FFFFFFF  }
0x98: {  	s19 =	sld [smem:$0x3FDB];
	_ =	sdelay $0x1  }
0x99: {  	s4 =	simm.s32 $_scs_section_size  }
0x9a: {  	s5 =	simm.s32 $_size__tile_overlayer_lowered;
	s6 =	simm.s32 $_tile_overlayer_lowered  }
0x9b: {  	s22 =	simm.s32 $0x1BFF;
	s21 =	sshll.u32 s6, $0x1;
	s3 =	sadd.s32 s4, s19  }
0x9c: {  	s7 =	simm.s32 $0x0;
	s20 =	sshll.u32 s5, $0x1;
	s5 =	sadd.s32 s21, s3  }
0x9d: {  	[timem:s7], [sflag:s22] =	dma.local [hbm:s5], s20  }
0x9e: {  	_ =	swait.ge [sflag:s22], s20  }
0x9f: {  	s4 =	ssub.s32 $0x0, s20;
	[sflag:s22] =	ssyncset.done $0x0  }
0xa0: {  	[sflag:s22] =	ssyncadd.s32 s4;
	_ =	sdelay $0x1  }
0xa1: {  	s23 =	simm.s32 $0x1B8B  }
0xa2: {  	_ =	swait.ge [sflag:s23], $0x1  }
0xa3: {  	[sflag:s23] =	ssyncset.done $0x0  }
0xa4: {  	s25 =	simm.s32 $0x1B8E;
	s24 =	sld [smem:$0x3FFE];
	[sflag:s23] =	ssyncadd.s32 $0xFFFFFFFF  }
0xa5: {  	s26 =	simm.s32 $execute0_lowered;
	[smem:$0x3FD2] =	sst s25  }
0xa6: {  	s5 =	sshll.u32 s26, $0x1;
	_ =	strace $0x80000049;
	[dreg:$0x1] =	wrdreg $0xFFFFFFFF  }
0xa7: {  	s28 =	simm.s32 $_size_execute0_lowered;
	s3 =	sadd.s32 s3, s5;
	[dreg:$0x0] =	wrdreg $0x0  }
0xa8: {  	s5 =	sshll.u32 s28, $0x1;
	[dreg:$0x2] =	wrdreg s3  }
0xa9: {  	[dreg:$0x3] =	wrdreg s5  }
0xaa: {  	[dreg:$0x4] =	wrdreg $0xC0  }
0xab: {  	_ =	task [dreg:s7], $0x5FFFF  }
0xac: {  	[dreg:$0x1] =	wrdreg $0xFFFFFFFF  }
0xad: {  	[dreg:$0x0] =	wrdreg $0x60  }
0xae: {  	[dreg:$0x2] =	wrdreg s24  }
0xaf: {  	[dreg:$0x3] =	wrdreg s2  }
0xb0: {  	[dreg:$0x4] =	wrdreg $0x85000  }
0xb1: {  	[dreg:$0x5] =	wrdreg $0x9  }
0xb2: {  	_ =	task.clear_ibuf [dreg:s7], $0x6FFFF;
	_ =	strace $0x90000049  }
0xb3: {  	s29 =	simm.s32 $0x9;
	_ =	strace $0x8000004B  }
0xb4: {  	_ =	swait.ge [sflag:s29], $0x1  }
0xb5: {  	[sflag:s29] =	ssyncadd.s32 $0xFFFFFFFF  }
0xb6: {  	_ =	strace $0x9000004B  }
0xb7: {  	_ =	sfence  }
0xb8: {  	s30 =	sld [smem:$0x0];
	_ =	sdelay $0x2  }
0xb9: {  	s31 =	sshll.u32 s1, $0xD;
	s1 =	sshrl.u32 s1, $0x2  }
0xba: {  	s3 =	sand.u32 $0x4000, s31;
	s1 =	sadd.s32 s1, s30  }
0xbb: {  	s0 =	sor.u32 s3, s0;
	s1 =	sshll.u32 s1, $0x11  }
0xbc: {  	s0 =	sor.u32 s1, s0  }
0xbd: {  	s0 =	sadd.s32 $0x8F2B, s0  }
0xbe: {  	[sflag:s0] =	ssyncadd.remote.s32 $0x1  }
0xbf: {  	_ =	sfence.sel $0xFFFF  }
0xc0: {  	[dreg:$0x0] =	wrdreg $0xFFFFFFFF;
	(pc) =	sbr.abs _section_cstart, $3  }
0xc1: {  	[dreg:$0x1] =	wrdreg $0xFFFFFFFF  }
0xc2: {  	_ =	task.clear_ibuf [dreg:s7], $0x2FFFF;
	_ =	strace $0x9FFFFFFF  }
0xc3: {  	(tm) =	ssettm $0x7FFFFFFF  }
tec
execute0_lowered:
.L_overlay_start_1:
0x0: {  	(tag) =	ssettag $0x1  }
0x1: {  	s1 =	rddreg [dreg:$0x0]  }
0x2: {  	s0 =	rddreg [dreg:$0x1]  }
0x3: {  	s2 =	rddreg [dreg:$0x2]  }
0x4: {  	s3 =	simm.s32 $0x0;
	s4 =	srdreg.scid;
	s17 =	stileid.u32  }
0x5: {  	s30 =	simm.s32 $0x8;
	[smem:$0x7FF] =	sst s3;
	s4 =	sand.u32 $0x1, s4  }
0x6: {  	s5 =	sshll.u32 s17, $0x8;
	s7 =	sadd.s32 $0x2600, s1;
	s6 =	sshll.u32 s4, $0x7  }
0x7: {  	s8 =	sadd.s32 $0x8600, s1;
	s16 =	sadd.s32 $0x3600, s1;
	s5 =	sor.u32 s6, s5  }
0x8: {  	_ =	strace $0x8000004A;
	[dreg:$0x4] =	wrdreg s8;
	s6 =	sadd.s32 s7, s5  }
0x9: {  	s9 =	sor.u32 $0x10, s5;
	s10 =	sor.u32 $0x20, s5;
	s11 =	sor.u32 $0x30, s5  }
0xa: {  	s12 =	sor.u32 $0x40, s5;
	s13 =	sor.u32 $0x50, s5;
	s14 =	sor.u32 $0x60, s5  }
0xb: {  	s15 =	sor.u32 $0x70, s5;
	s5 =	sadd.s32 s16, s5;
	[dreg:$0x5] =	wrdreg s6  }
0xc: {  	p0 =	por $0x0, $0x0;
	s22 =	sadd.s32 s7, s9;
	[dreg:$0xd] =	wrdreg s5  }
0xd: {  	s29 =	simm.s32 $0x9;
	s23 =	sadd.s32 s7, s10;
	[dreg:$0x6] =	wrdreg s22  }
0xe: {  	s21 =	sshll.u32 s17, $0xA;
	s24 =	sadd.s32 s7, s11;
	[dreg:$0x7] =	wrdreg s23  }
0xf: {  	s8 =	sadd.s32 $0x4600, s1;
	s25 =	sadd.s32 s7, s12;
	[dreg:$0x8] =	wrdreg s24  }
0x10: {  	s0 =	sadd.s32 s0, s21;
	s26 =	sadd.s32 s7, s13;
	[dreg:$0x9] =	wrdreg s25  }
0x11: {  	s1 =	simm.s32 $0x6;
	s28 =	sadd.s32 s7, s14;
	[dreg:$0xa] =	wrdreg s26  }
0x12: {  	s21 =	simm.s32 $0xC;
	s31 =	sadd.s32 s7, s15;
	[dreg:$0xb] =	wrdreg s28  }
0x13: {  	s7 =	sadd.s32 s16, s9;
	s9 =	ssub.s32 $0x2, s4;
	[dreg:$0xc] =	wrdreg s31  }
0x14: {  	s10 =	sadd.s32 s16, s10;
	s19 =	sadd.s32 s16, s11;
	[dreg:$0xe] =	wrdreg s7  }
0x15: {  	s20 =	sadd.s32 s16, s12;
	s11 =	simm.s32 $0x4500;
	[dreg:$0xf] =	wrdreg s10  }
0x16: {  	s12 =	simm.s32 $0x400;
	s18 =	sshrl.u32 s9, $0x1;
	[dreg:$0x10] =	wrdreg s19  }
0x17: {  	[dreg:$0x11] =	wrdreg s20;
	s22 =	sadd.s32 s16, s13;
	s23 =	sshll.u32 s17, $0xD  }
0x18: {  	s24 =	sadd.s32 s16, s14;
	s25 =	sshll.u32 s17, $0x6;
	s26 =	sadd.s32 s16, s15  }
0x19: {  	s28 =	sshll.u32 s4, $0xE;
	s4 =	simm.s32 $0x5;
	s16 =	simm.s32 $0x500  }
0x1a: {  	s14 =	simm.s32 $0x2500;
	s19 =	simm.s32 $0x1;
	s17 =	simm.s32 $0x2  }
0x1b: {  	s10 =	simm.s32 $0x480;
	s15 =	simm.s32 $0x3;
	s5 =	ssub.s32 s9, s18  }
0x1c: {  	s13 =	simm.s32 $0x4;
	s20 =	rddreg [dreg:$0x4];
	s31 =	smax.u32 s5, $0x1  }
0x1d: {  	[dreg:$0x12] =	wrdreg s22;
	s7 =	sadd.s32 s23, s2;
	p1 =	sne.s32 s31, $0x1  }
.Ltmp0:
0x1e: {  	[dreg:$0x13] =	wrdreg s24;
	s23 =	sor.u32 $0x1C0D, s25;
	(pc) =	sbr.rel @!p1 .LBB2_5-.Ltmp0, $4  }
0x1f: {  	[dreg:$0x14] =	wrdreg s26;
	s0 =	sadd.s32 s28, s0;
	s22 =	simm.s32 $0x100  }
0x20: {  	s9 =	simm.s32 $0x6500;
	s25 =	simm.s32 $0xA;
	s24 =	simm.s32 $0xB  }
0x21: {  	[dreg:$0x15] =	wrdreg s0;
	s6 =	sshrl.u32 s7, $0x3;
	s5 =	simm.s32 $0xD  }
0x22: {  	s7 =	simm.s32 $0x80;
	s0 =	simm.s32 $0x7;
	s18 =	sadd.s32 $0xFFFFFFFF, s31  }
0x23: {  	[spmem:s6], [sflag:s23] =	dma.local [hbm:s20], $0x400  }
0x24: {  	_ =	swait.ge [sflag:s5], $0x400  }
0x25: {  	[dreg:$0x16] =	wrdreg s23;
	[sflag:s5] =	ssyncset.done $0x0  }
0x26: {  	s26 =	rddreg [dreg:$0x5];
	[sflag:s5] =	ssyncadd.s32 $0xFFFFFC00  }
0x27: {  	[tilespmem:s3], [sflag:$0x5] =	stream.linear.gather [hbm4b:s26+s3], $0x80, $0x38;
	[tilespmem:$0xA500] =	vst v63  }
0x28: {  	s28 =	rddreg [dreg:$0x6]  }
0x29: {  	[tilespmem:s7], [sflag:$0x6] =	stream.linear.gather [hbm4b:s28+s3], $0x80, $0x38;
	[tilespmem:$0xA500] =	vst v63  }
0x2a: {  	s21 =	rddreg [dreg:$0x7]  }
0x2b: {  	[tilespmem:s22], [sflag:$0x7] =	stream.linear.gather [hbm4b:s21+s3], $0x80, $0x38;
	[tilespmem:$0xA500] =	vst v63  }
0x2c: {  	s26 =	rddreg [dreg:$0x8];
	s28 =	simm.s32 $0x180  }
0x2d: {  	[tilespmem:s28], [sflag:$0x8] =	stream.linear.gather [hbm4b:s26+s3], $0x80, $0x38;
	[tilespmem:$0xA500] =	vst v63  }
0x2e: {  	s21 =	rddreg [dreg:$0x9];
	s26 =	simm.s32 $0x200  }
0x2f: {  	[tilespmem:s26], [sflag:$0x9] =	stream.linear.gather [hbm4b:s21+s3], $0x80, $0x38;
	[tilespmem:$0xA500] =	vst v63  }
0x30: {  	s31 =	smov.u32 s18;
	s18 =	rddreg [dreg:$0xa];
	s21 =	simm.s32 $0x280  }
0x31: {  	[tilespmem:s21], [sflag:$0xA] =	stream.linear.gather [hbm4b:s18+s3], $0x80, $0x38;
	[tilespmem:$0xA500] =	vst v63  }
0x32: {  	s23 =	simm.s32 $0x300;
	s20 =	rddreg [dreg:$0xb]  }
0x33: {  	[tilespmem:s23], [sflag:$0xB] =	stream.linear.gather [hbm4b:s20+s3], $0x80, $0x38;
	[tilespmem:$0xA500] =	vst v63  }
0x34: {  	s18 =	rddreg [dreg:$0xc];
	s20 =	simm.s32 $0x380  }
0x35: {  	[tilespmem:s20], [sflag:$0xC] =	stream.linear.gather [hbm4b:s18+s3], $0x80, $0x38;
	[tilespmem:$0xA500] =	vst v63  }
0x36: {  	[bflag:$0x0] =	sbarrier.arrive $0xFFFF  }
0x37: {  	_ =	swait.ge [sflag:s4], $0x80  }
0x38: {  	[sflag:s4] =	ssyncset.done $0x0  }
0x39: {  	[sflag:s4] =	ssyncadd.s32 $0xFFFFFF80  }
0x3a: {  	[tilespmem:s16], [sflag:$0x1] =	stream.indirect.gather [hbm4b:s8+s7], $0x40, s3, s7, $0xb8;
	[tilespmem:$0xA500] =	vst v63  }
0x3b: {  	_ =	swait.ge [sflag:s1], $0x80  }
0x3c: {  	[sflag:s1] =	ssyncset.done $0x0  }
0x3d: {  	[sflag:s1] =	ssyncadd.s32 $0xFFFFFF80  }
0x3e: {  	[tilespmem:s14], [sflag:$0x2] =	stream.indirect.gather [hbm4b:s8+s7], $0x40, s7, s7, $0xb8;
	[tilespmem:$0xA500] =	vst v63  }
0x3f: {  	_ =	swait.ge [sflag:s0], $0x80  }
0x40: {  	[sflag:s0] =	ssyncset.done $0x0  }
0x41: {  	[sflag:s0] =	ssyncadd.s32 $0xFFFFFF80  }
0x42: {  	[tilespmem:s11], [sflag:$0x3] =	stream.indirect.gather [hbm4b:s8+s7], $0x40, s22, s7, $0xb8;
	[tilespmem:$0xA500] =	vst v63  }
0x43: {  	_ =	swait.ge [sflag:s30], $0x80  }
0x44: {  	[sflag:s30] =	ssyncset.done $0x0  }
0x45: {  	[sflag:s30] =	ssyncadd.s32 $0xFFFFFF80  }
0x46: {  	[tilespmem:s9], [sflag:$0x4] =	stream.indirect.gather [hbm4b:s8+s7], $0x40, s28, s7, $0xb8;
	[tilespmem:$0xA500] =	vst v63  }
0x47: {  	_ =	swait.ge [sflag:s19], $0x2000  }
0x48: {  	[sflag:s19] =	ssyncset.done $0x0  }
0x49: {  	s28 =	rddreg [dreg:$0xd];
	[sflag:s19] =	ssyncadd.s32 $0xFFFFE000  }
0x4a: {  	[tilespmem:s12], [sflag:$0xD] =	stream.linear.gather [hbm4b:s28+s3], $0x80, $0x38;
	[tilespmem:$0xA500] =	vst v63  }
0x4b: {  	_ =	swait.ge [sflag:s5], $0x80  }
0x4c: {  	[sflag:s5] =	ssyncset.done $0x0  }
0x4d: {  	[sflag:s5] =	ssyncadd.s32 $0xFFFFFF80  }
0x4e: {  	[spmem:s2] =	stream.indirect.scatter.add.f32 [tilespmem:s16], [sflag:$0xD], $0x40, s12, s7, $0xb8;
	[tilespmem:$0xA500] =	vst v63  }
0x4f: {  	_ =	swait.ge [sflag:s5], $0x2000  }
0x50: {  	[sflag:s5] =	ssyncset.done $0x0  }
0x51: {  	[sflag:s5] =	ssyncadd.s32 $0xFFFFE000  }
0x52: {  	_ =	swait.ge [sflag:s29], $0x80  }
0x53: {  	[sflag:s29] =	ssyncset.done $0x0  }
0x54: {  	[sflag:s29] =	ssyncadd.s32 $0xFFFFFF80  }
0x55: {  	[tilespmem:s16], [sflag:$0x1] =	stream.indirect.gather [hbm4b:s8+s7], $0x40, s26, s7, $0xb8;
	[tilespmem:$0xA500] =	vst v63  }
0x56: {  	_ =	swait.ge [sflag:s17], $0x2000  }
0x57: {  	[sflag:s17] =	ssyncset.done $0x0  }
0x58: {  	s0 =	rddreg [dreg:$0xe];
	[sflag:s17] =	ssyncadd.s32 $0xFFFFE000  }
0x59: {  	[tilespmem:s10], [sflag:$0xD] =	stream.linear.gather [hbm4b:s0+s3], $0x80, $0x38;
	[tilespmem:$0xA500] =	vst v63  }
0x5a: {  	_ =	swait.ge [sflag:s5], $0x80  }
0x5b: {  	[sflag:s5] =	ssyncset.done $0x0  }
0x5c: {  	[sflag:s5] =	ssyncadd.s32 $0xFFFFFF80  }
0x5d: {  	[spmem:s2] =	stream.indirect.scatter.add.f32 [tilespmem:s14], [sflag:$0xD], $0x40, s10, s7, $0xb8;
	[tilespmem:$0xA500] =	vst v63  }
0x5e: {  	_ =	swait.ge [sflag:s5], $0x2000  }
0x5f: {  	[sflag:s5] =	ssyncset.done $0x0  }
0x60: {  	[sflag:s5] =	ssyncadd.s32 $0xFFFFE000  }
0x61: {  	_ =	swait.ge [sflag:s25], $0x80  }
0x62: {  	[sflag:s25] =	ssyncset.done $0x0  }
0x63: {  	[sflag:s25] =	ssyncadd.s32 $0xFFFFFF80  }
0x64: {  	[tilespmem:s14], [sflag:$0x2] =	stream.indirect.gather [hbm4b:s8+s7], $0x40, s21, s7, $0xb8;
	[tilespmem:$0xA500] =	vst v63  }
0x65: {  	_ =	swait.ge [sflag:s15], $0x2000  }
0x66: {  	[sflag:s15] =	ssyncset.done $0x0  }
0x67: {  	s1 =	rddreg [dreg:$0xf];
	[sflag:s15] =	ssyncadd.s32 $0xFFFFE000  }
0x68: {  	[tilespmem:s12], [sflag:$0xD] =	stream.linear.gather [hbm4b:s1+s3], $0x80, $0x38;
	[tilespmem:$0xA500] =	vst v63  }
0x69: {  	_ =	swait.ge [sflag:s5], $0x80  }
0x6a: {  	[sflag:s5] =	ssyncset.done $0x0  }
0x6b: {  	[sflag:s5] =	ssyncadd.s32 $0xFFFFFF80  }
0x6c: {  	[spmem:s2] =	stream.indirect.scatter.add.f32 [tilespmem:s11], [sflag:$0xD], $0x40, s12, s7, $0xb8;
	[tilespmem:$0xA500] =	vst v63  }
0x6d: {  	_ =	swait.ge [sflag:s5], $0x2000  }
0x6e: {  	[sflag:s5] =	ssyncset.done $0x0  }
0x6f: {  	[sflag:s5] =	ssyncadd.s32 $0xFFFFE000  }
0x70: {  	_ =	swait.ge [sflag:s24], $0x80  }
0x71: {  	[sflag:s24] =	ssyncset.done $0x0  }
0x72: {  	[sflag:s24] =	ssyncadd.s32 $0xFFFFFF80  }
0x73: {  	[tilespmem:s11], [sflag:$0x3] =	stream.indirect.gather [hbm4b:s8+s7], $0x40, s23, s7, $0xb8;
	[tilespmem:$0xA500] =	vst v63  }
0x74: {  	s23 =	rddreg [dreg:$0x16];
	_ =	swait.ge [sflag:s13], $0x2000  }
0x75: {  	[sflag:s13] =	ssyncset.done $0x0  }
0x76: {  	s4 =	rddreg [dreg:$0x10];
	[sflag:s13] =	ssyncadd.s32 $0xFFFFE000  }
0x77: {  	[tilespmem:s10], [sflag:$0xD] =	stream.linear.gather [hbm4b:s4+s3], $0x80, $0x38;
	[tilespmem:$0xA500] =	vst v63  }
0x78: {  	_ =	swait.ge [sflag:s5], $0x80  }
0x79: {  	[sflag:s5] =	ssyncset.done $0x0  }
0x7a: {  	[sflag:s5] =	ssyncadd.s32 $0xFFFFFF80  }
0x7b: {  	[spmem:s2] =	stream.indirect.scatter.add.f32 [tilespmem:s9], [sflag:$0xD], $0x40, s10, s7, $0xb8;
	[tilespmem:$0xA500] =	vst v63  }
0x7c: {  	_ =	swait.ge [sflag:s5], $0x2000  }
0x7d: {  	[sflag:s5] =	ssyncset.done $0x0  }
0x7e: {  	s21 =	simm.s32 $0xC;
	[sflag:s5] =	ssyncadd.s32 $0xFFFFE000  }
0x7f: {  	_ =	swait.ge [sflag:s21], $0x80  }
0x80: {  	[sflag:s21] =	ssyncset.done $0x0  }
0x81: {  	[sflag:s21] =	ssyncadd.s32 $0xFFFFFF80  }
0x82: {  	[tilespmem:s9], [sflag:$0x4] =	stream.indirect.gather [hbm4b:s8+s7], $0x40, s20, s7, $0xb8;
	[tilespmem:$0xA500] =	vst v63  }
0x83: {  	_ =	swait.ge [sflag:s19], $0x2000  }
0x84: {  	[sflag:s19] =	ssyncset.done $0x0  }
0x85: {  	s22 =	rddreg [dreg:$0x11];
	[sflag:s19] =	ssyncadd.s32 $0xFFFFE000  }
0x86: {  	[tilespmem:s12], [sflag:$0xD] =	stream.linear.gather [hbm4b:s22+s3], $0x80, $0x38;
	[tilespmem:$0xA500] =	vst v63  }
0x87: {  	_ =	swait.ge [sflag:s5], $0x80  }
0x88: {  	[sflag:s5] =	ssyncset.done $0x0  }
0x89: {  	[sflag:s5] =	ssyncadd.s32 $0xFFFFFF80  }
0x8a: {  	[spmem:s2] =	stream.indirect.scatter.add.f32 [tilespmem:s16], [sflag:$0xD], $0x40, s12, s7, $0xb8;
	[tilespmem:$0xA500] =	vst v63  }
0x8b: {  	_ =	swait.ge [sflag:s5], $0x2000  }
0x8c: {  	[sflag:s5] =	ssyncset.done $0x0  }
0x8d: {  	[sflag:s5] =	ssyncadd.s32 $0xFFFFE000  }
0x8e: {  	_ =	swait.ge [sflag:s17], $0x2000  }
0x8f: {  	[sflag:s17] =	ssyncset.done $0x0  }
0x90: {  	s24 =	rddreg [dreg:$0x12];
	[sflag:s17] =	ssyncadd.s32 $0xFFFFE000  }
0x91: {  	[tilespmem:s10], [sflag:$0xD] =	stream.linear.gather [hbm4b:s24+s3], $0x80, $0x38;
	[tilespmem:$0xA500] =	vst v63  }
0x92: {  	_ =	swait.ge [sflag:s5], $0x80  }
0x93: {  	[sflag:s5] =	ssyncset.done $0x0  }
0x94: {  	[sflag:s5] =	ssyncadd.s32 $0xFFFFFF80  }
0x95: {  	[spmem:s2] =	stream.indirect.scatter.add.f32 [tilespmem:s14], [sflag:$0xD], $0x40, s10, s7, $0xb8;
	[tilespmem:$0xA500] =	vst v63  }
0x96: {  	_ =	swait.ge [sflag:s5], $0x2000  }
0x97: {  	[sflag:s5] =	ssyncset.done $0x0  }
0x98: {  	[sflag:s5] =	ssyncadd.s32 $0xFFFFE000  }
0x99: {  	_ =	swait.ge [sflag:s15], $0x2000  }
0x9a: {  	[sflag:s15] =	ssyncset.done $0x0  }
0x9b: {  	s25 =	rddreg [dreg:$0x13];
	[sflag:s15] =	ssyncadd.s32 $0xFFFFE000  }
0x9c: {  	[tilespmem:s12], [sflag:$0xD] =	stream.linear.gather [hbm4b:s25+s3], $0x80, $0x38;
	[tilespmem:$0xA500] =	vst v63  }
0x9d: {  	_ =	swait.ge [sflag:s5], $0x80  }
0x9e: {  	[sflag:s5] =	ssyncset.done $0x0  }
0x9f: {  	[sflag:s5] =	ssyncadd.s32 $0xFFFFFF80  }
0xa0: {  	[spmem:s2] =	stream.indirect.scatter.add.f32 [tilespmem:s11], [sflag:$0xD], $0x40, s12, s7, $0xb8;
	[tilespmem:$0xA500] =	vst v63  }
0xa1: {  	_ =	swait.ge [sflag:s5], $0x2000  }
0xa2: {  	[sflag:s5] =	ssyncset.done $0x0  }
0xa3: {  	[sflag:s5] =	ssyncadd.s32 $0xFFFFE000  }
0xa4: {  	_ =	swait.ge [sflag:s13], $0x2000  }
0xa5: {  	[sflag:s13] =	ssyncset.done $0x0  }
0xa6: {  	s26 =	rddreg [dreg:$0x14];
	[sflag:s13] =	ssyncadd.s32 $0xFFFFE000  }
0xa7: {  	[tilespmem:s10], [sflag:$0xD] =	stream.linear.gather [hbm4b:s26+s3], $0x80, $0x38;
	[tilespmem:$0xA500] =	vst v63  }
0xa8: {  	_ =	swait.ge [sflag:s5], $0x80  }
0xa9: {  	[sflag:s5] =	ssyncset.done $0x0  }
0xaa: {  	[sflag:s5] =	ssyncadd.s32 $0xFFFFFF80  }
0xab: {  	[spmem:s2] =	stream.indirect.scatter.add.f32 [tilespmem:s9], [sflag:$0xD], $0x40, s10, s7, $0xb8;
	[tilespmem:$0xA500] =	vst v63  }
0xac: {  	_ =	swait.ge [sflag:s5], $0x2000  }
0xad: {  	p0 =	por $0x1, $0x1;
	p1 =	sne.s32 s31, $0x1;
	[sflag:s5] =	ssyncset.done $0x0  }
0xae: {  	s18 =	sadd.s32 $0xFFFFFFFF, s31;
	s31 =	simm.s32 $0x8;
	[sflag:s5] =	ssyncadd.s32 $0xFFFFE000  }
.Ltmp1:
0xaf: {  	s30 =	simm.s32 $0x9;
	[bflag:$0x0] =	sbarrier.arrive $0xFFFF;
	(pc) =	sbr.rel @!p1 .LBB2_6-.Ltmp1, $4  }
0xb0: {  	s29 =	simm.s32 $0xA;
	s0 =	simm.s32 $0x7;
	s28 =	rddreg [dreg:$0x15]  }
0xb1: {  	[hbm:s28], [sflag:s23] =	dma.local [spmem:s6], $0x400  }
0xb2: {  	s1 =	simm.s32 $0x6;
	s4 =	simm.s32 $0x5;
	_ =	swait.ge [sflag:s5], $0x400  }
0xb3: {  	s26 =	simm.s32 $0x100;
	s20 =	rddreg [dreg:$0x4];
	[sflag:s5] =	ssyncset.done $0x0  }
0xb4: {  	s24 =	simm.s32 $0x180;
	s28 =	simm.s32 $0x200;
	s25 =	simm.s32 $0x380  }
.LBB2_3:
0xb5: {  	[sflag:s5] =	ssyncadd.s32 $0xFFFFFC00  }
0xb6: {  	[spmem:s6], [sflag:s23] =	dma.local [hbm:s20], $0x400  }
0xb7: {  	_ =	swait.ge [sflag:s5], $0x400  }
0xb8: {  	[sflag:s5] =	ssyncset.done $0x0  }
0xb9: {  	s23 =	rddreg [dreg:$0x5];
	[sflag:s5] =	ssyncadd.s32 $0xFFFFFC00  }
0xba: {  	[tilespmem:s3], [sflag:$0x5] =	stream.linear.gather [hbm4b:s23+s3], $0x80, $0x38;
	[tilespmem:$0xA500] =	vst v63  }
0xbb: {  	s22 =	rddreg [dreg:$0x6]  }
0xbc: {  	[tilespmem:s7], [sflag:$0x6] =	stream.linear.gather [hbm4b:s22+s3], $0x80, $0x38;
	[tilespmem:$0xA500] =	vst v63  }
0xbd: {  	s21 =	rddreg [dreg:$0x7]  }
0xbe: {  	[tilespmem:s26], [sflag:$0x7] =	stream.linear.gather [hbm4b:s21+s3], $0x80, $0x38;
	[tilespmem:$0xA500] =	vst v63  }
0xbf: {  	s23 =	rddreg [dreg:$0x8]  }
0xc0: {  	[tilespmem:s24], [sflag:$0x8] =	stream.linear.gather [hbm4b:s23+s3], $0x80, $0x38;
	[tilespmem:$0xA500] =	vst v63  }
0xc1: {  	s21 =	rddreg [dreg:$0x9]  }
0xc2: {  	[tilespmem:s28], [sflag:$0x9] =	stream.linear.gather [hbm4b:s21+s3], $0x80, $0x38;
	[tilespmem:$0xA500] =	vst v63  }
0xc3: {  	s23 =	rddreg [dreg:$0xa];
	s21 =	simm.s32 $0x280  }
0xc4: {  	[tilespmem:s21], [sflag:$0xA] =	stream.linear.gather [hbm4b:s23+s3], $0x80, $0x38;
	[tilespmem:$0xA500] =	vst v63  }
0xc5: {  	s20 =	rddreg [dreg:$0xb];
	s23 =	simm.s32 $0x300  }
0xc6: {  	[tilespmem:s23], [sflag:$0xB] =	stream.linear.gather [hbm4b:s20+s3], $0x80, $0x38;
	[tilespmem:$0xA500] =	vst v63  }
0xc7: {  	s22 =	rddreg [dreg:$0xc]  }
0xc8: {  	[tilespmem:s25], [sflag:$0xC] =	stream.linear.gather [hbm4b:s22+s3], $0x80, $0x38;
	[tilespmem:$0xA500] =	vst v63  }
0xc9: {  	[bflag:$0x0] =	sbarrier.arrive $0xFFFF  }
0xca: {  	_ =	swait.ge [sflag:s4], $0x80  }
0xcb: {  	[sflag:s4] =	ssyncset.done $0x0  }
0xcc: {  	[sflag:s4] =	ssyncadd.s32 $0xFFFFFF80  }
0xcd: {  	[tilespmem:s16], [sflag:$0x1] =	stream.indirect.gather [hbm4b:s8+s7], $0x40, s3, s7, $0xb8;
	[tilespmem:$0xA500] =	vst v63  }
0xce: {  	_ =	swait.ge [sflag:s1], $0x80  }
0xcf: {  	[sflag:s1] =	ssyncset.done $0x0  }
0xd0: {  	[sflag:s1] =	ssyncadd.s32 $0xFFFFFF80  }
0xd1: {  	[tilespmem:s14], [sflag:$0x2] =	stream.indirect.gather [hbm4b:s8+s7], $0x40, s7, s7, $0xb8;
	[tilespmem:$0xA500] =	vst v63  }
0xd2: {  	_ =	swait.ge [sflag:s0], $0x80  }
0xd3: {  	[sflag:s0] =	ssyncset.done $0x0  }
0xd4: {  	[sflag:s0] =	ssyncadd.s32 $0xFFFFFF80  }
0xd5: {  	[tilespmem:s11], [sflag:$0x3] =	stream.indirect.gather [hbm4b:s8+s7], $0x40, s26, s7, $0xb8;
	[tilespmem:$0xA500] =	vst v63  }
0xd6: {  	_ =	swait.ge [sflag:s31], $0x80  }
0xd7: {  	[sflag:s31] =	ssyncset.done $0x0  }
0xd8: {  	[sflag:s31] =	ssyncadd.s32 $0xFFFFFF80  }
0xd9: {  	[tilespmem:s9], [sflag:$0x4] =	stream.indirect.gather [hbm4b:s8+s7], $0x40, s24, s7, $0xb8;
	[tilespmem:$0xA500] =	vst v63  }
0xda: {  	_ =	swait.ge [sflag:s19], $0x2000  }
0xdb: {  	[sflag:s19] =	ssyncset.done $0x0  }
0xdc: {  	s20 =	rddreg [dreg:$0xd];
	[sflag:s19] =	ssyncadd.s32 $0xFFFFE000  }
0xdd: {  	[tilespmem:s12], [sflag:$0xD] =	stream.linear.gather [hbm4b:s20+s3], $0x80, $0x38;
	[tilespmem:$0xA500] =	vst v63  }
0xde: {  	_ =	swait.ge [sflag:s5], $0x80  }
0xdf: {  	[sflag:s5] =	ssyncset.done $0x0  }
0xe0: {  	[sflag:s5] =	ssyncadd.s32 $0xFFFFFF80  }
0xe1: {  	[spmem:s2] =	stream.indirect.scatter.add.f32 [tilespmem:s16], [sflag:$0xD], $0x40, s12, s7, $0xb8;
	[tilespmem:$0xA500] =	vst v63  }
0xe2: {  	_ =	swait.ge [sflag:s5], $0x2000  }
0xe3: {  	[sflag:s5] =	ssyncset.done $0x0  }
0xe4: {  	[sflag:s5] =	ssyncadd.s32 $0xFFFFE000  }
0xe5: {  	_ =	swait.ge [sflag:s30], $0x80  }
0xe6: {  	[sflag:s30] =	ssyncset.done $0x0  }
0xe7: {  	[sflag:s30] =	ssyncadd.s32 $0xFFFFFF80  }
0xe8: {  	[tilespmem:s16], [sflag:$0x1] =	stream.indirect.gather [hbm4b:s8+s7], $0x40, s28, s7, $0xb8;
	[tilespmem:$0xA500] =	vst v63  }
0xe9: {  	_ =	swait.ge [sflag:s17], $0x2000  }
0xea: {  	[sflag:s17] =	ssyncset.done $0x0  }
0xeb: {  	s20 =	rddreg [dreg:$0xe];
	[sflag:s17] =	ssyncadd.s32 $0xFFFFE000  }
0xec: {  	[tilespmem:s10], [sflag:$0xD] =	stream.linear.gather [hbm4b:s20+s3], $0x80, $0x38;
	[tilespmem:$0xA500] =	vst v63  }
0xed: {  	_ =	swait.ge [sflag:s5], $0x80  }
0xee: {  	[sflag:s5] =	ssyncset.done $0x0  }
0xef: {  	[sflag:s5] =	ssyncadd.s32 $0xFFFFFF80  }
0xf0: {  	[spmem:s2] =	stream.indirect.scatter.add.f32 [tilespmem:s14], [sflag:$0xD], $0x40, s10, s7, $0xb8;
	[tilespmem:$0xA500] =	vst v63  }
0xf1: {  	_ =	swait.ge [sflag:s5], $0x2000  }
0xf2: {  	[sflag:s5] =	ssyncset.done $0x0  }
0xf3: {  	[sflag:s5] =	ssyncadd.s32 $0xFFFFE000  }
0xf4: {  	_ =	swait.ge [sflag:s29], $0x80  }
0xf5: {  	[sflag:s29] =	ssyncset.done $0x0  }
0xf6: {  	[sflag:s29] =	ssyncadd.s32 $0xFFFFFF80  }
0xf7: {  	[tilespmem:s14], [sflag:$0x2] =	stream.indirect.gather [hbm4b:s8+s7], $0x40, s21, s7, $0xb8;
	[tilespmem:$0xA500] =	vst v63  }
0xf8: {  	_ =	swait.ge [sflag:s15], $0x2000  }
0xf9: {  	[sflag:s15] =	ssyncset.done $0x0  }
0xfa: {  	s20 =	rddreg [dreg:$0xf];
	[sflag:s15] =	ssyncadd.s32 $0xFFFFE000  }
0xfb: {  	[tilespmem:s12], [sflag:$0xD] =	stream.linear.gather [hbm4b:s20+s3], $0x80, $0x38;
	[tilespmem:$0xA500] =	vst v63  }
0xfc: {  	_ =	swait.ge [sflag:s5], $0x80  }
0xfd: {  	[sflag:s5] =	ssyncset.done $0x0  }
0xfe: {  	[sflag:s5] =	ssyncadd.s32 $0xFFFFFF80  }
0xff: {  	[spmem:s2] =	stream.indirect.scatter.add.f32 [tilespmem:s11], [sflag:$0xD], $0x40, s12, s7, $0xb8;
	[tilespmem:$0xA500] =	vst v63  }
0x100: {  	_ =	swait.ge [sflag:s5], $0x2000  }
0x101: {  	[sflag:s5] =	ssyncset.done $0x0  }
0x102: {  	s22 =	simm.s32 $0xB;
	[sflag:s5] =	ssyncadd.s32 $0xFFFFE000  }
0x103: {  	_ =	swait.ge [sflag:s22], $0x80  }
0x104: {  	[sflag:s22] =	ssyncset.done $0x0  }
0x105: {  	[sflag:s22] =	ssyncadd.s32 $0xFFFFFF80  }
0x106: {  	[tilespmem:s11], [sflag:$0x3] =	stream.indirect.gather [hbm4b:s8+s7], $0x40, s23, s7, $0xb8;
	[tilespmem:$0xA500] =	vst v63  }
0x107: {  	s23 =	rddreg [dreg:$0x16];
	_ =	swait.ge [sflag:s13], $0x2000  }
0x108: {  	[sflag:s13] =	ssyncset.done $0x0  }
0x109: {  	s22 =	rddreg [dreg:$0x10];
	[sflag:s13] =	ssyncadd.s32 $0xFFFFE000  }
0x10a: {  	[tilespmem:s10], [sflag:$0xD] =	stream.linear.gather [hbm4b:s22+s3], $0x80, $0x38;
	[tilespmem:$0xA500] =	vst v63  }
0x10b: {  	_ =	swait.ge [sflag:s5], $0x80  }
0x10c: {  	[sflag:s5] =	ssyncset.done $0x0  }
0x10d: {  	[sflag:s5] =	ssyncadd.s32 $0xFFFFFF80  }
0x10e: {  	[spmem:s2] =	stream.indirect.scatter.add.f32 [tilespmem:s9], [sflag:$0xD], $0x40, s10, s7, $0xb8;
	[tilespmem:$0xA500] =	vst v63  }
0x10f: {  	_ =	swait.ge [sflag:s5], $0x2000  }
0x110: {  	[sflag:s5] =	ssyncset.done $0x0  }
0x111: {  	s21 =	simm.s32 $0xC;
	[sflag:s5] =	ssyncadd.s32 $0xFFFFE000  }
0x112: {  	_ =	swait.ge [sflag:s21], $0x80  }
0x113: {  	[sflag:s21] =	ssyncset.done $0x0  }
0x114: {  	[sflag:s21] =	ssyncadd.s32 $0xFFFFFF80  }
0x115: {  	[tilespmem:s9], [sflag:$0x4] =	stream.indirect.gather [hbm4b:s8+s7], $0x40, s25, s7, $0xb8;
	[tilespmem:$0xA500] =	vst v63  }
0x116: {  	_ =	swait.ge [sflag:s19], $0x2000  }
0x117: {  	[sflag:s19] =	ssyncset.done $0x0  }
0x118: {  	s22 =	rddreg [dreg:$0x11];
	[sflag:s19] =	ssyncadd.s32 $0xFFFFE000  }
0x119: {  	[tilespmem:s12], [sflag:$0xD] =	stream.linear.gather [hbm4b:s22+s3], $0x80, $0x38;
	[tilespmem:$0xA500] =	vst v63  }
0x11a: {  	_ =	swait.ge [sflag:s5], $0x80  }
0x11b: {  	[sflag:s5] =	ssyncset.done $0x0  }
0x11c: {  	[sflag:s5] =	ssyncadd.s32 $0xFFFFFF80  }
0x11d: {  	[spmem:s2] =	stream.indirect.scatter.add.f32 [tilespmem:s16], [sflag:$0xD], $0x40, s12, s7, $0xb8;
	[tilespmem:$0xA500] =	vst v63  }
0x11e: {  	_ =	swait.ge [sflag:s5], $0x2000  }
0x11f: {  	[sflag:s5] =	ssyncset.done $0x0  }
0x120: {  	[sflag:s5] =	ssyncadd.s32 $0xFFFFE000  }
0x121: {  	_ =	swait.ge [sflag:s17], $0x2000  }
0x122: {  	[sflag:s17] =	ssyncset.done $0x0  }
0x123: {  	s22 =	rddreg [dreg:$0x12];
	[sflag:s17] =	ssyncadd.s32 $0xFFFFE000  }
0x124: {  	[tilespmem:s10], [sflag:$0xD] =	stream.linear.gather [hbm4b:s22+s3], $0x80, $0x38;
	[tilespmem:$0xA500] =	vst v63  }
0x125: {  	_ =	swait.ge [sflag:s5], $0x80  }
0x126: {  	[sflag:s5] =	ssyncset.done $0x0  }
0x127: {  	[sflag:s5] =	ssyncadd.s32 $0xFFFFFF80  }
0x128: {  	[spmem:s2] =	stream.indirect.scatter.add.f32 [tilespmem:s14], [sflag:$0xD], $0x40, s10, s7, $0xb8;
	[tilespmem:$0xA500] =	vst v63  }
0x129: {  	_ =	swait.ge [sflag:s5], $0x2000  }
0x12a: {  	[sflag:s5] =	ssyncset.done $0x0  }
0x12b: {  	[sflag:s5] =	ssyncadd.s32 $0xFFFFE000  }
0x12c: {  	_ =	swait.ge [sflag:s15], $0x2000  }
0x12d: {  	[sflag:s15] =	ssyncset.done $0x0  }
0x12e: {  	s22 =	rddreg [dreg:$0x13];
	[sflag:s15] =	ssyncadd.s32 $0xFFFFE000  }
0x12f: {  	[tilespmem:s12], [sflag:$0xD] =	stream.linear.gather [hbm4b:s22+s3], $0x80, $0x38;
	[tilespmem:$0xA500] =	vst v63  }
0x130: {  	_ =	swait.ge [sflag:s5], $0x80  }
0x131: {  	[sflag:s5] =	ssyncset.done $0x0  }
0x132: {  	[sflag:s5] =	ssyncadd.s32 $0xFFFFFF80  }
0x133: {  	[spmem:s2] =	stream.indirect.scatter.add.f32 [tilespmem:s11], [sflag:$0xD], $0x40, s12, s7, $0xb8;
	[tilespmem:$0xA500] =	vst v63  }
0x134: {  	_ =	swait.ge [sflag:s5], $0x2000  }
0x135: {  	[sflag:s5] =	ssyncset.done $0x0  }
0x136: {  	[sflag:s5] =	ssyncadd.s32 $0xFFFFE000  }
0x137: {  	_ =	swait.ge [sflag:s13], $0x2000  }
0x138: {  	[sflag:s13] =	ssyncset.done $0x0  }
0x139: {  	s22 =	rddreg [dreg:$0x14];
	[sflag:s13] =	ssyncadd.s32 $0xFFFFE000  }
0x13a: {  	[tilespmem:s10], [sflag:$0xD] =	stream.linear.gather [hbm4b:s22+s3], $0x80, $0x38;
	[tilespmem:$0xA500] =	vst v63  }
0x13b: {  	_ =	swait.ge [sflag:s5], $0x80  }
0x13c: {  	[sflag:s5] =	ssyncset.done $0x0  }
0x13d: {  	[sflag:s5] =	ssyncadd.s32 $0xFFFFFF80  }
0x13e: {  	[spmem:s2] =	stream.indirect.scatter.add.f32 [tilespmem:s9], [sflag:$0xD], $0x40, s10, s7, $0xb8;
	[tilespmem:$0xA500] =	vst v63  }
0x13f: {  	_ =	swait.ge [sflag:s5], $0x2000  }
0x140: {  	[sflag:s5] =	ssyncset.done $0x0  }
0x141: {  	p1 =	sne.s32 s18, $0x1;
	[sflag:s5] =	ssyncadd.s32 $0xFFFFE000  }
.Ltmp2:
0x142: {  	[bflag:$0x0] =	sbarrier.arrive $0xFFFF;
	(pc) =	sbr.rel @p1 .LBB2_3-.Ltmp2, $4  }
0x143: {  	s22 =	rddreg [dreg:$0x15]  }
0x144: {  	[hbm:s22], [sflag:s23] =	dma.local [spmem:s6], $0x400  }
0x145: {  	_ =	swait.ge [sflag:s5], $0x400  }
0x146: {  	s18 =	sadd.s32 $0xFFFFFFFF, s18;
	s20 =	rddreg [dreg:$0x4];
	[sflag:s5] =	ssyncset.done $0x0  }
0x147: {  	s22 =	simm.s32 $0x100  }
0x148: {  	s25 =	simm.s32 $0xA;
	s29 =	simm.s32 $0x9;
	s30 =	simm.s32 $0x8  }
0x149: {  	s0 =	simm.s32 $0x7;
	s1 =	simm.s32 $0x6;
	s4 =	simm.s32 $0x5  }
.LBB2_5:
0x14a: {  	[sflag:s5] =	ssyncadd.s32 @p0 $0xFFFFFC00  }
0x14b: {  	[spmem:s6], [sflag:s23] =	dma.local [hbm:s20], $0x400  }
0x14c: {  	_ =	swait.ge [sflag:s5], $0x400  }
0x14d: {  	[sflag:s5] =	ssyncset.done $0x0  }
0x14e: {  	s18 =	rddreg [dreg:$0x5];
	[sflag:s5] =	ssyncadd.s32 $0xFFFFFC00  }
0x14f: {  	[tilespmem:s3], [sflag:$0x5] =	stream.linear.gather [hbm4b:s18+s3], $0x80, $0x38;
	[tilespmem:$0xA500] =	vst v63  }
0x150: {  	s26 =	rddreg [dreg:$0x6]  }
0x151: {  	[tilespmem:s7], [sflag:$0x6] =	stream.linear.gather [hbm4b:s26+s3], $0x80, $0x38;
	[tilespmem:$0xA500] =	vst v63  }
0x152: {  	s28 =	rddreg [dreg:$0x7]  }
0x153: {  	[tilespmem:s22], [sflag:$0x7] =	stream.linear.gather [hbm4b:s28+s3], $0x80, $0x38;
	[tilespmem:$0xA500] =	vst v63  }
0x154: {  	s31 =	rddreg [dreg:$0x8];
	s22 =	simm.s32 $0x180  }
0x155: {  	[tilespmem:s22], [sflag:$0x8] =	stream.linear.gather [hbm4b:s31+s3], $0x80, $0x38;
	[tilespmem:$0xA500] =	vst v63  }
0x156: {  	s26 =	rddreg [dreg:$0x9];
	s28 =	simm.s32 $0x200  }
0x157: {  	[tilespmem:s28], [sflag:$0x9] =	stream.linear.gather [hbm4b:s26+s3], $0x80, $0x38;
	[tilespmem:$0xA500] =	vst v63  }
0x158: {  	s31 =	rddreg [dreg:$0xa];
	s26 =	simm.s32 $0x280  }
0x159: {  	[tilespmem:s26], [sflag:$0xA] =	stream.linear.gather [hbm4b:s31+s3], $0x80, $0x38;
	[tilespmem:$0xA500] =	vst v63  }
0x15a: {  	s18 =	rddreg [dreg:$0xb];
	s31 =	simm.s32 $0x300  }
0x15b: {  	[tilespmem:s31], [sflag:$0xB] =	stream.linear.gather [hbm4b:s18+s3], $0x80, $0x38;
	[tilespmem:$0xA500] =	vst v63  }
0x15c: {  	s20 =	rddreg [dreg:$0xc];
	s18 =	simm.s32 $0x380  }
0x15d: {  	[tilespmem:s18], [sflag:$0xC] =	stream.linear.gather [hbm4b:s20+s3], $0x80, $0x38;
	[tilespmem:$0xA500] =	vst v63  }
0x15e: {  	[bflag:$0x0] =	sbarrier.arrive $0xFFFF  }
0x15f: {  	_ =	swait.ge [sflag:s4], $0x80  }
0x160: {  	[sflag:s4] =	ssyncset.done $0x0  }
0x161: {  	[sflag:s4] =	ssyncadd.s32 $0xFFFFFF80  }
0x162: {  	[tilespmem:s16], [sflag:$0x1] =	stream.indirect.gather [hbm4b:s8+s7], $0x40, s3, s7, $0xb8;
	[tilespmem:$0xA500] =	vst v63  }
0x163: {  	_ =	swait.ge [sflag:s1], $0x80  }
0x164: {  	[sflag:s1] =	ssyncset.done $0x0  }
0x165: {  	[sflag:s1] =	ssyncadd.s32 $0xFFFFFF80  }
0x166: {  	[tilespmem:s14], [sflag:$0x2] =	stream.indirect.gather [hbm4b:s8+s7], $0x40, s7, s7, $0xb8;
	[tilespmem:$0xA500] =	vst v63  }
0x167: {  	_ =	swait.ge [sflag:s0], $0x80  }
0x168: {  	[sflag:s0] =	ssyncset.done $0x0  }
0x169: {  	s24 =	simm.s32 $0x100;
	[sflag:s0] =	ssyncadd.s32 $0xFFFFFF80  }
0x16a: {  	[tilespmem:s11], [sflag:$0x3] =	stream.indirect.gather [hbm4b:s8+s7], $0x40, s24, s7, $0xb8;
	[tilespmem:$0xA500] =	vst v63  }
0x16b: {  	_ =	swait.ge [sflag:s30], $0x80  }
0x16c: {  	[sflag:s30] =	ssyncset.done $0x0  }
0x16d: {  	[sflag:s30] =	ssyncadd.s32 $0xFFFFFF80  }
0x16e: {  	[tilespmem:s9], [sflag:$0x4] =	stream.indirect.gather [hbm4b:s8+s7], $0x40, s22, s7, $0xb8;
	[tilespmem:$0xA500] =	vst v63  }
0x16f: {  	_ =	swait.ge [sflag:s19], $0x2000  }
0x170: {  	[sflag:s19] =	ssyncset.done $0x0  }
0x171: {  	s1 =	rddreg [dreg:$0xd];
	[sflag:s19] =	ssyncadd.s32 $0xFFFFE000  }
0x172: {  	[tilespmem:s12], [sflag:$0xD] =	stream.linear.gather [hbm4b:s1+s3], $0x80, $0x38;
	[tilespmem:$0xA500] =	vst v63  }
0x173: {  	_ =	swait.ge [sflag:s5], $0x80  }
0x174: {  	[sflag:s5] =	ssyncset.done $0x0  }
0x175: {  	[sflag:s5] =	ssyncadd.s32 $0xFFFFFF80  }
0x176: {  	[spmem:s2] =	stream.indirect.scatter.add.f32 [tilespmem:s16], [sflag:$0xD], $0x40, s12, s7, $0xb8;
	[tilespmem:$0xA500] =	vst v63  }
0x177: {  	_ =	swait.ge [sflag:s5], $0x2000  }
0x178: {  	[sflag:s5] =	ssyncset.done $0x0  }
0x179: {  	[sflag:s5] =	ssyncadd.s32 $0xFFFFE000  }
0x17a: {  	_ =	swait.ge [sflag:s29], $0x80  }
0x17b: {  	[sflag:s29] =	ssyncset.done $0x0  }
0x17c: {  	[sflag:s29] =	ssyncadd.s32 $0xFFFFFF80  }
0x17d: {  	[tilespmem:s16], [sflag:$0x1] =	stream.indirect.gather [hbm4b:s8+s7], $0x40, s28, s7, $0xb8;
	[tilespmem:$0xA500] =	vst v63  }
0x17e: {  	_ =	swait.ge [sflag:s17], $0x2000  }
0x17f: {  	[sflag:s17] =	ssyncset.done $0x0  }
0x180: {  	s4 =	rddreg [dreg:$0xe];
	[sflag:s17] =	ssyncadd.s32 $0xFFFFE000  }
0x181: {  	[tilespmem:s10], [sflag:$0xD] =	stream.linear.gather [hbm4b:s4+s3], $0x80, $0x38;
	[tilespmem:$0xA500] =	vst v63  }
0x182: {  	_ =	swait.ge [sflag:s5], $0x80  }
0x183: {  	[sflag:s5] =	ssyncset.done $0x0  }
0x184: {  	[sflag:s5] =	ssyncadd.s32 $0xFFFFFF80  }
0x185: {  	[spmem:s2] =	stream.indirect.scatter.add.f32 [tilespmem:s14], [sflag:$0xD], $0x40, s10, s7, $0xb8;
	[tilespmem:$0xA500] =	vst v63  }
0x186: {  	_ =	swait.ge [sflag:s5], $0x2000  }
0x187: {  	[sflag:s5] =	ssyncset.done $0x0  }
0x188: {  	[sflag:s5] =	ssyncadd.s32 $0xFFFFE000  }
0x189: {  	_ =	swait.ge [sflag:s25], $0x80  }
0x18a: {  	[sflag:s25] =	ssyncset.done $0x0  }
0x18b: {  	[sflag:s25] =	ssyncadd.s32 $0xFFFFFF80  }
0x18c: {  	[tilespmem:s14], [sflag:$0x2] =	stream.indirect.gather [hbm4b:s8+s7], $0x40, s26, s7, $0xb8;
	[tilespmem:$0xA500] =	vst v63  }
0x18d: {  	_ =	swait.ge [sflag:s15], $0x2000  }
0x18e: {  	[sflag:s15] =	ssyncset.done $0x0  }
0x18f: {  	s20 =	rddreg [dreg:$0xf];
	[sflag:s15] =	ssyncadd.s32 $0xFFFFE000  }
0x190: {  	[tilespmem:s12], [sflag:$0xD] =	stream.linear.gather [hbm4b:s20+s3], $0x80, $0x38;
	[tilespmem:$0xA500] =	vst v63  }
0x191: {  	_ =	swait.ge [sflag:s5], $0x80  }
0x192: {  	[sflag:s5] =	ssyncset.done $0x0  }
0x193: {  	[sflag:s5] =	ssyncadd.s32 $0xFFFFFF80  }
0x194: {  	[spmem:s2] =	stream.indirect.scatter.add.f32 [tilespmem:s11], [sflag:$0xD], $0x40, s12, s7, $0xb8;
	[tilespmem:$0xA500] =	vst v63  }
0x195: {  	_ =	swait.ge [sflag:s5], $0x2000  }
0x196: {  	[sflag:s5] =	ssyncset.done $0x0  }
0x197: {  	s22 =	simm.s32 $0xB;
	[sflag:s5] =	ssyncadd.s32 $0xFFFFE000  }
0x198: {  	_ =	swait.ge [sflag:s22], $0x80  }
0x199: {  	[sflag:s22] =	ssyncset.done $0x0  }
0x19a: {  	s31 =	simm.s32 $0x300;
	[sflag:s22] =	ssyncadd.s32 $0xFFFFFF80  }
0x19b: {  	[tilespmem:s11], [sflag:$0x3] =	stream.indirect.gather [hbm4b:s8+s7], $0x40, s31, s7, $0xb8;
	[tilespmem:$0xA500] =	vst v63  }
0x19c: {  	_ =	swait.ge [sflag:s13], $0x2000  }
0x19d: {  	[sflag:s13] =	ssyncset.done $0x0  }
0x19e: {  	s24 =	rddreg [dreg:$0x10];
	[sflag:s13] =	ssyncadd.s32 $0xFFFFE000  }
0x19f: {  	[tilespmem:s10], [sflag:$0xD] =	stream.linear.gather [hbm4b:s24+s3], $0x80, $0x38;
	[tilespmem:$0xA500] =	vst v63  }
0x1a0: {  	_ =	swait.ge [sflag:s5], $0x80  }
0x1a1: {  	[sflag:s5] =	ssyncset.done $0x0  }
0x1a2: {  	[sflag:s5] =	ssyncadd.s32 $0xFFFFFF80  }
0x1a3: {  	[spmem:s2] =	stream.indirect.scatter.add.f32 [tilespmem:s9], [sflag:$0xD], $0x40, s10, s7, $0xb8;
	[tilespmem:$0xA500] =	vst v63  }
0x1a4: {  	_ =	swait.ge [sflag:s5], $0x2000  }
0x1a5: {  	[sflag:s5] =	ssyncset.done $0x0  }
0x1a6: {  	[sflag:s5] =	ssyncadd.s32 $0xFFFFE000  }
0x1a7: {  	_ =	swait.ge [sflag:s21], $0x80  }
0x1a8: {  	[sflag:s21] =	ssyncset.done $0x0  }
0x1a9: {  	[sflag:s21] =	ssyncadd.s32 $0xFFFFFF80  }
0x1aa: {  	[tilespmem:s9], [sflag:$0x4] =	stream.indirect.gather [hbm4b:s8+s7], $0x40, s18, s7, $0xb8;
	[tilespmem:$0xA500] =	vst v63  }
0x1ab: {  	_ =	swait.ge [sflag:s19], $0x2000  }
0x1ac: {  	[sflag:s19] =	ssyncset.done $0x0  }
0x1ad: {  	s25 =	rddreg [dreg:$0x11];
	[sflag:s19] =	ssyncadd.s32 $0xFFFFE000  }
0x1ae: {  	[tilespmem:s12], [sflag:$0xD] =	stream.linear.gather [hbm4b:s25+s3], $0x80, $0x38;
	[tilespmem:$0xA500] =	vst v63  }
0x1af: {  	_ =	swait.ge [sflag:s5], $0x80  }
0x1b0: {  	[sflag:s5] =	ssyncset.done $0x0  }
0x1b1: {  	[sflag:s5] =	ssyncadd.s32 $0xFFFFFF80  }
0x1b2: {  	[spmem:s2] =	stream.indirect.scatter.add.f32 [tilespmem:s16], [sflag:$0xD], $0x40, s12, s7, $0xb8;
	[tilespmem:$0xA500] =	vst v63  }
0x1b3: {  	_ =	swait.ge [sflag:s5], $0x2000  }
0x1b4: {  	[sflag:s5] =	ssyncset.done $0x0  }
0x1b5: {  	[sflag:s5] =	ssyncadd.s32 $0xFFFFE000  }
0x1b6: {  	_ =	swait.ge [sflag:s17], $0x2000  }
0x1b7: {  	[sflag:s17] =	ssyncset.done $0x0  }
0x1b8: {  	s26 =	rddreg [dreg:$0x12];
	[sflag:s17] =	ssyncadd.s32 $0xFFFFE000  }
0x1b9: {  	[tilespmem:s10], [sflag:$0xD] =	stream.linear.gather [hbm4b:s26+s3], $0x80, $0x38;
	[tilespmem:$0xA500] =	vst v63  }
0x1ba: {  	_ =	swait.ge [sflag:s5], $0x80  }
0x1bb: {  	[sflag:s5] =	ssyncset.done $0x0  }
0x1bc: {  	[sflag:s5] =	ssyncadd.s32 $0xFFFFFF80  }
0x1bd: {  	[spmem:s2] =	stream.indirect.scatter.add.f32 [tilespmem:s14], [sflag:$0xD], $0x40, s10, s7, $0xb8;
	[tilespmem:$0xA500] =	vst v63  }
0x1be: {  	_ =	swait.ge [sflag:s5], $0x2000  }
0x1bf: {  	[sflag:s5] =	ssyncset.done $0x0  }
0x1c0: {  	[sflag:s5] =	ssyncadd.s32 $0xFFFFE000  }
0x1c1: {  	_ =	swait.ge [sflag:s15], $0x2000  }
0x1c2: {  	[sflag:s15] =	ssyncset.done $0x0  }
0x1c3: {  	s28 =	rddreg [dreg:$0x13];
	[sflag:s15] =	ssyncadd.s32 $0xFFFFE000  }
0x1c4: {  	[tilespmem:s12], [sflag:$0xD] =	stream.linear.gather [hbm4b:s28+s3], $0x80, $0x38;
	[tilespmem:$0xA500] =	vst v63  }
0x1c5: {  	_ =	swait.ge [sflag:s5], $0x80  }
0x1c6: {  	[sflag:s5] =	ssyncset.done $0x0  }
0x1c7: {  	[sflag:s5] =	ssyncadd.s32 $0xFFFFFF80  }
0x1c8: {  	[spmem:s2] =	stream.indirect.scatter.add.f32 [tilespmem:s11], [sflag:$0xD], $0x40, s12, s7, $0xb8;
	[tilespmem:$0xA500] =	vst v63  }
0x1c9: {  	_ =	swait.ge [sflag:s5], $0x2000  }
0x1ca: {  	[sflag:s5] =	ssyncset.done $0x0  }
0x1cb: {  	[sflag:s5] =	ssyncadd.s32 $0xFFFFE000  }
0x1cc: {  	_ =	swait.ge [sflag:s13], $0x2000  }
0x1cd: {  	[sflag:s13] =	ssyncset.done $0x0  }
0x1ce: {  	s29 =	rddreg [dreg:$0x14];
	[sflag:s13] =	ssyncadd.s32 $0xFFFFE000  }
0x1cf: {  	[tilespmem:s10], [sflag:$0xD] =	stream.linear.gather [hbm4b:s29+s3], $0x80, $0x38;
	[tilespmem:$0xA500] =	vst v63  }
0x1d0: {  	_ =	swait.ge [sflag:s5], $0x80  }
0x1d1: {  	[sflag:s5] =	ssyncset.done $0x0  }
0x1d2: {  	[sflag:s5] =	ssyncadd.s32 $0xFFFFFF80  }
0x1d3: {  	[spmem:s2] =	stream.indirect.scatter.add.f32 [tilespmem:s9], [sflag:$0xD], $0x40, s10, s7, $0xb8;
	[tilespmem:$0xA500] =	vst v63  }
0x1d4: {  	_ =	swait.ge [sflag:s5], $0x2000  }
0x1d5: {  	[sflag:s5] =	ssyncset.done $0x0  }
0x1d6: {  	[sflag:s5] =	ssyncadd.s32 $0xFFFFE000  }
0x1d7: {  	[bflag:$0x0] =	sbarrier.arrive $0xFFFF  }
0x1d8: {  	s30 =	rddreg [dreg:$0x15]  }
0x1d9: {  	[hbm:s30], [sflag:s23] =	dma.local [spmem:s6], $0x400  }
0x1da: {  	_ =	swait.ge [sflag:s5], $0x400  }
0x1db: {  	[sflag:s5] =	ssyncset.done $0x0  }
0x1dc: {  	[sflag:s5] =	ssyncadd.s32 $0xFFFFFC00  }
0x1dd: {  	_ =	sfence.sel $0x180000  }
0x1de: {  	[bflag:$0x0] =	sbarrier.arrive $0xFFFF  }
0x1df: {  	_ =	strace $0x9000004A  }
0x1e0: {  	s31 =	stileid.u32;
	[bflag:$0x2] =	sbarrier.arrive $0xFFFF  }
0x1e1: {  	p0 =	sne.s32 s31, $0x0;
	s0 =	rddreg [dreg:$0x3]  }
0x1e2: {  	s0 =	sadd.s32 @!p0 $0x100000, s0  }
0x1e3: {  	[sflag:s0] =	ssyncadd.tile.s32 @!p0 $0x1;
	_ =	shalt  }
.LBB2_6:
.Ltmp3:
0x1e4: {  	(pc) =	sbr.rel .LBB2_5-.Ltmp3, $4  }
0x1e5: {  	_ = 	snop  }
0x1e6: {  	s22 =	simm.s32 $0x100  }
0x1e7: {  	s25 =	simm.s32 $0xA;
	s29 =	simm.s32 $0x9;
	s30 =	simm.s32 $0x8  }
0x1e8: {  	s0 =	simm.s32 $0x7;
	s1 =	simm.s32 $0x6;
	s4 =	simm.s32 $0x5  }
.Lfunc_end2:
_tile_overlayer_lowered:
.L_overlay_start_2:
0x1e9: {  	(tag) =	ssettag $0x2  }
0x1ea: {  	s0 =	rddreg [dreg:$0x0];
	s2 =	stileid.u32  }
0x1eb: {  	s1 =	rddreg [dreg:$0x1];
	p0 =	sne.s32 s2, $0x0  }
0x1ec: {  	s3 =	rddreg [dreg:$0x2];
	[bflag:$0x3] =	sbarrier.arrive $0xFFFF;
	s2 =	simm.s32 @!p0 $0x1C0D  }
0x1ed: {  	[timem:s3], [sflag:s2] =	dma.local @!p0 [hbm:s0], s1  }
0x1ee: {  	s0 =	simm.s32 @!p0 $0xD  }
0x1ef: {  	_ =	swait.ge @!p0 [sflag:s0], s1  }
0x1f0: {  	s1 =	ssub.s32 @!p0 $0x0, s1;
	[sflag:s0] =	ssyncset.done @!p0 $0x0  }
0x1f1: {  	[sflag:s0] =	ssyncadd.s32 @!p0 s1  }
0x1f2: {  	[bflag:$0x3] =	sbarrier.arrive $0xFFFF  }
0x1f3: {  	_ =	shalt  }

// kernel: kernel.14.cloned.1.call-start
scs
__scs_entry_jumppad:
0x0: {  	(pc) =	sbr.rel $0x88, $3  }
0x1: {  	(tag) =	ssettag $0x0;
	lr =	simm.s32 $0x1  }
0x2: {  	[smem:$0x3F96] =	sst lr;
	_ =	strace $0xD0000000  }
0x3: {  	_ = 	snop  }
0x4: {  	_ = 	snop  }
0x5: {  	_ = 	snop  }
0x6: {  	_ = 	snop  }
0x7: {  	_ = 	snop  }
__scs_overlays_trampoline_lowered:
0x8: {  	[smem:$0x3FA5] =	sst s0  }
0x9: {  	[smem:$0x3FA6] =	sst s1  }
0xa: {  	[smem:$0x3FA7] =	sst s2  }
0xb: {  	[smem:$0x3FA8] =	sst s3  }
0xc: {  	[smem:$0x3FA9] =	sst s4  }
0xd: {  	[smem:$0x3FAA] =	sst s5  }
0xe: {  	[smem:$0x3FAB] =	sst s6  }
0xf: {  	[smem:$0x3FAC] =	sst s7  }
0x10: {  	[smem:$0x3FAD] =	sst s8  }
0x11: {  	[smem:$0x3FAE] =	sst s9;
	s0 =	simm.s32 @!p0 $0x0  }
0x12: {  	s1 =	sld [smem:$0x3F94];
	s0 =	simm.s32 @p0 $0x1  }
0x13: {  	[smem:$0x3FAF] =	sst s0;
	s0 =	simm.s32 @!p1 $0x0  }
0x14: {  	s2 =	sld [smem:$0x3F93];
	s0 =	simm.s32 @p1 $0x1  }
0x15: {  	[smem:$0x3FB0] =	sst s0;
	s0 =	simm.s32 @!p2 $0x0  }
0x16: {  	s3 =	sld [smem:$0x3FDB];
	s0 =	simm.s32 @p2 $0x1  }
0x17: {  	s4 =	simm.s32 $0x1BF5;
	[smem:$0x3FB2] =	sst s0  }
0x18: {  	s0 =	sld [smem:$0x3F95];
	_ =	swait.ge [sflag:s4], $0x0  }
0x19: {  	s7 =	sld [smem:$0x3F96]  }
0x1a: {  	s8 =	sadd.s32 $0xFFFFE003, lr  }
0x1b: {  	s9 =	sadd.s32 $0xFFFFFEF7, lr;
	s5 =	simm.s32 $0xFFFFFFFF;
	p2 =	slt.u32 s8, $0xFFFFF086  }
0x1c: {  	p1 =	slt.u32 s9, $0xF7A;
	s5 =	simm.s32 @!p2 $0x0  }
0x1d: {  	s5 =	simm.s32 @p1 $0x1;
	p0 =	seq.s32 s7, s2  }
0x1e: {  	s7 =	smul.u32 @!p0 $0xF7A, s2;
	p2 =	seq.s32 @!p0 s5, $0x0  }
0x1f: {  	s9 =	smul.u32 $0xF7A, s1;
	s8 =	simm.s32 @!p0 $0x1BF5;
	p2 =	por !p2, p0  }
0x20: {  	[sflag:s8] =	ssyncset.s32 @!p0 $0xFFFFF086;
	s6 =	sadd.s32 @!p0 s3, s7;
	s7 =	simm.s32 @!p0 $0x108  }
0x21: {  	s3 =	sadd.s32 s3, s9;
	s6 =	sadd.s32 @!p0 $0x88, s6;
	s7 =	simm.s32 @p2 $0x1082  }
0x22: {  	[simem:s7], [sflag:s8] =	dma.local @!p0 [hbm:s6], $0xF7A  }
0x23: {  	s9 =	sor.u32 $0xD0000000, s2;
	s6 =	simm.s32 $0x108;
	_ =	swait.ge @!p0 [sflag:s8], $0x0  }
0x24: {  	s3 =	sadd.s32 $0x88, s3;
	s6 =	simm.s32 @!p1 $0x1082;
	[sflag:s4] =	ssyncset.s32 $0xFFFFF086  }
0x25: {  	[simem:s6], [sflag:s4] =	dma.local [hbm:s3], $0xF7A  }
0x26: {  	[smem:$0x3F96] =	sst s1;
	(tag) =	ssettag s2;
	_ =	strace s9  }
0x27: {  	s1 =	sld [smem:$0x3FA6]  }
0x28: {  	s2 =	sld [smem:$0x3FA7]  }
0x29: {  	s4 =	sld [smem:$0x3FA9]  }
0x2a: {  	p0 =	seq.s32 s5, $0x0;
	s5 =	sld [smem:$0x3FAA]  }
0x2b: {  	s6 =	sld [smem:$0x3FAB]  }
0x2c: {  	s7 =	sld [smem:$0x3FAC]  }
0x2d: {  	s3 =	simm.s32 $0x108;
	s8 =	sld [smem:$0x3FAD]  }
0x2e: {  	s3 =	simm.s32 @!p0 $0x1082;
	s9 =	sld [smem:$0x3FAE]  }
0x2f: {  	lr =	sadd.s32 s0, s3;
	s0 =	sld [smem:$0x3FA5]  }
0x30: {  	s3 =	sld [smem:$0x3FA8]  }
0x31: {  	[smem:$0x3FB1] =	sst s10  }
0x32: {  	s10 =	sld [smem:$0x3FAF];
	_ =	sdelay $0x3  }
0x33: {  	p0 =	seq.s32 s10, $0x1;
	s10 =	sld [smem:$0x3FB1];
	_ =	sdelay $0x3  }
0x34: {  	[smem:$0x3FB1] =	sst s10  }
0x35: {  	s10 =	sld [smem:$0x3FB0];
	_ =	sdelay $0x3  }
0x36: {  	p1 =	seq.s32 s10, $0x1;
	s10 =	sld [smem:$0x3FB1];
	_ =	sdelay $0x3  }
0x37: {  	[smem:$0x3FB1] =	sst s10  }
0x38: {  	s10 =	sld [smem:$0x3FB2]  }
0x39: {  	_ = 	snop;
	(pc) =	sbr.ind lr, $3  }
0x3a: {  	_ = 	snop  }
0x3b: {  	_ = 	snop  }
0x3c: {  	p2 =	seq.s32 s10, $0x1;
	s10 =	sld [smem:$0x3FB1]  }
0x3d: {  	_ =	shalt  }
0x3e: {  	_ =	shalt  }
0x3f: {  	_ =	shalt  }
0x40: {  	_ =	shalt  }
0x41: {  	_ =	shalt  }
0x42: {  	_ =	shalt  }
0x43: {  	_ =	shalt  }
0x44: {  	_ =	shalt  }
0x45: {  	_ =	shalt  }
0x46: {  	_ =	shalt  }
0x47: {  	_ =	shalt  }
0x48: {  	_ =	shalt  }
0x49: {  	_ =	shalt  }
0x4a: {  	_ =	shalt  }
0x4b: {  	_ =	shalt  }
0x4c: {  	_ =	shalt  }
0x4d: {  	_ =	shalt  }
0x4e: {  	_ =	shalt  }
0x4f: {  	_ =	shalt  }
0x50: {  	_ =	shalt  }
0x51: {  	_ =	shalt  }
0x52: {  	_ =	shalt  }
0x53: {  	_ =	shalt  }
0x54: {  	_ =	shalt  }
0x55: {  	_ =	shalt  }
0x56: {  	_ =	shalt  }
0x57: {  	_ =	shalt  }
0x58: {  	_ =	shalt  }
0x59: {  	_ =	shalt  }
0x5a: {  	_ =	shalt  }
0x5b: {  	_ =	shalt  }
0x5c: {  	_ =	shalt  }
0x5d: {  	_ =	shalt  }
0x5e: {  	_ =	shalt  }
0x5f: {  	_ =	shalt  }
0x60: {  	_ =	shalt  }
0x61: {  	_ =	shalt  }
0x62: {  	_ =	shalt  }
0x63: {  	_ =	shalt  }
0x64: {  	_ =	shalt  }
0x65: {  	_ =	shalt  }
0x66: {  	_ =	shalt  }
0x67: {  	_ =	shalt  }
0x68: {  	_ =	shalt  }
0x69: {  	_ =	shalt  }
0x6a: {  	_ =	shalt  }
0x6b: {  	_ =	shalt  }
0x6c: {  	_ =	shalt  }
0x6d: {  	_ =	shalt  }
0x6e: {  	_ =	shalt  }
0x6f: {  	_ =	shalt  }
0x70: {  	_ =	shalt  }
0x71: {  	_ =	shalt  }
0x72: {  	_ =	shalt  }
0x73: {  	_ =	shalt  }
0x74: {  	_ =	shalt  }
0x75: {  	_ =	shalt  }
0x76: {  	_ =	shalt  }
0x77: {  	_ =	shalt  }
0x78: {  	_ =	shalt  }
0x79: {  	_ =	shalt  }
0x7a: {  	_ =	shalt  }
0x7b: {  	_ =	shalt  }
0x7c: {  	_ =	shalt  }
0x7d: {  	_ =	shalt  }
0x7e: {  	_ =	shalt  }
0x7f: {  	_ =	shalt  }
0x80: {  	_ =	shalt  }
0x81: {  	_ =	shalt  }
0x82: {  	_ =	shalt  }
0x83: {  	_ =	shalt  }
0x84: {  	_ =	shalt  }
0x85: {  	_ =	shalt  }
0x86: {  	_ =	shalt  }
0x87: {  	_ =	shalt  }
.Lfunc_end0:
.L_simem_size_0:
called_computation.2_lowered:
.L_overlay_start_0:
0x88: {  	s2 =	sld [smem:$0x3FD9]  }
0x89: {  	s3 =	sld [smem:$0x3FFE];
	_ =	sdelay $0x1  }
0x8a: {  	s1 =	srdreg.scid  }
0x8b: {  	s0 =	sand.u32 $0x1, s1  }
0x8c: {  	s17 =	sshll.u32 s0, $0xA;
	s2 =	sadd.s32 s3, s2  }
0x8d: {  	s2 =	sadd.s32 s2, s17  }
0x8e: {  	[smem:$0x3FBD] =	sst s2  }
0x8f: {  	_ = 	snop  }
0x90: {  	s2 =	sld [smem:$0x3FD0];
	(tm) =	ssettm $0x1  }
0x91: {  	s18 =	sld [smem:$0x3FFB];
	_ =	sdelay $0x3  }
0x92: {  	_ =	strace s18  }
0x93: {  	s3 =	sld [smem:$0x3FFC];
	_ =	sdelay $0x3  }
0x94: {  	_ =	strace s3  }
0x95: {  	s3 =	sld [smem:$0x3FFD];
	_ =	sdelay $0x3  }
0x96: {  	_ =	strace s3  }
0x97: {  	_ =	strace $0x8FFFFFFF  }
0x98: {  	s19 =	sld [smem:$0x3FDB];
	_ =	sdelay $0x1  }
0x99: {  	s4 =	simm.s32 $_scs_section_size  }
0x9a: {  	s5 =	simm.s32 $_size__tile_overlayer_lowered;
	s6 =	simm.s32 $_tile_overlayer_lowered  }
0x9b: {  	s22 =	simm.s32 $0x1BFF;
	s21 =	sshll.u32 s6, $0x1;
	s3 =	sadd.s32 s4, s19  }
0x9c: {  	s7 =	simm.s32 $0x0;
	s20 =	sshll.u32 s5, $0x1;
	s5 =	sadd.s32 s21, s3  }
0x9d: {  	[timem:s7], [sflag:s22] =	dma.local [hbm:s5], s20  }
0x9e: {  	_ =	swait.ge [sflag:s22], s20  }
0x9f: {  	s4 =	ssub.s32 $0x0, s20;
	[sflag:s22] =	ssyncset.done $0x0  }
0xa0: {  	[sflag:s22] =	ssyncadd.s32 s4;
	_ =	sdelay $0x1  }
0xa1: {  	s23 =	simm.s32 $0x1B8B  }
0xa2: {  	_ =	swait.ge [sflag:s23], $0x1  }
0xa3: {  	[sflag:s23] =	ssyncset.done $0x0  }
0xa4: {  	s25 =	simm.s32 $0x1B8E;
	s24 =	sld [smem:$0x3FFE];
	[sflag:s23] =	ssyncadd.s32 $0xFFFFFFFF  }
0xa5: {  	s26 =	simm.s32 $execute0_lowered;
	[smem:$0x3FD2] =	sst s25  }
0xa6: {  	s5 =	sshll.u32 s26, $0x1;
	_ =	strace $0x8000004C;
	[dreg:$0x1] =	wrdreg $0xFFFFFFFF  }
0xa7: {  	s28 =	simm.s32 $_size_execute0_lowered;
	s3 =	sadd.s32 s3, s5;
	[dreg:$0x0] =	wrdreg $0x0  }
0xa8: {  	s5 =	sshll.u32 s28, $0x1;
	[dreg:$0x2] =	wrdreg s3  }
0xa9: {  	[dreg:$0x3] =	wrdreg s5  }
0xaa: {  	[dreg:$0x4] =	wrdreg $0xC0  }
0xab: {  	_ =	task [dreg:s7], $0x5FFFF  }
0xac: {  	[dreg:$0x1] =	wrdreg $0xFFFFFFFF  }
0xad: {  	[dreg:$0x0] =	wrdreg $0x60  }
0xae: {  	[dreg:$0x2] =	wrdreg s24  }
0xaf: {  	[dreg:$0x3] =	wrdreg s2  }
0xb0: {  	[dreg:$0x4] =	wrdreg $0x85000  }
0xb1: {  	[dreg:$0x5] =	wrdreg $0x9  }
0xb2: {  	_ =	task.clear_ibuf [dreg:s7], $0x6FFFF;
	_ =	strace $0x9000004C  }
0xb3: {  	s29 =	simm.s32 $0x9;
	_ =	strace $0x8000004E  }
0xb4: {  	_ =	swait.ge [sflag:s29], $0x1  }
0xb5: {  	[sflag:s29] =	ssyncadd.s32 $0xFFFFFFFF  }
0xb6: {  	_ =	strace $0x9000004E  }
0xb7: {  	_ =	sfence  }
0xb8: {  	s30 =	sld [smem:$0x0];
	_ =	sdelay $0x2  }
0xb9: {  	s31 =	sshll.u32 s1, $0xD;
	s1 =	sshrl.u32 s1, $0x2  }
0xba: {  	s3 =	sand.u32 $0x4000, s31;
	s1 =	sadd.s32 s1, s30  }
0xbb: {  	s0 =	sor.u32 s3, s0;
	s1 =	sshll.u32 s1, $0x11  }
0xbc: {  	s0 =	sor.u32 s1, s0  }
0xbd: {  	s0 =	sadd.s32 $0x8F2B, s0  }
0xbe: {  	[sflag:s0] =	ssyncadd.remote.s32 $0x1  }
0xbf: {  	_ =	sfence.sel $0xFFFF  }
0xc0: {  	[dreg:$0x0] =	wrdreg $0xFFFFFFFF;
	(pc) =	sbr.abs _section_cstart, $3  }
0xc1: {  	[dreg:$0x1] =	wrdreg $0xFFFFFFFF  }
0xc2: {  	_ =	task.clear_ibuf [dreg:s7], $0x2FFFF;
	_ =	strace $0x9FFFFFFF  }
0xc3: {  	(tm) =	ssettm $0x7FFFFFFF  }
tec
execute0_lowered:
.L_overlay_start_1:
0x0: {  	(tag) =	ssettag $0x1  }
0x1: {  	s1 =	rddreg [dreg:$0x0]  }
0x2: {  	s0 =	rddreg [dreg:$0x1]  }
0x3: {  	s2 =	rddreg [dreg:$0x2]  }
0x4: {  	s3 =	simm.s32 $0x0;
	s4 =	srdreg.scid;
	s17 =	stileid.u32  }
0x5: {  	s30 =	simm.s32 $0x8;
	[smem:$0x7FF] =	sst s3;
	s4 =	sand.u32 $0x1, s4  }
0x6: {  	s5 =	sshll.u32 s17, $0x8;
	s7 =	sadd.s32 $0x2600, s1;
	s6 =	sshll.u32 s4, $0x7  }
0x7: {  	s8 =	sadd.s32 $0x8600, s1;
	s16 =	sadd.s32 $0x3600, s1;
	s5 =	sor.u32 s6, s5  }
0x8: {  	_ =	strace $0x8000004D;
	[dreg:$0x4] =	wrdreg s8;
	s6 =	sadd.s32 s7, s5  }
0x9: {  	s9 =	sor.u32 $0x10, s5;
	s10 =	sor.u32 $0x20, s5;
	s11 =	sor.u32 $0x30, s5  }
0xa: {  	s12 =	sor.u32 $0x40, s5;
	s13 =	sor.u32 $0x50, s5;
	s14 =	sor.u32 $0x60, s5  }
0xb: {  	s15 =	sor.u32 $0x70, s5;
	s5 =	sadd.s32 s16, s5;
	[dreg:$0x5] =	wrdreg s6  }
0xc: {  	p0 =	por $0x0, $0x0;
	s22 =	sadd.s32 s7, s9;
	[dreg:$0xd] =	wrdreg s5  }
0xd: {  	s29 =	simm.s32 $0x9;
	s23 =	sadd.s32 s7, s10;
	[dreg:$0x6] =	wrdreg s22  }
0xe: {  	s21 =	sshll.u32 s17, $0xA;
	s24 =	sadd.s32 s7, s11;
	[dreg:$0x7] =	wrdreg s23  }
0xf: {  	s8 =	sadd.s32 $0x4600, s1;
	s25 =	sadd.s32 s7, s12;
	[dreg:$0x8] =	wrdreg s24  }
0x10: {  	s0 =	sadd.s32 s0, s21;
	s26 =	sadd.s32 s7, s13;
	[dreg:$0x9] =	wrdreg s25  }
0x11: {  	s1 =	simm.s32 $0x6;
	s28 =	sadd.s32 s7, s14;
	[dreg:$0xa] =	wrdreg s26  }
0x12: {  	s21 =	simm.s32 $0xC;
	s31 =	sadd.s32 s7, s15;
	[dreg:$0xb] =	wrdreg s28  }
0x13: {  	s7 =	sadd.s32 s16, s9;
	s9 =	ssub.s32 $0x2, s4;
	[dreg:$0xc] =	wrdreg s31  }
0x14: {  	s10 =	sadd.s32 s16, s10;
	s19 =	sadd.s32 s16, s11;
	[dreg:$0xe] =	wrdreg s7  }
0x15: {  	s20 =	sadd.s32 s16, s12;
	s11 =	simm.s32 $0x4500;
	[dreg:$0xf] =	wrdreg s10  }
0x16: {  	s12 =	simm.s32 $0x400;
	s18 =	sshrl.u32 s9, $0x1;
	[dreg:$0x10] =	wrdreg s19  }
0x17: {  	[dreg:$0x11] =	wrdreg s20;
	s22 =	sadd.s32 s16, s13;
	s23 =	sshll.u32 s17, $0xD  }
0x18: {  	s24 =	sadd.s32 s16, s14;
	s25 =	sshll.u32 s17, $0x6;
	s26 =	sadd.s32 s16, s15  }
0x19: {  	s28 =	sshll.u32 s4, $0xE;
	s4 =	simm.s32 $0x5;
	s16 =	simm.s32 $0x500  }
0x1a: {  	s14 =	simm.s32 $0x2500;
	s19 =	simm.s32 $0x1;
	s17 =	simm.s32 $0x2  }
0x1b: {  	s10 =	simm.s32 $0x480;
	s15 =	simm.s32 $0x3;
	s5 =	ssub.s32 s9, s18  }
0x1c: {  	s13 =	simm.s32 $0x4;
	s20 =	rddreg [dreg:$0x4];
	s31 =	smax.u32 s5, $0x1  }
0x1d: {  	[dreg:$0x12] =	wrdreg s22;
	s7 =	sadd.s32 s23, s2;
	p1 =	sne.s32 s31, $0x1  }
.Ltmp0:
0x1e: {  	[dreg:$0x13] =	wrdreg s24;
	s23 =	sor.u32 $0x1C0D, s25;
	(pc) =	sbr.rel @!p1 .LBB2_5-.Ltmp0, $4  }
0x1f: {  	[dreg:$0x14] =	wrdreg s26;
	s0 =	sadd.s32 s28, s0;
	s22 =	simm.s32 $0x100  }
0x20: {  	s9 =	simm.s32 $0x6500;
	s25 =	simm.s32 $0xA;
	s24 =	simm.s32 $0xB  }
0x21: {  	[dreg:$0x15] =	wrdreg s0;
	s6 =	sshrl.u32 s7, $0x3;
	s5 =	simm.s32 $0xD  }
0x22: {  	s7 =	simm.s32 $0x80;
	s0 =	simm.s32 $0x7;
	s18 =	sadd.s32 $0xFFFFFFFF, s31  }
0x23: {  	[spmem:s6], [sflag:s23] =	dma.local [hbm:s20], $0x400  }
0x24: {  	_ =	swait.ge [sflag:s5], $0x400  }
0x25: {  	[dreg:$0x16] =	wrdreg s23;
	[sflag:s5] =	ssyncset.done $0x0  }
0x26: {  	s26 =	rddreg [dreg:$0x5];
	[sflag:s5] =	ssyncadd.s32 $0xFFFFFC00  }
0x27: {  	[tilespmem:s3], [sflag:$0x5] =	stream.linear.gather [hbm4b:s26+s3], $0x80, $0x38;
	[tilespmem:$0xA500] =	vst v63  }
0x28: {  	s28 =	rddreg [dreg:$0x6]  }
0x29: {  	[tilespmem:s7], [sflag:$0x6] =	stream.linear.gather [hbm4b:s28+s3], $0x80, $0x38;
	[tilespmem:$0xA500] =	vst v63  }
0x2a: {  	s21 =	rddreg [dreg:$0x7]  }
0x2b: {  	[tilespmem:s22], [sflag:$0x7] =	stream.linear.gather [hbm4b:s21+s3], $0x80, $0x38;
	[tilespmem:$0xA500] =	vst v63  }
0x2c: {  	s26 =	rddreg [dreg:$0x8];
	s28 =	simm.s32 $0x180  }
0x2d: {  	[tilespmem:s28], [sflag:$0x8] =	stream.linear.gather [hbm4b:s26+s3], $0x80, $0x38;
	[tilespmem:$0xA500] =	vst v63  }
0x2e: {  	s21 =	rddreg [dreg:$0x9];
	s26 =	simm.s32 $0x200  }
0x2f: {  	[tilespmem:s26], [sflag:$0x9] =	stream.linear.gather [hbm4b:s21+s3], $0x80, $0x38;
	[tilespmem:$0xA500] =	vst v63  }
0x30: {  	s31 =	smov.u32 s18;
	s18 =	rddreg [dreg:$0xa];
	s21 =	simm.s32 $0x280  }
0x31: {  	[tilespmem:s21], [sflag:$0xA] =	stream.linear.gather [hbm4b:s18+s3], $0x80, $0x38;
	[tilespmem:$0xA500] =	vst v63  }
0x32: {  	s23 =	simm.s32 $0x300;
	s20 =	rddreg [dreg:$0xb]  }
0x33: {  	[tilespmem:s23], [sflag:$0xB] =	stream.linear.gather [hbm4b:s20+s3], $0x80, $0x38;
	[tilespmem:$0xA500] =	vst v63  }
0x34: {  	s18 =	rddreg [dreg:$0xc];
	s20 =	simm.s32 $0x380  }
0x35: {  	[tilespmem:s20], [sflag:$0xC] =	stream.linear.gather [hbm4b:s18+s3], $0x80, $0x38;
	[tilespmem:$0xA500] =	vst v63  }
0x36: {  	[bflag:$0x0] =	sbarrier.arrive $0xFFFF  }
0x37: {  	_ =	swait.ge [sflag:s4], $0x80  }
0x38: {  	[sflag:s4] =	ssyncset.done $0x0  }
0x39: {  	[sflag:s4] =	ssyncadd.s32 $0xFFFFFF80  }
0x3a: {  	[tilespmem:s16], [sflag:$0x1] =	stream.indirect.gather [hbm4b:s8+s7], $0x40, s3, s7, $0xb8;
	[tilespmem:$0xA500] =	vst v63  }
0x3b: {  	_ =	swait.ge [sflag:s1], $0x80  }
0x3c: {  	[sflag:s1] =	ssyncset.done $0x0  }
0x3d: {  	[sflag:s1] =	ssyncadd.s32 $0xFFFFFF80  }
0x3e: {  	[tilespmem:s14], [sflag:$0x2] =	stream.indirect.gather [hbm4b:s8+s7], $0x40, s7, s7, $0xb8;
	[tilespmem:$0xA500] =	vst v63  }
0x3f: {  	_ =	swait.ge [sflag:s0], $0x80  }
0x40: {  	[sflag:s0] =	ssyncset.done $0x0  }
0x41: {  	[sflag:s0] =	ssyncadd.s32 $0xFFFFFF80  }
0x42: {  	[tilespmem:s11], [sflag:$0x3] =	stream.indirect.gather [hbm4b:s8+s7], $0x40, s22, s7, $0xb8;
	[tilespmem:$0xA500] =	vst v63  }
0x43: {  	_ =	swait.ge [sflag:s30], $0x80  }
0x44: {  	[sflag:s30] =	ssyncset.done $0x0  }
0x45: {  	[sflag:s30] =	ssyncadd.s32 $0xFFFFFF80  }
0x46: {  	[tilespmem:s9], [sflag:$0x4] =	stream.indirect.gather [hbm4b:s8+s7], $0x40, s28, s7, $0xb8;
	[tilespmem:$0xA500] =	vst v63  }
0x47: {  	_ =	swait.ge [sflag:s19], $0x2000  }
0x48: {  	[sflag:s19] =	ssyncset.done $0x0  }
0x49: {  	s28 =	rddreg [dreg:$0xd];
	[sflag:s19] =	ssyncadd.s32 $0xFFFFE000  }
0x4a: {  	[tilespmem:s12], [sflag:$0xD] =	stream.linear.gather [hbm4b:s28+s3], $0x80, $0x38;
	[tilespmem:$0xA500] =	vst v63  }
0x4b: {  	_ =	swait.ge [sflag:s5], $0x80  }
0x4c: {  	[sflag:s5] =	ssyncset.done $0x0  }
0x4d: {  	[sflag:s5] =	ssyncadd.s32 $0xFFFFFF80  }
0x4e: {  	[spmem:s2] =	stream.indirect.scatter.add.f32 [tilespmem:s16], [sflag:$0xD], $0x40, s12, s7, $0xb8;
	[tilespmem:$0xA500] =	vst v63  }
0x4f: {  	_ =	swait.ge [sflag:s5], $0x2000  }
0x50: {  	[sflag:s5] =	ssyncset.done $0x0  }
0x51: {  	[sflag:s5] =	ssyncadd.s32 $0xFFFFE000  }
0x52: {  	_ =	swait.ge [sflag:s29], $0x80  }
0x53: {  	[sflag:s29] =	ssyncset.done $0x0  }
0x54: {  	[sflag:s29] =	ssyncadd.s32 $0xFFFFFF80  }
0x55: {  	[tilespmem:s16], [sflag:$0x1] =	stream.indirect.gather [hbm4b:s8+s7], $0x40, s26, s7, $0xb8;
	[tilespmem:$0xA500] =	vst v63  }
0x56: {  	_ =	swait.ge [sflag:s17], $0x2000  }
0x57: {  	[sflag:s17] =	ssyncset.done $0x0  }
0x58: {  	s0 =	rddreg [dreg:$0xe];
	[sflag:s17] =	ssyncadd.s32 $0xFFFFE000  }
0x59: {  	[tilespmem:s10], [sflag:$0xD] =	stream.linear.gather [hbm4b:s0+s3], $0x80, $0x38;
	[tilespmem:$0xA500] =	vst v63  }
0x5a: {  	_ =	swait.ge [sflag:s5], $0x80  }
0x5b: {  	[sflag:s5] =	ssyncset.done $0x0  }
0x5c: {  	[sflag:s5] =	ssyncadd.s32 $0xFFFFFF80  }
0x5d: {  	[spmem:s2] =	stream.indirect.scatter.add.f32 [tilespmem:s14], [sflag:$0xD], $0x40, s10, s7, $0xb8;
	[tilespmem:$0xA500] =	vst v63  }
0x5e: {  	_ =	swait.ge [sflag:s5], $0x2000  }
0x5f: {  	[sflag:s5] =	ssyncset.done $0x0  }
0x60: {  	[sflag:s5] =	ssyncadd.s32 $0xFFFFE000  }
0x61: {  	_ =	swait.ge [sflag:s25], $0x80  }
0x62: {  	[sflag:s25] =	ssyncset.done $0x0  }
0x63: {  	[sflag:s25] =	ssyncadd.s32 $0xFFFFFF80  }
0x64: {  	[tilespmem:s14], [sflag:$0x2] =	stream.indirect.gather [hbm4b:s8+s7], $0x40, s21, s7, $0xb8;
	[tilespmem:$0xA500] =	vst v63  }
0x65: {  	_ =	swait.ge [sflag:s15], $0x2000  }
0x66: {  	[sflag:s15] =	ssyncset.done $0x0  }
0x67: {  	s1 =	rddreg [dreg:$0xf];
	[sflag:s15] =	ssyncadd.s32 $0xFFFFE000  }
0x68: {  	[tilespmem:s12], [sflag:$0xD] =	stream.linear.gather [hbm4b:s1+s3], $0x80, $0x38;
	[tilespmem:$0xA500] =	vst v63  }
0x69: {  	_ =	swait.ge [sflag:s5], $0x80  }
0x6a: {  	[sflag:s5] =	ssyncset.done $0x0  }
0x6b: {  	[sflag:s5] =	ssyncadd.s32 $0xFFFFFF80  }
0x6c: {  	[spmem:s2] =	stream.indirect.scatter.add.f32 [tilespmem:s11], [sflag:$0xD], $0x40, s12, s7, $0xb8;
	[tilespmem:$0xA500] =	vst v63  }
0x6d: {  	_ =	swait.ge [sflag:s5], $0x2000  }
0x6e: {  	[sflag:s5] =	ssyncset.done $0x0  }
0x6f: {  	[sflag:s5] =	ssyncadd.s32 $0xFFFFE000  }
0x70: {  	_ =	swait.ge [sflag:s24], $0x80  }
0x71: {  	[sflag:s24] =	ssyncset.done $0x0  }
0x72: {  	[sflag:s24] =	ssyncadd.s32 $0xFFFFFF80  }
0x73: {  	[tilespmem:s11], [sflag:$0x3] =	stream.indirect.gather [hbm4b:s8+s7], $0x40, s23, s7, $0xb8;
	[tilespmem:$0xA500] =	vst v63  }
0x74: {  	s23 =	rddreg [dreg:$0x16];
	_ =	swait.ge [sflag:s13], $0x2000  }
0x75: {  	[sflag:s13] =	ssyncset.done $0x0  }
0x76: {  	s4 =	rddreg [dreg:$0x10];
	[sflag:s13] =	ssyncadd.s32 $0xFFFFE000  }
0x77: {  	[tilespmem:s10], [sflag:$0xD] =	stream.linear.gather [hbm4b:s4+s3], $0x80, $0x38;
	[tilespmem:$0xA500] =	vst v63  }
0x78: {  	_ =	swait.ge [sflag:s5], $0x80  }
0x79: {  	[sflag:s5] =	ssyncset.done $0x0  }
0x7a: {  	[sflag:s5] =	ssyncadd.s32 $0xFFFFFF80  }
0x7b: {  	[spmem:s2] =	stream.indirect.scatter.add.f32 [tilespmem:s9], [sflag:$0xD], $0x40, s10, s7, $0xb8;
	[tilespmem:$0xA500] =	vst v63  }
0x7c: {  	_ =	swait.ge [sflag:s5], $0x2000  }
0x7d: {  	[sflag:s5] =	ssyncset.done $0x0  }
0x7e: {  	s21 =	simm.s32 $0xC;
	[sflag:s5] =	ssyncadd.s32 $0xFFFFE000  }
0x7f: {  	_ =	swait.ge [sflag:s21], $0x80  }
0x80: {  	[sflag:s21] =	ssyncset.done $0x0  }
0x81: {  	[sflag:s21] =	ssyncadd.s32 $0xFFFFFF80  }
0x82: {  	[tilespmem:s9], [sflag:$0x4] =	stream.indirect.gather [hbm4b:s8+s7], $0x40, s20, s7, $0xb8;
	[tilespmem:$0xA500] =	vst v63  }
0x83: {  	_ =	swait.ge [sflag:s19], $0x2000  }
0x84: {  	[sflag:s19] =	ssyncset.done $0x0  }
0x85: {  	s22 =	rddreg [dreg:$0x11];
	[sflag:s19] =	ssyncadd.s32 $0xFFFFE000  }
0x86: {  	[tilespmem:s12], [sflag:$0xD] =	stream.linear.gather [hbm4b:s22+s3], $0x80, $0x38;
	[tilespmem:$0xA500] =	vst v63  }
0x87: {  	_ =	swait.ge [sflag:s5], $0x80  }
0x88: {  	[sflag:s5] =	ssyncset.done $0x0  }
0x89: {  	[sflag:s5] =	ssyncadd.s32 $0xFFFFFF80  }
0x8a: {  	[spmem:s2] =	stream.indirect.scatter.add.f32 [tilespmem:s16], [sflag:$0xD], $0x40, s12, s7, $0xb8;
	[tilespmem:$0xA500] =	vst v63  }
0x8b: {  	_ =	swait.ge [sflag:s5], $0x2000  }
0x8c: {  	[sflag:s5] =	ssyncset.done $0x0  }
0x8d: {  	[sflag:s5] =	ssyncadd.s32 $0xFFFFE000  }
0x8e: {  	_ =	swait.ge [sflag:s17], $0x2000  }
0x8f: {  	[sflag:s17] =	ssyncset.done $0x0  }
0x90: {  	s24 =	rddreg [dreg:$0x12];
	[sflag:s17] =	ssyncadd.s32 $0xFFFFE000  }
0x91: {  	[tilespmem:s10], [sflag:$0xD] =	stream.linear.gather [hbm4b:s24+s3], $0x80, $0x38;
	[tilespmem:$0xA500] =	vst v63  }
0x92: {  	_ =	swait.ge [sflag:s5], $0x80  }
0x93: {  	[sflag:s5] =	ssyncset.done $0x0  }
0x94: {  	[sflag:s5] =	ssyncadd.s32 $0xFFFFFF80  }
0x95: {  	[spmem:s2] =	stream.indirect.scatter.add.f32 [tilespmem:s14], [sflag:$0xD], $0x40, s10, s7, $0xb8;
	[tilespmem:$0xA500] =	vst v63  }
0x96: {  	_ =	swait.ge [sflag:s5], $0x2000  }
0x97: {  	[sflag:s5] =	ssyncset.done $0x0  }
0x98: {  	[sflag:s5] =	ssyncadd.s32 $0xFFFFE000  }
0x99: {  	_ =	swait.ge [sflag:s15], $0x2000  }
0x9a: {  	[sflag:s15] =	ssyncset.done $0x0  }
0x9b: {  	s25 =	rddreg [dreg:$0x13];
	[sflag:s15] =	ssyncadd.s32 $0xFFFFE000  }
0x9c: {  	[tilespmem:s12], [sflag:$0xD] =	stream.linear.gather [hbm4b:s25+s3], $0x80, $0x38;
	[tilespmem:$0xA500] =	vst v63  }
0x9d: {  	_ =	swait.ge [sflag:s5], $0x80  }
0x9e: {  	[sflag:s5] =	ssyncset.done $0x0  }
0x9f: {  	[sflag:s5] =	ssyncadd.s32 $0xFFFFFF80  }
0xa0: {  	[spmem:s2] =	stream.indirect.scatter.add.f32 [tilespmem:s11], [sflag:$0xD], $0x40, s12, s7, $0xb8;
	[tilespmem:$0xA500] =	vst v63  }
0xa1: {  	_ =	swait.ge [sflag:s5], $0x2000  }
0xa2: {  	[sflag:s5] =	ssyncset.done $0x0  }
0xa3: {  	[sflag:s5] =	ssyncadd.s32 $0xFFFFE000  }
0xa4: {  	_ =	swait.ge [sflag:s13], $0x2000  }
0xa5: {  	[sflag:s13] =	ssyncset.done $0x0  }
0xa6: {  	s26 =	rddreg [dreg:$0x14];
	[sflag:s13] =	ssyncadd.s32 $0xFFFFE000  }
0xa7: {  	[tilespmem:s10], [sflag:$0xD] =	stream.linear.gather [hbm4b:s26+s3], $0x80, $0x38;
	[tilespmem:$0xA500] =	vst v63  }
0xa8: {  	_ =	swait.ge [sflag:s5], $0x80  }
0xa9: {  	[sflag:s5] =	ssyncset.done $0x0  }
0xaa: {  	[sflag:s5] =	ssyncadd.s32 $0xFFFFFF80  }
0xab: {  	[spmem:s2] =	stream.indirect.scatter.add.f32 [tilespmem:s9], [sflag:$0xD], $0x40, s10, s7, $0xb8;
	[tilespmem:$0xA500] =	vst v63  }
0xac: {  	_ =	swait.ge [sflag:s5], $0x2000  }
0xad: {  	p0 =	por $0x1, $0x1;
	p1 =	sne.s32 s31, $0x1;
	[sflag:s5] =	ssyncset.done $0x0  }
0xae: {  	s18 =	sadd.s32 $0xFFFFFFFF, s31;
	s31 =	simm.s32 $0x8;
	[sflag:s5] =	ssyncadd.s32 $0xFFFFE000  }
.Ltmp1:
0xaf: {  	s30 =	simm.s32 $0x9;
	[bflag:$0x0] =	sbarrier.arrive $0xFFFF;
	(pc) =	sbr.rel @!p1 .LBB2_6-.Ltmp1, $4  }
0xb0: {  	s29 =	simm.s32 $0xA;
	s0 =	simm.s32 $0x7;
	s28 =	rddreg [dreg:$0x15]  }
0xb1: {  	[hbm:s28], [sflag:s23] =	dma.local [spmem:s6], $0x400  }
0xb2: {  	s1 =	simm.s32 $0x6;
	s4 =	simm.s32 $0x5;
	_ =	swait.ge [sflag:s5], $0x400  }
0xb3: {  	s26 =	simm.s32 $0x100;
	s20 =	rddreg [dreg:$0x4];
	[sflag:s5] =	ssyncset.done $0x0  }
0xb4: {  	s24 =	simm.s32 $0x180;
	s28 =	simm.s32 $0x200;
	s25 =	simm.s32 $0x380  }
.LBB2_3:
0xb5: {  	[sflag:s5] =	ssyncadd.s32 $0xFFFFFC00  }
0xb6: {  	[spmem:s6], [sflag:s23] =	dma.local [hbm:s20], $0x400  }
0xb7: {  	_ =	swait.ge [sflag:s5], $0x400  }
0xb8: {  	[sflag:s5] =	ssyncset.done $0x0  }
0xb9: {  	s23 =	rddreg [dreg:$0x5];
	[sflag:s5] =	ssyncadd.s32 $0xFFFFFC00  }
0xba: {  	[tilespmem:s3], [sflag:$0x5] =	stream.linear.gather [hbm4b:s23+s3], $0x80, $0x38;
	[tilespmem:$0xA500] =	vst v63  }
0xbb: {  	s22 =	rddreg [dreg:$0x6]  }
0xbc: {  	[tilespmem:s7], [sflag:$0x6] =	stream.linear.gather [hbm4b:s22+s3], $0x80, $0x38;
	[tilespmem:$0xA500] =	vst v63  }
0xbd: {  	s21 =	rddreg [dreg:$0x7]  }
0xbe: {  	[tilespmem:s26], [sflag:$0x7] =	stream.linear.gather [hbm4b:s21+s3], $0x80, $0x38;
	[tilespmem:$0xA500] =	vst v63  }
0xbf: {  	s23 =	rddreg [dreg:$0x8]  }
0xc0: {  	[tilespmem:s24], [sflag:$0x8] =	stream.linear.gather [hbm4b:s23+s3], $0x80, $0x38;
	[tilespmem:$0xA500] =	vst v63  }
0xc1: {  	s21 =	rddreg [dreg:$0x9]  }
0xc2: {  	[tilespmem:s28], [sflag:$0x9] =	stream.linear.gather [hbm4b:s21+s3], $0x80, $0x38;
	[tilespmem:$0xA500] =	vst v63  }
0xc3: {  	s23 =	rddreg [dreg:$0xa];
	s21 =	simm.s32 $0x280  }
0xc4: {  	[tilespmem:s21], [sflag:$0xA] =	stream.linear.gather [hbm4b:s23+s3], $0x80, $0x38;
	[tilespmem:$0xA500] =	vst v63  }
0xc5: {  	s20 =	rddreg [dreg:$0xb];
	s23 =	simm.s32 $0x300  }
0xc6: {  	[tilespmem:s23], [sflag:$0xB] =	stream.linear.gather [hbm4b:s20+s3], $0x80, $0x38;
	[tilespmem:$0xA500] =	vst v63  }
0xc7: {  	s22 =	rddreg [dreg:$0xc]  }
0xc8: {  	[tilespmem:s25], [sflag:$0xC] =	stream.linear.gather [hbm4b:s22+s3], $0x80, $0x38;
	[tilespmem:$0xA500] =	vst v63  }
0xc9: {  	[bflag:$0x0] =	sbarrier.arrive $0xFFFF  }
0xca: {  	_ =	swait.ge [sflag:s4], $0x80  }
0xcb: {  	[sflag:s4] =	ssyncset.done $0x0  }
0xcc: {  	[sflag:s4] =	ssyncadd.s32 $0xFFFFFF80  }
0xcd: {  	[tilespmem:s16], [sflag:$0x1] =	stream.indirect.gather [hbm4b:s8+s7], $0x40, s3, s7, $0xb8;
	[tilespmem:$0xA500] =	vst v63  }
0xce: {  	_ =	swait.ge [sflag:s1], $0x80  }
0xcf: {  	[sflag:s1] =	ssyncset.done $0x0  }
0xd0: {  	[sflag:s1] =	ssyncadd.s32 $0xFFFFFF80  }
0xd1: {  	[tilespmem:s14], [sflag:$0x2] =	stream.indirect.gather [hbm4b:s8+s7], $0x40, s7, s7, $0xb8;
	[tilespmem:$0xA500] =	vst v63  }
0xd2: {  	_ =	swait.ge [sflag:s0], $0x80  }
0xd3: {  	[sflag:s0] =	ssyncset.done $0x0  }
0xd4: {  	[sflag:s0] =	ssyncadd.s32 $0xFFFFFF80  }
0xd5: {  	[tilespmem:s11], [sflag:$0x3] =	stream.indirect.gather [hbm4b:s8+s7], $0x40, s26, s7, $0xb8;
	[tilespmem:$0xA500] =	vst v63  }
0xd6: {  	_ =	swait.ge [sflag:s31], $0x80  }
0xd7: {  	[sflag:s31] =	ssyncset.done $0x0  }
0xd8: {  	[sflag:s31] =	ssyncadd.s32 $0xFFFFFF80  }
0xd9: {  	[tilespmem:s9], [sflag:$0x4] =	stream.indirect.gather [hbm4b:s8+s7], $0x40, s24, s7, $0xb8;
	[tilespmem:$0xA500] =	vst v63  }
0xda: {  	_ =	swait.ge [sflag:s19], $0x2000  }
0xdb: {  	[sflag:s19] =	ssyncset.done $0x0  }
0xdc: {  	s20 =	rddreg [dreg:$0xd];
	[sflag:s19] =	ssyncadd.s32 $0xFFFFE000  }
0xdd: {  	[tilespmem:s12], [sflag:$0xD] =	stream.linear.gather [hbm4b:s20+s3], $0x80, $0x38;
	[tilespmem:$0xA500] =	vst v63  }
0xde: {  	_ =	swait.ge [sflag:s5], $0x80  }
0xdf: {  	[sflag:s5] =	ssyncset.done $0x0  }
0xe0: {  	[sflag:s5] =	ssyncadd.s32 $0xFFFFFF80  }
0xe1: {  	[spmem:s2] =	stream.indirect.scatter.add.f32 [tilespmem:s16], [sflag:$0xD], $0x40, s12, s7, $0xb8;
	[tilespmem:$0xA500] =	vst v63  }
0xe2: {  	_ =	swait.ge [sflag:s5], $0x2000  }
0xe3: {  	[sflag:s5] =	ssyncset.done $0x0  }
0xe4: {  	[sflag:s5] =	ssyncadd.s32 $0xFFFFE000  }
0xe5: {  	_ =	swait.ge [sflag:s30], $0x80  }
0xe6: {  	[sflag:s30] =	ssyncset.done $0x0  }
0xe7: {  	[sflag:s30] =	ssyncadd.s32 $0xFFFFFF80  }
0xe8: {  	[tilespmem:s16], [sflag:$0x1] =	stream.indirect.gather [hbm4b:s8+s7], $0x40, s28, s7, $0xb8;
	[tilespmem:$0xA500] =	vst v63  }
0xe9: {  	_ =	swait.ge [sflag:s17], $0x2000  }
0xea: {  	[sflag:s17] =	ssyncset.done $0x0  }
0xeb: {  	s20 =	rddreg [dreg:$0xe];
	[sflag:s17] =	ssyncadd.s32 $0xFFFFE000  }
0xec: {  	[tilespmem:s10], [sflag:$0xD] =	stream.linear.gather [hbm4b:s20+s3], $0x80, $0x38;
	[tilespmem:$0xA500] =	vst v63  }
0xed: {  	_ =	swait.ge [sflag:s5], $0x80  }
0xee: {  	[sflag:s5] =	ssyncset.done $0x0  }
0xef: {  	[sflag:s5] =	ssyncadd.s32 $0xFFFFFF80  }
0xf0: {  	[spmem:s2] =	stream.indirect.scatter.add.f32 [tilespmem:s14], [sflag:$0xD], $0x40, s10, s7, $0xb8;
	[tilespmem:$0xA500] =	vst v63  }
0xf1: {  	_ =	swait.ge [sflag:s5], $0x2000  }
0xf2: {  	[sflag:s5] =	ssyncset.done $0x0  }
0xf3: {  	[sflag:s5] =	ssyncadd.s32 $0xFFFFE000  }
0xf4: {  	_ =	swait.ge [sflag:s29], $0x80  }
0xf5: {  	[sflag:s29] =	ssyncset.done $0x0  }
0xf6: {  	[sflag:s29] =	ssyncadd.s32 $0xFFFFFF80  }
0xf7: {  	[tilespmem:s14], [sflag:$0x2] =	stream.indirect.gather [hbm4b:s8+s7], $0x40, s21, s7, $0xb8;
	[tilespmem:$0xA500] =	vst v63  }
0xf8: {  	_ =	swait.ge [sflag:s15], $0x2000  }
0xf9: {  	[sflag:s15] =	ssyncset.done $0x0  }
0xfa: {  	s20 =	rddreg [dreg:$0xf];
	[sflag:s15] =	ssyncadd.s32 $0xFFFFE000  }
0xfb: {  	[tilespmem:s12], [sflag:$0xD] =	stream.linear.gather [hbm4b:s20+s3], $0x80, $0x38;
	[tilespmem:$0xA500] =	vst v63  }
0xfc: {  	_ =	swait.ge [sflag:s5], $0x80  }
0xfd: {  	[sflag:s5] =	ssyncset.done $0x0  }
0xfe: {  	[sflag:s5] =	ssyncadd.s32 $0xFFFFFF80  }
0xff: {  	[spmem:s2] =	stream.indirect.scatter.add.f32 [tilespmem:s11], [sflag:$0xD], $0x40, s12, s7, $0xb8;
	[tilespmem:$0xA500] =	vst v63  }
0x100: {  	_ =	swait.ge [sflag:s5], $0x2000  }
0x101: {  	[sflag:s5] =	ssyncset.done $0x0  }
0x102: {  	s22 =	simm.s32 $0xB;
	[sflag:s5] =	ssyncadd.s32 $0xFFFFE000  }
0x103: {  	_ =	swait.ge [sflag:s22], $0x80  }
0x104: {  	[sflag:s22] =	ssyncset.done $0x0  }
0x105: {  	[sflag:s22] =	ssyncadd.s32 $0xFFFFFF80  }
0x106: {  	[tilespmem:s11], [sflag:$0x3] =	stream.indirect.gather [hbm4b:s8+s7], $0x40, s23, s7, $0xb8;
	[tilespmem:$0xA500] =	vst v63  }
0x107: {  	s23 =	rddreg [dreg:$0x16];
	_ =	swait.ge [sflag:s13], $0x2000  }
0x108: {  	[sflag:s13] =	ssyncset.done $0x0  }
0x109: {  	s22 =	rddreg [dreg:$0x10];
	[sflag:s13] =	ssyncadd.s32 $0xFFFFE000  }
0x10a: {  	[tilespmem:s10], [sflag:$0xD] =	stream.linear.gather [hbm4b:s22+s3], $0x80, $0x38;
	[tilespmem:$0xA500] =	vst v63  }
0x10b: {  	_ =	swait.ge [sflag:s5], $0x80  }
0x10c: {  	[sflag:s5] =	ssyncset.done $0x0  }
0x10d: {  	[sflag:s5] =	ssyncadd.s32 $0xFFFFFF80  }
0x10e: {  	[spmem:s2] =	stream.indirect.scatter.add.f32 [tilespmem:s9], [sflag:$0xD], $0x40, s10, s7, $0xb8;
	[tilespmem:$0xA500] =	vst v63  }
0x10f: {  	_ =	swait.ge [sflag:s5], $0x2000  }
0x110: {  	[sflag:s5] =	ssyncset.done $0x0  }
0x111: {  	s21 =	simm.s32 $0xC;
	[sflag:s5] =	ssyncadd.s32 $0xFFFFE000  }
0x112: {  	_ =	swait.ge [sflag:s21], $0x80  }
0x113: {  	[sflag:s21] =	ssyncset.done $0x0  }
0x114: {  	[sflag:s21] =	ssyncadd.s32 $0xFFFFFF80  }
0x115: {  	[tilespmem:s9], [sflag:$0x4] =	stream.indirect.gather [hbm4b:s8+s7], $0x40, s25, s7, $0xb8;
	[tilespmem:$0xA500] =	vst v63  }
0x116: {  	_ =	swait.ge [sflag:s19], $0x2000  }
0x117: {  	[sflag:s19] =	ssyncset.done $0x0  }
0x118: {  	s22 =	rddreg [dreg:$0x11];
	[sflag:s19] =	ssyncadd.s32 $0xFFFFE000  }
0x119: {  	[tilespmem:s12], [sflag:$0xD] =	stream.linear.gather [hbm4b:s22+s3], $0x80, $0x38;
	[tilespmem:$0xA500] =	vst v63  }
0x11a: {  	_ =	swait.ge [sflag:s5], $0x80  }
0x11b: {  	[sflag:s5] =	ssyncset.done $0x0  }
0x11c: {  	[sflag:s5] =	ssyncadd.s32 $0xFFFFFF80  }
0x11d: {  	[spmem:s2] =	stream.indirect.scatter.add.f32 [tilespmem:s16], [sflag:$0xD], $0x40, s12, s7, $0xb8;
	[tilespmem:$0xA500] =	vst v63  }
0x11e: {  	_ =	swait.ge [sflag:s5], $0x2000  }
0x11f: {  	[sflag:s5] =	ssyncset.done $0x0  }
0x120: {  	[sflag:s5] =	ssyncadd.s32 $0xFFFFE000  }
0x121: {  	_ =	swait.ge [sflag:s17], $0x2000  }
0x122: {  	[sflag:s17] =	ssyncset.done $0x0  }
0x123: {  	s22 =	rddreg [dreg:$0x12];
	[sflag:s17] =	ssyncadd.s32 $0xFFFFE000  }
0x124: {  	[tilespmem:s10], [sflag:$0xD] =	stream.linear.gather [hbm4b:s22+s3], $0x80, $0x38;
	[tilespmem:$0xA500] =	vst v63  }
0x125: {  	_ =	swait.ge [sflag:s5], $0x80  }
0x126: {  	[sflag:s5] =	ssyncset.done $0x0  }
0x127: {  	[sflag:s5] =	ssyncadd.s32 $0xFFFFFF80  }
0x128: {  	[spmem:s2] =	stream.indirect.scatter.add.f32 [tilespmem:s14], [sflag:$0xD], $0x40, s10, s7, $0xb8;
	[tilespmem:$0xA500] =	vst v63  }
0x129: {  	_ =	swait.ge [sflag:s5], $0x2000  }
0x12a: {  	[sflag:s5] =	ssyncset.done $0x0  }
0x12b: {  	[sflag:s5] =	ssyncadd.s32 $0xFFFFE000  }
0x12c: {  	_ =	swait.ge [sflag:s15], $0x2000  }
0x12d: {  	[sflag:s15] =	ssyncset.done $0x0  }
0x12e: {  	s22 =	rddreg [dreg:$0x13];
	[sflag:s15] =	ssyncadd.s32 $0xFFFFE000  }
0x12f: {  	[tilespmem:s12], [sflag:$0xD] =	stream.linear.gather [hbm4b:s22+s3], $0x80, $0x38;
	[tilespmem:$0xA500] =	vst v63  }
0x130: {  	_ =	swait.ge [sflag:s5], $0x80  }
0x131: {  	[sflag:s5] =	ssyncset.done $0x0  }
0x132: {  	[sflag:s5] =	ssyncadd.s32 $0xFFFFFF80  }
0x133: {  	[spmem:s2] =	stream.indirect.scatter.add.f32 [tilespmem:s11], [sflag:$0xD], $0x40, s12, s7, $0xb8;
	[tilespmem:$0xA500] =	vst v63  }
0x134: {  	_ =	swait.ge [sflag:s5], $0x2000  }
0x135: {  	[sflag:s5] =	ssyncset.done $0x0  }
0x136: {  	[sflag:s5] =	ssyncadd.s32 $0xFFFFE000  }
0x137: {  	_ =	swait.ge [sflag:s13], $0x2000  }
0x138: {  	[sflag:s13] =	ssyncset.done $0x0  }
0x139: {  	s22 =	rddreg [dreg:$0x14];
	[sflag:s13] =	ssyncadd.s32 $0xFFFFE000  }
0x13a: {  	[tilespmem:s10], [sflag:$0xD] =	stream.linear.gather [hbm4b:s22+s3], $0x80, $0x38;
	[tilespmem:$0xA500] =	vst v63  }
0x13b: {  	_ =	swait.ge [sflag:s5], $0x80  }
0x13c: {  	[sflag:s5] =	ssyncset.done $0x0  }
0x13d: {  	[sflag:s5] =	ssyncadd.s32 $0xFFFFFF80  }
0x13e: {  	[spmem:s2] =	stream.indirect.scatter.add.f32 [tilespmem:s9], [sflag:$0xD], $0x40, s10, s7, $0xb8;
	[tilespmem:$0xA500] =	vst v63  }
0x13f: {  	_ =	swait.ge [sflag:s5], $0x2000  }
0x140: {  	[sflag:s5] =	ssyncset.done $0x0  }
0x141: {  	p1 =	sne.s32 s18, $0x1;
	[sflag:s5] =	ssyncadd.s32 $0xFFFFE000  }
.Ltmp2:
0x142: {  	[bflag:$0x0] =	sbarrier.arrive $0xFFFF;
	(pc) =	sbr.rel @p1 .LBB2_3-.Ltmp2, $4  }
0x143: {  	s22 =	rddreg [dreg:$0x15]  }
0x144: {  	[hbm:s22], [sflag:s23] =	dma.local [spmem:s6], $0x400  }
0x145: {  	_ =	swait.ge [sflag:s5], $0x400  }
0x146: {  	s18 =	sadd.s32 $0xFFFFFFFF, s18;
	s20 =	rddreg [dreg:$0x4];
	[sflag:s5] =	ssyncset.done $0x0  }
0x147: {  	s22 =	simm.s32 $0x100  }
0x148: {  	s25 =	simm.s32 $0xA;
	s29 =	simm.s32 $0x9;
	s30 =	simm.s32 $0x8  }
0x149: {  	s0 =	simm.s32 $0x7;
	s1 =	simm.s32 $0x6;
	s4 =	simm.s32 $0x5  }
.LBB2_5:
0x14a: {  	[sflag:s5] =	ssyncadd.s32 @p0 $0xFFFFFC00  }
0x14b: {  	[spmem:s6], [sflag:s23] =	dma.local [hbm:s20], $0x400  }
0x14c: {  	_ =	swait.ge [sflag:s5], $0x400  }
0x14d: {  	[sflag:s5] =	ssyncset.done $0x0  }
0x14e: {  	s18 =	rddreg [dreg:$0x5];
	[sflag:s5] =	ssyncadd.s32 $0xFFFFFC00  }
0x14f: {  	[tilespmem:s3], [sflag:$0x5] =	stream.linear.gather [hbm4b:s18+s3], $0x80, $0x38;
	[tilespmem:$0xA500] =	vst v63  }
0x150: {  	s26 =	rddreg [dreg:$0x6]  }
0x151: {  	[tilespmem:s7], [sflag:$0x6] =	stream.linear.gather [hbm4b:s26+s3], $0x80, $0x38;
	[tilespmem:$0xA500] =	vst v63  }
0x152: {  	s28 =	rddreg [dreg:$0x7]  }
0x153: {  	[tilespmem:s22], [sflag:$0x7] =	stream.linear.gather [hbm4b:s28+s3], $0x80, $0x38;
	[tilespmem:$0xA500] =	vst v63  }
0x154: {  	s31 =	rddreg [dreg:$0x8];
	s22 =	simm.s32 $0x180  }
0x155: {  	[tilespmem:s22], [sflag:$0x8] =	stream.linear.gather [hbm4b:s31+s3], $0x80, $0x38;
	[tilespmem:$0xA500] =	vst v63  }
0x156: {  	s26 =	rddreg [dreg:$0x9];
	s28 =	simm.s32 $0x200  }
0x157: {  	[tilespmem:s28], [sflag:$0x9] =	stream.linear.gather [hbm4b:s26+s3], $0x80, $0x38;
	[tilespmem:$0xA500] =	vst v63  }
0x158: {  	s31 =	rddreg [dreg:$0xa];
	s26 =	simm.s32 $0x280  }
0x159: {  	[tilespmem:s26], [sflag:$0xA] =	stream.linear.gather [hbm4b:s31+s3], $0x80, $0x38;
	[tilespmem:$0xA500] =	vst v63  }
0x15a: {  	s18 =	rddreg [dreg:$0xb];
	s31 =	simm.s32 $0x300  }
0x15b: {  	[tilespmem:s31], [sflag:$0xB] =	stream.linear.gather [hbm4b:s18+s3], $0x80, $0x38;
	[tilespmem:$0xA500] =	vst v63  }
0x15c: {  	s20 =	rddreg [dreg:$0xc];
	s18 =	simm.s32 $0x380  }
0x15d: {  	[tilespmem:s18], [sflag:$0xC] =	stream.linear.gather [hbm4b:s20+s3], $0x80, $0x38;
	[tilespmem:$0xA500] =	vst v63  }
0x15e: {  	[bflag:$0x0] =	sbarrier.arrive $0xFFFF  }
0x15f: {  	_ =	swait.ge [sflag:s4], $0x80  }
0x160: {  	[sflag:s4] =	ssyncset.done $0x0  }
0x161: {  	[sflag:s4] =	ssyncadd.s32 $0xFFFFFF80  }
0x162: {  	[tilespmem:s16], [sflag:$0x1] =	stream.indirect.gather [hbm4b:s8+s7], $0x40, s3, s7, $0xb8;
	[tilespmem:$0xA500] =	vst v63  }
0x163: {  	_ =	swait.ge [sflag:s1], $0x80  }
0x164: {  	[sflag:s1] =	ssyncset.done $0x0  }
0x165: {  	[sflag:s1] =	ssyncadd.s32 $0xFFFFFF80  }
0x166: {  	[tilespmem:s14], [sflag:$0x2] =	stream.indirect.gather [hbm4b:s8+s7], $0x40, s7, s7, $0xb8;
	[tilespmem:$0xA500] =	vst v63  }
0x167: {  	_ =	swait.ge [sflag:s0], $0x80  }
0x168: {  	[sflag:s0] =	ssyncset.done $0x0  }
0x169: {  	s24 =	simm.s32 $0x100;
	[sflag:s0] =	ssyncadd.s32 $0xFFFFFF80  }
0x16a: {  	[tilespmem:s11], [sflag:$0x3] =	stream.indirect.gather [hbm4b:s8+s7], $0x40, s24, s7, $0xb8;
	[tilespmem:$0xA500] =	vst v63  }
0x16b: {  	_ =	swait.ge [sflag:s30], $0x80  }
0x16c: {  	[sflag:s30] =	ssyncset.done $0x0  }
0x16d: {  	[sflag:s30] =	ssyncadd.s32 $0xFFFFFF80  }
0x16e: {  	[tilespmem:s9], [sflag:$0x4] =	stream.indirect.gather [hbm4b:s8+s7], $0x40, s22, s7, $0xb8;
	[tilespmem:$0xA500] =	vst v63  }
0x16f: {  	_ =	swait.ge [sflag:s19], $0x2000  }
0x170: {  	[sflag:s19] =	ssyncset.done $0x0  }
0x171: {  	s1 =	rddreg [dreg:$0xd];
	[sflag:s19] =	ssyncadd.s32 $0xFFFFE000  }
0x172: {  	[tilespmem:s12], [sflag:$0xD] =	stream.linear.gather [hbm4b:s1+s3], $0x80, $0x38;
	[tilespmem:$0xA500] =	vst v63  }
0x173: {  	_ =	swait.ge [sflag:s5], $0x80  }
0x174: {  	[sflag:s5] =	ssyncset.done $0x0  }
0x175: {  	[sflag:s5] =	ssyncadd.s32 $0xFFFFFF80  }
0x176: {  	[spmem:s2] =	stream.indirect.scatter.add.f32 [tilespmem:s16], [sflag:$0xD], $0x40, s12, s7, $0xb8;
	[tilespmem:$0xA500] =	vst v63  }
0x177: {  	_ =	swait.ge [sflag:s5], $0x2000  }
0x178: {  	[sflag:s5] =	ssyncset.done $0x0  }
0x179: {  	[sflag:s5] =	ssyncadd.s32 $0xFFFFE000  }
0x17a: {  	_ =	swait.ge [sflag:s29], $0x80  }
0x17b: {  	[sflag:s29] =	ssyncset.done $0x0  }
0x17c: {  	[sflag:s29] =	ssyncadd.s32 $0xFFFFFF80  }
0x17d: {  	[tilespmem:s16], [sflag:$0x1] =	stream.indirect.gather [hbm4b:s8+s7], $0x40, s28, s7, $0xb8;
	[tilespmem:$0xA500] =	vst v63  }
0x17e: {  	_ =	swait.ge [sflag:s17], $0x2000  }
0x17f: {  	[sflag:s17] =	ssyncset.done $0x0  }
0x180: {  	s4 =	rddreg [dreg:$0xe];
	[sflag:s17] =	ssyncadd.s32 $0xFFFFE000  }
0x181: {  	[tilespmem:s10], [sflag:$0xD] =	stream.linear.gather [hbm4b:s4+s3], $0x80, $0x38;
	[tilespmem:$0xA500] =	vst v63  }
0x182: {  	_ =	swait.ge [sflag:s5], $0x80  }
0x183: {  	[sflag:s5] =	ssyncset.done $0x0  }
0x184: {  	[sflag:s5] =	ssyncadd.s32 $0xFFFFFF80  }
0x185: {  	[spmem:s2] =	stream.indirect.scatter.add.f32 [tilespmem:s14], [sflag:$0xD], $0x40, s10, s7, $0xb8;
	[tilespmem:$0xA500] =	vst v63  }
0x186: {  	_ =	swait.ge [sflag:s5], $0x2000  }
0x187: {  	[sflag:s5] =	ssyncset.done $0x0  }
0x188: {  	[sflag:s5] =	ssyncadd.s32 $0xFFFFE000  }
0x189: {  	_ =	swait.ge [sflag:s25], $0x80  }
0x18a: {  	[sflag:s25] =	ssyncset.done $0x0  }
0x18b: {  	[sflag:s25] =	ssyncadd.s32 $0xFFFFFF80  }
0x18c: {  	[tilespmem:s14], [sflag:$0x2] =	stream.indirect.gather [hbm4b:s8+s7], $0x40, s26, s7, $0xb8;
	[tilespmem:$0xA500] =	vst v63  }
0x18d: {  	_ =	swait.ge [sflag:s15], $0x2000  }
0x18e: {  	[sflag:s15] =	ssyncset.done $0x0  }
0x18f: {  	s20 =	rddreg [dreg:$0xf];
	[sflag:s15] =	ssyncadd.s32 $0xFFFFE000  }
0x190: {  	[tilespmem:s12], [sflag:$0xD] =	stream.linear.gather [hbm4b:s20+s3], $0x80, $0x38;
	[tilespmem:$0xA500] =	vst v63  }
0x191: {  	_ =	swait.ge [sflag:s5], $0x80  }
0x192: {  	[sflag:s5] =	ssyncset.done $0x0  }
0x193: {  	[sflag:s5] =	ssyncadd.s32 $0xFFFFFF80  }
0x194: {  	[spmem:s2] =	stream.indirect.scatter.add.f32 [tilespmem:s11], [sflag:$0xD], $0x40, s12, s7, $0xb8;
	[tilespmem:$0xA500] =	vst v63  }
0x195: {  	_ =	swait.ge [sflag:s5], $0x2000  }
0x196: {  	[sflag:s5] =	ssyncset.done $0x0  }
0x197: {  	s22 =	simm.s32 $0xB;
	[sflag:s5] =	ssyncadd.s32 $0xFFFFE000  }
0x198: {  	_ =	swait.ge [sflag:s22], $0x80  }
0x199: {  	[sflag:s22] =	ssyncset.done $0x0  }
0x19a: {  	s31 =	simm.s32 $0x300;
	[sflag:s22] =	ssyncadd.s32 $0xFFFFFF80  }
0x19b: {  	[tilespmem:s11], [sflag:$0x3] =	stream.indirect.gather [hbm4b:s8+s7], $0x40, s31, s7, $0xb8;
	[tilespmem:$0xA500] =	vst v63  }
0x19c: {  	_ =	swait.ge [sflag:s13], $0x2000  }
0x19d: {  	[sflag:s13] =	ssyncset.done $0x0  }
0x19e: {  	s24 =	rddreg [dreg:$0x10];
	[sflag:s13] =	ssyncadd.s32 $0xFFFFE000  }
0x19f: {  	[tilespmem:s10], [sflag:$0xD] =	stream.linear.gather [hbm4b:s24+s3], $0x80, $0x38;
	[tilespmem:$0xA500] =	vst v63  }
0x1a0: {  	_ =	swait.ge [sflag:s5], $0x80  }
0x1a1: {  	[sflag:s5] =	ssyncset.done $0x0  }
0x1a2: {  	[sflag:s5] =	ssyncadd.s32 $0xFFFFFF80  }
0x1a3: {  	[spmem:s2] =	stream.indirect.scatter.add.f32 [tilespmem:s9], [sflag:$0xD], $0x40, s10, s7, $0xb8;
	[tilespmem:$0xA500] =	vst v63  }
0x1a4: {  	_ =	swait.ge [sflag:s5], $0x2000  }
0x1a5: {  	[sflag:s5] =	ssyncset.done $0x0  }
0x1a6: {  	[sflag:s5] =	ssyncadd.s32 $0xFFFFE000  }
0x1a7: {  	_ =	swait.ge [sflag:s21], $0x80  }
0x1a8: {  	[sflag:s21] =	ssyncset.done $0x0  }
0x1a9: {  	[sflag:s21] =	ssyncadd.s32 $0xFFFFFF80  }
0x1aa: {  	[tilespmem:s9], [sflag:$0x4] =	stream.indirect.gather [hbm4b:s8+s7], $0x40, s18, s7, $0xb8;
	[tilespmem:$0xA500] =	vst v63  }
0x1ab: {  	_ =	swait.ge [sflag:s19], $0x2000  }
0x1ac: {  	[sflag:s19] =	ssyncset.done $0x0  }
0x1ad: {  	s25 =	rddreg [dreg:$0x11];
	[sflag:s19] =	ssyncadd.s32 $0xFFFFE000  }
0x1ae: {  	[tilespmem:s12], [sflag:$0xD] =	stream.linear.gather [hbm4b:s25+s3], $0x80, $0x38;
	[tilespmem:$0xA500] =	vst v63  }
0x1af: {  	_ =	swait.ge [sflag:s5], $0x80  }
0x1b0: {  	[sflag:s5] =	ssyncset.done $0x0  }
0x1b1: {  	[sflag:s5] =	ssyncadd.s32 $0xFFFFFF80  }
0x1b2: {  	[spmem:s2] =	stream.indirect.scatter.add.f32 [tilespmem:s16], [sflag:$0xD], $0x40, s12, s7, $0xb8;
	[tilespmem:$0xA500] =	vst v63  }
0x1b3: {  	_ =	swait.ge [sflag:s5], $0x2000  }
0x1b4: {  	[sflag:s5] =	ssyncset.done $0x0  }
0x1b5: {  	[sflag:s5] =	ssyncadd.s32 $0xFFFFE000  }
0x1b6: {  	_ =	swait.ge [sflag:s17], $0x2000  }
0x1b7: {  	[sflag:s17] =	ssyncset.done $0x0  }
0x1b8: {  	s26 =	rddreg [dreg:$0x12];
	[sflag:s17] =	ssyncadd.s32 $0xFFFFE000  }
0x1b9: {  	[tilespmem:s10], [sflag:$0xD] =	stream.linear.gather [hbm4b:s26+s3], $0x80, $0x38;
	[tilespmem:$0xA500] =	vst v63  }
0x1ba: {  	_ =	swait.ge [sflag:s5], $0x80  }
0x1bb: {  	[sflag:s5] =	ssyncset.done $0x0  }
0x1bc: {  	[sflag:s5] =	ssyncadd.s32 $0xFFFFFF80  }
0x1bd: {  	[spmem:s2] =	stream.indirect.scatter.add.f32 [tilespmem:s14], [sflag:$0xD], $0x40, s10, s7, $0xb8;
	[tilespmem:$0xA500] =	vst v63  }
0x1be: {  	_ =	swait.ge [sflag:s5], $0x2000  }
0x1bf: {  	[sflag:s5] =	ssyncset.done $0x0  }
0x1c0: {  	[sflag:s5] =	ssyncadd.s32 $0xFFFFE000  }
0x1c1: {  	_ =	swait.ge [sflag:s15], $0x2000  }
0x1c2: {  	[sflag:s15] =	ssyncset.done $0x0  }
0x1c3: {  	s28 =	rddreg [dreg:$0x13];
	[sflag:s15] =	ssyncadd.s32 $0xFFFFE000  }
0x1c4: {  	[tilespmem:s12], [sflag:$0xD] =	stream.linear.gather [hbm4b:s28+s3], $0x80, $0x38;
	[tilespmem:$0xA500] =	vst v63  }
0x1c5: {  	_ =	swait.ge [sflag:s5], $0x80  }
0x1c6: {  	[sflag:s5] =	ssyncset.done $0x0  }
0x1c7: {  	[sflag:s5] =	ssyncadd.s32 $0xFFFFFF80  }
0x1c8: {  	[spmem:s2] =	stream.indirect.scatter.add.f32 [tilespmem:s11], [sflag:$0xD], $0x40, s12, s7, $0xb8;
	[tilespmem:$0xA500] =	vst v63  }
0x1c9: {  	_ =	swait.ge [sflag:s5], $0x2000  }
0x1ca: {  	[sflag:s5] =	ssyncset.done $0x0  }
0x1cb: {  	[sflag:s5] =	ssyncadd.s32 $0xFFFFE000  }
0x1cc: {  	_ =	swait.ge [sflag:s13], $0x2000  }
0x1cd: {  	[sflag:s13] =	ssyncset.done $0x0  }
0x1ce: {  	s29 =	rddreg [dreg:$0x14];
	[sflag:s13] =	ssyncadd.s32 $0xFFFFE000  }
0x1cf: {  	[tilespmem:s10], [sflag:$0xD] =	stream.linear.gather [hbm4b:s29+s3], $0x80, $0x38;
	[tilespmem:$0xA500] =	vst v63  }
0x1d0: {  	_ =	swait.ge [sflag:s5], $0x80  }
0x1d1: {  	[sflag:s5] =	ssyncset.done $0x0  }
0x1d2: {  	[sflag:s5] =	ssyncadd.s32 $0xFFFFFF80  }
0x1d3: {  	[spmem:s2] =	stream.indirect.scatter.add.f32 [tilespmem:s9], [sflag:$0xD], $0x40, s10, s7, $0xb8;
	[tilespmem:$0xA500] =	vst v63  }
0x1d4: {  	_ =	swait.ge [sflag:s5], $0x2000  }
0x1d5: {  	[sflag:s5] =	ssyncset.done $0x0  }
0x1d6: {  	[sflag:s5] =	ssyncadd.s32 $0xFFFFE000  }
0x1d7: {  	[bflag:$0x0] =	sbarrier.arrive $0xFFFF  }
0x1d8: {  	s30 =	rddreg [dreg:$0x15]  }
0x1d9: {  	[hbm:s30], [sflag:s23] =	dma.local [spmem:s6], $0x400  }
0x1da: {  	_ =	swait.ge [sflag:s5], $0x400  }
0x1db: {  	[sflag:s5] =	ssyncset.done $0x0  }
0x1dc: {  	[sflag:s5] =	ssyncadd.s32 $0xFFFFFC00  }
0x1dd: {  	_ =	sfence.sel $0x180000  }
0x1de: {  	[bflag:$0x0] =	sbarrier.arrive $0xFFFF  }
0x1df: {  	_ =	strace $0x9000004D  }
0x1e0: {  	s31 =	stileid.u32;
	[bflag:$0x2] =	sbarrier.arrive $0xFFFF  }
0x1e1: {  	p0 =	sne.s32 s31, $0x0;
	s0 =	rddreg [dreg:$0x3]  }
0x1e2: {  	s0 =	sadd.s32 @!p0 $0x100000, s0  }
0x1e3: {  	[sflag:s0] =	ssyncadd.tile.s32 @!p0 $0x1;
	_ =	shalt  }
.LBB2_6:
.Ltmp3:
0x1e4: {  	(pc) =	sbr.rel .LBB2_5-.Ltmp3, $4  }
0x1e5: {  	_ = 	snop  }
0x1e6: {  	s22 =	simm.s32 $0x100  }
0x1e7: {  	s25 =	simm.s32 $0xA;
	s29 =	simm.s32 $0x9;
	s30 =	simm.s32 $0x8  }
0x1e8: {  	s0 =	simm.s32 $0x7;
	s1 =	simm.s32 $0x6;
	s4 =	simm.s32 $0x5  }
.Lfunc_end2:
_tile_overlayer_lowered:
.L_overlay_start_2:
0x1e9: {  	(tag) =	ssettag $0x2  }
0x1ea: {  	s0 =	rddreg [dreg:$0x0];
	s2 =	stileid.u32  }
0x1eb: {  	s1 =	rddreg [dreg:$0x1];
	p0 =	sne.s32 s2, $0x0  }
0x1ec: {  	s3 =	rddreg [dreg:$0x2];
	[bflag:$0x3] =	sbarrier.arrive $0xFFFF;
	s2 =	simm.s32 @!p0 $0x1C0D  }
0x1ed: {  	[timem:s3], [sflag:s2] =	dma.local @!p0 [hbm:s0], s1  }
0x1ee: {  	s0 =	simm.s32 @!p0 $0xD  }
0x1ef: {  	_ =	swait.ge @!p0 [sflag:s0], s1  }
0x1f0: {  	s1 =	ssub.s32 @!p0 $0x0, s1;
	[sflag:s0] =	ssyncset.done @!p0 $0x0  }
0x1f1: {  	[sflag:s0] =	ssyncadd.s32 @!p0 s1  }
0x1f2: {  	[bflag:$0x3] =	sbarrier.arrive $0xFFFF  }
0x1f3: {  	_ =	shalt  }

// kernel: kernel.8.cloned.1.call-start
scs
__scs_entry_jumppad:
0x0: {  	(pc) =	sbr.rel $0x88, $3  }
0x1: {  	(tag) =	ssettag $0x0;
	lr =	simm.s32 $0x1  }
0x2: {  	[smem:$0x3F96] =	sst lr;
	_ =	strace $0xD0000000  }
0x3: {  	_ = 	snop  }
0x4: {  	_ = 	snop  }
0x5: {  	_ = 	snop  }
0x6: {  	_ = 	snop  }
0x7: {  	_ = 	snop  }
__scs_overlays_trampoline_lowered:
0x8: {  	[smem:$0x3FA5] =	sst s0  }
0x9: {  	[smem:$0x3FA6] =	sst s1  }
0xa: {  	[smem:$0x3FA7] =	sst s2  }
0xb: {  	[smem:$0x3FA8] =	sst s3  }
0xc: {  	[smem:$0x3FA9] =	sst s4  }
0xd: {  	[smem:$0x3FAA] =	sst s5  }
0xe: {  	[smem:$0x3FAB] =	sst s6  }
0xf: {  	[smem:$0x3FAC] =	sst s7  }
0x10: {  	[smem:$0x3FAD] =	sst s8  }
0x11: {  	[smem:$0x3FAE] =	sst s9;
	s0 =	simm.s32 @!p0 $0x0  }
0x12: {  	s1 =	sld [smem:$0x3F94];
	s0 =	simm.s32 @p0 $0x1  }
0x13: {  	[smem:$0x3FAF] =	sst s0;
	s0 =	simm.s32 @!p1 $0x0  }
0x14: {  	s2 =	sld [smem:$0x3F93];
	s0 =	simm.s32 @p1 $0x1  }
0x15: {  	[smem:$0x3FB0] =	sst s0;
	s0 =	simm.s32 @!p2 $0x0  }
0x16: {  	s3 =	sld [smem:$0x3FDB];
	s0 =	simm.s32 @p2 $0x1  }
0x17: {  	s4 =	simm.s32 $0x1BF5;
	[smem:$0x3FB2] =	sst s0  }
0x18: {  	s0 =	sld [smem:$0x3F95];
	_ =	swait.ge [sflag:s4], $0x0  }
0x19: {  	s7 =	sld [smem:$0x3F96]  }
0x1a: {  	s8 =	sadd.s32 $0xFFFFE003, lr  }
0x1b: {  	s9 =	sadd.s32 $0xFFFFFEF7, lr;
	s5 =	simm.s32 $0xFFFFFFFF;
	p2 =	slt.u32 s8, $0xFFFFF086  }
0x1c: {  	p1 =	slt.u32 s9, $0xF7A;
	s5 =	simm.s32 @!p2 $0x0  }
0x1d: {  	s5 =	simm.s32 @p1 $0x1;
	p0 =	seq.s32 s7, s2  }
0x1e: {  	s7 =	smul.u32 @!p0 $0xF7A, s2;
	p2 =	seq.s32 @!p0 s5, $0x0  }
0x1f: {  	s9 =	smul.u32 $0xF7A, s1;
	s8 =	simm.s32 @!p0 $0x1BF5;
	p2 =	por !p2, p0  }
0x20: {  	[sflag:s8] =	ssyncset.s32 @!p0 $0xFFFFF086;
	s6 =	sadd.s32 @!p0 s3, s7;
	s7 =	simm.s32 @!p0 $0x108  }
0x21: {  	s3 =	sadd.s32 s3, s9;
	s6 =	sadd.s32 @!p0 $0x88, s6;
	s7 =	simm.s32 @p2 $0x1082  }
0x22: {  	[simem:s7], [sflag:s8] =	dma.local @!p0 [hbm:s6], $0xF7A  }
0x23: {  	s9 =	sor.u32 $0xD0000000, s2;
	s6 =	simm.s32 $0x108;
	_ =	swait.ge @!p0 [sflag:s8], $0x0  }
0x24: {  	s3 =	sadd.s32 $0x88, s3;
	s6 =	simm.s32 @!p1 $0x1082;
	[sflag:s4] =	ssyncset.s32 $0xFFFFF086  }
0x25: {  	[simem:s6], [sflag:s4] =	dma.local [hbm:s3], $0xF7A  }
0x26: {  	[smem:$0x3F96] =	sst s1;
	(tag) =	ssettag s2;
	_ =	strace s9  }
0x27: {  	s1 =	sld [smem:$0x3FA6]  }
0x28: {  	s2 =	sld [smem:$0x3FA7]  }
0x29: {  	s4 =	sld [smem:$0x3FA9]  }
0x2a: {  	p0 =	seq.s32 s5, $0x0;
	s5 =	sld [smem:$0x3FAA]  }
0x2b: {  	s6 =	sld [smem:$0x3FAB]  }
0x2c: {  	s7 =	sld [smem:$0x3FAC]  }
0x2d: {  	s3 =	simm.s32 $0x108;
	s8 =	sld [smem:$0x3FAD]  }
0x2e: {  	s3 =	simm.s32 @!p0 $0x1082;
	s9 =	sld [smem:$0x3FAE]  }
0x2f: {  	lr =	sadd.s32 s0, s3;
	s0 =	sld [smem:$0x3FA5]  }
0x30: {  	s3 =	sld [smem:$0x3FA8]  }
0x31: {  	[smem:$0x3FB1] =	sst s10  }
0x32: {  	s10 =	sld [smem:$0x3FAF];
	_ =	sdelay $0x3  }
0x33: {  	p0 =	seq.s32 s10, $0x1;
	s10 =	sld [smem:$0x3FB1];
	_ =	sdelay $0x3  }
0x34: {  	[smem:$0x3FB1] =	sst s10  }
0x35: {  	s10 =	sld [smem:$0x3FB0];
	_ =	sdelay $0x3  }
0x36: {  	p1 =	seq.s32 s10, $0x1;
	s10 =	sld [smem:$0x3FB1];
	_ =	sdelay $0x3  }
0x37: {  	[smem:$0x3FB1] =	sst s10  }
0x38: {  	s10 =	sld [smem:$0x3FB2]  }
0x39: {  	_ = 	snop;
	(pc) =	sbr.ind lr, $3  }
0x3a: {  	_ = 	snop  }
0x3b: {  	_ = 	snop  }
0x3c: {  	p2 =	seq.s32 s10, $0x1;
	s10 =	sld [smem:$0x3FB1]  }
0x3d: {  	_ =	shalt  }
0x3e: {  	_ =	shalt  }
0x3f: {  	_ =	shalt  }
0x40: {  	_ =	shalt  }
0x41: {  	_ =	shalt  }
0x42: {  	_ =	shalt  }
0x43: {  	_ =	shalt  }
0x44: {  	_ =	shalt  }
0x45: {  	_ =	shalt  }
0x46: {  	_ =	shalt  }
0x47: {  	_ =	shalt  }
0x48: {  	_ =	shalt  }
0x49: {  	_ =	shalt  }
0x4a: {  	_ =	shalt  }
0x4b: {  	_ =	shalt  }
0x4c: {  	_ =	shalt  }
0x4d: {  	_ =	shalt  }
0x4e: {  	_ =	shalt  }
0x4f: {  	_ =	shalt  }
0x50: {  	_ =	shalt  }
0x51: {  	_ =	shalt  }
0x52: {  	_ =	shalt  }
0x53: {  	_ =	shalt  }
0x54: {  	_ =	shalt  }
0x55: {  	_ =	shalt  }
0x56: {  	_ =	shalt  }
0x57: {  	_ =	shalt  }
0x58: {  	_ =	shalt  }
0x59: {  	_ =	shalt  }
0x5a: {  	_ =	shalt  }
0x5b: {  	_ =	shalt  }
0x5c: {  	_ =	shalt  }
0x5d: {  	_ =	shalt  }
0x5e: {  	_ =	shalt  }
0x5f: {  	_ =	shalt  }
0x60: {  	_ =	shalt  }
0x61: {  	_ =	shalt  }
0x62: {  	_ =	shalt  }
0x63: {  	_ =	shalt  }
0x64: {  	_ =	shalt  }
0x65: {  	_ =	shalt  }
0x66: {  	_ =	shalt  }
0x67: {  	_ =	shalt  }
0x68: {  	_ =	shalt  }
0x69: {  	_ =	shalt  }
0x6a: {  	_ =	shalt  }
0x6b: {  	_ =	shalt  }
0x6c: {  	_ =	shalt  }
0x6d: {  	_ =	shalt  }
0x6e: {  	_ =	shalt  }
0x6f: {  	_ =	shalt  }
0x70: {  	_ =	shalt  }
0x71: {  	_ =	shalt  }
0x72: {  	_ =	shalt  }
0x73: {  	_ =	shalt  }
0x74: {  	_ =	shalt  }
0x75: {  	_ =	shalt  }
0x76: {  	_ =	shalt  }
0x77: {  	_ =	shalt  }
0x78: {  	_ =	shalt  }
0x79: {  	_ =	shalt  }
0x7a: {  	_ =	shalt  }
0x7b: {  	_ =	shalt  }
0x7c: {  	_ =	shalt  }
0x7d: {  	_ =	shalt  }
0x7e: {  	_ =	shalt  }
0x7f: {  	_ =	shalt  }
0x80: {  	_ =	shalt  }
0x81: {  	_ =	shalt  }
0x82: {  	_ =	shalt  }
0x83: {  	_ =	shalt  }
0x84: {  	_ =	shalt  }
0x85: {  	_ =	shalt  }
0x86: {  	_ =	shalt  }
0x87: {  	_ =	shalt  }
.Lfunc_end0:
.L_simem_size_0:
called_computation_lowered:
.L_overlay_start_0:
0x88: {  	s2 =	sld [smem:$0x3FD9]  }
0x89: {  	s3 =	sld [smem:$0x3FFE];
	_ =	sdelay $0x1  }
0x8a: {  	s1 =	srdreg.scid  }
0x8b: {  	s0 =	sand.u32 $0x1, s1  }
0x8c: {  	s17 =	sshll.u32 s0, $0xA;
	s2 =	sadd.s32 s3, s2  }
0x8d: {  	s2 =	sadd.s32 s2, s17  }
0x8e: {  	[smem:$0x3FBD] =	sst s2  }
0x8f: {  	_ = 	snop  }
0x90: {  	s2 =	sld [smem:$0x3FC9]  }
0x91: {  	s18 =	sld [smem:$0x3FC7]  }
0x92: {  	s4 =	sld [smem:$0x3FD0];
	(tm) =	ssettm $0x1  }
0x93: {  	s5 =	sld [smem:$0x3FFB];
	_ =	sdelay $0x3  }
0x94: {  	_ =	strace s5  }
0x95: {  	s5 =	sld [smem:$0x3FFC];
	_ =	sdelay $0x3  }
0x96: {  	_ =	strace s5  }
0x97: {  	s5 =	sld [smem:$0x3FFD];
	_ =	sdelay $0x3  }
0x98: {  	_ =	strace s5  }
0x99: {  	_ =	strace $0x8FFFFFFF  }
0x9a: {  	s19 =	sld [smem:$0x3FDB];
	_ =	sdelay $0x1  }
0x9b: {  	s6 =	simm.s32 $_scs_section_size  }
0x9c: {  	s7 =	simm.s32 $_size__tile_overlayer_lowered;
	s8 =	simm.s32 $_tile_overlayer_lowered  }
0x9d: {  	s22 =	simm.s32 $0x1BFF;
	s21 =	sshll.u32 s8, $0x1;
	s5 =	sadd.s32 s6, s19  }
0x9e: {  	s9 =	simm.s32 $0x0;
	s20 =	sshll.u32 s7, $0x1;
	s7 =	sadd.s32 s21, s5  }
0x9f: {  	[timem:s9], [sflag:s22] =	dma.local [hbm:s7], s20  }
0xa0: {  	_ =	swait.ge [sflag:s22], s20  }
0xa1: {  	s6 =	ssub.s32 $0x0, s20;
	[sflag:s22] =	ssyncset.done $0x0  }
0xa2: {  	[sflag:s22] =	ssyncadd.s32 s6;
	_ =	sdelay $0x1  }
0xa3: {  	s23 =	simm.s32 $0x1B8B  }
0xa4: {  	_ =	swait.ge [sflag:s23], $0x1  }
0xa5: {  	[sflag:s23] =	ssyncset.done $0x0  }
0xa6: {  	s25 =	simm.s32 $0x1B8E;
	s24 =	sld [smem:$0x3FFE];
	[sflag:s23] =	ssyncadd.s32 $0xFFFFFFFF  }
0xa7: {  	s26 =	simm.s32 $execute0_lowered;
	[smem:$0x3FD2] =	sst s25  }
0xa8: {  	s7 =	sshll.u32 s26, $0x1;
	_ =	strace $0x80000046;
	[dreg:$0x1] =	wrdreg $0xFFFFFFFF  }
0xa9: {  	s28 =	simm.s32 $_size_execute0_lowered;
	s5 =	sadd.s32 s5, s7;
	[dreg:$0x0] =	wrdreg $0x0  }
0xaa: {  	s7 =	sshll.u32 s28, $0x1;
	[dreg:$0x2] =	wrdreg s5  }
0xab: {  	[dreg:$0x3] =	wrdreg s7  }
0xac: {  	[dreg:$0x4] =	wrdreg $0xC0  }
0xad: {  	_ =	task [dreg:s9], $0x5FFFF  }
0xae: {  	[dreg:$0x1] =	wrdreg $0xFFFFFFFF  }
0xaf: {  	[dreg:$0x0] =	wrdreg $0x60  }
0xb0: {  	[dreg:$0x2] =	wrdreg s18  }
0xb1: {  	[dreg:$0x3] =	wrdreg s2  }
0xb2: {  	[dreg:$0x4] =	wrdreg s24  }
0xb3: {  	[dreg:$0x5] =	wrdreg s4  }
0xb4: {  	[dreg:$0x6] =	wrdreg $0x29400  }
0xb5: {  	[dreg:$0x7] =	wrdreg $0x9  }
0xb6: {  	_ =	task.clear_ibuf [dreg:s9], $0x8FFFF;
	_ =	strace $0x90000046  }
0xb7: {  	s29 =	simm.s32 $0x9;
	_ =	strace $0x80000048  }
0xb8: {  	_ =	swait.ge [sflag:s29], $0x1  }
0xb9: {  	[sflag:s29] =	ssyncadd.s32 $0xFFFFFFFF  }
0xba: {  	_ =	strace $0x90000048  }
0xbb: {  	_ =	sfence  }
0xbc: {  	s30 =	sld [smem:$0x0];
	_ =	sdelay $0x2  }
0xbd: {  	s31 =	sshll.u32 s1, $0xD;
	s1 =	sshrl.u32 s1, $0x2  }
0xbe: {  	s3 =	sand.u32 $0x4000, s31;
	s1 =	sadd.s32 s1, s30  }
0xbf: {  	s0 =	sor.u32 s3, s0;
	s1 =	sshll.u32 s1, $0x11  }
0xc0: {  	s0 =	sor.u32 s1, s0  }
0xc1: {  	s0 =	sadd.s32 $0x8F2B, s0  }
0xc2: {  	[sflag:s0] =	ssyncadd.remote.s32 $0x1  }
0xc3: {  	_ =	sfence.sel $0xFFFF  }
0xc4: {  	[dreg:$0x0] =	wrdreg $0xFFFFFFFF;
	(pc) =	sbr.abs _section_cstart, $3  }
0xc5: {  	[dreg:$0x1] =	wrdreg $0xFFFFFFFF  }
0xc6: {  	_ =	task.clear_ibuf [dreg:s9], $0x2FFFF;
	_ =	strace $0x9FFFFFFF  }
0xc7: {  	(tm) =	ssettm $0x7FFFFFFF  }
tec
execute0_lowered:
.L_overlay_start_1:
0x0: {  	(tag) =	ssettag $0x1  }
0x1: {  	s1 =	rddreg [dreg:$0x0]  }
0x2: {  	s11 =	rddreg [dreg:$0x1]  }
0x3: {  	s26 =	rddreg [dreg:$0x2]  }
0x4: {  	s25 =	rddreg [dreg:$0x3]  }
0x5: {  	s3 =	rddreg [dreg:$0x4]  }
0x6: {  	s0 =	rddreg [dreg:$0x5];
	s4 =	simm.s32 $0x0;
	s2 =	stileid.u32  }
0x7: {  	[smem:$0x7FF] =	sst s4;
	s6 =	sshll.u32 s2, $0xB;
	s5 =	sadd.s32 $0x4600, s26  }
0x8: {  	s23 =	sshll.u32 s2, $0x6;
	_ =	strace $0x80000047;
	s7 =	sadd.s32 s6, s3  }
0x9: {  	s6 =	sor.u32 $0x1C02, s23;
	s8 =	sshrl.u32 s7, $0x3;
	s7 =	simm.s32 $0x2  }
0xa: {  	[spmem:s8], [sflag:s6] =	dma.local [hbm:s5], $0x100  }
0xb: {  	s9 =	srdreg.scid;
	_ =	swait.ge [sflag:s7], $0x100  }
0xc: {  	s10 =	simm.s32 $0x2140;
	s28 =	sand.u32 $0x1, s9;
	[sflag:s7] =	ssyncset.done $0x0  }
0xd: {  	s12 =	sshll.u32 s2, $0x1;
	s9 =	sadd.s32 $0x4800, s26;
	[sflag:s7] =	ssyncadd.s32 $0xFFFFFF00  }
0xe: {  	[tilespmem:s10], [sflag:$0x2] =	stream.linear.gather [hbm4b:s9+s4], $0x800, $0x38;
	[tilespmem:$0x3140] =	vst v63  }
0xf: {  	s29 =	sor.u32 s28, s12;
	_ =	swait.ge [sflag:s7], $0x800  }
0x10: {  	s12 =	sshll.u32 s29, $0x3;
	[sflag:s7] =	ssyncset.done $0x0  }
0x11: {  	s11 =	sadd.s32 s11, s12;
	[sflag:s7] =	ssyncadd.s32 $0xFFFFF800  }
0x12: {  	[tilespmem:s4], [sflag:$0x2] =	stream.linear.gather [hbm4b:s11+s4], $0x40, $0x38;
	[tilespmem:$0x3140] =	vst v63  }
0x13: {  	_ =	swait.ge [sflag:s7], $0x40  }
0x14: {  	s24 =	sshll.u32 s29, $0x7;
	[sflag:s7] =	ssyncset.done $0x0  }
0x15: {  	s23 =	sadd.s32 s24, s26;
	s12 =	simm.s32 $0x40;
	[sflag:s7] =	ssyncadd.s32 $0xFFFFFFC0  }
0x16: {  	[tilespmem:s12], [sflag:$0x1] =	stream.indirect.gather [hbm4b:s1+s12], $0x80, s4, s12, $0xb8;
	[tilespmem:$0x3140] =	vst v63  }
0x17: {  	s14 =	simm.s32 $0x2040;
	s13 =	sadd.s32 $0x3600, s23;
	[bflag:$0x0] =	sbarrier.arrive $0xFFFF  }
0x18: {  	[tilespmem:s14], [sflag:$0x2] =	stream.linear.gather [hbm4b:s13+s4], $0x80, $0x38;
	[tilespmem:$0x3140] =	vst v63  }
0x19: {  	_ =	swait.ge [sflag:s7], $0x80  }
0x1a: {  	[sflag:s7] =	ssyncset.done $0x0  }
0x1b: {  	s15 =	simm.s32 $0x80;
	[sflag:s7] =	ssyncadd.s32 $0xFFFFFF80  }
0x1c: {  	[spmem:s3] =	stream.indirect.scatter.add.f32 [tilespmem:s10], [sflag:$0x2], $0x10, s14, s15, $0xb8;
	[tilespmem:$0x3140] =	vst v63  }
0x1d: {  	_ =	swait.ge [sflag:s7], $0x800  }
0x1e: {  	[sflag:s7] =	ssyncset.done $0x0  }
0x1f: {  	s17 =	simm.s32 $0x20C0;
	s16 =	sadd.s32 $0x3610, s23;
	[sflag:s7] =	ssyncadd.s32 $0xFFFFF800  }
0x20: {  	[tilespmem:s17], [sflag:$0x2] =	stream.linear.gather [hbm4b:s16+s4], $0x80, $0x38;
	[tilespmem:$0x3140] =	vst v63  }
0x21: {  	_ =	swait.ge [sflag:s7], $0x80  }
0x22: {  	[sflag:s7] =	ssyncset.done $0x0  }
0x23: {  	[sflag:s7] =	ssyncadd.s32 $0xFFFFFF80  }
0x24: {  	[spmem:s3] =	stream.indirect.scatter.add.f32 [tilespmem:s10], [sflag:$0x2], $0x10, s17, s15, $0xb8;
	[tilespmem:$0x3140] =	vst v63  }
0x25: {  	_ =	swait.ge [sflag:s7], $0x800  }
0x26: {  	[sflag:s7] =	ssyncset.done $0x0  }
0x27: {  	s18 =	sadd.s32 $0x3620, s23;
	[sflag:s7] =	ssyncadd.s32 $0xFFFFF800  }
0x28: {  	[tilespmem:s14], [sflag:$0x2] =	stream.linear.gather [hbm4b:s18+s4], $0x80, $0x38;
	[tilespmem:$0x3140] =	vst v63  }
0x29: {  	_ =	swait.ge [sflag:s7], $0x80  }
0x2a: {  	[sflag:s7] =	ssyncset.done $0x0  }
0x2b: {  	[sflag:s7] =	ssyncadd.s32 $0xFFFFFF80  }
0x2c: {  	[spmem:s3] =	stream.indirect.scatter.add.f32 [tilespmem:s10], [sflag:$0x2], $0x10, s14, s15, $0xb8;
	[tilespmem:$0x3140] =	vst v63  }
0x2d: {  	_ =	swait.ge [sflag:s7], $0x800  }
0x2e: {  	[sflag:s7] =	ssyncset.done $0x0  }
0x2f: {  	s19 =	sadd.s32 $0x3630, s23;
	[sflag:s7] =	ssyncadd.s32 $0xFFFFF800  }
0x30: {  	[tilespmem:s17], [sflag:$0x2] =	stream.linear.gather [hbm4b:s19+s4], $0x80, $0x38;
	[tilespmem:$0x3140] =	vst v63  }
0x31: {  	_ =	swait.ge [sflag:s7], $0x80  }
0x32: {  	[sflag:s7] =	ssyncset.done $0x0  }
0x33: {  	[sflag:s7] =	ssyncadd.s32 $0xFFFFFF80  }
0x34: {  	[spmem:s3] =	stream.indirect.scatter.add.f32 [tilespmem:s10], [sflag:$0x2], $0x10, s17, s15, $0xb8;
	[tilespmem:$0x3140] =	vst v63  }
0x35: {  	_ =	swait.ge [sflag:s7], $0x800  }
0x36: {  	[sflag:s7] =	ssyncset.done $0x0  }
0x37: {  	s20 =	sadd.s32 $0x3640, s23;
	[sflag:s7] =	ssyncadd.s32 $0xFFFFF800  }
0x38: {  	[tilespmem:s14], [sflag:$0x2] =	stream.linear.gather [hbm4b:s20+s4], $0x80, $0x38;
	[tilespmem:$0x3140] =	vst v63  }
0x39: {  	_ =	swait.ge [sflag:s7], $0x80  }
0x3a: {  	[sflag:s7] =	ssyncset.done $0x0  }
0x3b: {  	[sflag:s7] =	ssyncadd.s32 $0xFFFFFF80  }
0x3c: {  	[spmem:s3] =	stream.indirect.scatter.add.f32 [tilespmem:s10], [sflag:$0x2], $0x10, s14, s15, $0xb8;
	[tilespmem:$0x3140] =	vst v63  }
0x3d: {  	_ =	swait.ge [sflag:s7], $0x800  }
0x3e: {  	[sflag:s7] =	ssyncset.done $0x0  }
0x3f: {  	s21 =	sadd.s32 $0x3650, s23;
	[sflag:s7] =	ssyncadd.s32 $0xFFFFF800  }
0x40: {  	[tilespmem:s17], [sflag:$0x2] =	stream.linear.gather [hbm4b:s21+s4], $0x80, $0x38;
	[tilespmem:$0x3140] =	vst v63  }
0x41: {  	_ =	swait.ge [sflag:s7], $0x80  }
0x42: {  	[sflag:s7] =	ssyncset.done $0x0  }
0x43: {  	[sflag:s7] =	ssyncadd.s32 $0xFFFFFF80  }
0x44: {  	[spmem:s3] =	stream.indirect.scatter.add.f32 [tilespmem:s10], [sflag:$0x2], $0x10, s17, s15, $0xb8;
	[tilespmem:$0x3140] =	vst v63  }
0x45: {  	_ =	swait.ge [sflag:s7], $0x800  }
0x46: {  	[sflag:s7] =	ssyncset.done $0x0  }
0x47: {  	s22 =	sadd.s32 $0x3660, s23;
	[sflag:s7] =	ssyncadd.s32 $0xFFFFF800  }
0x48: {  	[tilespmem:s14], [sflag:$0x2] =	stream.linear.gather [hbm4b:s22+s4], $0x80, $0x38;
	[tilespmem:$0x3140] =	vst v63  }
0x49: {  	_ =	swait.ge [sflag:s7], $0x80  }
0x4a: {  	[sflag:s7] =	ssyncset.done $0x0  }
0x4b: {  	[sflag:s7] =	ssyncadd.s32 $0xFFFFFF80  }
0x4c: {  	[spmem:s3] =	stream.indirect.scatter.add.f32 [tilespmem:s10], [sflag:$0x2], $0x10, s14, s15, $0xb8;
	[tilespmem:$0x3140] =	vst v63  }
0x4d: {  	_ =	swait.ge [sflag:s7], $0x800  }
0x4e: {  	[sflag:s7] =	ssyncset.done $0x0  }
0x4f: {  	s23 =	sadd.s32 $0x3670, s23;
	[sflag:s7] =	ssyncadd.s32 $0xFFFFF800  }
0x50: {  	[tilespmem:s17], [sflag:$0x2] =	stream.linear.gather [hbm4b:s23+s4], $0x80, $0x38;
	[tilespmem:$0x3140] =	vst v63  }
0x51: {  	_ =	swait.ge [sflag:s7], $0x80  }
0x52: {  	[sflag:s7] =	ssyncset.done $0x0  }
0x53: {  	[sflag:s7] =	ssyncadd.s32 $0xFFFFFF80  }
0x54: {  	[spmem:s3] =	stream.indirect.scatter.add.f32 [tilespmem:s10], [sflag:$0x2], $0x10, s17, s15, $0xb8;
	[tilespmem:$0x3140] =	vst v63  }
0x55: {  	_ =	swait.ge [sflag:s7], $0x800  }
0x56: {  	s30 =	sshll.u32 s2, $0x8;
	[sflag:s7] =	ssyncset.done $0x0  }
0x57: {  	s31 =	ssub.s32 $0x2, s28;
	s24 =	simm.s32 $0x1;
	[sflag:s7] =	ssyncadd.s32 $0xFFFFF800  }
0x58: {  	s28 =	sshll.u32 s28, $0xC;
	s29 =	sshll.u32 s29, $0xA;
	_ =	swait.ge [sflag:s24], $0x2000  }
0x59: {  	s26 =	sadd.s32 s30, s26;
	s30 =	sshrl.u32 s31, $0x1;
	[sflag:s24] =	ssyncset.done $0x0  }
0x5a: {  	s25 =	sadd.s32 s25, s29;
	s29 =	ssub.s32 s31, s30;
	[sflag:s24] =	ssyncadd.s32 $0xFFFFE000  }
0x5b: {  	[hbm4b:s25+s4] =	stream.linear.scatter [tilespmem:s12], [sflag:$0x2], $0x2000, $0x38;
	[tilespmem:$0x3140] =	vst v63  }
0x5c: {  	s26 =	sadd.s32 s28, s26;
	s28 =	smax.u32 s29, $0x1;
	_ =	swait.ge [sflag:s7], $0x2000  }
0x5d: {  	p0 =	sne.s32 s28, $0x1;
	[sflag:s7] =	ssyncset.done $0x0  }
.Ltmp0:
0x5e: {  	[sflag:s7] =	ssyncadd.s32 $0xFFFFE000;
	(pc) =	sbr.rel @!p0 .LBB2_2-.Ltmp0, $4  }
0x5f: {  	s26 =	sadd.s32 $0x4A00, s26;
	[bflag:$0x0] =	sbarrier.arrive $0xFFFF  }
0x60: {  	[hbm:s26], [sflag:s6] =	dma.local [spmem:s8], $0x100  }
0x61: {  	_ =	swait.ge [sflag:s7], $0x100  }
0x62: {  	s28 =	sadd.s32 $0xFFFFFFFF, s28;
	[sflag:s7] =	ssyncset.done $0x0  }
.LBB2_1:
0x63: {  	p0 =	sne.s32 s28, $0x1;
	s28 =	sadd.s32 $0xFFFFFFFF, s28;
	[sflag:s7] =	ssyncadd.s32 $0xFFFFFF00  }
0x64: {  	[spmem:s8], [sflag:s6] =	dma.local [hbm:s5], $0x100  }
0x65: {  	_ =	swait.ge [sflag:s7], $0x100  }
0x66: {  	[sflag:s7] =	ssyncset.done $0x0  }
0x67: {  	[sflag:s7] =	ssyncadd.s32 $0xFFFFFF00  }
0x68: {  	[tilespmem:s10], [sflag:$0x2] =	stream.linear.gather [hbm4b:s9+s4], $0x800, $0x38;
	[tilespmem:$0x3140] =	vst v63  }
0x69: {  	_ =	swait.ge [sflag:s7], $0x800  }
0x6a: {  	[sflag:s7] =	ssyncset.done $0x0  }
0x6b: {  	[sflag:s7] =	ssyncadd.s32 $0xFFFFF800  }
0x6c: {  	[tilespmem:s4], [sflag:$0x2] =	stream.linear.gather [hbm4b:s11+s4], $0x40, $0x38;
	[tilespmem:$0x3140] =	vst v63  }
0x6d: {  	_ =	swait.ge [sflag:s7], $0x40  }
0x6e: {  	[sflag:s7] =	ssyncset.done $0x0  }
0x6f: {  	[sflag:s7] =	ssyncadd.s32 $0xFFFFFFC0  }
0x70: {  	[tilespmem:s12], [sflag:$0x1] =	stream.indirect.gather [hbm4b:s1+s12], $0x80, s4, s12, $0xb8;
	[tilespmem:$0x3140] =	vst v63  }
0x71: {  	[bflag:$0x0] =	sbarrier.arrive $0xFFFF  }
0x72: {  	[tilespmem:s14], [sflag:$0x2] =	stream.linear.gather [hbm4b:s13+s4], $0x80, $0x38;
	[tilespmem:$0x3140] =	vst v63  }
0x73: {  	_ =	swait.ge [sflag:s7], $0x80  }
0x74: {  	[sflag:s7] =	ssyncset.done $0x0  }
0x75: {  	[sflag:s7] =	ssyncadd.s32 $0xFFFFFF80  }
0x76: {  	[spmem:s3] =	stream.indirect.scatter.add.f32 [tilespmem:s10], [sflag:$0x2], $0x10, s14, s15, $0xb8;
	[tilespmem:$0x3140] =	vst v63  }
0x77: {  	_ =	swait.ge [sflag:s7], $0x800  }
0x78: {  	[sflag:s7] =	ssyncset.done $0x0  }
0x79: {  	[sflag:s7] =	ssyncadd.s32 $0xFFFFF800  }
0x7a: {  	[tilespmem:s17], [sflag:$0x2] =	stream.linear.gather [hbm4b:s16+s4], $0x80, $0x38;
	[tilespmem:$0x3140] =	vst v63  }
0x7b: {  	_ =	swait.ge [sflag:s7], $0x80  }
0x7c: {  	[sflag:s7] =	ssyncset.done $0x0  }
0x7d: {  	[sflag:s7] =	ssyncadd.s32 $0xFFFFFF80  }
0x7e: {  	[spmem:s3] =	stream.indirect.scatter.add.f32 [tilespmem:s10], [sflag:$0x2], $0x10, s17, s15, $0xb8;
	[tilespmem:$0x3140] =	vst v63  }
0x7f: {  	_ =	swait.ge [sflag:s7], $0x800  }
0x80: {  	[sflag:s7] =	ssyncset.done $0x0  }
0x81: {  	[sflag:s7] =	ssyncadd.s32 $0xFFFFF800  }
0x82: {  	[tilespmem:s14], [sflag:$0x2] =	stream.linear.gather [hbm4b:s18+s4], $0x80, $0x38;
	[tilespmem:$0x3140] =	vst v63  }
0x83: {  	_ =	swait.ge [sflag:s7], $0x80  }
0x84: {  	[sflag:s7] =	ssyncset.done $0x0  }
0x85: {  	[sflag:s7] =	ssyncadd.s32 $0xFFFFFF80  }
0x86: {  	[spmem:s3] =	stream.indirect.scatter.add.f32 [tilespmem:s10], [sflag:$0x2], $0x10, s14, s15, $0xb8;
	[tilespmem:$0x3140] =	vst v63  }
0x87: {  	_ =	swait.ge [sflag:s7], $0x800  }
0x88: {  	[sflag:s7] =	ssyncset.done $0x0  }
0x89: {  	[sflag:s7] =	ssyncadd.s32 $0xFFFFF800  }
0x8a: {  	[tilespmem:s17], [sflag:$0x2] =	stream.linear.gather [hbm4b:s19+s4], $0x80, $0x38;
	[tilespmem:$0x3140] =	vst v63  }
0x8b: {  	_ =	swait.ge [sflag:s7], $0x80  }
0x8c: {  	[sflag:s7] =	ssyncset.done $0x0  }
0x8d: {  	[sflag:s7] =	ssyncadd.s32 $0xFFFFFF80  }
0x8e: {  	[spmem:s3] =	stream.indirect.scatter.add.f32 [tilespmem:s10], [sflag:$0x2], $0x10, s17, s15, $0xb8;
	[tilespmem:$0x3140] =	vst v63  }
0x8f: {  	_ =	swait.ge [sflag:s7], $0x800  }
0x90: {  	[sflag:s7] =	ssyncset.done $0x0  }
0x91: {  	[sflag:s7] =	ssyncadd.s32 $0xFFFFF800  }
0x92: {  	[tilespmem:s14], [sflag:$0x2] =	stream.linear.gather [hbm4b:s20+s4], $0x80, $0x38;
	[tilespmem:$0x3140] =	vst v63  }
0x93: {  	_ =	swait.ge [sflag:s7], $0x80  }
0x94: {  	[sflag:s7] =	ssyncset.done $0x0  }
0x95: {  	[sflag:s7] =	ssyncadd.s32 $0xFFFFFF80  }
0x96: {  	[spmem:s3] =	stream.indirect.scatter.add.f32 [tilespmem:s10], [sflag:$0x2], $0x10, s14, s15, $0xb8;
	[tilespmem:$0x3140] =	vst v63  }
0x97: {  	_ =	swait.ge [sflag:s7], $0x800  }
0x98: {  	[sflag:s7] =	ssyncset.done $0x0  }
0x99: {  	[sflag:s7] =	ssyncadd.s32 $0xFFFFF800  }
0x9a: {  	[tilespmem:s17], [sflag:$0x2] =	stream.linear.gather [hbm4b:s21+s4], $0x80, $0x38;
	[tilespmem:$0x3140] =	vst v63  }
0x9b: {  	_ =	swait.ge [sflag:s7], $0x80  }
0x9c: {  	[sflag:s7] =	ssyncset.done $0x0  }
0x9d: {  	[sflag:s7] =	ssyncadd.s32 $0xFFFFFF80  }
0x9e: {  	[spmem:s3] =	stream.indirect.scatter.add.f32 [tilespmem:s10], [sflag:$0x2], $0x10, s17, s15, $0xb8;
	[tilespmem:$0x3140] =	vst v63  }
0x9f: {  	_ =	swait.ge [sflag:s7], $0x800  }
0xa0: {  	[sflag:s7] =	ssyncset.done $0x0  }
0xa1: {  	[sflag:s7] =	ssyncadd.s32 $0xFFFFF800  }
0xa2: {  	[tilespmem:s14], [sflag:$0x2] =	stream.linear.gather [hbm4b:s22+s4], $0x80, $0x38;
	[tilespmem:$0x3140] =	vst v63  }
0xa3: {  	_ =	swait.ge [sflag:s7], $0x80  }
0xa4: {  	[sflag:s7] =	ssyncset.done $0x0  }
0xa5: {  	[sflag:s7] =	ssyncadd.s32 $0xFFFFFF80  }
0xa6: {  	[spmem:s3] =	stream.indirect.scatter.add.f32 [tilespmem:s10], [sflag:$0x2], $0x10, s14, s15, $0xb8;
	[tilespmem:$0x3140] =	vst v63  }
0xa7: {  	_ =	swait.ge [sflag:s7], $0x800  }
0xa8: {  	[sflag:s7] =	ssyncset.done $0x0  }
0xa9: {  	[sflag:s7] =	ssyncadd.s32 $0xFFFFF800  }
0xaa: {  	[tilespmem:s17], [sflag:$0x2] =	stream.linear.gather [hbm4b:s23+s4], $0x80, $0x38;
	[tilespmem:$0x3140] =	vst v63  }
0xab: {  	_ =	swait.ge [sflag:s7], $0x80  }
0xac: {  	[sflag:s7] =	ssyncset.done $0x0  }
0xad: {  	[sflag:s7] =	ssyncadd.s32 $0xFFFFFF80  }
0xae: {  	[spmem:s3] =	stream.indirect.scatter.add.f32 [tilespmem:s10], [sflag:$0x2], $0x10, s17, s15, $0xb8;
	[tilespmem:$0x3140] =	vst v63  }
0xaf: {  	_ =	swait.ge [sflag:s7], $0x800  }
0xb0: {  	[sflag:s7] =	ssyncset.done $0x0  }
0xb1: {  	[sflag:s7] =	ssyncadd.s32 $0xFFFFF800  }
0xb2: {  	_ =	swait.ge [sflag:s24], $0x2000  }
0xb3: {  	[sflag:s24] =	ssyncset.done $0x0  }
0xb4: {  	[sflag:s24] =	ssyncadd.s32 $0xFFFFE000  }
0xb5: {  	[hbm4b:s25+s4] =	stream.linear.scatter [tilespmem:s12], [sflag:$0x2], $0x2000, $0x38;
	[tilespmem:$0x3140] =	vst v63  }
0xb6: {  	_ =	swait.ge [sflag:s7], $0x2000  }
0xb7: {  	[sflag:s7] =	ssyncset.done $0x0  }
.Ltmp1:
0xb8: {  	[sflag:s7] =	ssyncadd.s32 $0xFFFFE000;
	(pc) =	sbr.rel @p0 .LBB2_1-.Ltmp1, $4  }
0xb9: {  	[bflag:$0x0] =	sbarrier.arrive $0xFFFF  }
0xba: {  	[hbm:s26], [sflag:s6] =	dma.local [spmem:s8], $0x100  }
0xbb: {  	_ =	swait.ge [sflag:s7], $0x100  }
0xbc: {  	[sflag:s7] =	ssyncset.done $0x0  }
.LBB2_2:
0xbd: {  	[sflag:s7] =	ssyncadd.s32 $0xFFFFFF00  }
0xbe: {  	_ =	sfence.sel $0x180000  }
0xbf: {  	[bflag:$0x0] =	sbarrier.arrive $0xFFFF  }
0xc0: {  	p0 =	sne.s32 s2, $0x0;
	_ =	strace $0x90000047  }
0xc1: {  	s0 =	sadd.s32 @!p0 $0x100000, s0;
	[bflag:$0x2] =	sbarrier.arrive $0xFFFF  }
0xc2: {  	[sflag:s0] =	ssyncadd.tile.s32 @!p0 $0x1;
	_ =	shalt  }
.Lfunc_end2:
_tile_overlayer_lowered:
.L_overlay_start_2:
0xc3: {  	(tag) =	ssettag $0x2  }
0xc4: {  	s0 =	rddreg [dreg:$0x0];
	s2 =	stileid.u32  }
0xc5: {  	s1 =	rddreg [dreg:$0x1];
	p0 =	sne.s32 s2, $0x0  }
0xc6: {  	s3 =	rddreg [dreg:$0x2];
	[bflag:$0x3] =	sbarrier.arrive $0xFFFF;
	s2 =	simm.s32 @!p0 $0x1C02  }
0xc7: {  	[timem:s3], [sflag:s2] =	dma.local @!p0 [hbm:s0], s1  }
0xc8: {  	s0 =	simm.s32 @!p0 $0x2  }
0xc9: {  	_ =	swait.ge @!p0 [sflag:s0], s1  }
0xca: {  	s1 =	ssub.s32 @!p0 $0x0, s1;
	[sflag:s0] =	ssyncset.done @!p0 $0x0  }
0xcb: {  	[sflag:s0] =	ssyncadd.s32 @!p0 s1  }
0xcc: {  	[bflag:$0x3] =	sbarrier.arrive $0xFFFF  }
0xcd: {  	_ =	shalt  }

</sc_bundles>
